<compile_context>
chip_gen: v7x
topology: tpu7x:2x2x1
jax: 0.10.2.dev20260603
libtpu: 0.0.44.dev20260713+nightly
codegen_flags: <defaults>
</compile_context>

<pallas_src>
import functools

import numpy as np
import jax
import jax.numpy as jnp
from jax import lax
from jax.experimental import pallas as pl
from jax.experimental.pallas import tpu as pltpu
from jax.experimental.pallas import tpu_sc as plsc

F = 26
D = 16
B = 16384
H1 = 256
H2 = 256
EMB = F * D
NPAIR = F * (F - 1) // 2
DNN_IN = EMB + NPAIR

NC = 2
NS = 16
NW = NC * NS
TOT = B * F
SUB = 128
CHUNK = 13 * SUB
NSUB = CHUNK // SUB


DT_CB = 125
DT_GRID = 8125 // DT_CB


def _detile_body(g_ref, out_ref):
    x = g_ref[...]
    S = DT_CB * 16
    x8 = jnp.concatenate([x[:, p * S:(p + 1) * S] for p in range(8)], axis=0)
    out_ref[...] = x8.T


def _detile(emT):
    return pl.pallas_call(
        _detile_body,
        grid=(DT_GRID,),
        in_specs=[pl.BlockSpec((16, DT_CB * 128), lambda i: (0, i))],
        out_specs=pl.BlockSpec((DT_CB * 16, 128), lambda i: (i, 0)),
        out_shape=jax.ShapeDtypeStruct((130000, 128), jnp.float32),
        compiler_params=pltpu.CompilerParams(fuse_transposed_lhs_in_matmul=True),
    )(emT)


def _sc_gather(emb, idx_flat, tot):
    per_w = tot // NW
    nch = per_w // CHUNK
    mesh = plsc.VectorSubcoreMesh(core_axis_name="c", subcore_axis_name="s")

    @functools.partial(
        pl.kernel,
        mesh=mesh,
        out_type=jax.ShapeDtypeStruct((tot, D), jnp.float32),
        compiler_params=pltpu.CompilerParams(use_tc_tiling_on_sc=False),
        scratch_types=[
            pltpu.VMEM((per_w,), jnp.int32),
            pltpu.VMEM((CHUNK, D), jnp.float32),
            pltpu.VMEM((CHUNK, D), jnp.float32),
            pltpu.SemaphoreType.DMA,
            pltpu.SemaphoreType.DMA,
        ],
    )
    def k(emb_hbm, idx_hbm, out_hbm, idx_v, rows_a, rows_b, sem_a, sem_b):
        wid = lax.axis_index("s") * NC + lax.axis_index("c")
        base = wid * per_w
        pltpu.sync_copy(idx_hbm.at[pl.ds(base, per_w)], idx_v)

        bufs = (rows_a, rows_b)
        sems = (sem_a, sem_b)

        def fire(ci):
            sl = ci & 1
            return [
                pltpu.async_copy(
                    emb_hbm.at[idx_v.at[pl.ds(ci * CHUNK + j * SUB, SUB)]],
                    bufs[sl].at[pl.ds(j * SUB, SUB)],
                    sems[sl],
                )
                for j in range(NSUB)
            ]

        def drain(ci, cps):
            for cp in cps:
                cp.wait()
            pltpu.sync_copy(bufs[ci & 1],
                            out_hbm.at[pl.ds(base + ci * CHUNK, CHUNK)])

        pend = fire(0)
        for ci in range(1, nch):
            nxt = fire(ci)
            drain(ci - 1, pend)
            pend = nxt
        drain(nch - 1, pend)

    return k(emb, idx_flat)


BT = 512
GRID = B // BT


def _tc_mlp(g2, w1t, b1c, w2t, b2c, w3, b3c):
    grid = g2.shape[0] // BT

    def body(g_ref, w1_ref, b1_ref, w2_ref, b2_ref, w3_ref, b3_ref, out_ref):
        xv = g_ref[...]
        xvT = xv.T
        parts = [xvT]
        for i in range(F - 1):
            a = xvT[i * D:(i + 1) * D, :]
            rest = xvT[(i + 1) * D:, :]
            m = rest.reshape(F - 1 - i, D, BT) * a[None, :, :]
            parts.append(m.sum(axis=1))
        hT = jnp.concatenate(parts, axis=0)
        h1 = jnp.maximum(
            jnp.dot(w1_ref[...], hT, preferred_element_type=jnp.float32)
            + b1_ref[...], 0.0)
        h2 = jnp.maximum(
            jnp.dot(w2_ref[...], h1, preferred_element_type=jnp.float32)
            + b2_ref[...], 0.0)
        s = jnp.sum(h2 * w3_ref[...], axis=0)
        out_ref[...] = s.reshape(1, 1, BT) + b3_ref[...]

    return pl.pallas_call(
        body,
        grid=(grid,),
        in_specs=[
            pl.BlockSpec((BT, EMB), lambda i: (i, 0)),
            pl.BlockSpec((H1, DNN_IN), lambda i: (0, 0)),
            pl.BlockSpec((H1, 1), lambda i: (0, 0)),
            pl.BlockSpec((H2, H1), lambda i: (0, 0)),
            pl.BlockSpec((H2, 1), lambda i: (0, 0)),
            pl.BlockSpec((H2, 1), lambda i: (0, 0)),
            pl.BlockSpec((1, 1), lambda i: (0, 0)),
        ],
        out_specs=pl.BlockSpec((1, 1, BT), lambda i: (i, 0, 0)),
        out_shape=jax.ShapeDtypeStruct((grid, 1, BT), jnp.float32),
    )(g2, w1t, b1c, w2t, b2c, w3, b3c)


def kernel(x, embedding, arch, W1, b1, W2, b2, W3, b3):
    arch_f = arch.astype(jnp.float32)
    rows_i, cols_i = np.triu_indices(F, 1)
    flat_scale = jnp.repeat(arch_f, D)
    pair_scale = arch_f[rows_i] * arch_f[cols_i]
    col_scale = jnp.concatenate([flat_scale, pair_scale])
    w1t = (W1 * col_scale[:, None]).T

    table_lin = _detile(embedding.T).reshape(1040000, D)
    q = x % (DT_CB * 128)
    m2 = (x // (DT_CB * 128)) * (DT_CB * 128) + (q % (DT_CB * 16)) * 8 + q // (DT_CB * 16)
    m = m2.reshape(-1)

    halves = []
    b1c, b2c, b3c = b1.reshape(H1, 1), b2.reshape(H2, 1), b3.reshape(1, 1)
    w2t = W2.T
    for h in range(2):
        mh = lax.slice(m, (h * (TOT // 2),), ((h + 1) * (TOT // 2),))
        gh = _sc_gather(table_lin, mh, TOT // 2)
        oh = _tc_mlp(gh.reshape(B // 2, EMB), w1t, b1c, w2t, b2c, W3, b3c)
        halves.append(oh.reshape(B // 2))
    return jnp.concatenate(halves)

# --- scband reference (transcript-rebuilt; emitter-appended) ---
"""Pipeline reference for scband-ipnn-retrain-7859790151737 (READ-ONLY COPY).

The authoritative reference and input builder live on the scoring server;
editing this copy changes nothing except your own understanding.
"""

import jax, jax.numpy as jnp
import numpy as np

FIELD_NUM = 26
LATENT = 16
FEATURE_NUM = 26 * 40000
BATCH = 16384
H1 = 256
H2 = 256
EMBED_OUT = FIELD_NUM * LATENT
PROD_OUT = FIELD_NUM * (FIELD_NUM - 1) // 2
DNN_IN = EMBED_OUT + PROD_OUT


def setup_inputs(seed: int = 0) -> dict:
    key = jax.random.key(seed)
    ks = jax.random.split(key, 9)
    x = jax.random.randint(ks[0], (BATCH, FIELD_NUM), 0, FEATURE_NUM)
    # xavier uniform embedding table
    limit = float(np.sqrt(6.0 / (FEATURE_NUM + LATENT)))
    embedding = jax.random.uniform(ks[1], (FEATURE_NUM, LATENT), jnp.float32, -limit, limit)
    # discretized arch mask (arch > 0 -> 1), stored as int buffer
    arch = jnp.ones((FIELD_NUM,), dtype=jnp.int32)
    W1 = jax.random.normal(ks[2], (DNN_IN, H1), jnp.float32) * np.sqrt(2.0 / DNN_IN)
    b1 = jnp.zeros((H1,), jnp.float32)
    W2 = jax.random.normal(ks[3], (H1, H2), jnp.float32) * np.sqrt(2.0 / H1)
    b2 = jnp.zeros((H2,), jnp.float32)
    W3 = jax.random.normal(ks[4], (H2, 1), jnp.float32) * np.sqrt(2.0 / H2)
    b3 = jnp.zeros((1,), jnp.float32)
    return {"x": x, "embedding": embedding, "arch": arch,
            "W1": W1, "b1": b1, "W2": W2, "b2": b2, "W3": W3, "b3": b3}


def reference(x, embedding, arch, W1, b1, W2, b2, W3, b3):
    rows, cols = np.triu_indices(FIELD_NUM, 1)  # matches (i, j>i) loop order
    arch_f = arch.astype(jnp.float32)
    # calc_input: embedding gather + arch mask
    xv = jnp.take(embedding, x, axis=0) * arch_f[None, :, None]  # [B, F, D]
    # calc_product: pairwise inner products
    p = xv[:, rows, :]
    q = xv[:, cols, :]
    product = jnp.sum(p * q, axis=2)  # [B, F*(F-1)/2]
    flat = xv.reshape(xv.shape[0], EMBED_OUT)
    h = jnp.concatenate([flat, product], axis=1)
    h = jax.nn.relu(h @ W1 + b1)
    h = jax.nn.relu(h @ W2 + b2)
    score = (h @ W3 + b3)[:, 0]
    return score

if __name__ == "__main__":
    import jax
    _d = setup_inputs()
    print(jax.jit(kernel)(*tuple(_d.values())))

</pallas_src>

<mosaic_0001>
#map = affine_map<(d0, d1) -> (0, 0)>
#map1 = affine_map<(d0, d1) -> (0)>
module attributes {stable_mosaic.version = 14 : i64} {
  func.func @k(%arg0: i32, %arg1: i32, %arg2: memref<1040000x16xf32, #tpu.memory_space<hbm>>, %arg3: memref<212992xi32, #tpu.memory_space<hbm>>, %arg4: memref<212992x16xf32, #tpu.memory_space<hbm>>, %arg5: memref<6656xi32, #tpu.memory_space<vmem>>, %arg6: memref<1664x16xf32, #tpu.memory_space<vmem>>, %arg7: memref<1664x16xf32, #tpu.memory_space<vmem>>, %arg8: memref<!tpu.dma_semaphore, #tpu.memory_space<semaphore_mem>>, %arg9: memref<!tpu.dma_semaphore, #tpu.memory_space<semaphore_mem>>) attributes {dimension_semantics = [#tpu.dimension_semantics<core_parallel>, #tpu.dimension_semantics<subcore_parallel>], iteration_bounds = array<i64: 2, 16>, scalar_prefetch = 0 : i64, scratch_operands = 5 : i64, tpu.core_type = #tpu.core_type<sc_vector_subcore>, window_params = [{transform_indices = #map}, {transform_indices = #map1}, {transform_indices = #map}]} {
    %mul3A = arith.constant 2 : i32
    %mul3A_0 = arith.muli %arg1, %mul3A : i32
    %add3A = arith.addi %mul3A_0, %arg0 : i32
    %mul3A_1 = arith.constant 6656 : i32
    %mul3A_2 = arith.muli %add3A, %mul3A_1 : i32
    "tpu.region"() ({
      %run_scoped3A = tpu.sem_alloc : memref<!tpu.dma_semaphore, #tpu.memory_space<semaphore_mem>>
      %dma_start3A_841 = tpu.memref_slice %arg3[%mul3A_2] : memref<212992xi32, #tpu.memory_space<hbm>> -> memref<6656xi32, #tpu.memory_space<hbm>>
      %dma_start3A_842 = tpu.memref_slice %arg3[%mul3A_2] : memref<212992xi32, #tpu.memory_space<hbm>> -> memref<6656xi32, #tpu.memory_space<hbm>>
      tpu.enqueue_dma source(%dma_start3A_842 : memref<6656xi32, #tpu.memory_space<hbm>>) target(%arg5 : memref<6656xi32, #tpu.memory_space<vmem>>) target_semaphore(%run_scoped3A : memref<!tpu.dma_semaphore, #tpu.memory_space<semaphore_mem>>)
      %dma_wait3A_843 = tpu.memref_slice %arg3[%mul3A_2] : memref<212992xi32, #tpu.memory_space<hbm>> -> memref<6656xi32, #tpu.memory_space<hbm>>
      %dma_wait3A_844 = tpu.memref_slice %arg3[%mul3A_2] : memref<212992xi32, #tpu.memory_space<hbm>> -> memref<6656xi32, #tpu.memory_space<hbm>>
      tpu.wait_dma2 semaphore(%run_scoped3A : memref<!tpu.dma_semaphore, #tpu.memory_space<semaphore_mem>>) src(%dma_wait3A_844 : memref<6656xi32, #tpu.memory_space<hbm>>) dst(%arg5 : memref<6656xi32, #tpu.memory_space<vmem>>)
      tpu.yield
    }) : () -> ()
    %dma_start3A = arith.constant 0 : i32
    %dma_start3A_3 = arith.constant 0 : i32
    %dma_start3A_4 = tpu.memref_slice %arg6[%dma_start3A, %dma_start3A_3] : memref<1664x16xf32, #tpu.memory_space<vmem>> -> memref<128x16xf32, #tpu.memory_space<vmem>>
    %dma_start3A_5 = arith.constant 0 : i32
    %dma_start3A_6 = tpu.memref_slice %arg5[%dma_start3A_5] : memref<6656xi32, #tpu.memory_space<vmem>> -> memref<128xi32, #tpu.memory_space<vmem>>
    %dma_start3A_7 = arith.constant 0 : i32
    %dma_start3A_8 = arith.constant 0 : i32
    %dma_start3A_9 = tpu.memref_slice %arg2[%dma_start3A_7, %dma_start3A_8] : memref<1040000x16xf32, #tpu.memory_space<hbm>> -> memref<1040000x16xf32, #tpu.memory_space<hbm>>
    tpu.enqueue_indirect_dma source(%dma_start3A_9 : memref<1040000x16xf32, #tpu.memory_space<hbm>>) target(%dma_start3A_4 : memref<128x16xf32, #tpu.memory_space<vmem>>) offsets(%dma_start3A_6 : memref<128xi32, #tpu.memory_space<vmem>>) semaphore(%arg8 : memref<!tpu.dma_semaphore, #tpu.memory_space<semaphore_mem>>)
    %dma_start3A_10 = arith.constant 128 : i32
    %dma_start3A_11 = arith.constant 0 : i32
    %dma_start3A_12 = tpu.memref_slice %arg6[%dma_start3A_10, %dma_start3A_11] : memref<1664x16xf32, #tpu.memory_space<vmem>> -> memref<128x16xf32, #tpu.memory_space<vmem>>
    %dma_start3A_13 = arith.constant 128 : i32
    %dma_start3A_14 = tpu.memref_slice %arg5[%dma_start3A_13] : memref<6656xi32, #tpu.memory_space<vmem>> -> memref<128xi32, #tpu.memory_space<vmem>>
    %dma_start3A_15 = arith.constant 0 : i32
    %dma_start3A_16 = arith.constant 0 : i32
    %dma_start3A_17 = tpu.memref_slice %arg2[%dma_start3A_15, %dma_start3A_16] : memref<1040000x16xf32, #tpu.memory_space<hbm>> -> memref<1040000x16xf32, #tpu.memory_space<hbm>>
    tpu.enqueue_indirect_dma source(%dma_start3A_17 : memref<1040000x16xf32, #tpu.memory_space<hbm>>) target(%dma_start3A_12 : memref<128x16xf32, #tpu.memory_space<vmem>>) offsets(%dma_start3A_14 : memref<128xi32, #tpu.memory_space<vmem>>) semaphore(%arg8 : memref<!tpu.dma_semaphore, #tpu.memory_space<semaphore_mem>>)
    %dma_start3A_18 = arith.constant 256 : i32
    %dma_start3A_19 = arith.constant 0 : i32
    %dma_start3A_20 = tpu.memref_slice %arg6[%dma_start3A_18, %dma_start3A_19] : memref<1664x16xf32, #tpu.memory_space<vmem>> -> memref<128x16xf32, #tpu.memory_space<vmem>>
    %dma_start3A_21 = arith.constant 256 : i32
    %dma_start3A_22 = tpu.memref_slice %arg5[%dma_start3A_21] : memref<6656xi32, #tpu.memory_space<vmem>> -> memref<128xi32, #tpu.memory_space<vmem>>
    %dma_start3A_23 = arith.constant 0 : i32
    %dma_start3A_24 = arith.constant 0 : i32
    %dma_start3A_25 = tpu.memref_slice %arg2[%dma_start3A_23, %dma_start3A_24] : memref<1040000x16xf32, #tpu.memory_space<hbm>> -> memref<1040000x16xf32, #tpu.memory_space<hbm>>
    tpu.enqueue_indirect_dma source(%dma_start3A_25 : memref<1040000x16xf32, #tpu.memory_space<hbm>>) target(%dma_start3A_20 : memref<128x16xf32, #tpu.memory_space<vmem>>) offsets(%dma_start3A_22 : memref<128xi32, #tpu.memory_space<vmem>>) semaphore(%arg8 : memref<!tpu.dma_semaphore, #tpu.memory_space<semaphore_mem>>)
    %dma_start3A_26 = arith.constant 384 : i32
    %dma_start3A_27 = arith.constant 0 : i32
    %dma_start3A_28 = tpu.memref_slice %arg6[%dma_start3A_26, %dma_start3A_27] : memref<1664x16xf32, #tpu.memory_space<vmem>> -> memref<128x16xf32, #tpu.memory_space<vmem>>
    %dma_start3A_29 = arith.constant 384 : i32
    %dma_start3A_30 = tpu.memref_slice %arg5[%dma_start3A_29] : memref<6656xi32, #tpu.memory_space<vmem>> -> memref<128xi32, #tpu.memory_space<vmem>>
    %dma_start3A_31 = arith.constant 0 : i32
    %dma_start3A_32 = arith.constant 0 : i32
    %dma_start3A_33 = tpu.memref_slice %arg2[%dma_start3A_31, %dma_start3A_32] : memref<1040000x16xf32, #tpu.memory_space<hbm>> -> memref<1040000x16xf32, #tpu.memory_space<hbm>>
    tpu.enqueue_indirect_dma source(%dma_start3A_33 : memref<1040000x16xf32, #tpu.memory_space<hbm>>) target(%dma_start3A_28 : memref<128x16xf32, #tpu.memory_space<vmem>>) offsets(%dma_start3A_30 : memref<128xi32, #tpu.memory_space<vmem>>) semaphore(%arg8 : memref<!tpu.dma_semaphore, #tpu.memory_space<semaphore_mem>>)
    %dma_start3A_34 = arith.constant 512 : i32
    %dma_start3A_35 = arith.constant 0 : i32
    %dma_start3A_36 = tpu.memref_slice %arg6[%dma_start3A_34, %dma_start3A_35] : memref<1664x16xf32, #tpu.memory_space<vmem>> -> memref<128x16xf32, #tpu.memory_space<vmem>>
    %dma_start3A_37 = arith.constant 512 : i32
    %dma_start3A_38 = tpu.memref_slice %arg5[%dma_start3A_37] : memref<6656xi32, #tpu.memory_space<vmem>> -> memref<128xi32, #tpu.memory_space<vmem>>
    %dma_start3A_39 = arith.constant 0 : i32
    %dma_start3A_40 = arith.constant 0 : i32
    %dma_start3A_41 = tpu.memref_slice %arg2[%dma_start3A_39, %dma_start3A_40] : memref<1040000x16xf32, #tpu.memory_space<hbm>> -> memref<1040000x16xf32, #tpu.memory_space<hbm>>
    tpu.enqueue_indirect_dma source(%dma_start3A_41 : memref<1040000x16xf32, #tpu.memory_space<hbm>>) target(%dma_start3A_36 : memref<128x16xf32, #tpu.memory_space<vmem>>) offsets(%dma_start3A_38 : memref<128xi32, #tpu.memory_space<vmem>>) semaphore(%arg8 : memref<!tpu.dma_semaphore, #tpu.memory_space<semaphore_mem>>)
    %dma_start3A_42 = arith.constant 640 : i32
    %dma_start3A_43 = arith.constant 0 : i32
    %dma_start3A_44 = tpu.memref_slice %arg6[%dma_start3A_42, %dma_start3A_43] : memref<1664x16xf32, #tpu.memory_space<vmem>> -> memref<128x16xf32, #tpu.memory_space<vmem>>
    %dma_start3A_45 = arith.constant 640 : i32
    %dma_start3A_46 = tpu.memref_slice %arg5[%dma_start3A_45] : memref<6656xi32, #tpu.memory_space<vmem>> -> memref<128xi32, #tpu.memory_space<vmem>>
    %dma_start3A_47 = arith.constant 0 : i32
    %dma_start3A_48 = arith.constant 0 : i32
    %dma_start3A_49 = tpu.memref_slice %arg2[%dma_start3A_47, %dma_start3A_48] : memref<1040000x16xf32, #tpu.memory_space<hbm>> -> memref<1040000x16xf32, #tpu.memory_space<hbm>>
    tpu.enqueue_indirect_dma source(%dma_start3A_49 : memref<1040000x16xf32, #tpu.memory_space<hbm>>) target(%dma_start3A_44 : memref<128x16xf32, #tpu.memory_space<vmem>>) offsets(%dma_start3A_46 : memref<128xi32, #tpu.memory_space<vmem>>) semaphore(%arg8 : memref<!tpu.dma_semaphore, #tpu.memory_space<semaphore_mem>>)
    %dma_start3A_50 = arith.constant 768 : i32
    %dma_start3A_51 = arith.constant 0 : i32
    %dma_start3A_52 = tpu.memref_slice %arg6[%dma_start3A_50, %dma_start3A_51] : memref<1664x16xf32, #tpu.memory_space<vmem>> -> memref<128x16xf32, #tpu.memory_space<vmem>>
    %dma_start3A_53 = arith.constant 768 : i32
    %dma_start3A_54 = tpu.memref_slice %arg5[%dma_start3A_53] : memref<6656xi32, #tpu.memory_space<vmem>> -> memref<128xi32, #tpu.memory_space<vmem>>
    %dma_start3A_55 = arith.constant 0 : i32
    %dma_start3A_56 = arith.constant 0 : i32
    %dma_start3A_57 = tpu.memref_slice %arg2[%dma_start3A_55, %dma_start3A_56] : memref<1040000x16xf32, #tpu.memory_space<hbm>> -> memref<1040000x16xf32, #tpu.memory_space<hbm>>
    tpu.enqueue_indirect_dma source(%dma_start3A_57 : memref<1040000x16xf32, #tpu.memory_space<hbm>>) target(%dma_start3A_52 : memref<128x16xf32, #tpu.memory_space<vmem>>) offsets(%dma_start3A_54 : memref<128xi32, #tpu.memory_space<vmem>>) semaphore(%arg8 : memref<!tpu.dma_semaphore, #tpu.memory_space<semaphore_mem>>)
    %dma_start3A_58 = arith.constant 896 : i32
    %dma_start3A_59 = arith.constant 0 : i32
    %dma_start3A_60 = tpu.memref_slice %arg6[%dma_start3A_58, %dma_start3A_59] : memref<1664x16xf32, #tpu.memory_space<vmem>> -> memref<128x16xf32, #tpu.memory_space<vmem>>
    %dma_start3A_61 = arith.constant 896 : i32
    %dma_start3A_62 = tpu.memref_slice %arg5[%dma_start3A_61] : memref<6656xi32, #tpu.memory_space<vmem>> -> memref<128xi32, #tpu.memory_space<vmem>>
    %dma_start3A_63 = arith.constant 0 : i32
    %dma_start3A_64 = arith.constant 0 : i32
    %dma_start3A_65 = tpu.memref_slice %arg2[%dma_start3A_63, %dma_start3A_64] : memref<1040000x16xf32, #tpu.memory_space<hbm>> -> memref<1040000x16xf32, #tpu.memory_space<hbm>>
    tpu.enqueue_indirect_dma source(%dma_start3A_65 : memref<1040000x16xf32, #tpu.memory_space<hbm>>) target(%dma_start3A_60 : memref<128x16xf32, #tpu.memory_space<vmem>>) offsets(%dma_start3A_62 : memref<128xi32, #tpu.memory_space<vmem>>) semaphore(%arg8 : memref<!tpu.dma_semaphore, #tpu.memory_space<semaphore_mem>>)
    %dma_start3A_66 = arith.constant 1024 : i32
    %dma_start3A_67 = arith.constant 0 : i32
    %dma_start3A_68 = tpu.memref_slice %arg6[%dma_start3A_66, %dma_start3A_67] : memref<1664x16xf32, #tpu.memory_space<vmem>> -> memref<128x16xf32, #tpu.memory_space<vmem>>
    %dma_start3A_69 = arith.constant 1024 : i32
    %dma_start3A_70 = tpu.memref_slice %arg5[%dma_start3A_69] : memref<6656xi32, #tpu.memory_space<vmem>> -> memref<128xi32, #tpu.memory_space<vmem>>
    %dma_start3A_71 = arith.constant 0 : i32
    %dma_start3A_72 = arith.constant 0 : i32
    %dma_start3A_73 = tpu.memref_slice %arg2[%dma_start3A_71, %dma_start3A_72] : memref<1040000x16xf32, #tpu.memory_space<hbm>> -> memref<1040000x16xf32, #tpu.memory_space<hbm>>
    tpu.enqueue_indirect_dma source(%dma_start3A_73 : memref<1040000x16xf32, #tpu.memory_space<hbm>>) target(%dma_start3A_68 : memref<128x16xf32, #tpu.memory_space<vmem>>) offsets(%dma_start3A_70 : memref<128xi32, #tpu.memory_space<vmem>>) semaphore(%arg8 : memref<!tpu.dma_semaphore, #tpu.memory_space<semaphore_mem>>)
    %dma_start3A_74 = arith.constant 1152 : i32
    %dma_start3A_75 = arith.constant 0 : i32
    %dma_start3A_76 = tpu.memref_slice %arg6[%dma_start3A_74, %dma_start3A_75] : memref<1664x16xf32, #tpu.memory_space<vmem>> -> memref<128x16xf32, #tpu.memory_space<vmem>>
    %dma_start3A_77 = arith.constant 1152 : i32
    %dma_start3A_78 = tpu.memref_slice %arg5[%dma_start3A_77] : memref<6656xi32, #tpu.memory_space<vmem>> -> memref<128xi32, #tpu.memory_space<vmem>>
    %dma_start3A_79 = arith.constant 0 : i32
    %dma_start3A_80 = arith.constant 0 : i32
    %dma_start3A_81 = tpu.memref_slice %arg2[%dma_start3A_79, %dma_start3A_80] : memref<1040000x16xf32, #tpu.memory_space<hbm>> -> memref<1040000x16xf32, #tpu.memory_space<hbm>>
    tpu.enqueue_indirect_dma source(%dma_start3A_81 : memref<1040000x16xf32, #tpu.memory_space<hbm>>) target(%dma_start3A_76 : memref<128x16xf32, #tpu.memory_space<vmem>>) offsets(%dma_start3A_78 : memref<128xi32, #tpu.memory_space<vmem>>) semaphore(%arg8 : memref<!tpu.dma_semaphore, #tpu.memory_space<semaphore_mem>>)
    %dma_start3A_82 = arith.constant 1280 : i32
    %dma_start3A_83 = arith.constant 0 : i32
    %dma_start3A_84 = tpu.memref_slice %arg6[%dma_start3A_82, %dma_start3A_83] : memref<1664x16xf32, #tpu.memory_space<vmem>> -> memref<128x16xf32, #tpu.memory_space<vmem>>
    %dma_start3A_85 = arith.constant 1280 : i32
    %dma_start3A_86 = tpu.memref_slice %arg5[%dma_start3A_85] : memref<6656xi32, #tpu.memory_space<vmem>> -> memref<128xi32, #tpu.memory_space<vmem>>
    %dma_start3A_87 = arith.constant 0 : i32
    %dma_start3A_88 = arith.constant 0 : i32
    %dma_start3A_89 = tpu.memref_slice %arg2[%dma_start3A_87, %dma_start3A_88] : memref<1040000x16xf32, #tpu.memory_space<hbm>> -> memref<1040000x16xf32, #tpu.memory_space<hbm>>
    tpu.enqueue_indirect_dma source(%dma_start3A_89 : memref<1040000x16xf32, #tpu.memory_space<hbm>>) target(%dma_start3A_84 : memref<128x16xf32, #tpu.memory_space<vmem>>) offsets(%dma_start3A_86 : memref<128xi32, #tpu.memory_space<vmem>>) semaphore(%arg8 : memref<!tpu.dma_semaphore, #tpu.memory_space<semaphore_mem>>)
    %dma_start3A_90 = arith.constant 1408 : i32
    %dma_start3A_91 = arith.constant 0 : i32
    %dma_start3A_92 = tpu.memref_slice %arg6[%dma_start3A_90, %dma_start3A_91] : memref<1664x16xf32, #tpu.memory_space<vmem>> -> memref<128x16xf32, #tpu.memory_space<vmem>>
    %dma_start3A_93 = arith.constant 1408 : i32
    %dma_start3A_94 = tpu.memref_slice %arg5[%dma_start3A_93] : memref<6656xi32, #tpu.memory_space<vmem>> -> memref<128xi32, #tpu.memory_space<vmem>>
    %dma_start3A_95 = arith.constant 0 : i32
    %dma_start3A_96 = arith.constant 0 : i32
    %dma_start3A_97 = tpu.memref_slice %arg2[%dma_start3A_95, %dma_start3A_96] : memref<1040000x16xf32, #tpu.memory_space<hbm>> -> memref<1040000x16xf32, #tpu.memory_space<hbm>>
    tpu.enqueue_indirect_dma source(%dma_start3A_97 : memref<1040000x16xf32, #tpu.memory_space<hbm>>) target(%dma_start3A_92 : memref<128x16xf32, #tpu.memory_space<vmem>>) offsets(%dma_start3A_94 : memref<128xi32, #tpu.memory_space<vmem>>) semaphore(%arg8 : memref<!tpu.dma_semaphore, #tpu.memory_space<semaphore_mem>>)
    %dma_start3A_98 = arith.constant 1536 : i32
    %dma_start3A_99 = arith.constant 0 : i32
    %dma_start3A_100 = tpu.memref_slice %arg6[%dma_start3A_98, %dma_start3A_99] : memref<1664x16xf32, #tpu.memory_space<vmem>> -> memref<128x16xf32, #tpu.memory_space<vmem>>
    %dma_start3A_101 = arith.constant 1536 : i32
    %dma_start3A_102 = tpu.memref_slice %arg5[%dma_start3A_101] : memref<6656xi32, #tpu.memory_space<vmem>> -> memref<128xi32, #tpu.memory_space<vmem>>
    %dma_start3A_103 = arith.constant 0 : i32
    %dma_start3A_104 = arith.constant 0 : i32
    %dma_start3A_105 = tpu.memref_slice %arg2[%dma_start3A_103, %dma_start3A_104] : memref<1040000x16xf32, #tpu.memory_space<hbm>> -> memref<1040000x16xf32, #tpu.memory_space<hbm>>
    tpu.enqueue_indirect_dma source(%dma_start3A_105 : memref<1040000x16xf32, #tpu.memory_space<hbm>>) target(%dma_start3A_100 : memref<128x16xf32, #tpu.memory_space<vmem>>) offsets(%dma_start3A_102 : memref<128xi32, #tpu.memory_space<vmem>>) semaphore(%arg8 : memref<!tpu.dma_semaphore, #tpu.memory_space<semaphore_mem>>)
    %dma_start3A_106 = arith.constant 0 : i32
    %dma_start3A_107 = arith.constant 0 : i32
    %dma_start3A_108 = tpu.memref_slice %arg7[%dma_start3A_106, %dma_start3A_107] : memref<1664x16xf32, #tpu.memory_space<vmem>> -> memref<128x16xf32, #tpu.memory_space<vmem>>
    %dma_start3A_109 = arith.constant 1664 : i32
    %dma_start3A_110 = tpu.memref_slice %arg5[%dma_start3A_109] : memref<6656xi32, #tpu.memory_space<vmem>> -> memref<128xi32, #tpu.memory_space<vmem>>
    %dma_start3A_111 = arith.constant 0 : i32
    %dma_start3A_112 = arith.constant 0 : i32
    %dma_start3A_113 = tpu.memref_slice %arg2[%dma_start3A_111, %dma_start3A_112] : memref<1040000x16xf32, #tpu.memory_space<hbm>> -> memref<1040000x16xf32, #tpu.memory_space<hbm>>
    tpu.enqueue_indirect_dma source(%dma_start3A_113 : memref<1040000x16xf32, #tpu.memory_space<hbm>>) target(%dma_start3A_108 : memref<128x16xf32, #tpu.memory_space<vmem>>) offsets(%dma_start3A_110 : memref<128xi32, #tpu.memory_space<vmem>>) semaphore(%arg9 : memref<!tpu.dma_semaphore, #tpu.memory_space<semaphore_mem>>)
    %dma_start3A_114 = arith.constant 128 : i32
    %dma_start3A_115 = arith.constant 0 : i32
    %dma_start3A_116 = tpu.memref_slice %arg7[%dma_start3A_114, %dma_start3A_115] : memref<1664x16xf32, #tpu.memory_space<vmem>> -> memref<128x16xf32, #tpu.memory_space<vmem>>
    %dma_start3A_117 = arith.constant 1792 : i32
    %dma_start3A_118 = tpu.memref_slice %arg5[%dma_start3A_117] : memref<6656xi32, #tpu.memory_space<vmem>> -> memref<128xi32, #tpu.memory_space<vmem>>
    %dma_start3A_119 = arith.constant 0 : i32
    %dma_start3A_120 = arith.constant 0 : i32
    %dma_start3A_121 = tpu.memref_slice %arg2[%dma_start3A_119, %dma_start3A_120] : memref<1040000x16xf32, #tpu.memory_space<hbm>> -> memref<1040000x16xf32, #tpu.memory_space<hbm>>
    tpu.enqueue_indirect_dma source(%dma_start3A_121 : memref<1040000x16xf32, #tpu.memory_space<hbm>>) target(%dma_start3A_116 : memref<128x16xf32, #tpu.memory_space<vmem>>) offsets(%dma_start3A_118 : memref<128xi32, #tpu.memory_space<vmem>>) semaphore(%arg9 : memref<!tpu.dma_semaphore, #tpu.memory_space<semaphore_mem>>)
    %dma_start3A_122 = arith.constant 256 : i32
    %dma_start3A_123 = arith.constant 0 : i32
    %dma_start3A_124 = tpu.memref_slice %arg7[%dma_start3A_122, %dma_start3A_123] : memref<1664x16xf32, #tpu.memory_space<vmem>> -> memref<128x16xf32, #tpu.memory_space<vmem>>
    %dma_start3A_125 = arith.constant 1920 : i32
    %dma_start3A_126 = tpu.memref_slice %arg5[%dma_start3A_125] : memref<6656xi32, #tpu.memory_space<vmem>> -> memref<128xi32, #tpu.memory_space<vmem>>
    %dma_start3A_127 = arith.constant 0 : i32
    %dma_start3A_128 = arith.constant 0 : i32
    %dma_start3A_129 = tpu.memref_slice %arg2[%dma_start3A_127, %dma_start3A_128] : memref<1040000x16xf32, #tpu.memory_space<hbm>> -> memref<1040000x16xf32, #tpu.memory_space<hbm>>
    tpu.enqueue_indirect_dma source(%dma_start3A_129 : memref<1040000x16xf32, #tpu.memory_space<hbm>>) target(%dma_start3A_124 : memref<128x16xf32, #tpu.memory_space<vmem>>) offsets(%dma_start3A_126 : memref<128xi32, #tpu.memory_space<vmem>>) semaphore(%arg9 : memref<!tpu.dma_semaphore, #tpu.memory_space<semaphore_mem>>)
    %dma_start3A_130 = arith.constant 384 : i32
    %dma_start3A_131 = arith.constant 0 : i32
    %dma_start3A_132 = tpu.memref_slice %arg7[%dma_start3A_130, %dma_start3A_131] : memref<1664x16xf32, #tpu.memory_space<vmem>> -> memref<128x16xf32, #tpu.memory_space<vmem>>
    %dma_start3A_133 = arith.constant 2048 : i32
    %dma_start3A_134 = tpu.memref_slice %arg5[%dma_start3A_133] : memref<6656xi32, #tpu.memory_space<vmem>> -> memref<128xi32, #tpu.memory_space<vmem>>
    %dma_start3A_135 = arith.constant 0 : i32
    %dma_start3A_136 = arith.constant 0 : i32
    %dma_start3A_137 = tpu.memref_slice %arg2[%dma_start3A_135, %dma_start3A_136] : memref<1040000x16xf32, #tpu.memory_space<hbm>> -> memref<1040000x16xf32, #tpu.memory_space<hbm>>
    tpu.enqueue_indirect_dma source(%dma_start3A_137 : memref<1040000x16xf32, #tpu.memory_space<hbm>>) target(%dma_start3A_132 : memref<128x16xf32, #tpu.memory_space<vmem>>) offsets(%dma_start3A_134 : memref<128xi32, #tpu.memory_space<vmem>>) semaphore(%arg9 : memref<!tpu.dma_semaphore, #tpu.memory_space<semaphore_mem>>)
    %dma_start3A_138 = arith.constant 512 : i32
    %dma_start3A_139 = arith.constant 0 : i32
    %dma_start3A_140 = tpu.memref_slice %arg7[%dma_start3A_138, %dma_start3A_139] : memref<1664x16xf32, #tpu.memory_space<vmem>> -> memref<128x16xf32, #tpu.memory_space<vmem>>
    %dma_start3A_141 = arith.constant 2176 : i32
    %dma_start3A_142 = tpu.memref_slice %arg5[%dma_start3A_141] : memref<6656xi32, #tpu.memory_space<vmem>> -> memref<128xi32, #tpu.memory_space<vmem>>
    %dma_start3A_143 = arith.constant 0 : i32
    %dma_start3A_144 = arith.constant 0 : i32
    %dma_start3A_145 = tpu.memref_slice %arg2[%dma_start3A_143, %dma_start3A_144] : memref<1040000x16xf32, #tpu.memory_space<hbm>> -> memref<1040000x16xf32, #tpu.memory_space<hbm>>
    tpu.enqueue_indirect_dma source(%dma_start3A_145 : memref<1040000x16xf32, #tpu.memory_space<hbm>>) target(%dma_start3A_140 : memref<128x16xf32, #tpu.memory_space<vmem>>) offsets(%dma_start3A_142 : memref<128xi32, #tpu.memory_space<vmem>>) semaphore(%arg9 : memref<!tpu.dma_semaphore, #tpu.memory_space<semaphore_mem>>)
    %dma_start3A_146 = arith.constant 640 : i32
    %dma_start3A_147 = arith.constant 0 : i32
    %dma_start3A_148 = tpu.memref_slice %arg7[%dma_start3A_146, %dma_start3A_147] : memref<1664x16xf32, #tpu.memory_space<vmem>> -> memref<128x16xf32, #tpu.memory_space<vmem>>
    %dma_start3A_149 = arith.constant 2304 : i32
    %dma_start3A_150 = tpu.memref_slice %arg5[%dma_start3A_149] : memref<6656xi32, #tpu.memory_space<vmem>> -> memref<128xi32, #tpu.memory_space<vmem>>
    %dma_start3A_151 = arith.constant 0 : i32
    %dma_start3A_152 = arith.constant 0 : i32
    %dma_start3A_153 = tpu.memref_slice %arg2[%dma_start3A_151, %dma_start3A_152] : memref<1040000x16xf32, #tpu.memory_space<hbm>> -> memref<1040000x16xf32, #tpu.memory_space<hbm>>
    tpu.enqueue_indirect_dma source(%dma_start3A_153 : memref<1040000x16xf32, #tpu.memory_space<hbm>>) target(%dma_start3A_148 : memref<128x16xf32, #tpu.memory_space<vmem>>) offsets(%dma_start3A_150 : memref<128xi32, #tpu.memory_space<vmem>>) semaphore(%arg9 : memref<!tpu.dma_semaphore, #tpu.memory_space<semaphore_mem>>)
    %dma_start3A_154 = arith.constant 768 : i32
    %dma_start3A_155 = arith.constant 0 : i32
    %dma_start3A_156 = tpu.memref_slice %arg7[%dma_start3A_154, %dma_start3A_155] : memref<1664x16xf32, #tpu.memory_space<vmem>> -> memref<128x16xf32, #tpu.memory_space<vmem>>
    %dma_start3A_157 = arith.constant 2432 : i32
    %dma_start3A_158 = tpu.memref_slice %arg5[%dma_start3A_157] : memref<6656xi32, #tpu.memory_space<vmem>> -> memref<128xi32, #tpu.memory_space<vmem>>
    %dma_start3A_159 = arith.constant 0 : i32
    %dma_start3A_160 = arith.constant 0 : i32
    %dma_start3A_161 = tpu.memref_slice %arg2[%dma_start3A_159, %dma_start3A_160] : memref<1040000x16xf32, #tpu.memory_space<hbm>> -> memref<1040000x16xf32, #tpu.memory_space<hbm>>
    tpu.enqueue_indirect_dma source(%dma_start3A_161 : memref<1040000x16xf32, #tpu.memory_space<hbm>>) target(%dma_start3A_156 : memref<128x16xf32, #tpu.memory_space<vmem>>) offsets(%dma_start3A_158 : memref<128xi32, #tpu.memory_space<vmem>>) semaphore(%arg9 : memref<!tpu.dma_semaphore, #tpu.memory_space<semaphore_mem>>)
    %dma_start3A_162 = arith.constant 896 : i32
    %dma_start3A_163 = arith.constant 0 : i32
    %dma_start3A_164 = tpu.memref_slice %arg7[%dma_start3A_162, %dma_start3A_163] : memref<1664x16xf32, #tpu.memory_space<vmem>> -> memref<128x16xf32, #tpu.memory_space<vmem>>
    %dma_start3A_165 = arith.constant 2560 : i32
    %dma_start3A_166 = tpu.memref_slice %arg5[%dma_start3A_165] : memref<6656xi32, #tpu.memory_space<vmem>> -> memref<128xi32, #tpu.memory_space<vmem>>
    %dma_start3A_167 = arith.constant 0 : i32
    %dma_start3A_168 = arith.constant 0 : i32
    %dma_start3A_169 = tpu.memref_slice %arg2[%dma_start3A_167, %dma_start3A_168] : memref<1040000x16xf32, #tpu.memory_space<hbm>> -> memref<1040000x16xf32, #tpu.memory_space<hbm>>
    tpu.enqueue_indirect_dma source(%dma_start3A_169 : memref<1040000x16xf32, #tpu.memory_space<hbm>>) target(%dma_start3A_164 : memref<128x16xf32, #tpu.memory_space<vmem>>) offsets(%dma_start3A_166 : memref<128xi32, #tpu.memory_space<vmem>>) semaphore(%arg9 : memref<!tpu.dma_semaphore, #tpu.memory_space<semaphore_mem>>)
    %dma_start3A_170 = arith.constant 1024 : i32
    %dma_start3A_171 = arith.constant 0 : i32
    %dma_start3A_172 = tpu.memref_slice %arg7[%dma_start3A_170, %dma_start3A_171] : memref<1664x16xf32, #tpu.memory_space<vmem>> -> memref<128x16xf32, #tpu.memory_space<vmem>>
    %dma_start3A_173 = arith.constant 2688 : i32
    %dma_start3A_174 = tpu.memref_slice %arg5[%dma_start3A_173] : memref<6656xi32, #tpu.memory_space<vmem>> -> memref<128xi32, #tpu.memory_space<vmem>>
    %dma_start3A_175 = arith.constant 0 : i32
    %dma_start3A_176 = arith.constant 0 : i32
    %dma_start3A_177 = tpu.memref_slice %arg2[%dma_start3A_175, %dma_start3A_176] : memref<1040000x16xf32, #tpu.memory_space<hbm>> -> memref<1040000x16xf32, #tpu.memory_space<hbm>>
    tpu.enqueue_indirect_dma source(%dma_start3A_177 : memref<1040000x16xf32, #tpu.memory_space<hbm>>) target(%dma_start3A_172 : memref<128x16xf32, #tpu.memory_space<vmem>>) offsets(%dma_start3A_174 : memref<128xi32, #tpu.memory_space<vmem>>) semaphore(%arg9 : memref<!tpu.dma_semaphore, #tpu.memory_space<semaphore_mem>>)
    %dma_start3A_178 = arith.constant 1152 : i32
    %dma_start3A_179 = arith.constant 0 : i32
    %dma_start3A_180 = tpu.memref_slice %arg7[%dma_start3A_178, %dma_start3A_179] : memref<1664x16xf32, #tpu.memory_space<vmem>> -> memref<128x16xf32, #tpu.memory_space<vmem>>
    %dma_start3A_181 = arith.constant 2816 : i32
    %dma_start3A_182 = tpu.memref_slice %arg5[%dma_start3A_181] : memref<6656xi32, #tpu.memory_space<vmem>> -> memref<128xi32, #tpu.memory_space<vmem>>
    %dma_start3A_183 = arith.constant 0 : i32
    %dma_start3A_184 = arith.constant 0 : i32
    %dma_start3A_185 = tpu.memref_slice %arg2[%dma_start3A_183, %dma_start3A_184] : memref<1040000x16xf32, #tpu.memory_space<hbm>> -> memref<1040000x16xf32, #tpu.memory_space<hbm>>
    tpu.enqueue_indirect_dma source(%dma_start3A_185 : memref<1040000x16xf32, #tpu.memory_space<hbm>>) target(%dma_start3A_180 : memref<128x16xf32, #tpu.memory_space<vmem>>) offsets(%dma_start3A_182 : memref<128xi32, #tpu.memory_space<vmem>>) semaphore(%arg9 : memref<!tpu.dma_semaphore, #tpu.memory_space<semaphore_mem>>)
    %dma_start3A_186 = arith.constant 1280 : i32
    %dma_start3A_187 = arith.constant 0 : i32
    %dma_start3A_188 = tpu.memref_slice %arg7[%dma_start3A_186, %dma_start3A_187] : memref<1664x16xf32, #tpu.memory_space<vmem>> -> memref<128x16xf32, #tpu.memory_space<vmem>>
    %dma_start3A_189 = arith.constant 2944 : i32
    %dma_start3A_190 = tpu.memref_slice %arg5[%dma_start3A_189] : memref<6656xi32, #tpu.memory_space<vmem>> -> memref<128xi32, #tpu.memory_space<vmem>>
    %dma_start3A_191 = arith.constant 0 : i32
    %dma_start3A_192 = arith.constant 0 : i32
    %dma_start3A_193 = tpu.memref_slice %arg2[%dma_start3A_191, %dma_start3A_192] : memref<1040000x16xf32, #tpu.memory_space<hbm>> -> memref<1040000x16xf32, #tpu.memory_space<hbm>>
    tpu.enqueue_indirect_dma source(%dma_start3A_193 : memref<1040000x16xf32, #tpu.memory_space<hbm>>) target(%dma_start3A_188 : memref<128x16xf32, #tpu.memory_space<vmem>>) offsets(%dma_start3A_190 : memref<128xi32, #tpu.memory_space<vmem>>) semaphore(%arg9 : memref<!tpu.dma_semaphore, #tpu.memory_space<semaphore_mem>>)
    %dma_start3A_194 = arith.constant 1408 : i32
    %dma_start3A_195 = arith.constant 0 : i32
    %dma_start3A_196 = tpu.memref_slice %arg7[%dma_start3A_194, %dma_start3A_195] : memref<1664x16xf32, #tpu.memory_space<vmem>> -> memref<128x16xf32, #tpu.memory_space<vmem>>
    %dma_start3A_197 = arith.constant 3072 : i32
    %dma_start3A_198 = tpu.memref_slice %arg5[%dma_start3A_197] : memref<6656xi32, #tpu.memory_space<vmem>> -> memref<128xi32, #tpu.memory_space<vmem>>
    %dma_start3A_199 = arith.constant 0 : i32
    %dma_start3A_200 = arith.constant 0 : i32
    %dma_start3A_201 = tpu.memref_slice %arg2[%dma_start3A_199, %dma_start3A_200] : memref<1040000x16xf32, #tpu.memory_space<hbm>> -> memref<1040000x16xf32, #tpu.memory_space<hbm>>
    tpu.enqueue_indirect_dma source(%dma_start3A_201 : memref<1040000x16xf32, #tpu.memory_space<hbm>>) target(%dma_start3A_196 : memref<128x16xf32, #tpu.memory_space<vmem>>) offsets(%dma_start3A_198 : memref<128xi32, #tpu.memory_space<vmem>>) semaphore(%arg9 : memref<!tpu.dma_semaphore, #tpu.memory_space<semaphore_mem>>)
    %dma_start3A_202 = arith.constant 1536 : i32
    %dma_start3A_203 = arith.constant 0 : i32
    %dma_start3A_204 = tpu.memref_slice %arg7[%dma_start3A_202, %dma_start3A_203] : memref<1664x16xf32, #tpu.memory_space<vmem>> -> memref<128x16xf32, #tpu.memory_space<vmem>>
    %dma_start3A_205 = arith.constant 3200 : i32
    %dma_start3A_206 = tpu.memref_slice %arg5[%dma_start3A_205] : memref<6656xi32, #tpu.memory_space<vmem>> -> memref<128xi32, #tpu.memory_space<vmem>>
    %dma_start3A_207 = arith.constant 0 : i32
    %dma_start3A_208 = arith.constant 0 : i32
    %dma_start3A_209 = tpu.memref_slice %arg2[%dma_start3A_207, %dma_start3A_208] : memref<1040000x16xf32, #tpu.memory_space<hbm>> -> memref<1040000x16xf32, #tpu.memory_space<hbm>>
    tpu.enqueue_indirect_dma source(%dma_start3A_209 : memref<1040000x16xf32, #tpu.memory_space<hbm>>) target(%dma_start3A_204 : memref<128x16xf32, #tpu.memory_space<vmem>>) offsets(%dma_start3A_206 : memref<128xi32, #tpu.memory_space<vmem>>) semaphore(%arg9 : memref<!tpu.dma_semaphore, #tpu.memory_space<semaphore_mem>>)
    %dma_wait3A = arith.constant 0 : i32
    %dma_wait3A_210 = arith.constant 0 : i32
    %dma_wait3A_211 = tpu.memref_slice %arg6[%dma_wait3A, %dma_wait3A_210] : memref<1664x16xf32, #tpu.memory_space<vmem>> -> memref<128x16xf32, #tpu.memory_space<vmem>>
    %dma_wait3A_212 = arith.constant 0 : i32
    %dma_wait3A_213 = tpu.memref_slice %arg5[%dma_wait3A_212] : memref<6656xi32, #tpu.memory_space<vmem>> -> memref<128xi32, #tpu.memory_space<vmem>>
    %dma_wait3A_214 = arith.constant 0 : i32
    %dma_wait3A_215 = arith.constant 0 : i32
    %dma_wait3A_216 = tpu.memref_slice %arg2[%dma_wait3A_214, %dma_wait3A_215] : memref<1040000x16xf32, #tpu.memory_space<hbm>> -> memref<1040000x16xf32, #tpu.memory_space<hbm>>
    tpu.wait_indirect_dma semaphore(%arg8 : memref<!tpu.dma_semaphore, #tpu.memory_space<semaphore_mem>>) src(%dma_wait3A_216 : memref<1040000x16xf32, #tpu.memory_space<hbm>>) dst(%dma_wait3A_211 : memref<128x16xf32, #tpu.memory_space<vmem>>)
    %dma_wait3A_217 = arith.constant 128 : i32
    %dma_wait3A_218 = arith.constant 0 : i32
    %dma_wait3A_219 = tpu.memref_slice %arg6[%dma_wait3A_217, %dma_wait3A_218] : memref<1664x16xf32, #tpu.memory_space<vmem>> -> memref<128x16xf32, #tpu.memory_space<vmem>>
    %dma_wait3A_220 = arith.constant 128 : i32
    %dma_wait3A_221 = tpu.memref_slice %arg5[%dma_wait3A_220] : memref<6656xi32, #tpu.memory_space<vmem>> -> memref<128xi32, #tpu.memory_space<vmem>>
    %dma_wait3A_222 = arith.constant 0 : i32
    %dma_wait3A_223 = arith.constant 0 : i32
    %dma_wait3A_224 = tpu.memref_slice %arg2[%dma_wait3A_222, %dma_wait3A_223] : memref<1040000x16xf32, #tpu.memory_space<hbm>> -> memref<1040000x16xf32, #tpu.memory_space<hbm>>
    tpu.wait_indirect_dma semaphore(%arg8 : memref<!tpu.dma_semaphore, #tpu.memory_space<semaphore_mem>>) src(%dma_wait3A_224 : memref<1040000x16xf32, #tpu.memory_space<hbm>>) dst(%dma_wait3A_219 : memref<128x16xf32, #tpu.memory_space<vmem>>)
    %dma_wait3A_225 = arith.constant 256 : i32
    %dma_wait3A_226 = arith.constant 0 : i32
    %dma_wait3A_227 = tpu.memref_slice %arg6[%dma_wait3A_225, %dma_wait3A_226] : memref<1664x16xf32, #tpu.memory_space<vmem>> -> memref<128x16xf32, #tpu.memory_space<vmem>>
    %dma_wait3A_228 = arith.constant 256 : i32
    %dma_wait3A_229 = tpu.memref_slice %arg5[%dma_wait3A_228] : memref<6656xi32, #tpu.memory_space<vmem>> -> memref<128xi32, #tpu.memory_space<vmem>>
    %dma_wait3A_230 = arith.constant 0 : i32
    %dma_wait3A_231 = arith.constant 0 : i32
    %dma_wait3A_232 = tpu.memref_slice %arg2[%dma_wait3A_230, %dma_wait3A_231] : memref<1040000x16xf32, #tpu.memory_space<hbm>> -> memref<1040000x16xf32, #tpu.memory_space<hbm>>
    tpu.wait_indirect_dma semaphore(%arg8 : memref<!tpu.dma_semaphore, #tpu.memory_space<semaphore_mem>>) src(%dma_wait3A_232 : memref<1040000x16xf32, #tpu.memory_space<hbm>>) dst(%dma_wait3A_227 : memref<128x16xf32, #tpu.memory_space<vmem>>)
    %dma_wait3A_233 = arith.constant 384 : i32
    %dma_wait3A_234 = arith.constant 0 : i32
    %dma_wait3A_235 = tpu.memref_slice %arg6[%dma_wait3A_233, %dma_wait3A_234] : memref<1664x16xf32, #tpu.memory_space<vmem>> -> memref<128x16xf32, #tpu.memory_space<vmem>>
    %dma_wait3A_236 = arith.constant 384 : i32
    %dma_wait3A_237 = tpu.memref_slice %arg5[%dma_wait3A_236] : memref<6656xi32, #tpu.memory_space<vmem>> -> memref<128xi32, #tpu.memory_space<vmem>>
    %dma_wait3A_238 = arith.constant 0 : i32
    %dma_wait3A_239 = arith.constant 0 : i32
    %dma_wait3A_240 = tpu.memref_slice %arg2[%dma_wait3A_238, %dma_wait3A_239] : memref<1040000x16xf32, #tpu.memory_space<hbm>> -> memref<1040000x16xf32, #tpu.memory_space<hbm>>
    tpu.wait_indirect_dma semaphore(%arg8 : memref<!tpu.dma_semaphore, #tpu.memory_space<semaphore_mem>>) src(%dma_wait3A_240 : memref<1040000x16xf32, #tpu.memory_space<hbm>>) dst(%dma_wait3A_235 : memref<128x16xf32, #tpu.memory_space<vmem>>)
    %dma_wait3A_241 = arith.constant 512 : i32
    %dma_wait3A_242 = arith.constant 0 : i32
    %dma_wait3A_243 = tpu.memref_slice %arg6[%dma_wait3A_241, %dma_wait3A_242] : memref<1664x16xf32, #tpu.memory_space<vmem>> -> memref<128x16xf32, #tpu.memory_space<vmem>>
    %dma_wait3A_244 = arith.constant 512 : i32
    %dma_wait3A_245 = tpu.memref_slice %arg5[%dma_wait3A_244] : memref<6656xi32, #tpu.memory_space<vmem>> -> memref<128xi32, #tpu.memory_space<vmem>>
    %dma_wait3A_246 = arith.constant 0 : i32
    %dma_wait3A_247 = arith.constant 0 : i32
    %dma_wait3A_248 = tpu.memref_slice %arg2[%dma_wait3A_246, %dma_wait3A_247] : memref<1040000x16xf32, #tpu.memory_space<hbm>> -> memref<1040000x16xf32, #tpu.memory_space<hbm>>
    tpu.wait_indirect_dma semaphore(%arg8 : memref<!tpu.dma_semaphore, #tpu.memory_space<semaphore_mem>>) src(%dma_wait3A_248 : memref<1040000x16xf32, #tpu.memory_space<hbm>>) dst(%dma_wait3A_243 : memref<128x16xf32, #tpu.memory_space<vmem>>)
    %dma_wait3A_249 = arith.constant 640 : i32
    %dma_wait3A_250 = arith.constant 0 : i32
    %dma_wait3A_251 = tpu.memref_slice %arg6[%dma_wait3A_249, %dma_wait3A_250] : memref<1664x16xf32, #tpu.memory_space<vmem>> -> memref<128x16xf32, #tpu.memory_space<vmem>>
    %dma_wait3A_252 = arith.constant 640 : i32
    %dma_wait3A_253 = tpu.memref_slice %arg5[%dma_wait3A_252] : memref<6656xi32, #tpu.memory_space<vmem>> -> memref<128xi32, #tpu.memory_space<vmem>>
    %dma_wait3A_254 = arith.constant 0 : i32
    %dma_wait3A_255 = arith.constant 0 : i32
    %dma_wait3A_256 = tpu.memref_slice %arg2[%dma_wait3A_254, %dma_wait3A_255] : memref<1040000x16xf32, #tpu.memory_space<hbm>> -> memref<1040000x16xf32, #tpu.memory_space<hbm>>
    tpu.wait_indirect_dma semaphore(%arg8 : memref<!tpu.dma_semaphore, #tpu.memory_space<semaphore_mem>>) src(%dma_wait3A_256 : memref<1040000x16xf32, #tpu.memory_space<hbm>>) dst(%dma_wait3A_251 : memref<128x16xf32, #tpu.memory_space<vmem>>)
    %dma_wait3A_257 = arith.constant 768 : i32
    %dma_wait3A_258 = arith.constant 0 : i32
    %dma_wait3A_259 = tpu.memref_slice %arg6[%dma_wait3A_257, %dma_wait3A_258] : memref<1664x16xf32, #tpu.memory_space<vmem>> -> memref<128x16xf32, #tpu.memory_space<vmem>>
    %dma_wait3A_260 = arith.constant 768 : i32
    %dma_wait3A_261 = tpu.memref_slice %arg5[%dma_wait3A_260] : memref<6656xi32, #tpu.memory_space<vmem>> -> memref<128xi32, #tpu.memory_space<vmem>>
    %dma_wait3A_262 = arith.constant 0 : i32
    %dma_wait3A_263 = arith.constant 0 : i32
    %dma_wait3A_264 = tpu.memref_slice %arg2[%dma_wait3A_262, %dma_wait3A_263] : memref<1040000x16xf32, #tpu.memory_space<hbm>> -> memref<1040000x16xf32, #tpu.memory_space<hbm>>
    tpu.wait_indirect_dma semaphore(%arg8 : memref<!tpu.dma_semaphore, #tpu.memory_space<semaphore_mem>>) src(%dma_wait3A_264 : memref<1040000x16xf32, #tpu.memory_space<hbm>>) dst(%dma_wait3A_259 : memref<128x16xf32, #tpu.memory_space<vmem>>)
    %dma_wait3A_265 = arith.constant 896 : i32
    %dma_wait3A_266 = arith.constant 0 : i32
    %dma_wait3A_267 = tpu.memref_slice %arg6[%dma_wait3A_265, %dma_wait3A_266] : memref<1664x16xf32, #tpu.memory_space<vmem>> -> memref<128x16xf32, #tpu.memory_space<vmem>>
    %dma_wait3A_268 = arith.constant 896 : i32
    %dma_wait3A_269 = tpu.memref_slice %arg5[%dma_wait3A_268] : memref<6656xi32, #tpu.memory_space<vmem>> -> memref<128xi32, #tpu.memory_space<vmem>>
    %dma_wait3A_270 = arith.constant 0 : i32
    %dma_wait3A_271 = arith.constant 0 : i32
    %dma_wait3A_272 = tpu.memref_slice %arg2[%dma_wait3A_270, %dma_wait3A_271] : memref<1040000x16xf32, #tpu.memory_space<hbm>> -> memref<1040000x16xf32, #tpu.memory_space<hbm>>
    tpu.wait_indirect_dma semaphore(%arg8 : memref<!tpu.dma_semaphore, #tpu.memory_space<semaphore_mem>>) src(%dma_wait3A_272 : memref<1040000x16xf32, #tpu.memory_space<hbm>>) dst(%dma_wait3A_267 : memref<128x16xf32, #tpu.memory_space<vmem>>)
    %dma_wait3A_273 = arith.constant 1024 : i32
    %dma_wait3A_274 = arith.constant 0 : i32
    %dma_wait3A_275 = tpu.memref_slice %arg6[%dma_wait3A_273, %dma_wait3A_274] : memref<1664x16xf32, #tpu.memory_space<vmem>> -> memref<128x16xf32, #tpu.memory_space<vmem>>
    %dma_wait3A_276 = arith.constant 1024 : i32
    %dma_wait3A_277 = tpu.memref_slice %arg5[%dma_wait3A_276] : memref<6656xi32, #tpu.memory_space<vmem>> -> memref<128xi32, #tpu.memory_space<vmem>>
    %dma_wait3A_278 = arith.constant 0 : i32
    %dma_wait3A_279 = arith.constant 0 : i32
    %dma_wait3A_280 = tpu.memref_slice %arg2[%dma_wait3A_278, %dma_wait3A_279] : memref<1040000x16xf32, #tpu.memory_space<hbm>> -> memref<1040000x16xf32, #tpu.memory_space<hbm>>
    tpu.wait_indirect_dma semaphore(%arg8 : memref<!tpu.dma_semaphore, #tpu.memory_space<semaphore_mem>>) src(%dma_wait3A_280 : memref<1040000x16xf32, #tpu.memory_space<hbm>>) dst(%dma_wait3A_275 : memref<128x16xf32, #tpu.memory_space<vmem>>)
    %dma_wait3A_281 = arith.constant 1152 : i32
    %dma_wait3A_282 = arith.constant 0 : i32
    %dma_wait3A_283 = tpu.memref_slice %arg6[%dma_wait3A_281, %dma_wait3A_282] : memref<1664x16xf32, #tpu.memory_space<vmem>> -> memref<128x16xf32, #tpu.memory_space<vmem>>
    %dma_wait3A_284 = arith.constant 1152 : i32
    %dma_wait3A_285 = tpu.memref_slice %arg5[%dma_wait3A_284] : memref<6656xi32, #tpu.memory_space<vmem>> -> memref<128xi32, #tpu.memory_space<vmem>>
    %dma_wait3A_286 = arith.constant 0 : i32
    %dma_wait3A_287 = arith.constant 0 : i32
    %dma_wait3A_288 = tpu.memref_slice %arg2[%dma_wait3A_286, %dma_wait3A_287] : memref<1040000x16xf32, #tpu.memory_space<hbm>> -> memref<1040000x16xf32, #tpu.memory_space<hbm>>
    tpu.wait_indirect_dma semaphore(%arg8 : memref<!tpu.dma_semaphore, #tpu.memory_space<semaphore_mem>>) src(%dma_wait3A_288 : memref<1040000x16xf32, #tpu.memory_space<hbm>>) dst(%dma_wait3A_283 : memref<128x16xf32, #tpu.memory_space<vmem>>)
    %dma_wait3A_289 = arith.constant 1280 : i32
    %dma_wait3A_290 = arith.constant 0 : i32
    %dma_wait3A_291 = tpu.memref_slice %arg6[%dma_wait3A_289, %dma_wait3A_290] : memref<1664x16xf32, #tpu.memory_space<vmem>> -> memref<128x16xf32, #tpu.memory_space<vmem>>
    %dma_wait3A_292 = arith.constant 1280 : i32
    %dma_wait3A_293 = tpu.memref_slice %arg5[%dma_wait3A_292] : memref<6656xi32, #tpu.memory_space<vmem>> -> memref<128xi32, #tpu.memory_space<vmem>>
    %dma_wait3A_294 = arith.constant 0 : i32
    %dma_wait3A_295 = arith.constant 0 : i32
    %dma_wait3A_296 = tpu.memref_slice %arg2[%dma_wait3A_294, %dma_wait3A_295] : memref<1040000x16xf32, #tpu.memory_space<hbm>> -> memref<1040000x16xf32, #tpu.memory_space<hbm>>
    tpu.wait_indirect_dma semaphore(%arg8 : memref<!tpu.dma_semaphore, #tpu.memory_space<semaphore_mem>>) src(%dma_wait3A_296 : memref<1040000x16xf32, #tpu.memory_space<hbm>>) dst(%dma_wait3A_291 : memref<128x16xf32, #tpu.memory_space<vmem>>)
    %dma_wait3A_297 = arith.constant 1408 : i32
    %dma_wait3A_298 = arith.constant 0 : i32
    %dma_wait3A_299 = tpu.memref_slice %arg6[%dma_wait3A_297, %dma_wait3A_298] : memref<1664x16xf32, #tpu.memory_space<vmem>> -> memref<128x16xf32, #tpu.memory_space<vmem>>
    %dma_wait3A_300 = arith.constant 1408 : i32
    %dma_wait3A_301 = tpu.memref_slice %arg5[%dma_wait3A_300] : memref<6656xi32, #tpu.memory_space<vmem>> -> memref<128xi32, #tpu.memory_space<vmem>>
    %dma_wait3A_302 = arith.constant 0 : i32
    %dma_wait3A_303 = arith.constant 0 : i32
    %dma_wait3A_304 = tpu.memref_slice %arg2[%dma_wait3A_302, %dma_wait3A_303] : memref<1040000x16xf32, #tpu.memory_space<hbm>> -> memref<1040000x16xf32, #tpu.memory_space<hbm>>
    tpu.wait_indirect_dma semaphore(%arg8 : memref<!tpu.dma_semaphore, #tpu.memory_space<semaphore_mem>>) src(%dma_wait3A_304 : memref<1040000x16xf32, #tpu.memory_space<hbm>>) dst(%dma_wait3A_299 : memref<128x16xf32, #tpu.memory_space<vmem>>)
    %dma_wait3A_305 = arith.constant 1536 : i32
    %dma_wait3A_306 = arith.constant 0 : i32
    %dma_wait3A_307 = tpu.memref_slice %arg6[%dma_wait3A_305, %dma_wait3A_306] : memref<1664x16xf32, #tpu.memory_space<vmem>> -> memref<128x16xf32, #tpu.memory_space<vmem>>
    %dma_wait3A_308 = arith.constant 1536 : i32
    %dma_wait3A_309 = tpu.memref_slice %arg5[%dma_wait3A_308] : memref<6656xi32, #tpu.memory_space<vmem>> -> memref<128xi32, #tpu.memory_space<vmem>>
    %dma_wait3A_310 = arith.constant 0 : i32
    %dma_wait3A_311 = arith.constant 0 : i32
    %dma_wait3A_312 = tpu.memref_slice %arg2[%dma_wait3A_310, %dma_wait3A_311] : memref<1040000x16xf32, #tpu.memory_space<hbm>> -> memref<1040000x16xf32, #tpu.memory_space<hbm>>
    tpu.wait_indirect_dma semaphore(%arg8 : memref<!tpu.dma_semaphore, #tpu.memory_space<semaphore_mem>>) src(%dma_wait3A_312 : memref<1040000x16xf32, #tpu.memory_space<hbm>>) dst(%dma_wait3A_307 : memref<128x16xf32, #tpu.memory_space<vmem>>)
    %add3A_313 = arith.constant 0 : i32
    %add3A_314 = arith.addi %mul3A_2, %add3A_313 : i32
    "tpu.region"() ({
      %run_scoped3A = tpu.sem_alloc : memref<!tpu.dma_semaphore, #tpu.memory_space<semaphore_mem>>
      %dma_start3A_841 = arith.constant 0 : i32
      %dma_start3A_842 = tpu.memref_slice %arg4[%add3A_314, %dma_start3A_841] : memref<212992x16xf32, #tpu.memory_space<hbm>> -> memref<1664x16xf32, #tpu.memory_space<hbm>>
      %dma_start3A_843 = arith.constant 0 : i32
      %dma_start3A_844 = tpu.memref_slice %arg4[%add3A_314, %dma_start3A_843] : memref<212992x16xf32, #tpu.memory_space<hbm>> -> memref<1664x16xf32, #tpu.memory_space<hbm>>
      tpu.enqueue_dma source(%arg6 : memref<1664x16xf32, #tpu.memory_space<vmem>>) target(%dma_start3A_844 : memref<1664x16xf32, #tpu.memory_space<hbm>>) target_semaphore(%run_scoped3A : memref<!tpu.dma_semaphore, #tpu.memory_space<semaphore_mem>>)
      %dma_wait3A_845 = arith.constant 0 : i32
      %dma_wait3A_846 = tpu.memref_slice %arg4[%add3A_314, %dma_wait3A_845] : memref<212992x16xf32, #tpu.memory_space<hbm>> -> memref<1664x16xf32, #tpu.memory_space<hbm>>
      %dma_wait3A_847 = arith.constant 0 : i32
      %dma_wait3A_848 = tpu.memref_slice %arg4[%add3A_314, %dma_wait3A_847] : memref<212992x16xf32, #tpu.memory_space<hbm>> -> memref<1664x16xf32, #tpu.memory_space<hbm>>
      tpu.wait_dma2 semaphore(%run_scoped3A : memref<!tpu.dma_semaphore, #tpu.memory_space<semaphore_mem>>) src(%arg6 : memref<1664x16xf32, #tpu.memory_space<vmem>>) dst(%dma_wait3A_848 : memref<1664x16xf32, #tpu.memory_space<hbm>>)
      tpu.yield
    }) : () -> ()
    %dma_start3A_315 = arith.constant 0 : i32
    %dma_start3A_316 = arith.constant 0 : i32
    %dma_start3A_317 = tpu.memref_slice %arg6[%dma_start3A_315, %dma_start3A_316] : memref<1664x16xf32, #tpu.memory_space<vmem>> -> memref<128x16xf32, #tpu.memory_space<vmem>>
    %dma_start3A_318 = arith.constant 3328 : i32
    %dma_start3A_319 = tpu.memref_slice %arg5[%dma_start3A_318] : memref<6656xi32, #tpu.memory_space<vmem>> -> memref<128xi32, #tpu.memory_space<vmem>>
    %dma_start3A_320 = arith.constant 0 : i32
    %dma_start3A_321 = arith.constant 0 : i32
    %dma_start3A_322 = tpu.memref_slice %arg2[%dma_start3A_320, %dma_start3A_321] : memref<1040000x16xf32, #tpu.memory_space<hbm>> -> memref<1040000x16xf32, #tpu.memory_space<hbm>>
    tpu.enqueue_indirect_dma source(%dma_start3A_322 : memref<1040000x16xf32, #tpu.memory_space<hbm>>) target(%dma_start3A_317 : memref<128x16xf32, #tpu.memory_space<vmem>>) offsets(%dma_start3A_319 : memref<128xi32, #tpu.memory_space<vmem>>) semaphore(%arg8 : memref<!tpu.dma_semaphore, #tpu.memory_space<semaphore_mem>>)
    %dma_start3A_323 = arith.constant 128 : i32
    %dma_start3A_324 = arith.constant 0 : i32
    %dma_start3A_325 = tpu.memref_slice %arg6[%dma_start3A_323, %dma_start3A_324] : memref<1664x16xf32, #tpu.memory_space<vmem>> -> memref<128x16xf32, #tpu.memory_space<vmem>>
    %dma_start3A_326 = arith.constant 3456 : i32
    %dma_start3A_327 = tpu.memref_slice %arg5[%dma_start3A_326] : memref<6656xi32, #tpu.memory_space<vmem>> -> memref<128xi32, #tpu.memory_space<vmem>>
    %dma_start3A_328 = arith.constant 0 : i32
    %dma_start3A_329 = arith.constant 0 : i32
    %dma_start3A_330 = tpu.memref_slice %arg2[%dma_start3A_328, %dma_start3A_329] : memref<1040000x16xf32, #tpu.memory_space<hbm>> -> memref<1040000x16xf32, #tpu.memory_space<hbm>>
    tpu.enqueue_indirect_dma source(%dma_start3A_330 : memref<1040000x16xf32, #tpu.memory_space<hbm>>) target(%dma_start3A_325 : memref<128x16xf32, #tpu.memory_space<vmem>>) offsets(%dma_start3A_327 : memref<128xi32, #tpu.memory_space<vmem>>) semaphore(%arg8 : memref<!tpu.dma_semaphore, #tpu.memory_space<semaphore_mem>>)
    %dma_start3A_331 = arith.constant 256 : i32
    %dma_start3A_332 = arith.constant 0 : i32
    %dma_start3A_333 = tpu.memref_slice %arg6[%dma_start3A_331, %dma_start3A_332] : memref<1664x16xf32, #tpu.memory_space<vmem>> -> memref<128x16xf32, #tpu.memory_space<vmem>>
    %dma_start3A_334 = arith.constant 3584 : i32
    %dma_start3A_335 = tpu.memref_slice %arg5[%dma_start3A_334] : memref<6656xi32, #tpu.memory_space<vmem>> -> memref<128xi32, #tpu.memory_space<vmem>>
    %dma_start3A_336 = arith.constant 0 : i32
    %dma_start3A_337 = arith.constant 0 : i32
    %dma_start3A_338 = tpu.memref_slice %arg2[%dma_start3A_336, %dma_start3A_337] : memref<1040000x16xf32, #tpu.memory_space<hbm>> -> memref<1040000x16xf32, #tpu.memory_space<hbm>>
    tpu.enqueue_indirect_dma source(%dma_start3A_338 : memref<1040000x16xf32, #tpu.memory_space<hbm>>) target(%dma_start3A_333 : memref<128x16xf32, #tpu.memory_space<vmem>>) offsets(%dma_start3A_335 : memref<128xi32, #tpu.memory_space<vmem>>) semaphore(%arg8 : memref<!tpu.dma_semaphore, #tpu.memory_space<semaphore_mem>>)
    %dma_start3A_339 = arith.constant 384 : i32
    %dma_start3A_340 = arith.constant 0 : i32
    %dma_start3A_341 = tpu.memref_slice %arg6[%dma_start3A_339, %dma_start3A_340] : memref<1664x16xf32, #tpu.memory_space<vmem>> -> memref<128x16xf32, #tpu.memory_space<vmem>>
    %dma_start3A_342 = arith.constant 3712 : i32
    %dma_start3A_343 = tpu.memref_slice %arg5[%dma_start3A_342] : memref<6656xi32, #tpu.memory_space<vmem>> -> memref<128xi32, #tpu.memory_space<vmem>>
    %dma_start3A_344 = arith.constant 0 : i32
    %dma_start3A_345 = arith.constant 0 : i32
    %dma_start3A_346 = tpu.memref_slice %arg2[%dma_start3A_344, %dma_start3A_345] : memref<1040000x16xf32, #tpu.memory_space<hbm>> -> memref<1040000x16xf32, #tpu.memory_space<hbm>>
    tpu.enqueue_indirect_dma source(%dma_start3A_346 : memref<1040000x16xf32, #tpu.memory_space<hbm>>) target(%dma_start3A_341 : memref<128x16xf32, #tpu.memory_space<vmem>>) offsets(%dma_start3A_343 : memref<128xi32, #tpu.memory_space<vmem>>) semaphore(%arg8 : memref<!tpu.dma_semaphore, #tpu.memory_space<semaphore_mem>>)
    %dma_start3A_347 = arith.constant 512 : i32
    %dma_start3A_348 = arith.constant 0 : i32
    %dma_start3A_349 = tpu.memref_slice %arg6[%dma_start3A_347, %dma_start3A_348] : memref<1664x16xf32, #tpu.memory_space<vmem>> -> memref<128x16xf32, #tpu.memory_space<vmem>>
    %dma_start3A_350 = arith.constant 3840 : i32
    %dma_start3A_351 = tpu.memref_slice %arg5[%dma_start3A_350] : memref<6656xi32, #tpu.memory_space<vmem>> -> memref<128xi32, #tpu.memory_space<vmem>>
    %dma_start3A_352 = arith.constant 0 : i32
    %dma_start3A_353 = arith.constant 0 : i32
    %dma_start3A_354 = tpu.memref_slice %arg2[%dma_start3A_352, %dma_start3A_353] : memref<1040000x16xf32, #tpu.memory_space<hbm>> -> memref<1040000x16xf32, #tpu.memory_space<hbm>>
    tpu.enqueue_indirect_dma source(%dma_start3A_354 : memref<1040000x16xf32, #tpu.memory_space<hbm>>) target(%dma_start3A_349 : memref<128x16xf32, #tpu.memory_space<vmem>>) offsets(%dma_start3A_351 : memref<128xi32, #tpu.memory_space<vmem>>) semaphore(%arg8 : memref<!tpu.dma_semaphore, #tpu.memory_space<semaphore_mem>>)
    %dma_start3A_355 = arith.constant 640 : i32
    %dma_start3A_356 = arith.constant 0 : i32
    %dma_start3A_357 = tpu.memref_slice %arg6[%dma_start3A_355, %dma_start3A_356] : memref<1664x16xf32, #tpu.memory_space<vmem>> -> memref<128x16xf32, #tpu.memory_space<vmem>>
    %dma_start3A_358 = arith.constant 3968 : i32
    %dma_start3A_359 = tpu.memref_slice %arg5[%dma_start3A_358] : memref<6656xi32, #tpu.memory_space<vmem>> -> memref<128xi32, #tpu.memory_space<vmem>>
    %dma_start3A_360 = arith.constant 0 : i32
    %dma_start3A_361 = arith.constant 0 : i32
    %dma_start3A_362 = tpu.memref_slice %arg2[%dma_start3A_360, %dma_start3A_361] : memref<1040000x16xf32, #tpu.memory_space<hbm>> -> memref<1040000x16xf32, #tpu.memory_space<hbm>>
    tpu.enqueue_indirect_dma source(%dma_start3A_362 : memref<1040000x16xf32, #tpu.memory_space<hbm>>) target(%dma_start3A_357 : memref<128x16xf32, #tpu.memory_space<vmem>>) offsets(%dma_start3A_359 : memref<128xi32, #tpu.memory_space<vmem>>) semaphore(%arg8 : memref<!tpu.dma_semaphore, #tpu.memory_space<semaphore_mem>>)
    %dma_start3A_363 = arith.constant 768 : i32
    %dma_start3A_364 = arith.constant 0 : i32
    %dma_start3A_365 = tpu.memref_slice %arg6[%dma_start3A_363, %dma_start3A_364] : memref<1664x16xf32, #tpu.memory_space<vmem>> -> memref<128x16xf32, #tpu.memory_space<vmem>>
    %dma_start3A_366 = arith.constant 4096 : i32
    %dma_start3A_367 = tpu.memref_slice %arg5[%dma_start3A_366] : memref<6656xi32, #tpu.memory_space<vmem>> -> memref<128xi32, #tpu.memory_space<vmem>>
    %dma_start3A_368 = arith.constant 0 : i32
    %dma_start3A_369 = arith.constant 0 : i32
    %dma_start3A_370 = tpu.memref_slice %arg2[%dma_start3A_368, %dma_start3A_369] : memref<1040000x16xf32, #tpu.memory_space<hbm>> -> memref<1040000x16xf32, #tpu.memory_space<hbm>>
    tpu.enqueue_indirect_dma source(%dma_start3A_370 : memref<1040000x16xf32, #tpu.memory_space<hbm>>) target(%dma_start3A_365 : memref<128x16xf32, #tpu.memory_space<vmem>>) offsets(%dma_start3A_367 : memref<128xi32, #tpu.memory_space<vmem>>) semaphore(%arg8 : memref<!tpu.dma_semaphore, #tpu.memory_space<semaphore_mem>>)
    %dma_start3A_371 = arith.constant 896 : i32
    %dma_start3A_372 = arith.constant 0 : i32
    %dma_start3A_373 = tpu.memref_slice %arg6[%dma_start3A_371, %dma_start3A_372] : memref<1664x16xf32, #tpu.memory_space<vmem>> -> memref<128x16xf32, #tpu.memory_space<vmem>>
    %dma_start3A_374 = arith.constant 4224 : i32
    %dma_start3A_375 = tpu.memref_slice %arg5[%dma_start3A_374] : memref<6656xi32, #tpu.memory_space<vmem>> -> memref<128xi32, #tpu.memory_space<vmem>>
    %dma_start3A_376 = arith.constant 0 : i32
    %dma_start3A_377 = arith.constant 0 : i32
    %dma_start3A_378 = tpu.memref_slice %arg2[%dma_start3A_376, %dma_start3A_377] : memref<1040000x16xf32, #tpu.memory_space<hbm>> -> memref<1040000x16xf32, #tpu.memory_space<hbm>>
    tpu.enqueue_indirect_dma source(%dma_start3A_378 : memref<1040000x16xf32, #tpu.memory_space<hbm>>) target(%dma_start3A_373 : memref<128x16xf32, #tpu.memory_space<vmem>>) offsets(%dma_start3A_375 : memref<128xi32, #tpu.memory_space<vmem>>) semaphore(%arg8 : memref<!tpu.dma_semaphore, #tpu.memory_space<semaphore_mem>>)
    %dma_start3A_379 = arith.constant 1024 : i32
    %dma_start3A_380 = arith.constant 0 : i32
    %dma_start3A_381 = tpu.memref_slice %arg6[%dma_start3A_379, %dma_start3A_380] : memref<1664x16xf32, #tpu.memory_space<vmem>> -> memref<128x16xf32, #tpu.memory_space<vmem>>
    %dma_start3A_382 = arith.constant 4352 : i32
    %dma_start3A_383 = tpu.memref_slice %arg5[%dma_start3A_382] : memref<6656xi32, #tpu.memory_space<vmem>> -> memref<128xi32, #tpu.memory_space<vmem>>
    %dma_start3A_384 = arith.constant 0 : i32
    %dma_start3A_385 = arith.constant 0 : i32
    %dma_start3A_386 = tpu.memref_slice %arg2[%dma_start3A_384, %dma_start3A_385] : memref<1040000x16xf32, #tpu.memory_space<hbm>> -> memref<1040000x16xf32, #tpu.memory_space<hbm>>
    tpu.enqueue_indirect_dma source(%dma_start3A_386 : memref<1040000x16xf32, #tpu.memory_space<hbm>>) target(%dma_start3A_381 : memref<128x16xf32, #tpu.memory_space<vmem>>) offsets(%dma_start3A_383 : memref<128xi32, #tpu.memory_space<vmem>>) semaphore(%arg8 : memref<!tpu.dma_semaphore, #tpu.memory_space<semaphore_mem>>)
    %dma_start3A_387 = arith.constant 1152 : i32
    %dma_start3A_388 = arith.constant 0 : i32
    %dma_start3A_389 = tpu.memref_slice %arg6[%dma_start3A_387, %dma_start3A_388] : memref<1664x16xf32, #tpu.memory_space<vmem>> -> memref<128x16xf32, #tpu.memory_space<vmem>>
    %dma_start3A_390 = arith.constant 4480 : i32
    %dma_start3A_391 = tpu.memref_slice %arg5[%dma_start3A_390] : memref<6656xi32, #tpu.memory_space<vmem>> -> memref<128xi32, #tpu.memory_space<vmem>>
    %dma_start3A_392 = arith.constant 0 : i32
    %dma_start3A_393 = arith.constant 0 : i32
    %dma_start3A_394 = tpu.memref_slice %arg2[%dma_start3A_392, %dma_start3A_393] : memref<1040000x16xf32, #tpu.memory_space<hbm>> -> memref<1040000x16xf32, #tpu.memory_space<hbm>>
    tpu.enqueue_indirect_dma source(%dma_start3A_394 : memref<1040000x16xf32, #tpu.memory_space<hbm>>) target(%dma_start3A_389 : memref<128x16xf32, #tpu.memory_space<vmem>>) offsets(%dma_start3A_391 : memref<128xi32, #tpu.memory_space<vmem>>) semaphore(%arg8 : memref<!tpu.dma_semaphore, #tpu.memory_space<semaphore_mem>>)
    %dma_start3A_395 = arith.constant 1280 : i32
    %dma_start3A_396 = arith.constant 0 : i32
    %dma_start3A_397 = tpu.memref_slice %arg6[%dma_start3A_395, %dma_start3A_396] : memref<1664x16xf32, #tpu.memory_space<vmem>> -> memref<128x16xf32, #tpu.memory_space<vmem>>
    %dma_start3A_398 = arith.constant 4608 : i32
    %dma_start3A_399 = tpu.memref_slice %arg5[%dma_start3A_398] : memref<6656xi32, #tpu.memory_space<vmem>> -> memref<128xi32, #tpu.memory_space<vmem>>
    %dma_start3A_400 = arith.constant 0 : i32
    %dma_start3A_401 = arith.constant 0 : i32
    %dma_start3A_402 = tpu.memref_slice %arg2[%dma_start3A_400, %dma_start3A_401] : memref<1040000x16xf32, #tpu.memory_space<hbm>> -> memref<1040000x16xf32, #tpu.memory_space<hbm>>
    tpu.enqueue_indirect_dma source(%dma_start3A_402 : memref<1040000x16xf32, #tpu.memory_space<hbm>>) target(%dma_start3A_397 : memref<128x16xf32, #tpu.memory_space<vmem>>) offsets(%dma_start3A_399 : memref<128xi32, #tpu.memory_space<vmem>>) semaphore(%arg8 : memref<!tpu.dma_semaphore, #tpu.memory_space<semaphore_mem>>)
    %dma_start3A_403 = arith.constant 1408 : i32
    %dma_start3A_404 = arith.constant 0 : i32
    %dma_start3A_405 = tpu.memref_slice %arg6[%dma_start3A_403, %dma_start3A_404] : memref<1664x16xf32, #tpu.memory_space<vmem>> -> memref<128x16xf32, #tpu.memory_space<vmem>>
    %dma_start3A_406 = arith.constant 4736 : i32
    %dma_start3A_407 = tpu.memref_slice %arg5[%dma_start3A_406] : memref<6656xi32, #tpu.memory_space<vmem>> -> memref<128xi32, #tpu.memory_space<vmem>>
    %dma_start3A_408 = arith.constant 0 : i32
    %dma_start3A_409 = arith.constant 0 : i32
    %dma_start3A_410 = tpu.memref_slice %arg2[%dma_start3A_408, %dma_start3A_409] : memref<1040000x16xf32, #tpu.memory_space<hbm>> -> memref<1040000x16xf32, #tpu.memory_space<hbm>>
    tpu.enqueue_indirect_dma source(%dma_start3A_410 : memref<1040000x16xf32, #tpu.memory_space<hbm>>) target(%dma_start3A_405 : memref<128x16xf32, #tpu.memory_space<vmem>>) offsets(%dma_start3A_407 : memref<128xi32, #tpu.memory_space<vmem>>) semaphore(%arg8 : memref<!tpu.dma_semaphore, #tpu.memory_space<semaphore_mem>>)
    %dma_start3A_411 = arith.constant 1536 : i32
    %dma_start3A_412 = arith.constant 0 : i32
    %dma_start3A_413 = tpu.memref_slice %arg6[%dma_start3A_411, %dma_start3A_412] : memref<1664x16xf32, #tpu.memory_space<vmem>> -> memref<128x16xf32, #tpu.memory_space<vmem>>
    %dma_start3A_414 = arith.constant 4864 : i32
    %dma_start3A_415 = tpu.memref_slice %arg5[%dma_start3A_414] : memref<6656xi32, #tpu.memory_space<vmem>> -> memref<128xi32, #tpu.memory_space<vmem>>
    %dma_start3A_416 = arith.constant 0 : i32
    %dma_start3A_417 = arith.constant 0 : i32
    %dma_start3A_418 = tpu.memref_slice %arg2[%dma_start3A_416, %dma_start3A_417] : memref<1040000x16xf32, #tpu.memory_space<hbm>> -> memref<1040000x16xf32, #tpu.memory_space<hbm>>
    tpu.enqueue_indirect_dma source(%dma_start3A_418 : memref<1040000x16xf32, #tpu.memory_space<hbm>>) target(%dma_start3A_413 : memref<128x16xf32, #tpu.memory_space<vmem>>) offsets(%dma_start3A_415 : memref<128xi32, #tpu.memory_space<vmem>>) semaphore(%arg8 : memref<!tpu.dma_semaphore, #tpu.memory_space<semaphore_mem>>)
    %dma_wait3A_419 = arith.constant 0 : i32
    %dma_wait3A_420 = arith.constant 0 : i32
    %dma_wait3A_421 = tpu.memref_slice %arg7[%dma_wait3A_419, %dma_wait3A_420] : memref<1664x16xf32, #tpu.memory_space<vmem>> -> memref<128x16xf32, #tpu.memory_space<vmem>>
    %dma_wait3A_422 = arith.constant 1664 : i32
    %dma_wait3A_423 = tpu.memref_slice %arg5[%dma_wait3A_422] : memref<6656xi32, #tpu.memory_space<vmem>> -> memref<128xi32, #tpu.memory_space<vmem>>
    %dma_wait3A_424 = arith.constant 0 : i32
    %dma_wait3A_425 = arith.constant 0 : i32
    %dma_wait3A_426 = tpu.memref_slice %arg2[%dma_wait3A_424, %dma_wait3A_425] : memref<1040000x16xf32, #tpu.memory_space<hbm>> -> memref<1040000x16xf32, #tpu.memory_space<hbm>>
    tpu.wait_indirect_dma semaphore(%arg9 : memref<!tpu.dma_semaphore, #tpu.memory_space<semaphore_mem>>) src(%dma_wait3A_426 : memref<1040000x16xf32, #tpu.memory_space<hbm>>) dst(%dma_wait3A_421 : memref<128x16xf32, #tpu.memory_space<vmem>>)
    %dma_wait3A_427 = arith.constant 128 : i32
    %dma_wait3A_428 = arith.constant 0 : i32
    %dma_wait3A_429 = tpu.memref_slice %arg7[%dma_wait3A_427, %dma_wait3A_428] : memref<1664x16xf32, #tpu.memory_space<vmem>> -> memref<128x16xf32, #tpu.memory_space<vmem>>
    %dma_wait3A_430 = arith.constant 1792 : i32
    %dma_wait3A_431 = tpu.memref_slice %arg5[%dma_wait3A_430] : memref<6656xi32, #tpu.memory_space<vmem>> -> memref<128xi32, #tpu.memory_space<vmem>>
    %dma_wait3A_432 = arith.constant 0 : i32
    %dma_wait3A_433 = arith.constant 0 : i32
    %dma_wait3A_434 = tpu.memref_slice %arg2[%dma_wait3A_432, %dma_wait3A_433] : memref<1040000x16xf32, #tpu.memory_space<hbm>> -> memref<1040000x16xf32, #tpu.memory_space<hbm>>
    tpu.wait_indirect_dma semaphore(%arg9 : memref<!tpu.dma_semaphore, #tpu.memory_space<semaphore_mem>>) src(%dma_wait3A_434 : memref<1040000x16xf32, #tpu.memory_space<hbm>>) dst(%dma_wait3A_429 : memref<128x16xf32, #tpu.memory_space<vmem>>)
    %dma_wait3A_435 = arith.constant 256 : i32
    %dma_wait3A_436 = arith.constant 0 : i32
    %dma_wait3A_437 = tpu.memref_slice %arg7[%dma_wait3A_435, %dma_wait3A_436] : memref<1664x16xf32, #tpu.memory_space<vmem>> -> memref<128x16xf32, #tpu.memory_space<vmem>>
    %dma_wait3A_438 = arith.constant 1920 : i32
    %dma_wait3A_439 = tpu.memref_slice %arg5[%dma_wait3A_438] : memref<6656xi32, #tpu.memory_space<vmem>> -> memref<128xi32, #tpu.memory_space<vmem>>
    %dma_wait3A_440 = arith.constant 0 : i32
    %dma_wait3A_441 = arith.constant 0 : i32
    %dma_wait3A_442 = tpu.memref_slice %arg2[%dma_wait3A_440, %dma_wait3A_441] : memref<1040000x16xf32, #tpu.memory_space<hbm>> -> memref<1040000x16xf32, #tpu.memory_space<hbm>>
    tpu.wait_indirect_dma semaphore(%arg9 : memref<!tpu.dma_semaphore, #tpu.memory_space<semaphore_mem>>) src(%dma_wait3A_442 : memref<1040000x16xf32, #tpu.memory_space<hbm>>) dst(%dma_wait3A_437 : memref<128x16xf32, #tpu.memory_space<vmem>>)
    %dma_wait3A_443 = arith.constant 384 : i32
    %dma_wait3A_444 = arith.constant 0 : i32
    %dma_wait3A_445 = tpu.memref_slice %arg7[%dma_wait3A_443, %dma_wait3A_444] : memref<1664x16xf32, #tpu.memory_space<vmem>> -> memref<128x16xf32, #tpu.memory_space<vmem>>
    %dma_wait3A_446 = arith.constant 2048 : i32
    %dma_wait3A_447 = tpu.memref_slice %arg5[%dma_wait3A_446] : memref<6656xi32, #tpu.memory_space<vmem>> -> memref<128xi32, #tpu.memory_space<vmem>>
    %dma_wait3A_448 = arith.constant 0 : i32
    %dma_wait3A_449 = arith.constant 0 : i32
    %dma_wait3A_450 = tpu.memref_slice %arg2[%dma_wait3A_448, %dma_wait3A_449] : memref<1040000x16xf32, #tpu.memory_space<hbm>> -> memref<1040000x16xf32, #tpu.memory_space<hbm>>
    tpu.wait_indirect_dma semaphore(%arg9 : memref<!tpu.dma_semaphore, #tpu.memory_space<semaphore_mem>>) src(%dma_wait3A_450 : memref<1040000x16xf32, #tpu.memory_space<hbm>>) dst(%dma_wait3A_445 : memref<128x16xf32, #tpu.memory_space<vmem>>)
    %dma_wait3A_451 = arith.constant 512 : i32
    %dma_wait3A_452 = arith.constant 0 : i32
    %dma_wait3A_453 = tpu.memref_slice %arg7[%dma_wait3A_451, %dma_wait3A_452] : memref<1664x16xf32, #tpu.memory_space<vmem>> -> memref<128x16xf32, #tpu.memory_space<vmem>>
    %dma_wait3A_454 = arith.constant 2176 : i32
    %dma_wait3A_455 = tpu.memref_slice %arg5[%dma_wait3A_454] : memref<6656xi32, #tpu.memory_space<vmem>> -> memref<128xi32, #tpu.memory_space<vmem>>
    %dma_wait3A_456 = arith.constant 0 : i32
    %dma_wait3A_457 = arith.constant 0 : i32
    %dma_wait3A_458 = tpu.memref_slice %arg2[%dma_wait3A_456, %dma_wait3A_457] : memref<1040000x16xf32, #tpu.memory_space<hbm>> -> memref<1040000x16xf32, #tpu.memory_space<hbm>>
    tpu.wait_indirect_dma semaphore(%arg9 : memref<!tpu.dma_semaphore, #tpu.memory_space<semaphore_mem>>) src(%dma_wait3A_458 : memref<1040000x16xf32, #tpu.memory_space<hbm>>) dst(%dma_wait3A_453 : memref<128x16xf32, #tpu.memory_space<vmem>>)
    %dma_wait3A_459 = arith.constant 640 : i32
    %dma_wait3A_460 = arith.constant 0 : i32
    %dma_wait3A_461 = tpu.memref_slice %arg7[%dma_wait3A_459, %dma_wait3A_460] : memref<1664x16xf32, #tpu.memory_space<vmem>> -> memref<128x16xf32, #tpu.memory_space<vmem>>
    %dma_wait3A_462 = arith.constant 2304 : i32
    %dma_wait3A_463 = tpu.memref_slice %arg5[%dma_wait3A_462] : memref<6656xi32, #tpu.memory_space<vmem>> -> memref<128xi32, #tpu.memory_space<vmem>>
    %dma_wait3A_464 = arith.constant 0 : i32
    %dma_wait3A_465 = arith.constant 0 : i32
    %dma_wait3A_466 = tpu.memref_slice %arg2[%dma_wait3A_464, %dma_wait3A_465] : memref<1040000x16xf32, #tpu.memory_space<hbm>> -> memref<1040000x16xf32, #tpu.memory_space<hbm>>
    tpu.wait_indirect_dma semaphore(%arg9 : memref<!tpu.dma_semaphore, #tpu.memory_space<semaphore_mem>>) src(%dma_wait3A_466 : memref<1040000x16xf32, #tpu.memory_space<hbm>>) dst(%dma_wait3A_461 : memref<128x16xf32, #tpu.memory_space<vmem>>)
    %dma_wait3A_467 = arith.constant 768 : i32
    %dma_wait3A_468 = arith.constant 0 : i32
    %dma_wait3A_469 = tpu.memref_slice %arg7[%dma_wait3A_467, %dma_wait3A_468] : memref<1664x16xf32, #tpu.memory_space<vmem>> -> memref<128x16xf32, #tpu.memory_space<vmem>>
    %dma_wait3A_470 = arith.constant 2432 : i32
    %dma_wait3A_471 = tpu.memref_slice %arg5[%dma_wait3A_470] : memref<6656xi32, #tpu.memory_space<vmem>> -> memref<128xi32, #tpu.memory_space<vmem>>
    %dma_wait3A_472 = arith.constant 0 : i32
    %dma_wait3A_473 = arith.constant 0 : i32
    %dma_wait3A_474 = tpu.memref_slice %arg2[%dma_wait3A_472, %dma_wait3A_473] : memref<1040000x16xf32, #tpu.memory_space<hbm>> -> memref<1040000x16xf32, #tpu.memory_space<hbm>>
    tpu.wait_indirect_dma semaphore(%arg9 : memref<!tpu.dma_semaphore, #tpu.memory_space<semaphore_mem>>) src(%dma_wait3A_474 : memref<1040000x16xf32, #tpu.memory_space<hbm>>) dst(%dma_wait3A_469 : memref<128x16xf32, #tpu.memory_space<vmem>>)
    %dma_wait3A_475 = arith.constant 896 : i32
    %dma_wait3A_476 = arith.constant 0 : i32
    %dma_wait3A_477 = tpu.memref_slice %arg7[%dma_wait3A_475, %dma_wait3A_476] : memref<1664x16xf32, #tpu.memory_space<vmem>> -> memref<128x16xf32, #tpu.memory_space<vmem>>
    %dma_wait3A_478 = arith.constant 2560 : i32
    %dma_wait3A_479 = tpu.memref_slice %arg5[%dma_wait3A_478] : memref<6656xi32, #tpu.memory_space<vmem>> -> memref<128xi32, #tpu.memory_space<vmem>>
    %dma_wait3A_480 = arith.constant 0 : i32
    %dma_wait3A_481 = arith.constant 0 : i32
    %dma_wait3A_482 = tpu.memref_slice %arg2[%dma_wait3A_480, %dma_wait3A_481] : memref<1040000x16xf32, #tpu.memory_space<hbm>> -> memref<1040000x16xf32, #tpu.memory_space<hbm>>
    tpu.wait_indirect_dma semaphore(%arg9 : memref<!tpu.dma_semaphore, #tpu.memory_space<semaphore_mem>>) src(%dma_wait3A_482 : memref<1040000x16xf32, #tpu.memory_space<hbm>>) dst(%dma_wait3A_477 : memref<128x16xf32, #tpu.memory_space<vmem>>)
    %dma_wait3A_483 = arith.constant 1024 : i32
    %dma_wait3A_484 = arith.constant 0 : i32
    %dma_wait3A_485 = tpu.memref_slice %arg7[%dma_wait3A_483, %dma_wait3A_484] : memref<1664x16xf32, #tpu.memory_space<vmem>> -> memref<128x16xf32, #tpu.memory_space<vmem>>
    %dma_wait3A_486 = arith.constant 2688 : i32
    %dma_wait3A_487 = tpu.memref_slice %arg5[%dma_wait3A_486] : memref<6656xi32, #tpu.memory_space<vmem>> -> memref<128xi32, #tpu.memory_space<vmem>>
    %dma_wait3A_488 = arith.constant 0 : i32
    %dma_wait3A_489 = arith.constant 0 : i32
    %dma_wait3A_490 = tpu.memref_slice %arg2[%dma_wait3A_488, %dma_wait3A_489] : memref<1040000x16xf32, #tpu.memory_space<hbm>> -> memref<1040000x16xf32, #tpu.memory_space<hbm>>
    tpu.wait_indirect_dma semaphore(%arg9 : memref<!tpu.dma_semaphore, #tpu.memory_space<semaphore_mem>>) src(%dma_wait3A_490 : memref<1040000x16xf32, #tpu.memory_space<hbm>>) dst(%dma_wait3A_485 : memref<128x16xf32, #tpu.memory_space<vmem>>)
    %dma_wait3A_491 = arith.constant 1152 : i32
    %dma_wait3A_492 = arith.constant 0 : i32
    %dma_wait3A_493 = tpu.memref_slice %arg7[%dma_wait3A_491, %dma_wait3A_492] : memref<1664x16xf32, #tpu.memory_space<vmem>> -> memref<128x16xf32, #tpu.memory_space<vmem>>
    %dma_wait3A_494 = arith.constant 2816 : i32
    %dma_wait3A_495 = tpu.memref_slice %arg5[%dma_wait3A_494] : memref<6656xi32, #tpu.memory_space<vmem>> -> memref<128xi32, #tpu.memory_space<vmem>>
    %dma_wait3A_496 = arith.constant 0 : i32
    %dma_wait3A_497 = arith.constant 0 : i32
    %dma_wait3A_498 = tpu.memref_slice %arg2[%dma_wait3A_496, %dma_wait3A_497] : memref<1040000x16xf32, #tpu.memory_space<hbm>> -> memref<1040000x16xf32, #tpu.memory_space<hbm>>
    tpu.wait_indirect_dma semaphore(%arg9 : memref<!tpu.dma_semaphore, #tpu.memory_space<semaphore_mem>>) src(%dma_wait3A_498 : memref<1040000x16xf32, #tpu.memory_space<hbm>>) dst(%dma_wait3A_493 : memref<128x16xf32, #tpu.memory_space<vmem>>)
    %dma_wait3A_499 = arith.constant 1280 : i32
    %dma_wait3A_500 = arith.constant 0 : i32
    %dma_wait3A_501 = tpu.memref_slice %arg7[%dma_wait3A_499, %dma_wait3A_500] : memref<1664x16xf32, #tpu.memory_space<vmem>> -> memref<128x16xf32, #tpu.memory_space<vmem>>
    %dma_wait3A_502 = arith.constant 2944 : i32
    %dma_wait3A_503 = tpu.memref_slice %arg5[%dma_wait3A_502] : memref<6656xi32, #tpu.memory_space<vmem>> -> memref<128xi32, #tpu.memory_space<vmem>>
    %dma_wait3A_504 = arith.constant 0 : i32
    %dma_wait3A_505 = arith.constant 0 : i32
    %dma_wait3A_506 = tpu.memref_slice %arg2[%dma_wait3A_504, %dma_wait3A_505] : memref<1040000x16xf32, #tpu.memory_space<hbm>> -> memref<1040000x16xf32, #tpu.memory_space<hbm>>
    tpu.wait_indirect_dma semaphore(%arg9 : memref<!tpu.dma_semaphore, #tpu.memory_space<semaphore_mem>>) src(%dma_wait3A_506 : memref<1040000x16xf32, #tpu.memory_space<hbm>>) dst(%dma_wait3A_501 : memref<128x16xf32, #tpu.memory_space<vmem>>)
    %dma_wait3A_507 = arith.constant 1408 : i32
    %dma_wait3A_508 = arith.constant 0 : i32
    %dma_wait3A_509 = tpu.memref_slice %arg7[%dma_wait3A_507, %dma_wait3A_508] : memref<1664x16xf32, #tpu.memory_space<vmem>> -> memref<128x16xf32, #tpu.memory_space<vmem>>
    %dma_wait3A_510 = arith.constant 3072 : i32
    %dma_wait3A_511 = tpu.memref_slice %arg5[%dma_wait3A_510] : memref<6656xi32, #tpu.memory_space<vmem>> -> memref<128xi32, #tpu.memory_space<vmem>>
    %dma_wait3A_512 = arith.constant 0 : i32
    %dma_wait3A_513 = arith.constant 0 : i32
    %dma_wait3A_514 = tpu.memref_slice %arg2[%dma_wait3A_512, %dma_wait3A_513] : memref<1040000x16xf32, #tpu.memory_space<hbm>> -> memref<1040000x16xf32, #tpu.memory_space<hbm>>
    tpu.wait_indirect_dma semaphore(%arg9 : memref<!tpu.dma_semaphore, #tpu.memory_space<semaphore_mem>>) src(%dma_wait3A_514 : memref<1040000x16xf32, #tpu.memory_space<hbm>>) dst(%dma_wait3A_509 : memref<128x16xf32, #tpu.memory_space<vmem>>)
    %dma_wait3A_515 = arith.constant 1536 : i32
    %dma_wait3A_516 = arith.constant 0 : i32
    %dma_wait3A_517 = tpu.memref_slice %arg7[%dma_wait3A_515, %dma_wait3A_516] : memref<1664x16xf32, #tpu.memory_space<vmem>> -> memref<128x16xf32, #tpu.memory_space<vmem>>
    %dma_wait3A_518 = arith.constant 3200 : i32
    %dma_wait3A_519 = tpu.memref_slice %arg5[%dma_wait3A_518] : memref<6656xi32, #tpu.memory_space<vmem>> -> memref<128xi32, #tpu.memory_space<vmem>>
    %dma_wait3A_520 = arith.constant 0 : i32
    %dma_wait3A_521 = arith.constant 0 : i32
    %dma_wait3A_522 = tpu.memref_slice %arg2[%dma_wait3A_520, %dma_wait3A_521] : memref<1040000x16xf32, #tpu.memory_space<hbm>> -> memref<1040000x16xf32, #tpu.memory_space<hbm>>
    tpu.wait_indirect_dma semaphore(%arg9 : memref<!tpu.dma_semaphore, #tpu.memory_space<semaphore_mem>>) src(%dma_wait3A_522 : memref<1040000x16xf32, #tpu.memory_space<hbm>>) dst(%dma_wait3A_517 : memref<128x16xf32, #tpu.memory_space<vmem>>)
    %add3A_523 = arith.constant 1664 : i32
    %add3A_524 = arith.addi %mul3A_2, %add3A_523 : i32
    "tpu.region"() ({
      %run_scoped3A = tpu.sem_alloc : memref<!tpu.dma_semaphore, #tpu.memory_space<semaphore_mem>>
      %dma_start3A_841 = arith.constant 0 : i32
      %dma_start3A_842 = tpu.memref_slice %arg4[%add3A_524, %dma_start3A_841] : memref<212992x16xf32, #tpu.memory_space<hbm>> -> memref<1664x16xf32, #tpu.memory_space<hbm>>
      %dma_start3A_843 = arith.constant 0 : i32
      %dma_start3A_844 = tpu.memref_slice %arg4[%add3A_524, %dma_start3A_843] : memref<212992x16xf32, #tpu.memory_space<hbm>> -> memref<1664x16xf32, #tpu.memory_space<hbm>>
      tpu.enqueue_dma source(%arg7 : memref<1664x16xf32, #tpu.memory_space<vmem>>) target(%dma_start3A_844 : memref<1664x16xf32, #tpu.memory_space<hbm>>) target_semaphore(%run_scoped3A : memref<!tpu.dma_semaphore, #tpu.memory_space<semaphore_mem>>)
      %dma_wait3A_845 = arith.constant 0 : i32
      %dma_wait3A_846 = tpu.memref_slice %arg4[%add3A_524, %dma_wait3A_845] : memref<212992x16xf32, #tpu.memory_space<hbm>> -> memref<1664x16xf32, #tpu.memory_space<hbm>>
      %dma_wait3A_847 = arith.constant 0 : i32
      %dma_wait3A_848 = tpu.memref_slice %arg4[%add3A_524, %dma_wait3A_847] : memref<212992x16xf32, #tpu.memory_space<hbm>> -> memref<1664x16xf32, #tpu.memory_space<hbm>>
      tpu.wait_dma2 semaphore(%run_scoped3A : memref<!tpu.dma_semaphore, #tpu.memory_space<semaphore_mem>>) src(%arg7 : memref<1664x16xf32, #tpu.memory_space<vmem>>) dst(%dma_wait3A_848 : memref<1664x16xf32, #tpu.memory_space<hbm>>)
      tpu.yield
    }) : () -> ()
    %dma_start3A_525 = arith.constant 0 : i32
    %dma_start3A_526 = arith.constant 0 : i32
    %dma_start3A_527 = tpu.memref_slice %arg7[%dma_start3A_525, %dma_start3A_526] : memref<1664x16xf32, #tpu.memory_space<vmem>> -> memref<128x16xf32, #tpu.memory_space<vmem>>
    %dma_start3A_528 = arith.constant 4992 : i32
    %dma_start3A_529 = tpu.memref_slice %arg5[%dma_start3A_528] : memref<6656xi32, #tpu.memory_space<vmem>> -> memref<128xi32, #tpu.memory_space<vmem>>
    %dma_start3A_530 = arith.constant 0 : i32
    %dma_start3A_531 = arith.constant 0 : i32
    %dma_start3A_532 = tpu.memref_slice %arg2[%dma_start3A_530, %dma_start3A_531] : memref<1040000x16xf32, #tpu.memory_space<hbm>> -> memref<1040000x16xf32, #tpu.memory_space<hbm>>
    tpu.enqueue_indirect_dma source(%dma_start3A_532 : memref<1040000x16xf32, #tpu.memory_space<hbm>>) target(%dma_start3A_527 : memref<128x16xf32, #tpu.memory_space<vmem>>) offsets(%dma_start3A_529 : memref<128xi32, #tpu.memory_space<vmem>>) semaphore(%arg9 : memref<!tpu.dma_semaphore, #tpu.memory_space<semaphore_mem>>)
    %dma_start3A_533 = arith.constant 128 : i32
    %dma_start3A_534 = arith.constant 0 : i32
    %dma_start3A_535 = tpu.memref_slice %arg7[%dma_start3A_533, %dma_start3A_534] : memref<1664x16xf32, #tpu.memory_space<vmem>> -> memref<128x16xf32, #tpu.memory_space<vmem>>
    %dma_start3A_536 = arith.constant 5120 : i32
    %dma_start3A_537 = tpu.memref_slice %arg5[%dma_start3A_536] : memref<6656xi32, #tpu.memory_space<vmem>> -> memref<128xi32, #tpu.memory_space<vmem>>
    %dma_start3A_538 = arith.constant 0 : i32
    %dma_start3A_539 = arith.constant 0 : i32
    %dma_start3A_540 = tpu.memref_slice %arg2[%dma_start3A_538, %dma_start3A_539] : memref<1040000x16xf32, #tpu.memory_space<hbm>> -> memref<1040000x16xf32, #tpu.memory_space<hbm>>
    tpu.enqueue_indirect_dma source(%dma_start3A_540 : memref<1040000x16xf32, #tpu.memory_space<hbm>>) target(%dma_start3A_535 : memref<128x16xf32, #tpu.memory_space<vmem>>) offsets(%dma_start3A_537 : memref<128xi32, #tpu.memory_space<vmem>>) semaphore(%arg9 : memref<!tpu.dma_semaphore, #tpu.memory_space<semaphore_mem>>)
    %dma_start3A_541 = arith.constant 256 : i32
    %dma_start3A_542 = arith.constant 0 : i32
    %dma_start3A_543 = tpu.memref_slice %arg7[%dma_start3A_541, %dma_start3A_542] : memref<1664x16xf32, #tpu.memory_space<vmem>> -> memref<128x16xf32, #tpu.memory_space<vmem>>
    %dma_start3A_544 = arith.constant 5248 : i32
    %dma_start3A_545 = tpu.memref_slice %arg5[%dma_start3A_544] : memref<6656xi32, #tpu.memory_space<vmem>> -> memref<128xi32, #tpu.memory_space<vmem>>
    %dma_start3A_546 = arith.constant 0 : i32
    %dma_start3A_547 = arith.constant 0 : i32
    %dma_start3A_548 = tpu.memref_slice %arg2[%dma_start3A_546, %dma_start3A_547] : memref<1040000x16xf32, #tpu.memory_space<hbm>> -> memref<1040000x16xf32, #tpu.memory_space<hbm>>
    tpu.enqueue_indirect_dma source(%dma_start3A_548 : memref<1040000x16xf32, #tpu.memory_space<hbm>>) target(%dma_start3A_543 : memref<128x16xf32, #tpu.memory_space<vmem>>) offsets(%dma_start3A_545 : memref<128xi32, #tpu.memory_space<vmem>>) semaphore(%arg9 : memref<!tpu.dma_semaphore, #tpu.memory_space<semaphore_mem>>)
    %dma_start3A_549 = arith.constant 384 : i32
    %dma_start3A_550 = arith.constant 0 : i32
    %dma_start3A_551 = tpu.memref_slice %arg7[%dma_start3A_549, %dma_start3A_550] : memref<1664x16xf32, #tpu.memory_space<vmem>> -> memref<128x16xf32, #tpu.memory_space<vmem>>
    %dma_start3A_552 = arith.constant 5376 : i32
    %dma_start3A_553 = tpu.memref_slice %arg5[%dma_start3A_552] : memref<6656xi32, #tpu.memory_space<vmem>> -> memref<128xi32, #tpu.memory_space<vmem>>
    %dma_start3A_554 = arith.constant 0 : i32
    %dma_start3A_555 = arith.constant 0 : i32
    %dma_start3A_556 = tpu.memref_slice %arg2[%dma_start3A_554, %dma_start3A_555] : memref<1040000x16xf32, #tpu.memory_space<hbm>> -> memref<1040000x16xf32, #tpu.memory_space<hbm>>
    tpu.enqueue_indirect_dma source(%dma_start3A_556 : memref<1040000x16xf32, #tpu.memory_space<hbm>>) target(%dma_start3A_551 : memref<128x16xf32, #tpu.memory_space<vmem>>) offsets(%dma_start3A_553 : memref<128xi32, #tpu.memory_space<vmem>>) semaphore(%arg9 : memref<!tpu.dma_semaphore, #tpu.memory_space<semaphore_mem>>)
    %dma_start3A_557 = arith.constant 512 : i32
    %dma_start3A_558 = arith.constant 0 : i32
    %dma_start3A_559 = tpu.memref_slice %arg7[%dma_start3A_557, %dma_start3A_558] : memref<1664x16xf32, #tpu.memory_space<vmem>> -> memref<128x16xf32, #tpu.memory_space<vmem>>
    %dma_start3A_560 = arith.constant 5504 : i32
    %dma_start3A_561 = tpu.memref_slice %arg5[%dma_start3A_560] : memref<6656xi32, #tpu.memory_space<vmem>> -> memref<128xi32, #tpu.memory_space<vmem>>
    %dma_start3A_562 = arith.constant 0 : i32
    %dma_start3A_563 = arith.constant 0 : i32
    %dma_start3A_564 = tpu.memref_slice %arg2[%dma_start3A_562, %dma_start3A_563] : memref<1040000x16xf32, #tpu.memory_space<hbm>> -> memref<1040000x16xf32, #tpu.memory_space<hbm>>
    tpu.enqueue_indirect_dma source(%dma_start3A_564 : memref<1040000x16xf32, #tpu.memory_space<hbm>>) target(%dma_start3A_559 : memref<128x16xf32, #tpu.memory_space<vmem>>) offsets(%dma_start3A_561 : memref<128xi32, #tpu.memory_space<vmem>>) semaphore(%arg9 : memref<!tpu.dma_semaphore, #tpu.memory_space<semaphore_mem>>)
    %dma_start3A_565 = arith.constant 640 : i32
    %dma_start3A_566 = arith.constant 0 : i32
    %dma_start3A_567 = tpu.memref_slice %arg7[%dma_start3A_565, %dma_start3A_566] : memref<1664x16xf32, #tpu.memory_space<vmem>> -> memref<128x16xf32, #tpu.memory_space<vmem>>
    %dma_start3A_568 = arith.constant 5632 : i32
    %dma_start3A_569 = tpu.memref_slice %arg5[%dma_start3A_568] : memref<6656xi32, #tpu.memory_space<vmem>> -> memref<128xi32, #tpu.memory_space<vmem>>
    %dma_start3A_570 = arith.constant 0 : i32
    %dma_start3A_571 = arith.constant 0 : i32
    %dma_start3A_572 = tpu.memref_slice %arg2[%dma_start3A_570, %dma_start3A_571] : memref<1040000x16xf32, #tpu.memory_space<hbm>> -> memref<1040000x16xf32, #tpu.memory_space<hbm>>
    tpu.enqueue_indirect_dma source(%dma_start3A_572 : memref<1040000x16xf32, #tpu.memory_space<hbm>>) target(%dma_start3A_567 : memref<128x16xf32, #tpu.memory_space<vmem>>) offsets(%dma_start3A_569 : memref<128xi32, #tpu.memory_space<vmem>>) semaphore(%arg9 : memref<!tpu.dma_semaphore, #tpu.memory_space<semaphore_mem>>)
    %dma_start3A_573 = arith.constant 768 : i32
    %dma_start3A_574 = arith.constant 0 : i32
    %dma_start3A_575 = tpu.memref_slice %arg7[%dma_start3A_573, %dma_start3A_574] : memref<1664x16xf32, #tpu.memory_space<vmem>> -> memref<128x16xf32, #tpu.memory_space<vmem>>
    %dma_start3A_576 = arith.constant 5760 : i32
    %dma_start3A_577 = tpu.memref_slice %arg5[%dma_start3A_576] : memref<6656xi32, #tpu.memory_space<vmem>> -> memref<128xi32, #tpu.memory_space<vmem>>
    %dma_start3A_578 = arith.constant 0 : i32
    %dma_start3A_579 = arith.constant 0 : i32
    %dma_start3A_580 = tpu.memref_slice %arg2[%dma_start3A_578, %dma_start3A_579] : memref<1040000x16xf32, #tpu.memory_space<hbm>> -> memref<1040000x16xf32, #tpu.memory_space<hbm>>
    tpu.enqueue_indirect_dma source(%dma_start3A_580 : memref<1040000x16xf32, #tpu.memory_space<hbm>>) target(%dma_start3A_575 : memref<128x16xf32, #tpu.memory_space<vmem>>) offsets(%dma_start3A_577 : memref<128xi32, #tpu.memory_space<vmem>>) semaphore(%arg9 : memref<!tpu.dma_semaphore, #tpu.memory_space<semaphore_mem>>)
    %dma_start3A_581 = arith.constant 896 : i32
    %dma_start3A_582 = arith.constant 0 : i32
    %dma_start3A_583 = tpu.memref_slice %arg7[%dma_start3A_581, %dma_start3A_582] : memref<1664x16xf32, #tpu.memory_space<vmem>> -> memref<128x16xf32, #tpu.memory_space<vmem>>
    %dma_start3A_584 = arith.constant 5888 : i32
    %dma_start3A_585 = tpu.memref_slice %arg5[%dma_start3A_584] : memref<6656xi32, #tpu.memory_space<vmem>> -> memref<128xi32, #tpu.memory_space<vmem>>
    %dma_start3A_586 = arith.constant 0 : i32
    %dma_start3A_587 = arith.constant 0 : i32
    %dma_start3A_588 = tpu.memref_slice %arg2[%dma_start3A_586, %dma_start3A_587] : memref<1040000x16xf32, #tpu.memory_space<hbm>> -> memref<1040000x16xf32, #tpu.memory_space<hbm>>
    tpu.enqueue_indirect_dma source(%dma_start3A_588 : memref<1040000x16xf32, #tpu.memory_space<hbm>>) target(%dma_start3A_583 : memref<128x16xf32, #tpu.memory_space<vmem>>) offsets(%dma_start3A_585 : memref<128xi32, #tpu.memory_space<vmem>>) semaphore(%arg9 : memref<!tpu.dma_semaphore, #tpu.memory_space<semaphore_mem>>)
    %dma_start3A_589 = arith.constant 1024 : i32
    %dma_start3A_590 = arith.constant 0 : i32
    %dma_start3A_591 = tpu.memref_slice %arg7[%dma_start3A_589, %dma_start3A_590] : memref<1664x16xf32, #tpu.memory_space<vmem>> -> memref<128x16xf32, #tpu.memory_space<vmem>>
    %dma_start3A_592 = arith.constant 6016 : i32
    %dma_start3A_593 = tpu.memref_slice %arg5[%dma_start3A_592] : memref<6656xi32, #tpu.memory_space<vmem>> -> memref<128xi32, #tpu.memory_space<vmem>>
    %dma_start3A_594 = arith.constant 0 : i32
    %dma_start3A_595 = arith.constant 0 : i32
    %dma_start3A_596 = tpu.memref_slice %arg2[%dma_start3A_594, %dma_start3A_595] : memref<1040000x16xf32, #tpu.memory_space<hbm>> -> memref<1040000x16xf32, #tpu.memory_space<hbm>>
    tpu.enqueue_indirect_dma source(%dma_start3A_596 : memref<1040000x16xf32, #tpu.memory_space<hbm>>) target(%dma_start3A_591 : memref<128x16xf32, #tpu.memory_space<vmem>>) offsets(%dma_start3A_593 : memref<128xi32, #tpu.memory_space<vmem>>) semaphore(%arg9 : memref<!tpu.dma_semaphore, #tpu.memory_space<semaphore_mem>>)
    %dma_start3A_597 = arith.constant 1152 : i32
    %dma_start3A_598 = arith.constant 0 : i32
    %dma_start3A_599 = tpu.memref_slice %arg7[%dma_start3A_597, %dma_start3A_598] : memref<1664x16xf32, #tpu.memory_space<vmem>> -> memref<128x16xf32, #tpu.memory_space<vmem>>
    %dma_start3A_600 = arith.constant 6144 : i32
    %dma_start3A_601 = tpu.memref_slice %arg5[%dma_start3A_600] : memref<6656xi32, #tpu.memory_space<vmem>> -> memref<128xi32, #tpu.memory_space<vmem>>
    %dma_start3A_602 = arith.constant 0 : i32
    %dma_start3A_603 = arith.constant 0 : i32
    %dma_start3A_604 = tpu.memref_slice %arg2[%dma_start3A_602, %dma_start3A_603] : memref<1040000x16xf32, #tpu.memory_space<hbm>> -> memref<1040000x16xf32, #tpu.memory_space<hbm>>
    tpu.enqueue_indirect_dma source(%dma_start3A_604 : memref<1040000x16xf32, #tpu.memory_space<hbm>>) target(%dma_start3A_599 : memref<128x16xf32, #tpu.memory_space<vmem>>) offsets(%dma_start3A_601 : memref<128xi32, #tpu.memory_space<vmem>>) semaphore(%arg9 : memref<!tpu.dma_semaphore, #tpu.memory_space<semaphore_mem>>)
    %dma_start3A_605 = arith.constant 1280 : i32
    %dma_start3A_606 = arith.constant 0 : i32
    %dma_start3A_607 = tpu.memref_slice %arg7[%dma_start3A_605, %dma_start3A_606] : memref<1664x16xf32, #tpu.memory_space<vmem>> -> memref<128x16xf32, #tpu.memory_space<vmem>>
    %dma_start3A_608 = arith.constant 6272 : i32
    %dma_start3A_609 = tpu.memref_slice %arg5[%dma_start3A_608] : memref<6656xi32, #tpu.memory_space<vmem>> -> memref<128xi32, #tpu.memory_space<vmem>>
    %dma_start3A_610 = arith.constant 0 : i32
    %dma_start3A_611 = arith.constant 0 : i32
    %dma_start3A_612 = tpu.memref_slice %arg2[%dma_start3A_610, %dma_start3A_611] : memref<1040000x16xf32, #tpu.memory_space<hbm>> -> memref<1040000x16xf32, #tpu.memory_space<hbm>>
    tpu.enqueue_indirect_dma source(%dma_start3A_612 : memref<1040000x16xf32, #tpu.memory_space<hbm>>) target(%dma_start3A_607 : memref<128x16xf32, #tpu.memory_space<vmem>>) offsets(%dma_start3A_609 : memref<128xi32, #tpu.memory_space<vmem>>) semaphore(%arg9 : memref<!tpu.dma_semaphore, #tpu.memory_space<semaphore_mem>>)
    %dma_start3A_613 = arith.constant 1408 : i32
    %dma_start3A_614 = arith.constant 0 : i32
    %dma_start3A_615 = tpu.memref_slice %arg7[%dma_start3A_613, %dma_start3A_614] : memref<1664x16xf32, #tpu.memory_space<vmem>> -> memref<128x16xf32, #tpu.memory_space<vmem>>
    %dma_start3A_616 = arith.constant 6400 : i32
    %dma_start3A_617 = tpu.memref_slice %arg5[%dma_start3A_616] : memref<6656xi32, #tpu.memory_space<vmem>> -> memref<128xi32, #tpu.memory_space<vmem>>
    %dma_start3A_618 = arith.constant 0 : i32
    %dma_start3A_619 = arith.constant 0 : i32
    %dma_start3A_620 = tpu.memref_slice %arg2[%dma_start3A_618, %dma_start3A_619] : memref<1040000x16xf32, #tpu.memory_space<hbm>> -> memref<1040000x16xf32, #tpu.memory_space<hbm>>
    tpu.enqueue_indirect_dma source(%dma_start3A_620 : memref<1040000x16xf32, #tpu.memory_space<hbm>>) target(%dma_start3A_615 : memref<128x16xf32, #tpu.memory_space<vmem>>) offsets(%dma_start3A_617 : memref<128xi32, #tpu.memory_space<vmem>>) semaphore(%arg9 : memref<!tpu.dma_semaphore, #tpu.memory_space<semaphore_mem>>)
    %dma_start3A_621 = arith.constant 1536 : i32
    %dma_start3A_622 = arith.constant 0 : i32
    %dma_start3A_623 = tpu.memref_slice %arg7[%dma_start3A_621, %dma_start3A_622] : memref<1664x16xf32, #tpu.memory_space<vmem>> -> memref<128x16xf32, #tpu.memory_space<vmem>>
    %dma_start3A_624 = arith.constant 6528 : i32
    %dma_start3A_625 = tpu.memref_slice %arg5[%dma_start3A_624] : memref<6656xi32, #tpu.memory_space<vmem>> -> memref<128xi32, #tpu.memory_space<vmem>>
    %dma_start3A_626 = arith.constant 0 : i32
    %dma_start3A_627 = arith.constant 0 : i32
    %dma_start3A_628 = tpu.memref_slice %arg2[%dma_start3A_626, %dma_start3A_627] : memref<1040000x16xf32, #tpu.memory_space<hbm>> -> memref<1040000x16xf32, #tpu.memory_space<hbm>>
    tpu.enqueue_indirect_dma source(%dma_start3A_628 : memref<1040000x16xf32, #tpu.memory_space<hbm>>) target(%dma_start3A_623 : memref<128x16xf32, #tpu.memory_space<vmem>>) offsets(%dma_start3A_625 : memref<128xi32, #tpu.memory_space<vmem>>) semaphore(%arg9 : memref<!tpu.dma_semaphore, #tpu.memory_space<semaphore_mem>>)
    %dma_wait3A_629 = arith.constant 0 : i32
    %dma_wait3A_630 = arith.constant 0 : i32
    %dma_wait3A_631 = tpu.memref_slice %arg6[%dma_wait3A_629, %dma_wait3A_630] : memref<1664x16xf32, #tpu.memory_space<vmem>> -> memref<128x16xf32, #tpu.memory_space<vmem>>
    %dma_wait3A_632 = arith.constant 3328 : i32
    %dma_wait3A_633 = tpu.memref_slice %arg5[%dma_wait3A_632] : memref<6656xi32, #tpu.memory_space<vmem>> -> memref<128xi32, #tpu.memory_space<vmem>>
    %dma_wait3A_634 = arith.constant 0 : i32
    %dma_wait3A_635 = arith.constant 0 : i32
    %dma_wait3A_636 = tpu.memref_slice %arg2[%dma_wait3A_634, %dma_wait3A_635] : memref<1040000x16xf32, #tpu.memory_space<hbm>> -> memref<1040000x16xf32, #tpu.memory_space<hbm>>
    tpu.wait_indirect_dma semaphore(%arg8 : memref<!tpu.dma_semaphore, #tpu.memory_space<semaphore_mem>>) src(%dma_wait3A_636 : memref<1040000x16xf32, #tpu.memory_space<hbm>>) dst(%dma_wait3A_631 : memref<128x16xf32, #tpu.memory_space<vmem>>)
    %dma_wait3A_637 = arith.constant 128 : i32
    %dma_wait3A_638 = arith.constant 0 : i32
    %dma_wait3A_639 = tpu.memref_slice %arg6[%dma_wait3A_637, %dma_wait3A_638] : memref<1664x16xf32, #tpu.memory_space<vmem>> -> memref<128x16xf32, #tpu.memory_space<vmem>>
    %dma_wait3A_640 = arith.constant 3456 : i32
    %dma_wait3A_641 = tpu.memref_slice %arg5[%dma_wait3A_640] : memref<6656xi32, #tpu.memory_space<vmem>> -> memref<128xi32, #tpu.memory_space<vmem>>
    %dma_wait3A_642 = arith.constant 0 : i32
    %dma_wait3A_643 = arith.constant 0 : i32
    %dma_wait3A_644 = tpu.memref_slice %arg2[%dma_wait3A_642, %dma_wait3A_643] : memref<1040000x16xf32, #tpu.memory_space<hbm>> -> memref<1040000x16xf32, #tpu.memory_space<hbm>>
    tpu.wait_indirect_dma semaphore(%arg8 : memref<!tpu.dma_semaphore, #tpu.memory_space<semaphore_mem>>) src(%dma_wait3A_644 : memref<1040000x16xf32, #tpu.memory_space<hbm>>) dst(%dma_wait3A_639 : memref<128x16xf32, #tpu.memory_space<vmem>>)
    %dma_wait3A_645 = arith.constant 256 : i32
    %dma_wait3A_646 = arith.constant 0 : i32
    %dma_wait3A_647 = tpu.memref_slice %arg6[%dma_wait3A_645, %dma_wait3A_646] : memref<1664x16xf32, #tpu.memory_space<vmem>> -> memref<128x16xf32, #tpu.memory_space<vmem>>
    %dma_wait3A_648 = arith.constant 3584 : i32
    %dma_wait3A_649 = tpu.memref_slice %arg5[%dma_wait3A_648] : memref<6656xi32, #tpu.memory_space<vmem>> -> memref<128xi32, #tpu.memory_space<vmem>>
    %dma_wait3A_650 = arith.constant 0 : i32
    %dma_wait3A_651 = arith.constant 0 : i32
    %dma_wait3A_652 = tpu.memref_slice %arg2[%dma_wait3A_650, %dma_wait3A_651] : memref<1040000x16xf32, #tpu.memory_space<hbm>> -> memref<1040000x16xf32, #tpu.memory_space<hbm>>
    tpu.wait_indirect_dma semaphore(%arg8 : memref<!tpu.dma_semaphore, #tpu.memory_space<semaphore_mem>>) src(%dma_wait3A_652 : memref<1040000x16xf32, #tpu.memory_space<hbm>>) dst(%dma_wait3A_647 : memref<128x16xf32, #tpu.memory_space<vmem>>)
    %dma_wait3A_653 = arith.constant 384 : i32
    %dma_wait3A_654 = arith.constant 0 : i32
    %dma_wait3A_655 = tpu.memref_slice %arg6[%dma_wait3A_653, %dma_wait3A_654] : memref<1664x16xf32, #tpu.memory_space<vmem>> -> memref<128x16xf32, #tpu.memory_space<vmem>>
    %dma_wait3A_656 = arith.constant 3712 : i32
    %dma_wait3A_657 = tpu.memref_slice %arg5[%dma_wait3A_656] : memref<6656xi32, #tpu.memory_space<vmem>> -> memref<128xi32, #tpu.memory_space<vmem>>
    %dma_wait3A_658 = arith.constant 0 : i32
    %dma_wait3A_659 = arith.constant 0 : i32
    %dma_wait3A_660 = tpu.memref_slice %arg2[%dma_wait3A_658, %dma_wait3A_659] : memref<1040000x16xf32, #tpu.memory_space<hbm>> -> memref<1040000x16xf32, #tpu.memory_space<hbm>>
    tpu.wait_indirect_dma semaphore(%arg8 : memref<!tpu.dma_semaphore, #tpu.memory_space<semaphore_mem>>) src(%dma_wait3A_660 : memref<1040000x16xf32, #tpu.memory_space<hbm>>) dst(%dma_wait3A_655 : memref<128x16xf32, #tpu.memory_space<vmem>>)
    %dma_wait3A_661 = arith.constant 512 : i32
    %dma_wait3A_662 = arith.constant 0 : i32
    %dma_wait3A_663 = tpu.memref_slice %arg6[%dma_wait3A_661, %dma_wait3A_662] : memref<1664x16xf32, #tpu.memory_space<vmem>> -> memref<128x16xf32, #tpu.memory_space<vmem>>
    %dma_wait3A_664 = arith.constant 3840 : i32
    %dma_wait3A_665 = tpu.memref_slice %arg5[%dma_wait3A_664] : memref<6656xi32, #tpu.memory_space<vmem>> -> memref<128xi32, #tpu.memory_space<vmem>>
    %dma_wait3A_666 = arith.constant 0 : i32
    %dma_wait3A_667 = arith.constant 0 : i32
    %dma_wait3A_668 = tpu.memref_slice %arg2[%dma_wait3A_666, %dma_wait3A_667] : memref<1040000x16xf32, #tpu.memory_space<hbm>> -> memref<1040000x16xf32, #tpu.memory_space<hbm>>
    tpu.wait_indirect_dma semaphore(%arg8 : memref<!tpu.dma_semaphore, #tpu.memory_space<semaphore_mem>>) src(%dma_wait3A_668 : memref<1040000x16xf32, #tpu.memory_space<hbm>>) dst(%dma_wait3A_663 : memref<128x16xf32, #tpu.memory_space<vmem>>)
    %dma_wait3A_669 = arith.constant 640 : i32
    %dma_wait3A_670 = arith.constant 0 : i32
    %dma_wait3A_671 = tpu.memref_slice %arg6[%dma_wait3A_669, %dma_wait3A_670] : memref<1664x16xf32, #tpu.memory_space<vmem>> -> memref<128x16xf32, #tpu.memory_space<vmem>>
    %dma_wait3A_672 = arith.constant 3968 : i32
    %dma_wait3A_673 = tpu.memref_slice %arg5[%dma_wait3A_672] : memref<6656xi32, #tpu.memory_space<vmem>> -> memref<128xi32, #tpu.memory_space<vmem>>
    %dma_wait3A_674 = arith.constant 0 : i32
    %dma_wait3A_675 = arith.constant 0 : i32
    %dma_wait3A_676 = tpu.memref_slice %arg2[%dma_wait3A_674, %dma_wait3A_675] : memref<1040000x16xf32, #tpu.memory_space<hbm>> -> memref<1040000x16xf32, #tpu.memory_space<hbm>>
    tpu.wait_indirect_dma semaphore(%arg8 : memref<!tpu.dma_semaphore, #tpu.memory_space<semaphore_mem>>) src(%dma_wait3A_676 : memref<1040000x16xf32, #tpu.memory_space<hbm>>) dst(%dma_wait3A_671 : memref<128x16xf32, #tpu.memory_space<vmem>>)
    %dma_wait3A_677 = arith.constant 768 : i32
    %dma_wait3A_678 = arith.constant 0 : i32
    %dma_wait3A_679 = tpu.memref_slice %arg6[%dma_wait3A_677, %dma_wait3A_678] : memref<1664x16xf32, #tpu.memory_space<vmem>> -> memref<128x16xf32, #tpu.memory_space<vmem>>
    %dma_wait3A_680 = arith.constant 4096 : i32
    %dma_wait3A_681 = tpu.memref_slice %arg5[%dma_wait3A_680] : memref<6656xi32, #tpu.memory_space<vmem>> -> memref<128xi32, #tpu.memory_space<vmem>>
    %dma_wait3A_682 = arith.constant 0 : i32
    %dma_wait3A_683 = arith.constant 0 : i32
    %dma_wait3A_684 = tpu.memref_slice %arg2[%dma_wait3A_682, %dma_wait3A_683] : memref<1040000x16xf32, #tpu.memory_space<hbm>> -> memref<1040000x16xf32, #tpu.memory_space<hbm>>
    tpu.wait_indirect_dma semaphore(%arg8 : memref<!tpu.dma_semaphore, #tpu.memory_space<semaphore_mem>>) src(%dma_wait3A_684 : memref<1040000x16xf32, #tpu.memory_space<hbm>>) dst(%dma_wait3A_679 : memref<128x16xf32, #tpu.memory_space<vmem>>)
    %dma_wait3A_685 = arith.constant 896 : i32
    %dma_wait3A_686 = arith.constant 0 : i32
    %dma_wait3A_687 = tpu.memref_slice %arg6[%dma_wait3A_685, %dma_wait3A_686] : memref<1664x16xf32, #tpu.memory_space<vmem>> -> memref<128x16xf32, #tpu.memory_space<vmem>>
    %dma_wait3A_688 = arith.constant 4224 : i32
    %dma_wait3A_689 = tpu.memref_slice %arg5[%dma_wait3A_688] : memref<6656xi32, #tpu.memory_space<vmem>> -> memref<128xi32, #tpu.memory_space<vmem>>
    %dma_wait3A_690 = arith.constant 0 : i32
    %dma_wait3A_691 = arith.constant 0 : i32
    %dma_wait3A_692 = tpu.memref_slice %arg2[%dma_wait3A_690, %dma_wait3A_691] : memref<1040000x16xf32, #tpu.memory_space<hbm>> -> memref<1040000x16xf32, #tpu.memory_space<hbm>>
    tpu.wait_indirect_dma semaphore(%arg8 : memref<!tpu.dma_semaphore, #tpu.memory_space<semaphore_mem>>) src(%dma_wait3A_692 : memref<1040000x16xf32, #tpu.memory_space<hbm>>) dst(%dma_wait3A_687 : memref<128x16xf32, #tpu.memory_space<vmem>>)
    %dma_wait3A_693 = arith.constant 1024 : i32
    %dma_wait3A_694 = arith.constant 0 : i32
    %dma_wait3A_695 = tpu.memref_slice %arg6[%dma_wait3A_693, %dma_wait3A_694] : memref<1664x16xf32, #tpu.memory_space<vmem>> -> memref<128x16xf32, #tpu.memory_space<vmem>>
    %dma_wait3A_696 = arith.constant 4352 : i32
    %dma_wait3A_697 = tpu.memref_slice %arg5[%dma_wait3A_696] : memref<6656xi32, #tpu.memory_space<vmem>> -> memref<128xi32, #tpu.memory_space<vmem>>
    %dma_wait3A_698 = arith.constant 0 : i32
    %dma_wait3A_699 = arith.constant 0 : i32
    %dma_wait3A_700 = tpu.memref_slice %arg2[%dma_wait3A_698, %dma_wait3A_699] : memref<1040000x16xf32, #tpu.memory_space<hbm>> -> memref<1040000x16xf32, #tpu.memory_space<hbm>>
    tpu.wait_indirect_dma semaphore(%arg8 : memref<!tpu.dma_semaphore, #tpu.memory_space<semaphore_mem>>) src(%dma_wait3A_700 : memref<1040000x16xf32, #tpu.memory_space<hbm>>) dst(%dma_wait3A_695 : memref<128x16xf32, #tpu.memory_space<vmem>>)
    %dma_wait3A_701 = arith.constant 1152 : i32
    %dma_wait3A_702 = arith.constant 0 : i32
    %dma_wait3A_703 = tpu.memref_slice %arg6[%dma_wait3A_701, %dma_wait3A_702] : memref<1664x16xf32, #tpu.memory_space<vmem>> -> memref<128x16xf32, #tpu.memory_space<vmem>>
    %dma_wait3A_704 = arith.constant 4480 : i32
    %dma_wait3A_705 = tpu.memref_slice %arg5[%dma_wait3A_704] : memref<6656xi32, #tpu.memory_space<vmem>> -> memref<128xi32, #tpu.memory_space<vmem>>
    %dma_wait3A_706 = arith.constant 0 : i32
    %dma_wait3A_707 = arith.constant 0 : i32
    %dma_wait3A_708 = tpu.memref_slice %arg2[%dma_wait3A_706, %dma_wait3A_707] : memref<1040000x16xf32, #tpu.memory_space<hbm>> -> memref<1040000x16xf32, #tpu.memory_space<hbm>>
    tpu.wait_indirect_dma semaphore(%arg8 : memref<!tpu.dma_semaphore, #tpu.memory_space<semaphore_mem>>) src(%dma_wait3A_708 : memref<1040000x16xf32, #tpu.memory_space<hbm>>) dst(%dma_wait3A_703 : memref<128x16xf32, #tpu.memory_space<vmem>>)
    %dma_wait3A_709 = arith.constant 1280 : i32
    %dma_wait3A_710 = arith.constant 0 : i32
    %dma_wait3A_711 = tpu.memref_slice %arg6[%dma_wait3A_709, %dma_wait3A_710] : memref<1664x16xf32, #tpu.memory_space<vmem>> -> memref<128x16xf32, #tpu.memory_space<vmem>>
    %dma_wait3A_712 = arith.constant 4608 : i32
    %dma_wait3A_713 = tpu.memref_slice %arg5[%dma_wait3A_712] : memref<6656xi32, #tpu.memory_space<vmem>> -> memref<128xi32, #tpu.memory_space<vmem>>
    %dma_wait3A_714 = arith.constant 0 : i32
    %dma_wait3A_715 = arith.constant 0 : i32
    %dma_wait3A_716 = tpu.memref_slice %arg2[%dma_wait3A_714, %dma_wait3A_715] : memref<1040000x16xf32, #tpu.memory_space<hbm>> -> memref<1040000x16xf32, #tpu.memory_space<hbm>>
    tpu.wait_indirect_dma semaphore(%arg8 : memref<!tpu.dma_semaphore, #tpu.memory_space<semaphore_mem>>) src(%dma_wait3A_716 : memref<1040000x16xf32, #tpu.memory_space<hbm>>) dst(%dma_wait3A_711 : memref<128x16xf32, #tpu.memory_space<vmem>>)
    %dma_wait3A_717 = arith.constant 1408 : i32
    %dma_wait3A_718 = arith.constant 0 : i32
    %dma_wait3A_719 = tpu.memref_slice %arg6[%dma_wait3A_717, %dma_wait3A_718] : memref<1664x16xf32, #tpu.memory_space<vmem>> -> memref<128x16xf32, #tpu.memory_space<vmem>>
    %dma_wait3A_720 = arith.constant 4736 : i32
    %dma_wait3A_721 = tpu.memref_slice %arg5[%dma_wait3A_720] : memref<6656xi32, #tpu.memory_space<vmem>> -> memref<128xi32, #tpu.memory_space<vmem>>
    %dma_wait3A_722 = arith.constant 0 : i32
    %dma_wait3A_723 = arith.constant 0 : i32
    %dma_wait3A_724 = tpu.memref_slice %arg2[%dma_wait3A_722, %dma_wait3A_723] : memref<1040000x16xf32, #tpu.memory_space<hbm>> -> memref<1040000x16xf32, #tpu.memory_space<hbm>>
    tpu.wait_indirect_dma semaphore(%arg8 : memref<!tpu.dma_semaphore, #tpu.memory_space<semaphore_mem>>) src(%dma_wait3A_724 : memref<1040000x16xf32, #tpu.memory_space<hbm>>) dst(%dma_wait3A_719 : memref<128x16xf32, #tpu.memory_space<vmem>>)
    %dma_wait3A_725 = arith.constant 1536 : i32
    %dma_wait3A_726 = arith.constant 0 : i32
    %dma_wait3A_727 = tpu.memref_slice %arg6[%dma_wait3A_725, %dma_wait3A_726] : memref<1664x16xf32, #tpu.memory_space<vmem>> -> memref<128x16xf32, #tpu.memory_space<vmem>>
    %dma_wait3A_728 = arith.constant 4864 : i32
    %dma_wait3A_729 = tpu.memref_slice %arg5[%dma_wait3A_728] : memref<6656xi32, #tpu.memory_space<vmem>> -> memref<128xi32, #tpu.memory_space<vmem>>
    %dma_wait3A_730 = arith.constant 0 : i32
    %dma_wait3A_731 = arith.constant 0 : i32
    %dma_wait3A_732 = tpu.memref_slice %arg2[%dma_wait3A_730, %dma_wait3A_731] : memref<1040000x16xf32, #tpu.memory_space<hbm>> -> memref<1040000x16xf32, #tpu.memory_space<hbm>>
    tpu.wait_indirect_dma semaphore(%arg8 : memref<!tpu.dma_semaphore, #tpu.memory_space<semaphore_mem>>) src(%dma_wait3A_732 : memref<1040000x16xf32, #tpu.memory_space<hbm>>) dst(%dma_wait3A_727 : memref<128x16xf32, #tpu.memory_space<vmem>>)
    %add3A_733 = arith.constant 3328 : i32
    %add3A_734 = arith.addi %mul3A_2, %add3A_733 : i32
    "tpu.region"() ({
      %run_scoped3A = tpu.sem_alloc : memref<!tpu.dma_semaphore, #tpu.memory_space<semaphore_mem>>
      %dma_start3A_841 = arith.constant 0 : i32
      %dma_start3A_842 = tpu.memref_slice %arg4[%add3A_734, %dma_start3A_841] : memref<212992x16xf32, #tpu.memory_space<hbm>> -> memref<1664x16xf32, #tpu.memory_space<hbm>>
      %dma_start3A_843 = arith.constant 0 : i32
      %dma_start3A_844 = tpu.memref_slice %arg4[%add3A_734, %dma_start3A_843] : memref<212992x16xf32, #tpu.memory_space<hbm>> -> memref<1664x16xf32, #tpu.memory_space<hbm>>
      tpu.enqueue_dma source(%arg6 : memref<1664x16xf32, #tpu.memory_space<vmem>>) target(%dma_start3A_844 : memref<1664x16xf32, #tpu.memory_space<hbm>>) target_semaphore(%run_scoped3A : memref<!tpu.dma_semaphore, #tpu.memory_space<semaphore_mem>>)
      %dma_wait3A_845 = arith.constant 0 : i32
      %dma_wait3A_846 = tpu.memref_slice %arg4[%add3A_734, %dma_wait3A_845] : memref<212992x16xf32, #tpu.memory_space<hbm>> -> memref<1664x16xf32, #tpu.memory_space<hbm>>
      %dma_wait3A_847 = arith.constant 0 : i32
      %dma_wait3A_848 = tpu.memref_slice %arg4[%add3A_734, %dma_wait3A_847] : memref<212992x16xf32, #tpu.memory_space<hbm>> -> memref<1664x16xf32, #tpu.memory_space<hbm>>
      tpu.wait_dma2 semaphore(%run_scoped3A : memref<!tpu.dma_semaphore, #tpu.memory_space<semaphore_mem>>) src(%arg6 : memref<1664x16xf32, #tpu.memory_space<vmem>>) dst(%dma_wait3A_848 : memref<1664x16xf32, #tpu.memory_space<hbm>>)
      tpu.yield
    }) : () -> ()
    %dma_wait3A_735 = arith.constant 0 : i32
    %dma_wait3A_736 = arith.constant 0 : i32
    %dma_wait3A_737 = tpu.memref_slice %arg7[%dma_wait3A_735, %dma_wait3A_736] : memref<1664x16xf32, #tpu.memory_space<vmem>> -> memref<128x16xf32, #tpu.memory_space<vmem>>
    %dma_wait3A_738 = arith.constant 4992 : i32
    %dma_wait3A_739 = tpu.memref_slice %arg5[%dma_wait3A_738] : memref<6656xi32, #tpu.memory_space<vmem>> -> memref<128xi32, #tpu.memory_space<vmem>>
    %dma_wait3A_740 = arith.constant 0 : i32
    %dma_wait3A_741 = arith.constant 0 : i32
    %dma_wait3A_742 = tpu.memref_slice %arg2[%dma_wait3A_740, %dma_wait3A_741] : memref<1040000x16xf32, #tpu.memory_space<hbm>> -> memref<1040000x16xf32, #tpu.memory_space<hbm>>
    tpu.wait_indirect_dma semaphore(%arg9 : memref<!tpu.dma_semaphore, #tpu.memory_space<semaphore_mem>>) src(%dma_wait3A_742 : memref<1040000x16xf32, #tpu.memory_space<hbm>>) dst(%dma_wait3A_737 : memref<128x16xf32, #tpu.memory_space<vmem>>)
    %dma_wait3A_743 = arith.constant 128 : i32
    %dma_wait3A_744 = arith.constant 0 : i32
    %dma_wait3A_745 = tpu.memref_slice %arg7[%dma_wait3A_743, %dma_wait3A_744] : memref<1664x16xf32, #tpu.memory_space<vmem>> -> memref<128x16xf32, #tpu.memory_space<vmem>>
    %dma_wait3A_746 = arith.constant 5120 : i32
    %dma_wait3A_747 = tpu.memref_slice %arg5[%dma_wait3A_746] : memref<6656xi32, #tpu.memory_space<vmem>> -> memref<128xi32, #tpu.memory_space<vmem>>
    %dma_wait3A_748 = arith.constant 0 : i32
    %dma_wait3A_749 = arith.constant 0 : i32
    %dma_wait3A_750 = tpu.memref_slice %arg2[%dma_wait3A_748, %dma_wait3A_749] : memref<1040000x16xf32, #tpu.memory_space<hbm>> -> memref<1040000x16xf32, #tpu.memory_space<hbm>>
    tpu.wait_indirect_dma semaphore(%arg9 : memref<!tpu.dma_semaphore, #tpu.memory_space<semaphore_mem>>) src(%dma_wait3A_750 : memref<1040000x16xf32, #tpu.memory_space<hbm>>) dst(%dma_wait3A_745 : memref<128x16xf32, #tpu.memory_space<vmem>>)
    %dma_wait3A_751 = arith.constant 256 : i32
    %dma_wait3A_752 = arith.constant 0 : i32
    %dma_wait3A_753 = tpu.memref_slice %arg7[%dma_wait3A_751, %dma_wait3A_752] : memref<1664x16xf32, #tpu.memory_space<vmem>> -> memref<128x16xf32, #tpu.memory_space<vmem>>
    %dma_wait3A_754 = arith.constant 5248 : i32
    %dma_wait3A_755 = tpu.memref_slice %arg5[%dma_wait3A_754] : memref<6656xi32, #tpu.memory_space<vmem>> -> memref<128xi32, #tpu.memory_space<vmem>>
    %dma_wait3A_756 = arith.constant 0 : i32
    %dma_wait3A_757 = arith.constant 0 : i32
    %dma_wait3A_758 = tpu.memref_slice %arg2[%dma_wait3A_756, %dma_wait3A_757] : memref<1040000x16xf32, #tpu.memory_space<hbm>> -> memref<1040000x16xf32, #tpu.memory_space<hbm>>
    tpu.wait_indirect_dma semaphore(%arg9 : memref<!tpu.dma_semaphore, #tpu.memory_space<semaphore_mem>>) src(%dma_wait3A_758 : memref<1040000x16xf32, #tpu.memory_space<hbm>>) dst(%dma_wait3A_753 : memref<128x16xf32, #tpu.memory_space<vmem>>)
    %dma_wait3A_759 = arith.constant 384 : i32
    %dma_wait3A_760 = arith.constant 0 : i32
    %dma_wait3A_761 = tpu.memref_slice %arg7[%dma_wait3A_759, %dma_wait3A_760] : memref<1664x16xf32, #tpu.memory_space<vmem>> -> memref<128x16xf32, #tpu.memory_space<vmem>>
    %dma_wait3A_762 = arith.constant 5376 : i32
    %dma_wait3A_763 = tpu.memref_slice %arg5[%dma_wait3A_762] : memref<6656xi32, #tpu.memory_space<vmem>> -> memref<128xi32, #tpu.memory_space<vmem>>
    %dma_wait3A_764 = arith.constant 0 : i32
    %dma_wait3A_765 = arith.constant 0 : i32
    %dma_wait3A_766 = tpu.memref_slice %arg2[%dma_wait3A_764, %dma_wait3A_765] : memref<1040000x16xf32, #tpu.memory_space<hbm>> -> memref<1040000x16xf32, #tpu.memory_space<hbm>>
    tpu.wait_indirect_dma semaphore(%arg9 : memref<!tpu.dma_semaphore, #tpu.memory_space<semaphore_mem>>) src(%dma_wait3A_766 : memref<1040000x16xf32, #tpu.memory_space<hbm>>) dst(%dma_wait3A_761 : memref<128x16xf32, #tpu.memory_space<vmem>>)
    %dma_wait3A_767 = arith.constant 512 : i32
    %dma_wait3A_768 = arith.constant 0 : i32
    %dma_wait3A_769 = tpu.memref_slice %arg7[%dma_wait3A_767, %dma_wait3A_768] : memref<1664x16xf32, #tpu.memory_space<vmem>> -> memref<128x16xf32, #tpu.memory_space<vmem>>
    %dma_wait3A_770 = arith.constant 5504 : i32
    %dma_wait3A_771 = tpu.memref_slice %arg5[%dma_wait3A_770] : memref<6656xi32, #tpu.memory_space<vmem>> -> memref<128xi32, #tpu.memory_space<vmem>>
    %dma_wait3A_772 = arith.constant 0 : i32
    %dma_wait3A_773 = arith.constant 0 : i32
    %dma_wait3A_774 = tpu.memref_slice %arg2[%dma_wait3A_772, %dma_wait3A_773] : memref<1040000x16xf32, #tpu.memory_space<hbm>> -> memref<1040000x16xf32, #tpu.memory_space<hbm>>
    tpu.wait_indirect_dma semaphore(%arg9 : memref<!tpu.dma_semaphore, #tpu.memory_space<semaphore_mem>>) src(%dma_wait3A_774 : memref<1040000x16xf32, #tpu.memory_space<hbm>>) dst(%dma_wait3A_769 : memref<128x16xf32, #tpu.memory_space<vmem>>)
    %dma_wait3A_775 = arith.constant 640 : i32
    %dma_wait3A_776 = arith.constant 0 : i32
    %dma_wait3A_777 = tpu.memref_slice %arg7[%dma_wait3A_775, %dma_wait3A_776] : memref<1664x16xf32, #tpu.memory_space<vmem>> -> memref<128x16xf32, #tpu.memory_space<vmem>>
    %dma_wait3A_778 = arith.constant 5632 : i32
    %dma_wait3A_779 = tpu.memref_slice %arg5[%dma_wait3A_778] : memref<6656xi32, #tpu.memory_space<vmem>> -> memref<128xi32, #tpu.memory_space<vmem>>
    %dma_wait3A_780 = arith.constant 0 : i32
    %dma_wait3A_781 = arith.constant 0 : i32
    %dma_wait3A_782 = tpu.memref_slice %arg2[%dma_wait3A_780, %dma_wait3A_781] : memref<1040000x16xf32, #tpu.memory_space<hbm>> -> memref<1040000x16xf32, #tpu.memory_space<hbm>>
    tpu.wait_indirect_dma semaphore(%arg9 : memref<!tpu.dma_semaphore, #tpu.memory_space<semaphore_mem>>) src(%dma_wait3A_782 : memref<1040000x16xf32, #tpu.memory_space<hbm>>) dst(%dma_wait3A_777 : memref<128x16xf32, #tpu.memory_space<vmem>>)
    %dma_wait3A_783 = arith.constant 768 : i32
    %dma_wait3A_784 = arith.constant 0 : i32
    %dma_wait3A_785 = tpu.memref_slice %arg7[%dma_wait3A_783, %dma_wait3A_784] : memref<1664x16xf32, #tpu.memory_space<vmem>> -> memref<128x16xf32, #tpu.memory_space<vmem>>
    %dma_wait3A_786 = arith.constant 5760 : i32
    %dma_wait3A_787 = tpu.memref_slice %arg5[%dma_wait3A_786] : memref<6656xi32, #tpu.memory_space<vmem>> -> memref<128xi32, #tpu.memory_space<vmem>>
    %dma_wait3A_788 = arith.constant 0 : i32
    %dma_wait3A_789 = arith.constant 0 : i32
    %dma_wait3A_790 = tpu.memref_slice %arg2[%dma_wait3A_788, %dma_wait3A_789] : memref<1040000x16xf32, #tpu.memory_space<hbm>> -> memref<1040000x16xf32, #tpu.memory_space<hbm>>
    tpu.wait_indirect_dma semaphore(%arg9 : memref<!tpu.dma_semaphore, #tpu.memory_space<semaphore_mem>>) src(%dma_wait3A_790 : memref<1040000x16xf32, #tpu.memory_space<hbm>>) dst(%dma_wait3A_785 : memref<128x16xf32, #tpu.memory_space<vmem>>)
    %dma_wait3A_791 = arith.constant 896 : i32
    %dma_wait3A_792 = arith.constant 0 : i32
    %dma_wait3A_793 = tpu.memref_slice %arg7[%dma_wait3A_791, %dma_wait3A_792] : memref<1664x16xf32, #tpu.memory_space<vmem>> -> memref<128x16xf32, #tpu.memory_space<vmem>>
    %dma_wait3A_794 = arith.constant 5888 : i32
    %dma_wait3A_795 = tpu.memref_slice %arg5[%dma_wait3A_794] : memref<6656xi32, #tpu.memory_space<vmem>> -> memref<128xi32, #tpu.memory_space<vmem>>
    %dma_wait3A_796 = arith.constant 0 : i32
    %dma_wait3A_797 = arith.constant 0 : i32
    %dma_wait3A_798 = tpu.memref_slice %arg2[%dma_wait3A_796, %dma_wait3A_797] : memref<1040000x16xf32, #tpu.memory_space<hbm>> -> memref<1040000x16xf32, #tpu.memory_space<hbm>>
    tpu.wait_indirect_dma semaphore(%arg9 : memref<!tpu.dma_semaphore, #tpu.memory_space<semaphore_mem>>) src(%dma_wait3A_798 : memref<1040000x16xf32, #tpu.memory_space<hbm>>) dst(%dma_wait3A_793 : memref<128x16xf32, #tpu.memory_space<vmem>>)
    %dma_wait3A_799 = arith.constant 1024 : i32
    %dma_wait3A_800 = arith.constant 0 : i32
    %dma_wait3A_801 = tpu.memref_slice %arg7[%dma_wait3A_799, %dma_wait3A_800] : memref<1664x16xf32, #tpu.memory_space<vmem>> -> memref<128x16xf32, #tpu.memory_space<vmem>>
    %dma_wait3A_802 = arith.constant 6016 : i32
    %dma_wait3A_803 = tpu.memref_slice %arg5[%dma_wait3A_802] : memref<6656xi32, #tpu.memory_space<vmem>> -> memref<128xi32, #tpu.memory_space<vmem>>
    %dma_wait3A_804 = arith.constant 0 : i32
    %dma_wait3A_805 = arith.constant 0 : i32
    %dma_wait3A_806 = tpu.memref_slice %arg2[%dma_wait3A_804, %dma_wait3A_805] : memref<1040000x16xf32, #tpu.memory_space<hbm>> -> memref<1040000x16xf32, #tpu.memory_space<hbm>>
    tpu.wait_indirect_dma semaphore(%arg9 : memref<!tpu.dma_semaphore, #tpu.memory_space<semaphore_mem>>) src(%dma_wait3A_806 : memref<1040000x16xf32, #tpu.memory_space<hbm>>) dst(%dma_wait3A_801 : memref<128x16xf32, #tpu.memory_space<vmem>>)
    %dma_wait3A_807 = arith.constant 1152 : i32
    %dma_wait3A_808 = arith.constant 0 : i32
    %dma_wait3A_809 = tpu.memref_slice %arg7[%dma_wait3A_807, %dma_wait3A_808] : memref<1664x16xf32, #tpu.memory_space<vmem>> -> memref<128x16xf32, #tpu.memory_space<vmem>>
    %dma_wait3A_810 = arith.constant 6144 : i32
    %dma_wait3A_811 = tpu.memref_slice %arg5[%dma_wait3A_810] : memref<6656xi32, #tpu.memory_space<vmem>> -> memref<128xi32, #tpu.memory_space<vmem>>
    %dma_wait3A_812 = arith.constant 0 : i32
    %dma_wait3A_813 = arith.constant 0 : i32
    %dma_wait3A_814 = tpu.memref_slice %arg2[%dma_wait3A_812, %dma_wait3A_813] : memref<1040000x16xf32, #tpu.memory_space<hbm>> -> memref<1040000x16xf32, #tpu.memory_space<hbm>>
    tpu.wait_indirect_dma semaphore(%arg9 : memref<!tpu.dma_semaphore, #tpu.memory_space<semaphore_mem>>) src(%dma_wait3A_814 : memref<1040000x16xf32, #tpu.memory_space<hbm>>) dst(%dma_wait3A_809 : memref<128x16xf32, #tpu.memory_space<vmem>>)
    %dma_wait3A_815 = arith.constant 1280 : i32
    %dma_wait3A_816 = arith.constant 0 : i32
    %dma_wait3A_817 = tpu.memref_slice %arg7[%dma_wait3A_815, %dma_wait3A_816] : memref<1664x16xf32, #tpu.memory_space<vmem>> -> memref<128x16xf32, #tpu.memory_space<vmem>>
    %dma_wait3A_818 = arith.constant 6272 : i32
    %dma_wait3A_819 = tpu.memref_slice %arg5[%dma_wait3A_818] : memref<6656xi32, #tpu.memory_space<vmem>> -> memref<128xi32, #tpu.memory_space<vmem>>
    %dma_wait3A_820 = arith.constant 0 : i32
    %dma_wait3A_821 = arith.constant 0 : i32
    %dma_wait3A_822 = tpu.memref_slice %arg2[%dma_wait3A_820, %dma_wait3A_821] : memref<1040000x16xf32, #tpu.memory_space<hbm>> -> memref<1040000x16xf32, #tpu.memory_space<hbm>>
    tpu.wait_indirect_dma semaphore(%arg9 : memref<!tpu.dma_semaphore, #tpu.memory_space<semaphore_mem>>) src(%dma_wait3A_822 : memref<1040000x16xf32, #tpu.memory_space<hbm>>) dst(%dma_wait3A_817 : memref<128x16xf32, #tpu.memory_space<vmem>>)
    %dma_wait3A_823 = arith.constant 1408 : i32
    %dma_wait3A_824 = arith.constant 0 : i32
    %dma_wait3A_825 = tpu.memref_slice %arg7[%dma_wait3A_823, %dma_wait3A_824] : memref<1664x16xf32, #tpu.memory_space<vmem>> -> memref<128x16xf32, #tpu.memory_space<vmem>>
    %dma_wait3A_826 = arith.constant 6400 : i32
    %dma_wait3A_827 = tpu.memref_slice %arg5[%dma_wait3A_826] : memref<6656xi32, #tpu.memory_space<vmem>> -> memref<128xi32, #tpu.memory_space<vmem>>
    %dma_wait3A_828 = arith.constant 0 : i32
    %dma_wait3A_829 = arith.constant 0 : i32
    %dma_wait3A_830 = tpu.memref_slice %arg2[%dma_wait3A_828, %dma_wait3A_829] : memref<1040000x16xf32, #tpu.memory_space<hbm>> -> memref<1040000x16xf32, #tpu.memory_space<hbm>>
    tpu.wait_indirect_dma semaphore(%arg9 : memref<!tpu.dma_semaphore, #tpu.memory_space<semaphore_mem>>) src(%dma_wait3A_830 : memref<1040000x16xf32, #tpu.memory_space<hbm>>) dst(%dma_wait3A_825 : memref<128x16xf32, #tpu.memory_space<vmem>>)
    %dma_wait3A_831 = arith.constant 1536 : i32
    %dma_wait3A_832 = arith.constant 0 : i32
    %dma_wait3A_833 = tpu.memref_slice %arg7[%dma_wait3A_831, %dma_wait3A_832] : memref<1664x16xf32, #tpu.memory_space<vmem>> -> memref<128x16xf32, #tpu.memory_space<vmem>>
    %dma_wait3A_834 = arith.constant 6528 : i32
    %dma_wait3A_835 = tpu.memref_slice %arg5[%dma_wait3A_834] : memref<6656xi32, #tpu.memory_space<vmem>> -> memref<128xi32, #tpu.memory_space<vmem>>
    %dma_wait3A_836 = arith.constant 0 : i32
    %dma_wait3A_837 = arith.constant 0 : i32
    %dma_wait3A_838 = tpu.memref_slice %arg2[%dma_wait3A_836, %dma_wait3A_837] : memref<1040000x16xf32, #tpu.memory_space<hbm>> -> memref<1040000x16xf32, #tpu.memory_space<hbm>>
    tpu.wait_indirect_dma semaphore(%arg9 : memref<!tpu.dma_semaphore, #tpu.memory_space<semaphore_mem>>) src(%dma_wait3A_838 : memref<1040000x16xf32, #tpu.memory_space<hbm>>) dst(%dma_wait3A_833 : memref<128x16xf32, #tpu.memory_space<vmem>>)
    %add3A_839 = arith.constant 4992 : i32
    %add3A_840 = arith.addi %mul3A_2, %add3A_839 : i32
    "tpu.region"() ({
      %run_scoped3A = tpu.sem_alloc : memref<!tpu.dma_semaphore, #tpu.memory_space<semaphore_mem>>
      %dma_start3A_841 = arith.constant 0 : i32
      %dma_start3A_842 = tpu.memref_slice %arg4[%add3A_840, %dma_start3A_841] : memref<212992x16xf32, #tpu.memory_space<hbm>> -> memref<1664x16xf32, #tpu.memory_space<hbm>>
      %dma_start3A_843 = arith.constant 0 : i32
      %dma_start3A_844 = tpu.memref_slice %arg4[%add3A_840, %dma_start3A_843] : memref<212992x16xf32, #tpu.memory_space<hbm>> -> memref<1664x16xf32, #tpu.memory_space<hbm>>
      tpu.enqueue_dma source(%arg7 : memref<1664x16xf32, #tpu.memory_space<vmem>>) target(%dma_start3A_844 : memref<1664x16xf32, #tpu.memory_space<hbm>>) target_semaphore(%run_scoped3A : memref<!tpu.dma_semaphore, #tpu.memory_space<semaphore_mem>>)
      %dma_wait3A_845 = arith.constant 0 : i32
      %dma_wait3A_846 = tpu.memref_slice %arg4[%add3A_840, %dma_wait3A_845] : memref<212992x16xf32, #tpu.memory_space<hbm>> -> memref<1664x16xf32, #tpu.memory_space<hbm>>
      %dma_wait3A_847 = arith.constant 0 : i32
      %dma_wait3A_848 = tpu.memref_slice %arg4[%add3A_840, %dma_wait3A_847] : memref<212992x16xf32, #tpu.memory_space<hbm>> -> memref<1664x16xf32, #tpu.memory_space<hbm>>
      tpu.wait_dma2 semaphore(%run_scoped3A : memref<!tpu.dma_semaphore, #tpu.memory_space<semaphore_mem>>) src(%arg7 : memref<1664x16xf32, #tpu.memory_space<vmem>>) dst(%dma_wait3A_848 : memref<1664x16xf32, #tpu.memory_space<hbm>>)
      tpu.yield
    }) : () -> ()
    return
  }
}

#map = affine_map<(d0, d1) -> (0, 0)>
#map1 = affine_map<(d0, d1) -> (0)>
module attributes {stable_mosaic.version = 14 : i64} {
  func.func @k(%arg0: i32, %arg1: i32, %arg2: memref<1040000x16xf32, #tpu.memory_space<hbm>>, %arg3: memref<212992xi32, #tpu.memory_space<hbm>>, %arg4: memref<212992x16xf32, #tpu.memory_space<hbm>>, %arg5: memref<6656xi32, #tpu.memory_space<vmem>>, %arg6: memref<1664x16xf32, #tpu.memory_space<vmem>>, %arg7: memref<1664x16xf32, #tpu.memory_space<vmem>>, %arg8: memref<!tpu.dma_semaphore, #tpu.memory_space<semaphore_mem>>, %arg9: memref<!tpu.dma_semaphore, #tpu.memory_space<semaphore_mem>>) attributes {dimension_semantics = [#tpu.dimension_semantics<core_parallel>, #tpu.dimension_semantics<subcore_parallel>], iteration_bounds = array<i64: 2, 16>, scalar_prefetch = 0 : i64, scratch_operands = 5 : i64, tpu.core_type = #tpu.core_type<sc_vector_subcore>, window_params = [{transform_indices = #map}, {transform_indices = #map1}, {transform_indices = #map}]} {
    %mul3A = arith.constant 2 : i32
    %mul3A_0 = arith.muli %arg1, %mul3A : i32
    %add3A = arith.addi %mul3A_0, %arg0 : i32
    %mul3A_1 = arith.constant 6656 : i32
    %mul3A_2 = arith.muli %add3A, %mul3A_1 : i32
    "tpu.region"() ({
      %run_scoped3A = tpu.sem_alloc : memref<!tpu.dma_semaphore, #tpu.memory_space<semaphore_mem>>
      %dma_start3A_841 = tpu.memref_slice %arg3[%mul3A_2] : memref<212992xi32, #tpu.memory_space<hbm>> -> memref<6656xi32, #tpu.memory_space<hbm>>
      %dma_start3A_842 = tpu.memref_slice %arg3[%mul3A_2] : memref<212992xi32, #tpu.memory_space<hbm>> -> memref<6656xi32, #tpu.memory_space<hbm>>
      tpu.enqueue_dma source(%dma_start3A_842 : memref<6656xi32, #tpu.memory_space<hbm>>) target(%arg5 : memref<6656xi32, #tpu.memory_space<vmem>>) target_semaphore(%run_scoped3A : memref<!tpu.dma_semaphore, #tpu.memory_space<semaphore_mem>>)
      %dma_wait3A_843 = tpu.memref_slice %arg3[%mul3A_2] : memref<212992xi32, #tpu.memory_space<hbm>> -> memref<6656xi32, #tpu.memory_space<hbm>>
      %dma_wait3A_844 = tpu.memref_slice %arg3[%mul3A_2] : memref<212992xi32, #tpu.memory_space<hbm>> -> memref<6656xi32, #tpu.memory_space<hbm>>
      tpu.wait_dma2 semaphore(%run_scoped3A : memref<!tpu.dma_semaphore, #tpu.memory_space<semaphore_mem>>) src(%dma_wait3A_844 : memref<6656xi32, #tpu.memory_space<hbm>>) dst(%arg5 : memref<6656xi32, #tpu.memory_space<vmem>>)
      tpu.yield
    }) : () -> ()
    %dma_start3A = arith.constant 0 : i32
    %dma_start3A_3 = arith.constant 0 : i32
    %dma_start3A_4 = tpu.memref_slice %arg6[%dma_start3A, %dma_start3A_3] : memref<1664x16xf32, #tpu.memory_space<vmem>> -> memref<128x16xf32, #tpu.memory_space<vmem>>
    %dma_start3A_5 = arith.constant 0 : i32
    %dma_start3A_6 = tpu.memref_slice %arg5[%dma_start3A_5] : memref<6656xi32, #tpu.memory_space<vmem>> -> memref<128xi32, #tpu.memory_space<vmem>>
    %dma_start3A_7 = arith.constant 0 : i32
    %dma_start3A_8 = arith.constant 0 : i32
    %dma_start3A_9 = tpu.memref_slice %arg2[%dma_start3A_7, %dma_start3A_8] : memref<1040000x16xf32, #tpu.memory_space<hbm>> -> memref<1040000x16xf32, #tpu.memory_space<hbm>>
    tpu.enqueue_indirect_dma source(%dma_start3A_9 : memref<1040000x16xf32, #tpu.memory_space<hbm>>) target(%dma_start3A_4 : memref<128x16xf32, #tpu.memory_space<vmem>>) offsets(%dma_start3A_6 : memref<128xi32, #tpu.memory_space<vmem>>) semaphore(%arg8 : memref<!tpu.dma_semaphore, #tpu.memory_space<semaphore_mem>>)
    %dma_start3A_10 = arith.constant 128 : i32
    %dma_start3A_11 = arith.constant 0 : i32
    %dma_start3A_12 = tpu.memref_slice %arg6[%dma_start3A_10, %dma_start3A_11] : memref<1664x16xf32, #tpu.memory_space<vmem>> -> memref<128x16xf32, #tpu.memory_space<vmem>>
    %dma_start3A_13 = arith.constant 128 : i32
    %dma_start3A_14 = tpu.memref_slice %arg5[%dma_start3A_13] : memref<6656xi32, #tpu.memory_space<vmem>> -> memref<128xi32, #tpu.memory_space<vmem>>
    %dma_start3A_15 = arith.constant 0 : i32
    %dma_start3A_16 = arith.constant 0 : i32
    %dma_start3A_17 = tpu.memref_slice %arg2[%dma_start3A_15, %dma_start3A_16] : memref<1040000x16xf32, #tpu.memory_space<hbm>> -> memref<1040000x16xf32, #tpu.memory_space<hbm>>
    tpu.enqueue_indirect_dma source(%dma_start3A_17 : memref<1040000x16xf32, #tpu.memory_space<hbm>>) target(%dma_start3A_12 : memref<128x16xf32, #tpu.memory_space<vmem>>) offsets(%dma_start3A_14 : memref<128xi32, #tpu.memory_space<vmem>>) semaphore(%arg8 : memref<!tpu.dma_semaphore, #tpu.memory_space<semaphore_mem>>)
    %dma_start3A_18 = arith.constant 256 : i32
    %dma_start3A_19 = arith.constant 0 : i32
    %dma_start3A_20 = tpu.memref_slice %arg6[%dma_start3A_18, %dma_start3A_19] : memref<1664x16xf32, #tpu.memory_space<vmem>> -> memref<128x16xf32, #tpu.memory_space<vmem>>
    %dma_start3A_21 = arith.constant 256 : i32
    %dma_start3A_22 = tpu.memref_slice %arg5[%dma_start3A_21] : memref<6656xi32, #tpu.memory_space<vmem>> -> memref<128xi32, #tpu.memory_space<vmem>>
    %dma_start3A_23 = arith.constant 0 : i32
    %dma_start3A_24 = arith.constant 0 : i32
    %dma_start3A_25 = tpu.memref_slice %arg2[%dma_start3A_23, %dma_start3A_24] : memref<1040000x16xf32, #tpu.memory_space<hbm>> -> memref<1040000x16xf32, #tpu.memory_space<hbm>>
    tpu.enqueue_indirect_dma source(%dma_start3A_25 : memref<1040000x16xf32, #tpu.memory_space<hbm>>) target(%dma_start3A_20 : memref<128x16xf32, #tpu.memory_space<vmem>>) offsets(%dma_start3A_22 : memref<128xi32, #tpu.memory_space<vmem>>) semaphore(%arg8 : memref<!tpu.dma_semaphore, #tpu.memory_space<semaphore_mem>>)
    %dma_start3A_26 = arith.constant 384 : i32
    %dma_start3A_27 = arith.constant 0 : i32
    %dma_start3A_28 = tpu.memref_slice %arg6[%dma_start3A_26, %dma_start3A_27] : memref<1664x16xf32, #tpu.memory_space<vmem>> -> memref<128x16xf32, #tpu.memory_space<vmem>>
    %dma_start3A_29 = arith.constant 384 : i32
    %dma_start3A_30 = tpu.memref_slice %arg5[%dma_start3A_29] : memref<6656xi32, #tpu.memory_space<vmem>> -> memref<128xi32, #tpu.memory_space<vmem>>
    %dma_start3A_31 = arith.constant 0 : i32
    %dma_start3A_32 = arith.constant 0 : i32
    %dma_start3A_33 = tpu.memref_slice %arg2[%dma_start3A_31, %dma_start3A_32] : memref<1040000x16xf32, #tpu.memory_space<hbm>> -> memref<1040000x16xf32, #tpu.memory_space<hbm>>
    tpu.enqueue_indirect_dma source(%dma_start3A_33 : memref<1040000x16xf32, #tpu.memory_space<hbm>>) target(%dma_start3A_28 : memref<128x16xf32, #tpu.memory_space<vmem>>) offsets(%dma_start3A_30 : memref<128xi32, #tpu.memory_space<vmem>>) semaphore(%arg8 : memref<!tpu.dma_semaphore, #tpu.memory_space<semaphore_mem>>)
    %dma_start3A_34 = arith.constant 512 : i32
    %dma_start3A_35 = arith.constant 0 : i32
    %dma_start3A_36 = tpu.memref_slice %arg6[%dma_start3A_34, %dma_start3A_35] : memref<1664x16xf32, #tpu.memory_space<vmem>> -> memref<128x16xf32, #tpu.memory_space<vmem>>
    %dma_start3A_37 = arith.constant 512 : i32
    %dma_start3A_38 = tpu.memref_slice %arg5[%dma_start3A_37] : memref<6656xi32, #tpu.memory_space<vmem>> -> memref<128xi32, #tpu.memory_space<vmem>>
    %dma_start3A_39 = arith.constant 0 : i32
    %dma_start3A_40 = arith.constant 0 : i32
    %dma_start3A_41 = tpu.memref_slice %arg2[%dma_start3A_39, %dma_start3A_40] : memref<1040000x16xf32, #tpu.memory_space<hbm>> -> memref<1040000x16xf32, #tpu.memory_space<hbm>>
    tpu.enqueue_indirect_dma source(%dma_start3A_41 : memref<1040000x16xf32, #tpu.memory_space<hbm>>) target(%dma_start3A_36 : memref<128x16xf32, #tpu.memory_space<vmem>>) offsets(%dma_start3A_38 : memref<128xi32, #tpu.memory_space<vmem>>) semaphore(%arg8 : memref<!tpu.dma_semaphore, #tpu.memory_space<semaphore_mem>>)
    %dma_start3A_42 = arith.constant 640 : i32
    %dma_start3A_43 = arith.constant 0 : i32
    %dma_start3A_44 = tpu.memref_slice %arg6[%dma_start3A_42, %dma_start3A_43] : memref<1664x16xf32, #tpu.memory_space<vmem>> -> memref<128x16xf32, #tpu.memory_space<vmem>>
    %dma_start3A_45 = arith.constant 640 : i32
    %dma_start3A_46 = tpu.memref_slice %arg5[%dma_start3A_45] : memref<6656xi32, #tpu.memory_space<vmem>> -> memref<128xi32, #tpu.memory_space<vmem>>
    %dma_start3A_47 = arith.constant 0 : i32
    %dma_start3A_48 = arith.constant 0 : i32
    %dma_start3A_49 = tpu.memref_slice %arg2[%dma_start3A_47, %dma_start3A_48] : memref<1040000x16xf32, #tpu.memory_space<hbm>> -> memref<1040000x16xf32, #tpu.memory_space<hbm>>
    tpu.enqueue_indirect_dma source(%dma_start3A_49 : memref<1040000x16xf32, #tpu.memory_space<hbm>>) target(%dma_start3A_44 : memref<128x16xf32, #tpu.memory_space<vmem>>) offsets(%dma_start3A_46 : memref<128xi32, #tpu.memory_space<vmem>>) semaphore(%arg8 : memref<!tpu.dma_semaphore, #tpu.memory_space<semaphore_mem>>)
    %dma_start3A_50 = arith.constant 768 : i32
    %dma_start3A_51 = arith.constant 0 : i32
    %dma_start3A_52 = tpu.memref_slice %arg6[%dma_start3A_50, %dma_start3A_51] : memref<1664x16xf32, #tpu.memory_space<vmem>> -> memref<128x16xf32, #tpu.memory_space<vmem>>
    %dma_start3A_53 = arith.constant 768 : i32
    %dma_start3A_54 = tpu.memref_slice %arg5[%dma_start3A_53] : memref<6656xi32, #tpu.memory_space<vmem>> -> memref<128xi32, #tpu.memory_space<vmem>>
    %dma_start3A_55 = arith.constant 0 : i32
    %dma_start3A_56 = arith.constant 0 : i32
    %dma_start3A_57 = tpu.memref_slice %arg2[%dma_start3A_55, %dma_start3A_56] : memref<1040000x16xf32, #tpu.memory_space<hbm>> -> memref<1040000x16xf32, #tpu.memory_space<hbm>>
    tpu.enqueue_indirect_dma source(%dma_start3A_57 : memref<1040000x16xf32, #tpu.memory_space<hbm>>) target(%dma_start3A_52 : memref<128x16xf32, #tpu.memory_space<vmem>>) offsets(%dma_start3A_54 : memref<128xi32, #tpu.memory_space<vmem>>) semaphore(%arg8 : memref<!tpu.dma_semaphore, #tpu.memory_space<semaphore_mem>>)
    %dma_start3A_58 = arith.constant 896 : i32
    %dma_start3A_59 = arith.constant 0 : i32
    %dma_start3A_60 = tpu.memref_slice %arg6[%dma_start3A_58, %dma_start3A_59] : memref<1664x16xf32, #tpu.memory_space<vmem>> -> memref<128x16xf32, #tpu.memory_space<vmem>>
    %dma_start3A_61 = arith.constant 896 : i32
    %dma_start3A_62 = tpu.memref_slice %arg5[%dma_start3A_61] : memref<6656xi32, #tpu.memory_space<vmem>> -> memref<128xi32, #tpu.memory_space<vmem>>
    %dma_start3A_63 = arith.constant 0 : i32
    %dma_start3A_64 = arith.constant 0 : i32
    %dma_start3A_65 = tpu.memref_slice %arg2[%dma_start3A_63, %dma_start3A_64] : memref<1040000x16xf32, #tpu.memory_space<hbm>> -> memref<1040000x16xf32, #tpu.memory_space<hbm>>
    tpu.enqueue_indirect_dma source(%dma_start3A_65 : memref<1040000x16xf32, #tpu.memory_space<hbm>>) target(%dma_start3A_60 : memref<128x16xf32, #tpu.memory_space<vmem>>) offsets(%dma_start3A_62 : memref<128xi32, #tpu.memory_space<vmem>>) semaphore(%arg8 : memref<!tpu.dma_semaphore, #tpu.memory_space<semaphore_mem>>)
    %dma_start3A_66 = arith.constant 1024 : i32
    %dma_start3A_67 = arith.constant 0 : i32
    %dma_start3A_68 = tpu.memref_slice %arg6[%dma_start3A_66, %dma_start3A_67] : memref<1664x16xf32, #tpu.memory_space<vmem>> -> memref<128x16xf32, #tpu.memory_space<vmem>>
    %dma_start3A_69 = arith.constant 1024 : i32
    %dma_start3A_70 = tpu.memref_slice %arg5[%dma_start3A_69] : memref<6656xi32, #tpu.memory_space<vmem>> -> memref<128xi32, #tpu.memory_space<vmem>>
    %dma_start3A_71 = arith.constant 0 : i32
    %dma_start3A_72 = arith.constant 0 : i32
    %dma_start3A_73 = tpu.memref_slice %arg2[%dma_start3A_71, %dma_start3A_72] : memref<1040000x16xf32, #tpu.memory_space<hbm>> -> memref<1040000x16xf32, #tpu.memory_space<hbm>>
    tpu.enqueue_indirect_dma source(%dma_start3A_73 : memref<1040000x16xf32, #tpu.memory_space<hbm>>) target(%dma_start3A_68 : memref<128x16xf32, #tpu.memory_space<vmem>>) offsets(%dma_start3A_70 : memref<128xi32, #tpu.memory_space<vmem>>) semaphore(%arg8 : memref<!tpu.dma_semaphore, #tpu.memory_space<semaphore_mem>>)
    %dma_start3A_74 = arith.constant 1152 : i32
    %dma_start3A_75 = arith.constant 0 : i32
    %dma_start3A_76 = tpu.memref_slice %arg6[%dma_start3A_74, %dma_start3A_75] : memref<1664x16xf32, #tpu.memory_space<vmem>> -> memref<128x16xf32, #tpu.memory_space<vmem>>
    %dma_start3A_77 = arith.constant 1152 : i32
    %dma_start3A_78 = tpu.memref_slice %arg5[%dma_start3A_77] : memref<6656xi32, #tpu.memory_space<vmem>> -> memref<128xi32, #tpu.memory_space<vmem>>
    %dma_start3A_79 = arith.constant 0 : i32
    %dma_start3A_80 = arith.constant 0 : i32
    %dma_start3A_81 = tpu.memref_slice %arg2[%dma_start3A_79, %dma_start3A_80] : memref<1040000x16xf32, #tpu.memory_space<hbm>> -> memref<1040000x16xf32, #tpu.memory_space<hbm>>
    tpu.enqueue_indirect_dma source(%dma_start3A_81 : memref<1040000x16xf32, #tpu.memory_space<hbm>>) target(%dma_start3A_76 : memref<128x16xf32, #tpu.memory_space<vmem>>) offsets(%dma_start3A_78 : memref<128xi32, #tpu.memory_space<vmem>>) semaphore(%arg8 : memref<!tpu.dma_semaphore, #tpu.memory_space<semaphore_mem>>)
    %dma_start3A_82 = arith.constant 1280 : i32
    %dma_start3A_83 = arith.constant 0 : i32
    %dma_start3A_84 = tpu.memref_slice %arg6[%dma_start3A_82, %dma_start3A_83] : memref<1664x16xf32, #tpu.memory_space<vmem>> -> memref<128x16xf32, #tpu.memory_space<vmem>>
    %dma_start3A_85 = arith.constant 1280 : i32
    %dma_start3A_86 = tpu.memref_slice %arg5[%dma_start3A_85] : memref<6656xi32, #tpu.memory_space<vmem>> -> memref<128xi32, #tpu.memory_space<vmem>>
    %dma_start3A_87 = arith.constant 0 : i32
    %dma_start3A_88 = arith.constant 0 : i32
    %dma_start3A_89 = tpu.memref_slice %arg2[%dma_start3A_87, %dma_start3A_88] : memref<1040000x16xf32, #tpu.memory_space<hbm>> -> memref<1040000x16xf32, #tpu.memory_space<hbm>>
    tpu.enqueue_indirect_dma source(%dma_start3A_89 : memref<1040000x16xf32, #tpu.memory_space<hbm>>) target(%dma_start3A_84 : memref<128x16xf32, #tpu.memory_space<vmem>>) offsets(%dma_start3A_86 : memref<128xi32, #tpu.memory_space<vmem>>) semaphore(%arg8 : memref<!tpu.dma_semaphore, #tpu.memory_space<semaphore_mem>>)
    %dma_start3A_90 = arith.constant 1408 : i32
    %dma_start3A_91 = arith.constant 0 : i32
    %dma_start3A_92 = tpu.memref_slice %arg6[%dma_start3A_90, %dma_start3A_91] : memref<1664x16xf32, #tpu.memory_space<vmem>> -> memref<128x16xf32, #tpu.memory_space<vmem>>
    %dma_start3A_93 = arith.constant 1408 : i32
    %dma_start3A_94 = tpu.memref_slice %arg5[%dma_start3A_93] : memref<6656xi32, #tpu.memory_space<vmem>> -> memref<128xi32, #tpu.memory_space<vmem>>
    %dma_start3A_95 = arith.constant 0 : i32
    %dma_start3A_96 = arith.constant 0 : i32
    %dma_start3A_97 = tpu.memref_slice %arg2[%dma_start3A_95, %dma_start3A_96] : memref<1040000x16xf32, #tpu.memory_space<hbm>> -> memref<1040000x16xf32, #tpu.memory_space<hbm>>
    tpu.enqueue_indirect_dma source(%dma_start3A_97 : memref<1040000x16xf32, #tpu.memory_space<hbm>>) target(%dma_start3A_92 : memref<128x16xf32, #tpu.memory_space<vmem>>) offsets(%dma_start3A_94 : memref<128xi32, #tpu.memory_space<vmem>>) semaphore(%arg8 : memref<!tpu.dma_semaphore, #tpu.memory_space<semaphore_mem>>)
    %dma_start3A_98 = arith.constant 1536 : i32
    %dma_start3A_99 = arith.constant 0 : i32
    %dma_start3A_100 = tpu.memref_slice %arg6[%dma_start3A_98, %dma_start3A_99] : memref<1664x16xf32, #tpu.memory_space<vmem>> -> memref<128x16xf32, #tpu.memory_space<vmem>>
    %dma_start3A_101 = arith.constant 1536 : i32
    %dma_start3A_102 = tpu.memref_slice %arg5[%dma_start3A_101] : memref<6656xi32, #tpu.memory_space<vmem>> -> memref<128xi32, #tpu.memory_space<vmem>>
    %dma_start3A_103 = arith.constant 0 : i32
    %dma_start3A_104 = arith.constant 0 : i32
    %dma_start3A_105 = tpu.memref_slice %arg2[%dma_start3A_103, %dma_start3A_104] : memref<1040000x16xf32, #tpu.memory_space<hbm>> -> memref<1040000x16xf32, #tpu.memory_space<hbm>>
    tpu.enqueue_indirect_dma source(%dma_start3A_105 : memref<1040000x16xf32, #tpu.memory_space<hbm>>) target(%dma_start3A_100 : memref<128x16xf32, #tpu.memory_space<vmem>>) offsets(%dma_start3A_102 : memref<128xi32, #tpu.memory_space<vmem>>) semaphore(%arg8 : memref<!tpu.dma_semaphore, #tpu.memory_space<semaphore_mem>>)
    %dma_start3A_106 = arith.constant 0 : i32
    %dma_start3A_107 = arith.constant 0 : i32
    %dma_start3A_108 = tpu.memref_slice %arg7[%dma_start3A_106, %dma_start3A_107] : memref<1664x16xf32, #tpu.memory_space<vmem>> -> memref<128x16xf32, #tpu.memory_space<vmem>>
    %dma_start3A_109 = arith.constant 1664 : i32
    %dma_start3A_110 = tpu.memref_slice %arg5[%dma_start3A_109] : memref<6656xi32, #tpu.memory_space<vmem>> -> memref<128xi32, #tpu.memory_space<vmem>>
    %dma_start3A_111 = arith.constant 0 : i32
    %dma_start3A_112 = arith.constant 0 : i32
    %dma_start3A_113 = tpu.memref_slice %arg2[%dma_start3A_111, %dma_start3A_112] : memref<1040000x16xf32, #tpu.memory_space<hbm>> -> memref<1040000x16xf32, #tpu.memory_space<hbm>>
    tpu.enqueue_indirect_dma source(%dma_start3A_113 : memref<1040000x16xf32, #tpu.memory_space<hbm>>) target(%dma_start3A_108 : memref<128x16xf32, #tpu.memory_space<vmem>>) offsets(%dma_start3A_110 : memref<128xi32, #tpu.memory_space<vmem>>) semaphore(%arg9 : memref<!tpu.dma_semaphore, #tpu.memory_space<semaphore_mem>>)
    %dma_start3A_114 = arith.constant 128 : i32
    %dma_start3A_115 = arith.constant 0 : i32
    %dma_start3A_116 = tpu.memref_slice %arg7[%dma_start3A_114, %dma_start3A_115] : memref<1664x16xf32, #tpu.memory_space<vmem>> -> memref<128x16xf32, #tpu.memory_space<vmem>>
    %dma_start3A_117 = arith.constant 1792 : i32
    %dma_start3A_118 = tpu.memref_slice %arg5[%dma_start3A_117] : memref<6656xi32, #tpu.memory_space<vmem>> -> memref<128xi32, #tpu.memory_space<vmem>>
    %dma_start3A_119 = arith.constant 0 : i32
    %dma_start3A_120 = arith.constant 0 : i32
    %dma_start3A_121 = tpu.memref_slice %arg2[%dma_start3A_119, %dma_start3A_120] : memref<1040000x16xf32, #tpu.memory_space<hbm>> -> memref<1040000x16xf32, #tpu.memory_space<hbm>>
    tpu.enqueue_indirect_dma source(%dma_start3A_121 : memref<1040000x16xf32, #tpu.memory_space<hbm>>) target(%dma_start3A_116 : memref<128x16xf32, #tpu.memory_space<vmem>>) offsets(%dma_start3A_118 : memref<128xi32, #tpu.memory_space<vmem>>) semaphore(%arg9 : memref<!tpu.dma_semaphore, #tpu.memory_space<semaphore_mem>>)
    %dma_start3A_122 = arith.constant 256 : i32
    %dma_start3A_123 = arith.constant 0 : i32
    %dma_start3A_124 = tpu.memref_slice %arg7[%dma_start3A_122, %dma_start3A_123] : memref<1664x16xf32, #tpu.memory_space<vmem>> -> memref<128x16xf32, #tpu.memory_space<vmem>>
    %dma_start3A_125 = arith.constant 1920 : i32
    %dma_start3A_126 = tpu.memref_slice %arg5[%dma_start3A_125] : memref<6656xi32, #tpu.memory_space<vmem>> -> memref<128xi32, #tpu.memory_space<vmem>>
    %dma_start3A_127 = arith.constant 0 : i32
    %dma_start3A_128 = arith.constant 0 : i32
    %dma_start3A_129 = tpu.memref_slice %arg2[%dma_start3A_127, %dma_start3A_128] : memref<1040000x16xf32, #tpu.memory_space<hbm>> -> memref<1040000x16xf32, #tpu.memory_space<hbm>>
    tpu.enqueue_indirect_dma source(%dma_start3A_129 : memref<1040000x16xf32, #tpu.memory_space<hbm>>) target(%dma_start3A_124 : memref<128x16xf32, #tpu.memory_space<vmem>>) offsets(%dma_start3A_126 : memref<128xi32, #tpu.memory_space<vmem>>) semaphore(%arg9 : memref<!tpu.dma_semaphore, #tpu.memory_space<semaphore_mem>>)
    %dma_start3A_130 = arith.constant 384 : i32
    %dma_start3A_131 = arith.constant 0 : i32
    %dma_start3A_132 = tpu.memref_slice %arg7[%dma_start3A_130, %dma_start3A_131] : memref<1664x16xf32, #tpu.memory_space<vmem>> -> memref<128x16xf32, #tpu.memory_space<vmem>>
    %dma_start3A_133 = arith.constant 2048 : i32
    %dma_start3A_134 = tpu.memref_slice %arg5[%dma_start3A_133] : memref<6656xi32, #tpu.memory_space<vmem>> -> memref<128xi32, #tpu.memory_space<vmem>>
    %dma_start3A_135 = arith.constant 0 : i32
    %dma_start3A_136 = arith.constant 0 : i32
    %dma_start3A_137 = tpu.memref_slice %arg2[%dma_start3A_135, %dma_start3A_136] : memref<1040000x16xf32, #tpu.memory_space<hbm>> -> memref<1040000x16xf32, #tpu.memory_space<hbm>>
    tpu.enqueue_indirect_dma source(%dma_start3A_137 : memref<1040000x16xf32, #tpu.memory_space<hbm>>) target(%dma_start3A_132 : memref<128x16xf32, #tpu.memory_space<vmem>>) offsets(%dma_start3A_134 : memref<128xi32, #tpu.memory_space<vmem>>) semaphore(%arg9 : memref<!tpu.dma_semaphore, #tpu.memory_space<semaphore_mem>>)
    %dma_start3A_138 = arith.constant 512 : i32
    %dma_start3A_139 = arith.constant 0 : i32
    %dma_start3A_140 = tpu.memref_slice %arg7[%dma_start3A_138, %dma_start3A_139] : memref<1664x16xf32, #tpu.memory_space<vmem>> -> memref<128x16xf32, #tpu.memory_space<vmem>>
    %dma_start3A_141 = arith.constant 2176 : i32
    %dma_start3A_142 = tpu.memref_slice %arg5[%dma_start3A_141] : memref<6656xi32, #tpu.memory_space<vmem>> -> memref<128xi32, #tpu.memory_space<vmem>>
    %dma_start3A_143 = arith.constant 0 : i32
    %dma_start3A_144 = arith.constant 0 : i32
    %dma_start3A_145 = tpu.memref_slice %arg2[%dma_start3A_143, %dma_start3A_144] : memref<1040000x16xf32, #tpu.memory_space<hbm>> -> memref<1040000x16xf32, #tpu.memory_space<hbm>>
    tpu.enqueue_indirect_dma source(%dma_start3A_145 : memref<1040000x16xf32, #tpu.memory_space<hbm>>) target(%dma_start3A_140 : memref<128x16xf32, #tpu.memory_space<vmem>>) offsets(%dma_start3A_142 : memref<128xi32, #tpu.memory_space<vmem>>) semaphore(%arg9 : memref<!tpu.dma_semaphore, #tpu.memory_space<semaphore_mem>>)
    %dma_start3A_146 = arith.constant 640 : i32
    %dma_start3A_147 = arith.constant 0 : i32
    %dma_start3A_148 = tpu.memref_slice %arg7[%dma_start3A_146, %dma_start3A_147] : memref<1664x16xf32, #tpu.memory_space<vmem>> -> memref<128x16xf32, #tpu.memory_space<vmem>>
    %dma_start3A_149 = arith.constant 2304 : i32
    %dma_start3A_150 = tpu.memref_slice %arg5[%dma_start3A_149] : memref<6656xi32, #tpu.memory_space<vmem>> -> memref<128xi32, #tpu.memory_space<vmem>>
    %dma_start3A_151 = arith.constant 0 : i32
    %dma_start3A_152 = arith.constant 0 : i32
    %dma_start3A_153 = tpu.memref_slice %arg2[%dma_start3A_151, %dma_start3A_152] : memref<1040000x16xf32, #tpu.memory_space<hbm>> -> memref<1040000x16xf32, #tpu.memory_space<hbm>>
    tpu.enqueue_indirect_dma source(%dma_start3A_153 : memref<1040000x16xf32, #tpu.memory_space<hbm>>) target(%dma_start3A_148 : memref<128x16xf32, #tpu.memory_space<vmem>>) offsets(%dma_start3A_150 : memref<128xi32, #tpu.memory_space<vmem>>) semaphore(%arg9 : memref<!tpu.dma_semaphore, #tpu.memory_space<semaphore_mem>>)
    %dma_start3A_154 = arith.constant 768 : i32
    %dma_start3A_155 = arith.constant 0 : i32
    %dma_start3A_156 = tpu.memref_slice %arg7[%dma_start3A_154, %dma_start3A_155] : memref<1664x16xf32, #tpu.memory_space<vmem>> -> memref<128x16xf32, #tpu.memory_space<vmem>>
    %dma_start3A_157 = arith.constant 2432 : i32
    %dma_start3A_158 = tpu.memref_slice %arg5[%dma_start3A_157] : memref<6656xi32, #tpu.memory_space<vmem>> -> memref<128xi32, #tpu.memory_space<vmem>>
    %dma_start3A_159 = arith.constant 0 : i32
    %dma_start3A_160 = arith.constant 0 : i32
    %dma_start3A_161 = tpu.memref_slice %arg2[%dma_start3A_159, %dma_start3A_160] : memref<1040000x16xf32, #tpu.memory_space<hbm>> -> memref<1040000x16xf32, #tpu.memory_space<hbm>>
    tpu.enqueue_indirect_dma source(%dma_start3A_161 : memref<1040000x16xf32, #tpu.memory_space<hbm>>) target(%dma_start3A_156 : memref<128x16xf32, #tpu.memory_space<vmem>>) offsets(%dma_start3A_158 : memref<128xi32, #tpu.memory_space<vmem>>) semaphore(%arg9 : memref<!tpu.dma_semaphore, #tpu.memory_space<semaphore_mem>>)
    %dma_start3A_162 = arith.constant 896 : i32
    %dma_start3A_163 = arith.constant 0 : i32
    %dma_start3A_164 = tpu.memref_slice %arg7[%dma_start3A_162, %dma_start3A_163] : memref<1664x16xf32, #tpu.memory_space<vmem>> -> memref<128x16xf32, #tpu.memory_space<vmem>>
    %dma_start3A_165 = arith.constant 2560 : i32
    %dma_start3A_166 = tpu.memref_slice %arg5[%dma_start3A_165] : memref<6656xi32, #tpu.memory_space<vmem>> -> memref<128xi32, #tpu.memory_space<vmem>>
    %dma_start3A_167 = arith.constant 0 : i32
    %dma_start3A_168 = arith.constant 0 : i32
    %dma_start3A_169 = tpu.memref_slice %arg2[%dma_start3A_167, %dma_start3A_168] : memref<1040000x16xf32, #tpu.memory_space<hbm>> -> memref<1040000x16xf32, #tpu.memory_space<hbm>>
    tpu.enqueue_indirect_dma source(%dma_start3A_169 : memref<1040000x16xf32, #tpu.memory_space<hbm>>) target(%dma_start3A_164 : memref<128x16xf32, #tpu.memory_space<vmem>>) offsets(%dma_start3A_166 : memref<128xi32, #tpu.memory_space<vmem>>) semaphore(%arg9 : memref<!tpu.dma_semaphore, #tpu.memory_space<semaphore_mem>>)
    %dma_start3A_170 = arith.constant 1024 : i32
    %dma_start3A_171 = arith.constant 0 : i32
    %dma_start3A_172 = tpu.memref_slice %arg7[%dma_start3A_170, %dma_start3A_171] : memref<1664x16xf32, #tpu.memory_space<vmem>> -> memref<128x16xf32, #tpu.memory_space<vmem>>
    %dma_start3A_173 = arith.constant 2688 : i32
    %dma_start3A_174 = tpu.memref_slice %arg5[%dma_start3A_173] : memref<6656xi32, #tpu.memory_space<vmem>> -> memref<128xi32, #tpu.memory_space<vmem>>
    %dma_start3A_175 = arith.constant 0 : i32
    %dma_start3A_176 = arith.constant 0 : i32
    %dma_start3A_177 = tpu.memref_slice %arg2[%dma_start3A_175, %dma_start3A_176] : memref<1040000x16xf32, #tpu.memory_space<hbm>> -> memref<1040000x16xf32, #tpu.memory_space<hbm>>
    tpu.enqueue_indirect_dma source(%dma_start3A_177 : memref<1040000x16xf32, #tpu.memory_space<hbm>>) target(%dma_start3A_172 : memref<128x16xf32, #tpu.memory_space<vmem>>) offsets(%dma_start3A_174 : memref<128xi32, #tpu.memory_space<vmem>>) semaphore(%arg9 : memref<!tpu.dma_semaphore, #tpu.memory_space<semaphore_mem>>)
    %dma_start3A_178 = arith.constant 1152 : i32
    %dma_start3A_179 = arith.constant 0 : i32
    %dma_start3A_180 = tpu.memref_slice %arg7[%dma_start3A_178, %dma_start3A_179] : memref<1664x16xf32, #tpu.memory_space<vmem>> -> memref<128x16xf32, #tpu.memory_space<vmem>>
    %dma_start3A_181 = arith.constant 2816 : i32
    %dma_start3A_182 = tpu.memref_slice %arg5[%dma_start3A_181] : memref<6656xi32, #tpu.memory_space<vmem>> -> memref<128xi32, #tpu.memory_space<vmem>>
    %dma_start3A_183 = arith.constant 0 : i32
    %dma_start3A_184 = arith.constant 0 : i32
    %dma_start3A_185 = tpu.memref_slice %arg2[%dma_start3A_183, %dma_start3A_184] : memref<1040000x16xf32, #tpu.memory_space<hbm>> -> memref<1040000x16xf32, #tpu.memory_space<hbm>>
    tpu.enqueue_indirect_dma source(%dma_start3A_185 : memref<1040000x16xf32, #tpu.memory_space<hbm>>) target(%dma_start3A_180 : memref<128x16xf32, #tpu.memory_space<vmem>>) offsets(%dma_start3A_182 : memref<128xi32, #tpu.memory_space<vmem>>) semaphore(%arg9 : memref<!tpu.dma_semaphore, #tpu.memory_space<semaphore_mem>>)
    %dma_start3A_186 = arith.constant 1280 : i32
    %dma_start3A_187 = arith.constant 0 : i32
    %dma_start3A_188 = tpu.memref_slice %arg7[%dma_start3A_186, %dma_start3A_187] : memref<1664x16xf32, #tpu.memory_space<vmem>> -> memref<128x16xf32, #tpu.memory_space<vmem>>
    %dma_start3A_189 = arith.constant 2944 : i32
    %dma_start3A_190 = tpu.memref_slice %arg5[%dma_start3A_189] : memref<6656xi32, #tpu.memory_space<vmem>> -> memref<128xi32, #tpu.memory_space<vmem>>
    %dma_start3A_191 = arith.constant 0 : i32
    %dma_start3A_192 = arith.constant 0 : i32
    %dma_start3A_193 = tpu.memref_slice %arg2[%dma_start3A_191, %dma_start3A_192] : memref<1040000x16xf32, #tpu.memory_space<hbm>> -> memref<1040000x16xf32, #tpu.memory_space<hbm>>
    tpu.enqueue_indirect_dma source(%dma_start3A_193 : memref<1040000x16xf32, #tpu.memory_space<hbm>>) target(%dma_start3A_188 : memref<128x16xf32, #tpu.memory_space<vmem>>) offsets(%dma_start3A_190 : memref<128xi32, #tpu.memory_space<vmem>>) semaphore(%arg9 : memref<!tpu.dma_semaphore, #tpu.memory_space<semaphore_mem>>)
    %dma_start3A_194 = arith.constant 1408 : i32
    %dma_start3A_195 = arith.constant 0 : i32
    %dma_start3A_196 = tpu.memref_slice %arg7[%dma_start3A_194, %dma_start3A_195] : memref<1664x16xf32, #tpu.memory_space<vmem>> -> memref<128x16xf32, #tpu.memory_space<vmem>>
    %dma_start3A_197 = arith.constant 3072 : i32
    %dma_start3A_198 = tpu.memref_slice %arg5[%dma_start3A_197] : memref<6656xi32, #tpu.memory_space<vmem>> -> memref<128xi32, #tpu.memory_space<vmem>>
    %dma_start3A_199 = arith.constant 0 : i32
    %dma_start3A_200 = arith.constant 0 : i32
    %dma_start3A_201 = tpu.memref_slice %arg2[%dma_start3A_199, %dma_start3A_200] : memref<1040000x16xf32, #tpu.memory_space<hbm>> -> memref<1040000x16xf32, #tpu.memory_space<hbm>>
    tpu.enqueue_indirect_dma source(%dma_start3A_201 : memref<1040000x16xf32, #tpu.memory_space<hbm>>) target(%dma_start3A_196 : memref<128x16xf32, #tpu.memory_space<vmem>>) offsets(%dma_start3A_198 : memref<128xi32, #tpu.memory_space<vmem>>) semaphore(%arg9 : memref<!tpu.dma_semaphore, #tpu.memory_space<semaphore_mem>>)
    %dma_start3A_202 = arith.constant 1536 : i32
    %dma_start3A_203 = arith.constant 0 : i32
    %dma_start3A_204 = tpu.memref_slice %arg7[%dma_start3A_202, %dma_start3A_203] : memref<1664x16xf32, #tpu.memory_space<vmem>> -> memref<128x16xf32, #tpu.memory_space<vmem>>
    %dma_start3A_205 = arith.constant 3200 : i32
    %dma_start3A_206 = tpu.memref_slice %arg5[%dma_start3A_205] : memref<6656xi32, #tpu.memory_space<vmem>> -> memref<128xi32, #tpu.memory_space<vmem>>
    %dma_start3A_207 = arith.constant 0 : i32
    %dma_start3A_208 = arith.constant 0 : i32
    %dma_start3A_209 = tpu.memref_slice %arg2[%dma_start3A_207, %dma_start3A_208] : memref<1040000x16xf32, #tpu.memory_space<hbm>> -> memref<1040000x16xf32, #tpu.memory_space<hbm>>
    tpu.enqueue_indirect_dma source(%dma_start3A_209 : memref<1040000x16xf32, #tpu.memory_space<hbm>>) target(%dma_start3A_204 : memref<128x16xf32, #tpu.memory_space<vmem>>) offsets(%dma_start3A_206 : memref<128xi32, #tpu.memory_space<vmem>>) semaphore(%arg9 : memref<!tpu.dma_semaphore, #tpu.memory_space<semaphore_mem>>)
    %dma_wait3A = arith.constant 0 : i32
    %dma_wait3A_210 = arith.constant 0 : i32
    %dma_wait3A_211 = tpu.memref_slice %arg6[%dma_wait3A, %dma_wait3A_210] : memref<1664x16xf32, #tpu.memory_space<vmem>> -> memref<128x16xf32, #tpu.memory_space<vmem>>
    %dma_wait3A_212 = arith.constant 0 : i32
    %dma_wait3A_213 = tpu.memref_slice %arg5[%dma_wait3A_212] : memref<6656xi32, #tpu.memory_space<vmem>> -> memref<128xi32, #tpu.memory_space<vmem>>
    %dma_wait3A_214 = arith.constant 0 : i32
    %dma_wait3A_215 = arith.constant 0 : i32
    %dma_wait3A_216 = tpu.memref_slice %arg2[%dma_wait3A_214, %dma_wait3A_215] : memref<1040000x16xf32, #tpu.memory_space<hbm>> -> memref<1040000x16xf32, #tpu.memory_space<hbm>>
    tpu.wait_indirect_dma semaphore(%arg8 : memref<!tpu.dma_semaphore, #tpu.memory_space<semaphore_mem>>) src(%dma_wait3A_216 : memref<1040000x16xf32, #tpu.memory_space<hbm>>) dst(%dma_wait3A_211 : memref<128x16xf32, #tpu.memory_space<vmem>>)
    %dma_wait3A_217 = arith.constant 128 : i32
    %dma_wait3A_218 = arith.constant 0 : i32
    %dma_wait3A_219 = tpu.memref_slice %arg6[%dma_wait3A_217, %dma_wait3A_218] : memref<1664x16xf32, #tpu.memory_space<vmem>> -> memref<128x16xf32, #tpu.memory_space<vmem>>
    %dma_wait3A_220 = arith.constant 128 : i32
    %dma_wait3A_221 = tpu.memref_slice %arg5[%dma_wait3A_220] : memref<6656xi32, #tpu.memory_space<vmem>> -> memref<128xi32, #tpu.memory_space<vmem>>
    %dma_wait3A_222 = arith.constant 0 : i32
    %dma_wait3A_223 = arith.constant 0 : i32
    %dma_wait3A_224 = tpu.memref_slice %arg2[%dma_wait3A_222, %dma_wait3A_223] : memref<1040000x16xf32, #tpu.memory_space<hbm>> -> memref<1040000x16xf32, #tpu.memory_space<hbm>>
    tpu.wait_indirect_dma semaphore(%arg8 : memref<!tpu.dma_semaphore, #tpu.memory_space<semaphore_mem>>) src(%dma_wait3A_224 : memref<1040000x16xf32, #tpu.memory_space<hbm>>) dst(%dma_wait3A_219 : memref<128x16xf32, #tpu.memory_space<vmem>>)
    %dma_wait3A_225 = arith.constant 256 : i32
    %dma_wait3A_226 = arith.constant 0 : i32
    %dma_wait3A_227 = tpu.memref_slice %arg6[%dma_wait3A_225, %dma_wait3A_226] : memref<1664x16xf32, #tpu.memory_space<vmem>> -> memref<128x16xf32, #tpu.memory_space<vmem>>
    %dma_wait3A_228 = arith.constant 256 : i32
    %dma_wait3A_229 = tpu.memref_slice %arg5[%dma_wait3A_228] : memref<6656xi32, #tpu.memory_space<vmem>> -> memref<128xi32, #tpu.memory_space<vmem>>
    %dma_wait3A_230 = arith.constant 0 : i32
    %dma_wait3A_231 = arith.constant 0 : i32
    %dma_wait3A_232 = tpu.memref_slice %arg2[%dma_wait3A_230, %dma_wait3A_231] : memref<1040000x16xf32, #tpu.memory_space<hbm>> -> memref<1040000x16xf32, #tpu.memory_space<hbm>>
    tpu.wait_indirect_dma semaphore(%arg8 : memref<!tpu.dma_semaphore, #tpu.memory_space<semaphore_mem>>) src(%dma_wait3A_232 : memref<1040000x16xf32, #tpu.memory_space<hbm>>) dst(%dma_wait3A_227 : memref<128x16xf32, #tpu.memory_space<vmem>>)
    %dma_wait3A_233 = arith.constant 384 : i32
    %dma_wait3A_234 = arith.constant 0 : i32
    %dma_wait3A_235 = tpu.memref_slice %arg6[%dma_wait3A_233, %dma_wait3A_234] : memref<1664x16xf32, #tpu.memory_space<vmem>> -> memref<128x16xf32, #tpu.memory_space<vmem>>
    %dma_wait3A_236 = arith.constant 384 : i32
    %dma_wait3A_237 = tpu.memref_slice %arg5[%dma_wait3A_236] : memref<6656xi32, #tpu.memory_space<vmem>> -> memref<128xi32, #tpu.memory_space<vmem>>
    %dma_wait3A_238 = arith.constant 0 : i32
    %dma_wait3A_239 = arith.constant 0 : i32
    %dma_wait3A_240 = tpu.memref_slice %arg2[%dma_wait3A_238, %dma_wait3A_239] : memref<1040000x16xf32, #tpu.memory_space<hbm>> -> memref<1040000x16xf32, #tpu.memory_space<hbm>>
    tpu.wait_indirect_dma semaphore(%arg8 : memref<!tpu.dma_semaphore, #tpu.memory_space<semaphore_mem>>) src(%dma_wait3A_240 : memref<1040000x16xf32, #tpu.memory_space<hbm>>) dst(%dma_wait3A_235 : memref<128x16xf32, #tpu.memory_space<vmem>>)
    %dma_wait3A_241 = arith.constant 512 : i32
    %dma_wait3A_242 = arith.constant 0 : i32
    %dma_wait3A_243 = tpu.memref_slice %arg6[%dma_wait3A_241, %dma_wait3A_242] : memref<1664x16xf32, #tpu.memory_space<vmem>> -> memref<128x16xf32, #tpu.memory_space<vmem>>
    %dma_wait3A_244 = arith.constant 512 : i32
    %dma_wait3A_245 = tpu.memref_slice %arg5[%dma_wait3A_244] : memref<6656xi32, #tpu.memory_space<vmem>> -> memref<128xi32, #tpu.memory_space<vmem>>
    %dma_wait3A_246 = arith.constant 0 : i32
    %dma_wait3A_247 = arith.constant 0 : i32
    %dma_wait3A_248 = tpu.memref_slice %arg2[%dma_wait3A_246, %dma_wait3A_247] : memref<1040000x16xf32, #tpu.memory_space<hbm>> -> memref<1040000x16xf32, #tpu.memory_space<hbm>>
    tpu.wait_indirect_dma semaphore(%arg8 : memref<!tpu.dma_semaphore, #tpu.memory_space<semaphore_mem>>) src(%dma_wait3A_248 : memref<1040000x16xf32, #tpu.memory_space<hbm>>) dst(%dma_wait3A_243 : memref<128x16xf32, #tpu.memory_space<vmem>>)
    %dma_wait3A_249 = arith.constant 640 : i32
    %dma_wait3A_250 = arith.constant 0 : i32
    %dma_wait3A_251 = tpu.memref_slice %arg6[%dma_wait3A_249, %dma_wait3A_250] : memref<1664x16xf32, #tpu.memory_space<vmem>> -> memref<128x16xf32, #tpu.memory_space<vmem>>
    %dma_wait3A_252 = arith.constant 640 : i32
    %dma_wait3A_253 = tpu.memref_slice %arg5[%dma_wait3A_252] : memref<6656xi32, #tpu.memory_space<vmem>> -> memref<128xi32, #tpu.memory_space<vmem>>
    %dma_wait3A_254 = arith.constant 0 : i32
    %dma_wait3A_255 = arith.constant 0 : i32
    %dma_wait3A_256 = tpu.memref_slice %arg2[%dma_wait3A_254, %dma_wait3A_255] : memref<1040000x16xf32, #tpu.memory_space<hbm>> -> memref<1040000x16xf32, #tpu.memory_space<hbm>>
    tpu.wait_indirect_dma semaphore(%arg8 : memref<!tpu.dma_semaphore, #tpu.memory_space<semaphore_mem>>) src(%dma_wait3A_256 : memref<1040000x16xf32, #tpu.memory_space<hbm>>) dst(%dma_wait3A_251 : memref<128x16xf32, #tpu.memory_space<vmem>>)
    %dma_wait3A_257 = arith.constant 768 : i32
    %dma_wait3A_258 = arith.constant 0 : i32
    %dma_wait3A_259 = tpu.memref_slice %arg6[%dma_wait3A_257, %dma_wait3A_258] : memref<1664x16xf32, #tpu.memory_space<vmem>> -> memref<128x16xf32, #tpu.memory_space<vmem>>
    %dma_wait3A_260 = arith.constant 768 : i32
    %dma_wait3A_261 = tpu.memref_slice %arg5[%dma_wait3A_260] : memref<6656xi32, #tpu.memory_space<vmem>> -> memref<128xi32, #tpu.memory_space<vmem>>
    %dma_wait3A_262 = arith.constant 0 : i32
    %dma_wait3A_263 = arith.constant 0 : i32
    %dma_wait3A_264 = tpu.memref_slice %arg2[%dma_wait3A_262, %dma_wait3A_263] : memref<1040000x16xf32, #tpu.memory_space<hbm>> -> memref<1040000x16xf32, #tpu.memory_space<hbm>>
    tpu.wait_indirect_dma semaphore(%arg8 : memref<!tpu.dma_semaphore, #tpu.memory_space<semaphore_mem>>) src(%dma_wait3A_264 : memref<1040000x16xf32, #tpu.memory_space<hbm>>) dst(%dma_wait3A_259 : memref<128x16xf32, #tpu.memory_space<vmem>>)
    %dma_wait3A_265 = arith.constant 896 : i32
    %dma_wait3A_266 = arith.constant 0 : i32
    %dma_wait3A_267 = tpu.memref_slice %arg6[%dma_wait3A_265, %dma_wait3A_266] : memref<1664x16xf32, #tpu.memory_space<vmem>> -> memref<128x16xf32, #tpu.memory_space<vmem>>
    %dma_wait3A_268 = arith.constant 896 : i32
    %dma_wait3A_269 = tpu.memref_slice %arg5[%dma_wait3A_268] : memref<6656xi32, #tpu.memory_space<vmem>> -> memref<128xi32, #tpu.memory_space<vmem>>
    %dma_wait3A_270 = arith.constant 0 : i32
    %dma_wait3A_271 = arith.constant 0 : i32
    %dma_wait3A_272 = tpu.memref_slice %arg2[%dma_wait3A_270, %dma_wait3A_271] : memref<1040000x16xf32, #tpu.memory_space<hbm>> -> memref<1040000x16xf32, #tpu.memory_space<hbm>>
    tpu.wait_indirect_dma semaphore(%arg8 : memref<!tpu.dma_semaphore, #tpu.memory_space<semaphore_mem>>) src(%dma_wait3A_272 : memref<1040000x16xf32, #tpu.memory_space<hbm>>) dst(%dma_wait3A_267 : memref<128x16xf32, #tpu.memory_space<vmem>>)
    %dma_wait3A_273 = arith.constant 1024 : i32
    %dma_wait3A_274 = arith.constant 0 : i32
    %dma_wait3A_275 = tpu.memref_slice %arg6[%dma_wait3A_273, %dma_wait3A_274] : memref<1664x16xf32, #tpu.memory_space<vmem>> -> memref<128x16xf32, #tpu.memory_space<vmem>>
    %dma_wait3A_276 = arith.constant 1024 : i32
    %dma_wait3A_277 = tpu.memref_slice %arg5[%dma_wait3A_276] : memref<6656xi32, #tpu.memory_space<vmem>> -> memref<128xi32, #tpu.memory_space<vmem>>
    %dma_wait3A_278 = arith.constant 0 : i32
    %dma_wait3A_279 = arith.constant 0 : i32
    %dma_wait3A_280 = tpu.memref_slice %arg2[%dma_wait3A_278, %dma_wait3A_279] : memref<1040000x16xf32, #tpu.memory_space<hbm>> -> memref<1040000x16xf32, #tpu.memory_space<hbm>>
    tpu.wait_indirect_dma semaphore(%arg8 : memref<!tpu.dma_semaphore, #tpu.memory_space<semaphore_mem>>) src(%dma_wait3A_280 : memref<1040000x16xf32, #tpu.memory_space<hbm>>) dst(%dma_wait3A_275 : memref<128x16xf32, #tpu.memory_space<vmem>>)
    %dma_wait3A_281 = arith.constant 1152 : i32
    %dma_wait3A_282 = arith.constant 0 : i32
    %dma_wait3A_283 = tpu.memref_slice %arg6[%dma_wait3A_281, %dma_wait3A_282] : memref<1664x16xf32, #tpu.memory_space<vmem>> -> memref<128x16xf32, #tpu.memory_space<vmem>>
    %dma_wait3A_284 = arith.constant 1152 : i32
    %dma_wait3A_285 = tpu.memref_slice %arg5[%dma_wait3A_284] : memref<6656xi32, #tpu.memory_space<vmem>> -> memref<128xi32, #tpu.memory_space<vmem>>
    %dma_wait3A_286 = arith.constant 0 : i32
    %dma_wait3A_287 = arith.constant 0 : i32
    %dma_wait3A_288 = tpu.memref_slice %arg2[%dma_wait3A_286, %dma_wait3A_287] : memref<1040000x16xf32, #tpu.memory_space<hbm>> -> memref<1040000x16xf32, #tpu.memory_space<hbm>>
    tpu.wait_indirect_dma semaphore(%arg8 : memref<!tpu.dma_semaphore, #tpu.memory_space<semaphore_mem>>) src(%dma_wait3A_288 : memref<1040000x16xf32, #tpu.memory_space<hbm>>) dst(%dma_wait3A_283 : memref<128x16xf32, #tpu.memory_space<vmem>>)
    %dma_wait3A_289 = arith.constant 1280 : i32
    %dma_wait3A_290 = arith.constant 0 : i32
    %dma_wait3A_291 = tpu.memref_slice %arg6[%dma_wait3A_289, %dma_wait3A_290] : memref<1664x16xf32, #tpu.memory_space<vmem>> -> memref<128x16xf32, #tpu.memory_space<vmem>>
    %dma_wait3A_292 = arith.constant 1280 : i32
    %dma_wait3A_293 = tpu.memref_slice %arg5[%dma_wait3A_292] : memref<6656xi32, #tpu.memory_space<vmem>> -> memref<128xi32, #tpu.memory_space<vmem>>
    %dma_wait3A_294 = arith.constant 0 : i32
    %dma_wait3A_295 = arith.constant 0 : i32
    %dma_wait3A_296 = tpu.memref_slice %arg2[%dma_wait3A_294, %dma_wait3A_295] : memref<1040000x16xf32, #tpu.memory_space<hbm>> -> memref<1040000x16xf32, #tpu.memory_space<hbm>>
    tpu.wait_indirect_dma semaphore(%arg8 : memref<!tpu.dma_semaphore, #tpu.memory_space<semaphore_mem>>) src(%dma_wait3A_296 : memref<1040000x16xf32, #tpu.memory_space<hbm>>) dst(%dma_wait3A_291 : memref<128x16xf32, #tpu.memory_space<vmem>>)
    %dma_wait3A_297 = arith.constant 1408 : i32
    %dma_wait3A_298 = arith.constant 0 : i32
    %dma_wait3A_299 = tpu.memref_slice %arg6[%dma_wait3A_297, %dma_wait3A_298] : memref<1664x16xf32, #tpu.memory_space<vmem>> -> memref<128x16xf32, #tpu.memory_space<vmem>>
    %dma_wait3A_300 = arith.constant 1408 : i32
    %dma_wait3A_301 = tpu.memref_slice %arg5[%dma_wait3A_300] : memref<6656xi32, #tpu.memory_space<vmem>> -> memref<128xi32, #tpu.memory_space<vmem>>
    %dma_wait3A_302 = arith.constant 0 : i32
    %dma_wait3A_303 = arith.constant 0 : i32
    %dma_wait3A_304 = tpu.memref_slice %arg2[%dma_wait3A_302, %dma_wait3A_303] : memref<1040000x16xf32, #tpu.memory_space<hbm>> -> memref<1040000x16xf32, #tpu.memory_space<hbm>>
    tpu.wait_indirect_dma semaphore(%arg8 : memref<!tpu.dma_semaphore, #tpu.memory_space<semaphore_mem>>) src(%dma_wait3A_304 : memref<1040000x16xf32, #tpu.memory_space<hbm>>) dst(%dma_wait3A_299 : memref<128x16xf32, #tpu.memory_space<vmem>>)
    %dma_wait3A_305 = arith.constant 1536 : i32
    %dma_wait3A_306 = arith.constant 0 : i32
    %dma_wait3A_307 = tpu.memref_slice %arg6[%dma_wait3A_305, %dma_wait3A_306] : memref<1664x16xf32, #tpu.memory_space<vmem>> -> memref<128x16xf32, #tpu.memory_space<vmem>>
    %dma_wait3A_308 = arith.constant 1536 : i32
    %dma_wait3A_309 = tpu.memref_slice %arg5[%dma_wait3A_308] : memref<6656xi32, #tpu.memory_space<vmem>> -> memref<128xi32, #tpu.memory_space<vmem>>
    %dma_wait3A_310 = arith.constant 0 : i32
    %dma_wait3A_311 = arith.constant 0 : i32
    %dma_wait3A_312 = tpu.memref_slice %arg2[%dma_wait3A_310, %dma_wait3A_311] : memref<1040000x16xf32, #tpu.memory_space<hbm>> -> memref<1040000x16xf32, #tpu.memory_space<hbm>>
    tpu.wait_indirect_dma semaphore(%arg8 : memref<!tpu.dma_semaphore, #tpu.memory_space<semaphore_mem>>) src(%dma_wait3A_312 : memref<1040000x16xf32, #tpu.memory_space<hbm>>) dst(%dma_wait3A_307 : memref<128x16xf32, #tpu.memory_space<vmem>>)
    %add3A_313 = arith.constant 0 : i32
    %add3A_314 = arith.addi %mul3A_2, %add3A_313 : i32
    "tpu.region"() ({
      %run_scoped3A = tpu.sem_alloc : memref<!tpu.dma_semaphore, #tpu.memory_space<semaphore_mem>>
      %dma_start3A_841 = arith.constant 0 : i32
      %dma_start3A_842 = tpu.memref_slice %arg4[%add3A_314, %dma_start3A_841] : memref<212992x16xf32, #tpu.memory_space<hbm>> -> memref<1664x16xf32, #tpu.memory_space<hbm>>
      %dma_start3A_843 = arith.constant 0 : i32
      %dma_start3A_844 = tpu.memref_slice %arg4[%add3A_314, %dma_start3A_843] : memref<212992x16xf32, #tpu.memory_space<hbm>> -> memref<1664x16xf32, #tpu.memory_space<hbm>>
      tpu.enqueue_dma source(%arg6 : memref<1664x16xf32, #tpu.memory_space<vmem>>) target(%dma_start3A_844 : memref<1664x16xf32, #tpu.memory_space<hbm>>) target_semaphore(%run_scoped3A : memref<!tpu.dma_semaphore, #tpu.memory_space<semaphore_mem>>)
      %dma_wait3A_845 = arith.constant 0 : i32
      %dma_wait3A_846 = tpu.memref_slice %arg4[%add3A_314, %dma_wait3A_845] : memref<212992x16xf32, #tpu.memory_space<hbm>> -> memref<1664x16xf32, #tpu.memory_space<hbm>>
      %dma_wait3A_847 = arith.constant 0 : i32
      %dma_wait3A_848 = tpu.memref_slice %arg4[%add3A_314, %dma_wait3A_847] : memref<212992x16xf32, #tpu.memory_space<hbm>> -> memref<1664x16xf32, #tpu.memory_space<hbm>>
      tpu.wait_dma2 semaphore(%run_scoped3A : memref<!tpu.dma_semaphore, #tpu.memory_space<semaphore_mem>>) src(%arg6 : memref<1664x16xf32, #tpu.memory_space<vmem>>) dst(%dma_wait3A_848 : memref<1664x16xf32, #tpu.memory_space<hbm>>)
      tpu.yield
    }) : () -> ()
    %dma_start3A_315 = arith.constant 0 : i32
    %dma_start3A_316 = arith.constant 0 : i32
    %dma_start3A_317 = tpu.memref_slice %arg6[%dma_start3A_315, %dma_start3A_316] : memref<1664x16xf32, #tpu.memory_space<vmem>> -> memref<128x16xf32, #tpu.memory_space<vmem>>
    %dma_start3A_318 = arith.constant 3328 : i32
    %dma_start3A_319 = tpu.memref_slice %arg5[%dma_start3A_318] : memref<6656xi32, #tpu.memory_space<vmem>> -> memref<128xi32, #tpu.memory_space<vmem>>
    %dma_start3A_320 = arith.constant 0 : i32
    %dma_start3A_321 = arith.constant 0 : i32
    %dma_start3A_322 = tpu.memref_slice %arg2[%dma_start3A_320, %dma_start3A_321] : memref<1040000x16xf32, #tpu.memory_space<hbm>> -> memref<1040000x16xf32, #tpu.memory_space<hbm>>
    tpu.enqueue_indirect_dma source(%dma_start3A_322 : memref<1040000x16xf32, #tpu.memory_space<hbm>>) target(%dma_start3A_317 : memref<128x16xf32, #tpu.memory_space<vmem>>) offsets(%dma_start3A_319 : memref<128xi32, #tpu.memory_space<vmem>>) semaphore(%arg8 : memref<!tpu.dma_semaphore, #tpu.memory_space<semaphore_mem>>)
    %dma_start3A_323 = arith.constant 128 : i32
    %dma_start3A_324 = arith.constant 0 : i32
    %dma_start3A_325 = tpu.memref_slice %arg6[%dma_start3A_323, %dma_start3A_324] : memref<1664x16xf32, #tpu.memory_space<vmem>> -> memref<128x16xf32, #tpu.memory_space<vmem>>
    %dma_start3A_326 = arith.constant 3456 : i32
    %dma_start3A_327 = tpu.memref_slice %arg5[%dma_start3A_326] : memref<6656xi32, #tpu.memory_space<vmem>> -> memref<128xi32, #tpu.memory_space<vmem>>
    %dma_start3A_328 = arith.constant 0 : i32
    %dma_start3A_329 = arith.constant 0 : i32
    %dma_start3A_330 = tpu.memref_slice %arg2[%dma_start3A_328, %dma_start3A_329] : memref<1040000x16xf32, #tpu.memory_space<hbm>> -> memref<1040000x16xf32, #tpu.memory_space<hbm>>
    tpu.enqueue_indirect_dma source(%dma_start3A_330 : memref<1040000x16xf32, #tpu.memory_space<hbm>>) target(%dma_start3A_325 : memref<128x16xf32, #tpu.memory_space<vmem>>) offsets(%dma_start3A_327 : memref<128xi32, #tpu.memory_space<vmem>>) semaphore(%arg8 : memref<!tpu.dma_semaphore, #tpu.memory_space<semaphore_mem>>)
    %dma_start3A_331 = arith.constant 256 : i32
    %dma_start3A_332 = arith.constant 0 : i32
    %dma_start3A_333 = tpu.memref_slice %arg6[%dma_start3A_331, %dma_start3A_332] : memref<1664x16xf32, #tpu.memory_space<vmem>> -> memref<128x16xf32, #tpu.memory_space<vmem>>
    %dma_start3A_334 = arith.constant 3584 : i32
    %dma_start3A_335 = tpu.memref_slice %arg5[%dma_start3A_334] : memref<6656xi32, #tpu.memory_space<vmem>> -> memref<128xi32, #tpu.memory_space<vmem>>
    %dma_start3A_336 = arith.constant 0 : i32
    %dma_start3A_337 = arith.constant 0 : i32
    %dma_start3A_338 = tpu.memref_slice %arg2[%dma_start3A_336, %dma_start3A_337] : memref<1040000x16xf32, #tpu.memory_space<hbm>> -> memref<1040000x16xf32, #tpu.memory_space<hbm>>
    tpu.enqueue_indirect_dma source(%dma_start3A_338 : memref<1040000x16xf32, #tpu.memory_space<hbm>>) target(%dma_start3A_333 : memref<128x16xf32, #tpu.memory_space<vmem>>) offsets(%dma_start3A_335 : memref<128xi32, #tpu.memory_space<vmem>>) semaphore(%arg8 : memref<!tpu.dma_semaphore, #tpu.memory_space<semaphore_mem>>)
    %dma_start3A_339 = arith.constant 384 : i32
    %dma_start3A_340 = arith.constant 0 : i32
    %dma_start3A_341 = tpu.memref_slice %arg6[%dma_start3A_339, %dma_start3A_340] : memref<1664x16xf32, #tpu.memory_space<vmem>> -> memref<128x16xf32, #tpu.memory_space<vmem>>
    %dma_start3A_342 = arith.constant 3712 : i32
    %dma_start3A_343 = tpu.memref_slice %arg5[%dma_start3A_342] : memref<6656xi32, #tpu.memory_space<vmem>> -> memref<128xi32, #tpu.memory_space<vmem>>
    %dma_start3A_344 = arith.constant 0 : i32
    %dma_start3A_345 = arith.constant 0 : i32
    %dma_start3A_346 = tpu.memref_slice %arg2[%dma_start3A_344, %dma_start3A_345] : memref<1040000x16xf32, #tpu.memory_space<hbm>> -> memref<1040000x16xf32, #tpu.memory_space<hbm>>
    tpu.enqueue_indirect_dma source(%dma_start3A_346 : memref<1040000x16xf32, #tpu.memory_space<hbm>>) target(%dma_start3A_341 : memref<128x16xf32, #tpu.memory_space<vmem>>) offsets(%dma_start3A_343 : memref<128xi32, #tpu.memory_space<vmem>>) semaphore(%arg8 : memref<!tpu.dma_semaphore, #tpu.memory_space<semaphore_mem>>)
    %dma_start3A_347 = arith.constant 512 : i32
    %dma_start3A_348 = arith.constant 0 : i32
    %dma_start3A_349 = tpu.memref_slice %arg6[%dma_start3A_347, %dma_start3A_348] : memref<1664x16xf32, #tpu.memory_space<vmem>> -> memref<128x16xf32, #tpu.memory_space<vmem>>
    %dma_start3A_350 = arith.constant 3840 : i32
    %dma_start3A_351 = tpu.memref_slice %arg5[%dma_start3A_350] : memref<6656xi32, #tpu.memory_space<vmem>> -> memref<128xi32, #tpu.memory_space<vmem>>
    %dma_start3A_352 = arith.constant 0 : i32
    %dma_start3A_353 = arith.constant 0 : i32
    %dma_start3A_354 = tpu.memref_slice %arg2[%dma_start3A_352, %dma_start3A_353] : memref<1040000x16xf32, #tpu.memory_space<hbm>> -> memref<1040000x16xf32, #tpu.memory_space<hbm>>
    tpu.enqueue_indirect_dma source(%dma_start3A_354 : memref<1040000x16xf32, #tpu.memory_space<hbm>>) target(%dma_start3A_349 : memref<128x16xf32, #tpu.memory_space<vmem>>) offsets(%dma_start3A_351 : memref<128xi32, #tpu.memory_space<vmem>>) semaphore(%arg8 : memref<!tpu.dma_semaphore, #tpu.memory_space<semaphore_mem>>)
    %dma_start3A_355 = arith.constant 640 : i32
    %dma_start3A_356 = arith.constant 0 : i32
    %dma_start3A_357 = tpu.memref_slice %arg6[%dma_start3A_355, %dma_start3A_356] : memref<1664x16xf32, #tpu.memory_space<vmem>> -> memref<128x16xf32, #tpu.memory_space<vmem>>
    %dma_start3A_358 = arith.constant 3968 : i32
    %dma_start3A_359 = tpu.memref_slice %arg5[%dma_start3A_358] : memref<6656xi32, #tpu.memory_space<vmem>> -> memref<128xi32, #tpu.memory_space<vmem>>
    %dma_start3A_360 = arith.constant 0 : i32
    %dma_start3A_361 = arith.constant 0 : i32
    %dma_start3A_362 = tpu.memref_slice %arg2[%dma_start3A_360, %dma_start3A_361] : memref<1040000x16xf32, #tpu.memory_space<hbm>> -> memref<1040000x16xf32, #tpu.memory_space<hbm>>
    tpu.enqueue_indirect_dma source(%dma_start3A_362 : memref<1040000x16xf32, #tpu.memory_space<hbm>>) target(%dma_start3A_357 : memref<128x16xf32, #tpu.memory_space<vmem>>) offsets(%dma_start3A_359 : memref<128xi32, #tpu.memory_space<vmem>>) semaphore(%arg8 : memref<!tpu.dma_semaphore, #tpu.memory_space<semaphore_mem>>)
    %dma_start3A_363 = arith.constant 768 : i32
    %dma_start3A_364 = arith.constant 0 : i32
    %dma_start3A_365 = tpu.memref_slice %arg6[%dma_start3A_363, %dma_start3A_364] : memref<1664x16xf32, #tpu.memory_space<vmem>> -> memref<128x16xf32, #tpu.memory_space<vmem>>
    %dma_start3A_366 = arith.constant 4096 : i32
    %dma_start3A_367 = tpu.memref_slice %arg5[%dma_start3A_366] : memref<6656xi32, #tpu.memory_space<vmem>> -> memref<128xi32, #tpu.memory_space<vmem>>
    %dma_start3A_368 = arith.constant 0 : i32
    %dma_start3A_369 = arith.constant 0 : i32
    %dma_start3A_370 = tpu.memref_slice %arg2[%dma_start3A_368, %dma_start3A_369] : memref<1040000x16xf32, #tpu.memory_space<hbm>> -> memref<1040000x16xf32, #tpu.memory_space<hbm>>
    tpu.enqueue_indirect_dma source(%dma_start3A_370 : memref<1040000x16xf32, #tpu.memory_space<hbm>>) target(%dma_start3A_365 : memref<128x16xf32, #tpu.memory_space<vmem>>) offsets(%dma_start3A_367 : memref<128xi32, #tpu.memory_space<vmem>>) semaphore(%arg8 : memref<!tpu.dma_semaphore, #tpu.memory_space<semaphore_mem>>)
    %dma_start3A_371 = arith.constant 896 : i32
    %dma_start3A_372 = arith.constant 0 : i32
    %dma_start3A_373 = tpu.memref_slice %arg6[%dma_start3A_371, %dma_start3A_372] : memref<1664x16xf32, #tpu.memory_space<vmem>> -> memref<128x16xf32, #tpu.memory_space<vmem>>
    %dma_start3A_374 = arith.constant 4224 : i32
    %dma_start3A_375 = tpu.memref_slice %arg5[%dma_start3A_374] : memref<6656xi32, #tpu.memory_space<vmem>> -> memref<128xi32, #tpu.memory_space<vmem>>
    %dma_start3A_376 = arith.constant 0 : i32
    %dma_start3A_377 = arith.constant 0 : i32
    %dma_start3A_378 = tpu.memref_slice %arg2[%dma_start3A_376, %dma_start3A_377] : memref<1040000x16xf32, #tpu.memory_space<hbm>> -> memref<1040000x16xf32, #tpu.memory_space<hbm>>
    tpu.enqueue_indirect_dma source(%dma_start3A_378 : memref<1040000x16xf32, #tpu.memory_space<hbm>>) target(%dma_start3A_373 : memref<128x16xf32, #tpu.memory_space<vmem>>) offsets(%dma_start3A_375 : memref<128xi32, #tpu.memory_space<vmem>>) semaphore(%arg8 : memref<!tpu.dma_semaphore, #tpu.memory_space<semaphore_mem>>)
    %dma_start3A_379 = arith.constant 1024 : i32
    %dma_start3A_380 = arith.constant 0 : i32
    %dma_start3A_381 = tpu.memref_slice %arg6[%dma_start3A_379, %dma_start3A_380] : memref<1664x16xf32, #tpu.memory_space<vmem>> -> memref<128x16xf32, #tpu.memory_space<vmem>>
    %dma_start3A_382 = arith.constant 4352 : i32
    %dma_start3A_383 = tpu.memref_slice %arg5[%dma_start3A_382] : memref<6656xi32, #tpu.memory_space<vmem>> -> memref<128xi32, #tpu.memory_space<vmem>>
    %dma_start3A_384 = arith.constant 0 : i32
    %dma_start3A_385 = arith.constant 0 : i32
    %dma_start3A_386 = tpu.memref_slice %arg2[%dma_start3A_384, %dma_start3A_385] : memref<1040000x16xf32, #tpu.memory_space<hbm>> -> memref<1040000x16xf32, #tpu.memory_space<hbm>>
    tpu.enqueue_indirect_dma source(%dma_start3A_386 : memref<1040000x16xf32, #tpu.memory_space<hbm>>) target(%dma_start3A_381 : memref<128x16xf32, #tpu.memory_space<vmem>>) offsets(%dma_start3A_383 : memref<128xi32, #tpu.memory_space<vmem>>) semaphore(%arg8 : memref<!tpu.dma_semaphore, #tpu.memory_space<semaphore_mem>>)
    %dma_start3A_387 = arith.constant 1152 : i32
    %dma_start3A_388 = arith.constant 0 : i32
    %dma_start3A_389 = tpu.memref_slice %arg6[%dma_start3A_387, %dma_start3A_388] : memref<1664x16xf32, #tpu.memory_space<vmem>> -> memref<128x16xf32, #tpu.memory_space<vmem>>
    %dma_start3A_390 = arith.constant 4480 : i32
    %dma_start3A_391 = tpu.memref_slice %arg5[%dma_start3A_390] : memref<6656xi32, #tpu.memory_space<vmem>> -> memref<128xi32, #tpu.memory_space<vmem>>
    %dma_start3A_392 = arith.constant 0 : i32
    %dma_start3A_393 = arith.constant 0 : i32
    %dma_start3A_394 = tpu.memref_slice %arg2[%dma_start3A_392, %dma_start3A_393] : memref<1040000x16xf32, #tpu.memory_space<hbm>> -> memref<1040000x16xf32, #tpu.memory_space<hbm>>
    tpu.enqueue_indirect_dma source(%dma_start3A_394 : memref<1040000x16xf32, #tpu.memory_space<hbm>>) target(%dma_start3A_389 : memref<128x16xf32, #tpu.memory_space<vmem>>) offsets(%dma_start3A_391 : memref<128xi32, #tpu.memory_space<vmem>>) semaphore(%arg8 : memref<!tpu.dma_semaphore, #tpu.memory_space<semaphore_mem>>)
    %dma_start3A_395 = arith.constant 1280 : i32
    %dma_start3A_396 = arith.constant 0 : i32
    %dma_start3A_397 = tpu.memref_slice %arg6[%dma_start3A_395, %dma_start3A_396] : memref<1664x16xf32, #tpu.memory_space<vmem>> -> memref<128x16xf32, #tpu.memory_space<vmem>>
    %dma_start3A_398 = arith.constant 4608 : i32
    %dma_start3A_399 = tpu.memref_slice %arg5[%dma_start3A_398] : memref<6656xi32, #tpu.memory_space<vmem>> -> memref<128xi32, #tpu.memory_space<vmem>>
    %dma_start3A_400 = arith.constant 0 : i32
    %dma_start3A_401 = arith.constant 0 : i32
    %dma_start3A_402 = tpu.memref_slice %arg2[%dma_start3A_400, %dma_start3A_401] : memref<1040000x16xf32, #tpu.memory_space<hbm>> -> memref<1040000x16xf32, #tpu.memory_space<hbm>>
    tpu.enqueue_indirect_dma source(%dma_start3A_402 : memref<1040000x16xf32, #tpu.memory_space<hbm>>) target(%dma_start3A_397 : memref<128x16xf32, #tpu.memory_space<vmem>>) offsets(%dma_start3A_399 : memref<128xi32, #tpu.memory_space<vmem>>) semaphore(%arg8 : memref<!tpu.dma_semaphore, #tpu.memory_space<semaphore_mem>>)
    %dma_start3A_403 = arith.constant 1408 : i32
    %dma_start3A_404 = arith.constant 0 : i32
    %dma_start3A_405 = tpu.memref_slice %arg6[%dma_start3A_403, %dma_start3A_404] : memref<1664x16xf32, #tpu.memory_space<vmem>> -> memref<128x16xf32, #tpu.memory_space<vmem>>
    %dma_start3A_406 = arith.constant 4736 : i32
    %dma_start3A_407 = tpu.memref_slice %arg5[%dma_start3A_406] : memref<6656xi32, #tpu.memory_space<vmem>> -> memref<128xi32, #tpu.memory_space<vmem>>
    %dma_start3A_408 = arith.constant 0 : i32
    %dma_start3A_409 = arith.constant 0 : i32
    %dma_start3A_410 = tpu.memref_slice %arg2[%dma_start3A_408, %dma_start3A_409] : memref<1040000x16xf32, #tpu.memory_space<hbm>> -> memref<1040000x16xf32, #tpu.memory_space<hbm>>
    tpu.enqueue_indirect_dma source(%dma_start3A_410 : memref<1040000x16xf32, #tpu.memory_space<hbm>>) target(%dma_start3A_405 : memref<128x16xf32, #tpu.memory_space<vmem>>) offsets(%dma_start3A_407 : memref<128xi32, #tpu.memory_space<vmem>>) semaphore(%arg8 : memref<!tpu.dma_semaphore, #tpu.memory_space<semaphore_mem>>)
    %dma_start3A_411 = arith.constant 1536 : i32
    %dma_start3A_412 = arith.constant 0 : i32
    %dma_start3A_413 = tpu.memref_slice %arg6[%dma_start3A_411, %dma_start3A_412] : memref<1664x16xf32, #tpu.memory_space<vmem>> -> memref<128x16xf32, #tpu.memory_space<vmem>>
    %dma_start3A_414 = arith.constant 4864 : i32
    %dma_start3A_415 = tpu.memref_slice %arg5[%dma_start3A_414] : memref<6656xi32, #tpu.memory_space<vmem>> -> memref<128xi32, #tpu.memory_space<vmem>>
    %dma_start3A_416 = arith.constant 0 : i32
    %dma_start3A_417 = arith.constant 0 : i32
    %dma_start3A_418 = tpu.memref_slice %arg2[%dma_start3A_416, %dma_start3A_417] : memref<1040000x16xf32, #tpu.memory_space<hbm>> -> memref<1040000x16xf32, #tpu.memory_space<hbm>>
    tpu.enqueue_indirect_dma source(%dma_start3A_418 : memref<1040000x16xf32, #tpu.memory_space<hbm>>) target(%dma_start3A_413 : memref<128x16xf32, #tpu.memory_space<vmem>>) offsets(%dma_start3A_415 : memref<128xi32, #tpu.memory_space<vmem>>) semaphore(%arg8 : memref<!tpu.dma_semaphore, #tpu.memory_space<semaphore_mem>>)
    %dma_wait3A_419 = arith.constant 0 : i32
    %dma_wait3A_420 = arith.constant 0 : i32
    %dma_wait3A_421 = tpu.memref_slice %arg7[%dma_wait3A_419, %dma_wait3A_420] : memref<1664x16xf32, #tpu.memory_space<vmem>> -> memref<128x16xf32, #tpu.memory_space<vmem>>
    %dma_wait3A_422 = arith.constant 1664 : i32
    %dma_wait3A_423 = tpu.memref_slice %arg5[%dma_wait3A_422] : memref<6656xi32, #tpu.memory_space<vmem>> -> memref<128xi32, #tpu.memory_space<vmem>>
    %dma_wait3A_424 = arith.constant 0 : i32
    %dma_wait3A_425 = arith.constant 0 : i32
    %dma_wait3A_426 = tpu.memref_slice %arg2[%dma_wait3A_424, %dma_wait3A_425] : memref<1040000x16xf32, #tpu.memory_space<hbm>> -> memref<1040000x16xf32, #tpu.memory_space<hbm>>
    tpu.wait_indirect_dma semaphore(%arg9 : memref<!tpu.dma_semaphore, #tpu.memory_space<semaphore_mem>>) src(%dma_wait3A_426 : memref<1040000x16xf32, #tpu.memory_space<hbm>>) dst(%dma_wait3A_421 : memref<128x16xf32, #tpu.memory_space<vmem>>)
    %dma_wait3A_427 = arith.constant 128 : i32
    %dma_wait3A_428 = arith.constant 0 : i32
    %dma_wait3A_429 = tpu.memref_slice %arg7[%dma_wait3A_427, %dma_wait3A_428] : memref<1664x16xf32, #tpu.memory_space<vmem>> -> memref<128x16xf32, #tpu.memory_space<vmem>>
    %dma_wait3A_430 = arith.constant 1792 : i32
    %dma_wait3A_431 = tpu.memref_slice %arg5[%dma_wait3A_430] : memref<6656xi32, #tpu.memory_space<vmem>> -> memref<128xi32, #tpu.memory_space<vmem>>
    %dma_wait3A_432 = arith.constant 0 : i32
    %dma_wait3A_433 = arith.constant 0 : i32
    %dma_wait3A_434 = tpu.memref_slice %arg2[%dma_wait3A_432, %dma_wait3A_433] : memref<1040000x16xf32, #tpu.memory_space<hbm>> -> memref<1040000x16xf32, #tpu.memory_space<hbm>>
    tpu.wait_indirect_dma semaphore(%arg9 : memref<!tpu.dma_semaphore, #tpu.memory_space<semaphore_mem>>) src(%dma_wait3A_434 : memref<1040000x16xf32, #tpu.memory_space<hbm>>) dst(%dma_wait3A_429 : memref<128x16xf32, #tpu.memory_space<vmem>>)
    %dma_wait3A_435 = arith.constant 256 : i32
    %dma_wait3A_436 = arith.constant 0 : i32
    %dma_wait3A_437 = tpu.memref_slice %arg7[%dma_wait3A_435, %dma_wait3A_436] : memref<1664x16xf32, #tpu.memory_space<vmem>> -> memref<128x16xf32, #tpu.memory_space<vmem>>
    %dma_wait3A_438 = arith.constant 1920 : i32
    %dma_wait3A_439 = tpu.memref_slice %arg5[%dma_wait3A_438] : memref<6656xi32, #tpu.memory_space<vmem>> -> memref<128xi32, #tpu.memory_space<vmem>>
    %dma_wait3A_440 = arith.constant 0 : i32
    %dma_wait3A_441 = arith.constant 0 : i32
    %dma_wait3A_442 = tpu.memref_slice %arg2[%dma_wait3A_440, %dma_wait3A_441] : memref<1040000x16xf32, #tpu.memory_space<hbm>> -> memref<1040000x16xf32, #tpu.memory_space<hbm>>
    tpu.wait_indirect_dma semaphore(%arg9 : memref<!tpu.dma_semaphore, #tpu.memory_space<semaphore_mem>>) src(%dma_wait3A_442 : memref<1040000x16xf32, #tpu.memory_space<hbm>>) dst(%dma_wait3A_437 : memref<128x16xf32, #tpu.memory_space<vmem>>)
    %dma_wait3A_443 = arith.constant 384 : i32
    %dma_wait3A_444 = arith.constant 0 : i32
    %dma_wait3A_445 = tpu.memref_slice %arg7[%dma_wait3A_443, %dma_wait3A_444] : memref<1664x16xf32, #tpu.memory_space<vmem>> -> memref<128x16xf32, #tpu.memory_space<vmem>>
    %dma_wait3A_446 = arith.constant 2048 : i32
    %dma_wait3A_447 = tpu.memref_slice %arg5[%dma_wait3A_446] : memref<6656xi32, #tpu.memory_space<vmem>> -> memref<128xi32, #tpu.memory_space<vmem>>
    %dma_wait3A_448 = arith.constant 0 : i32
    %dma_wait3A_449 = arith.constant 0 : i32
    %dma_wait3A_450 = tpu.memref_slice %arg2[%dma_wait3A_448, %dma_wait3A_449] : memref<1040000x16xf32, #tpu.memory_space<hbm>> -> memref<1040000x16xf32, #tpu.memory_space<hbm>>
    tpu.wait_indirect_dma semaphore(%arg9 : memref<!tpu.dma_semaphore, #tpu.memory_space<semaphore_mem>>) src(%dma_wait3A_450 : memref<1040000x16xf32, #tpu.memory_space<hbm>>) dst(%dma_wait3A_445 : memref<128x16xf32, #tpu.memory_space<vmem>>)
    %dma_wait3A_451 = arith.constant 512 : i32
    %dma_wait3A_452 = arith.constant 0 : i32
    %dma_wait3A_453 = tpu.memref_slice %arg7[%dma_wait3A_451, %dma_wait3A_452] : memref<1664x16xf32, #tpu.memory_space<vmem>> -> memref<128x16xf32, #tpu.memory_space<vmem>>
    %dma_wait3A_454 = arith.constant 2176 : i32
    %dma_wait3A_455 = tpu.memref_slice %arg5[%dma_wait3A_454] : memref<6656xi32, #tpu.memory_space<vmem>> -> memref<128xi32, #tpu.memory_space<vmem>>
    %dma_wait3A_456 = arith.constant 0 : i32
    %dma_wait3A_457 = arith.constant 0 : i32
    %dma_wait3A_458 = tpu.memref_slice %arg2[%dma_wait3A_456, %dma_wait3A_457] : memref<1040000x16xf32, #tpu.memory_space<hbm>> -> memref<1040000x16xf32, #tpu.memory_space<hbm>>
    tpu.wait_indirect_dma semaphore(%arg9 : memref<!tpu.dma_semaphore, #tpu.memory_space<semaphore_mem>>) src(%dma_wait3A_458 : memref<1040000x16xf32, #tpu.memory_space<hbm>>) dst(%dma_wait3A_453 : memref<128x16xf32, #tpu.memory_space<vmem>>)
    %dma_wait3A_459 = arith.constant 640 : i32
    %dma_wait3A_460 = arith.constant 0 : i32
    %dma_wait3A_461 = tpu.memref_slice %arg7[%dma_wait3A_459, %dma_wait3A_460] : memref<1664x16xf32, #tpu.memory_space<vmem>> -> memref<128x16xf32, #tpu.memory_space<vmem>>
    %dma_wait3A_462 = arith.constant 2304 : i32
    %dma_wait3A_463 = tpu.memref_slice %arg5[%dma_wait3A_462] : memref<6656xi32, #tpu.memory_space<vmem>> -> memref<128xi32, #tpu.memory_space<vmem>>
    %dma_wait3A_464 = arith.constant 0 : i32
    %dma_wait3A_465 = arith.constant 0 : i32
    %dma_wait3A_466 = tpu.memref_slice %arg2[%dma_wait3A_464, %dma_wait3A_465] : memref<1040000x16xf32, #tpu.memory_space<hbm>> -> memref<1040000x16xf32, #tpu.memory_space<hbm>>
    tpu.wait_indirect_dma semaphore(%arg9 : memref<!tpu.dma_semaphore, #tpu.memory_space<semaphore_mem>>) src(%dma_wait3A_466 : memref<1040000x16xf32, #tpu.memory_space<hbm>>) dst(%dma_wait3A_461 : memref<128x16xf32, #tpu.memory_space<vmem>>)
    %dma_wait3A_467 = arith.constant 768 : i32
    %dma_wait3A_468 = arith.constant 0 : i32
    %dma_wait3A_469 = tpu.memref_slice %arg7[%dma_wait3A_467, %dma_wait3A_468] : memref<1664x16xf32, #tpu.memory_space<vmem>> -> memref<128x16xf32, #tpu.memory_space<vmem>>
    %dma_wait3A_470 = arith.constant 2432 : i32
    %dma_wait3A_471 = tpu.memref_slice %arg5[%dma_wait3A_470] : memref<6656xi32, #tpu.memory_space<vmem>> -> memref<128xi32, #tpu.memory_space<vmem>>
    %dma_wait3A_472 = arith.constant 0 : i32
    %dma_wait3A_473 = arith.constant 0 : i32
    %dma_wait3A_474 = tpu.memref_slice %arg2[%dma_wait3A_472, %dma_wait3A_473] : memref<1040000x16xf32, #tpu.memory_space<hbm>> -> memref<1040000x16xf32, #tpu.memory_space<hbm>>
    tpu.wait_indirect_dma semaphore(%arg9 : memref<!tpu.dma_semaphore, #tpu.memory_space<semaphore_mem>>) src(%dma_wait3A_474 : memref<1040000x16xf32, #tpu.memory_space<hbm>>) dst(%dma_wait3A_469 : memref<128x16xf32, #tpu.memory_space<vmem>>)
    %dma_wait3A_475 = arith.constant 896 : i32
    %dma_wait3A_476 = arith.constant 0 : i32
    %dma_wait3A_477 = tpu.memref_slice %arg7[%dma_wait3A_475, %dma_wait3A_476] : memref<1664x16xf32, #tpu.memory_space<vmem>> -> memref<128x16xf32, #tpu.memory_space<vmem>>
    %dma_wait3A_478 = arith.constant 2560 : i32
    %dma_wait3A_479 = tpu.memref_slice %arg5[%dma_wait3A_478] : memref<6656xi32, #tpu.memory_space<vmem>> -> memref<128xi32, #tpu.memory_space<vmem>>
    %dma_wait3A_480 = arith.constant 0 : i32
    %dma_wait3A_481 = arith.constant 0 : i32
    %dma_wait3A_482 = tpu.memref_slice %arg2[%dma_wait3A_480, %dma_wait3A_481] : memref<1040000x16xf32, #tpu.memory_space<hbm>> -> memref<1040000x16xf32, #tpu.memory_space<hbm>>
    tpu.wait_indirect_dma semaphore(%arg9 : memref<!tpu.dma_semaphore, #tpu.memory_space<semaphore_mem>>) src(%dma_wait3A_482 : memref<1040000x16xf32, #tpu.memory_space<hbm>>) dst(%dma_wait3A_477 : memref<128x16xf32, #tpu.memory_space<vmem>>)
    %dma_wait3A_483 = arith.constant 1024 : i32
    %dma_wait3A_484 = arith.constant 0 : i32
    %dma_wait3A_485 = tpu.memref_slice %arg7[%dma_wait3A_483, %dma_wait3A_484] : memref<1664x16xf32, #tpu.memory_space<vmem>> -> memref<128x16xf32, #tpu.memory_space<vmem>>
    %dma_wait3A_486 = arith.constant 2688 : i32
    %dma_wait3A_487 = tpu.memref_slice %arg5[%dma_wait3A_486] : memref<6656xi32, #tpu.memory_space<vmem>> -> memref<128xi32, #tpu.memory_space<vmem>>
    %dma_wait3A_488 = arith.constant 0 : i32
    %dma_wait3A_489 = arith.constant 0 : i32
    %dma_wait3A_490 = tpu.memref_slice %arg2[%dma_wait3A_488, %dma_wait3A_489] : memref<1040000x16xf32, #tpu.memory_space<hbm>> -> memref<1040000x16xf32, #tpu.memory_space<hbm>>
    tpu.wait_indirect_dma semaphore(%arg9 : memref<!tpu.dma_semaphore, #tpu.memory_space<semaphore_mem>>) src(%dma_wait3A_490 : memref<1040000x16xf32, #tpu.memory_space<hbm>>) dst(%dma_wait3A_485 : memref<128x16xf32, #tpu.memory_space<vmem>>)
    %dma_wait3A_491 = arith.constant 1152 : i32
    %dma_wait3A_492 = arith.constant 0 : i32
    %dma_wait3A_493 = tpu.memref_slice %arg7[%dma_wait3A_491, %dma_wait3A_492] : memref<1664x16xf32, #tpu.memory_space<vmem>> -> memref<128x16xf32, #tpu.memory_space<vmem>>
    %dma_wait3A_494 = arith.constant 2816 : i32
    %dma_wait3A_495 = tpu.memref_slice %arg5[%dma_wait3A_494] : memref<6656xi32, #tpu.memory_space<vmem>> -> memref<128xi32, #tpu.memory_space<vmem>>
    %dma_wait3A_496 = arith.constant 0 : i32
    %dma_wait3A_497 = arith.constant 0 : i32
    %dma_wait3A_498 = tpu.memref_slice %arg2[%dma_wait3A_496, %dma_wait3A_497] : memref<1040000x16xf32, #tpu.memory_space<hbm>> -> memref<1040000x16xf32, #tpu.memory_space<hbm>>
    tpu.wait_indirect_dma semaphore(%arg9 : memref<!tpu.dma_semaphore, #tpu.memory_space<semaphore_mem>>) src(%dma_wait3A_498 : memref<1040000x16xf32, #tpu.memory_space<hbm>>) dst(%dma_wait3A_493 : memref<128x16xf32, #tpu.memory_space<vmem>>)
    %dma_wait3A_499 = arith.constant 1280 : i32
    %dma_wait3A_500 = arith.constant 0 : i32
    %dma_wait3A_501 = tpu.memref_slice %arg7[%dma_wait3A_499, %dma_wait3A_500] : memref<1664x16xf32, #tpu.memory_space<vmem>> -> memref<128x16xf32, #tpu.memory_space<vmem>>
    %dma_wait3A_502 = arith.constant 2944 : i32
    %dma_wait3A_503 = tpu.memref_slice %arg5[%dma_wait3A_502] : memref<6656xi32, #tpu.memory_space<vmem>> -> memref<128xi32, #tpu.memory_space<vmem>>
    %dma_wait3A_504 = arith.constant 0 : i32
    %dma_wait3A_505 = arith.constant 0 : i32
    %dma_wait3A_506 = tpu.memref_slice %arg2[%dma_wait3A_504, %dma_wait3A_505] : memref<1040000x16xf32, #tpu.memory_space<hbm>> -> memref<1040000x16xf32, #tpu.memory_space<hbm>>
    tpu.wait_indirect_dma semaphore(%arg9 : memref<!tpu.dma_semaphore, #tpu.memory_space<semaphore_mem>>) src(%dma_wait3A_506 : memref<1040000x16xf32, #tpu.memory_space<hbm>>) dst(%dma_wait3A_501 : memref<128x16xf32, #tpu.memory_space<vmem>>)
    %dma_wait3A_507 = arith.constant 1408 : i32
    %dma_wait3A_508 = arith.constant 0 : i32
    %dma_wait3A_509 = tpu.memref_slice %arg7[%dma_wait3A_507, %dma_wait3A_508] : memref<1664x16xf32, #tpu.memory_space<vmem>> -> memref<128x16xf32, #tpu.memory_space<vmem>>
    %dma_wait3A_510 = arith.constant 3072 : i32
    %dma_wait3A_511 = tpu.memref_slice %arg5[%dma_wait3A_510] : memref<6656xi32, #tpu.memory_space<vmem>> -> memref<128xi32, #tpu.memory_space<vmem>>
    %dma_wait3A_512 = arith.constant 0 : i32
    %dma_wait3A_513 = arith.constant 0 : i32
    %dma_wait3A_514 = tpu.memref_slice %arg2[%dma_wait3A_512, %dma_wait3A_513] : memref<1040000x16xf32, #tpu.memory_space<hbm>> -> memref<1040000x16xf32, #tpu.memory_space<hbm>>
    tpu.wait_indirect_dma semaphore(%arg9 : memref<!tpu.dma_semaphore, #tpu.memory_space<semaphore_mem>>) src(%dma_wait3A_514 : memref<1040000x16xf32, #tpu.memory_space<hbm>>) dst(%dma_wait3A_509 : memref<128x16xf32, #tpu.memory_space<vmem>>)
    %dma_wait3A_515 = arith.constant 1536 : i32
    %dma_wait3A_516 = arith.constant 0 : i32
    %dma_wait3A_517 = tpu.memref_slice %arg7[%dma_wait3A_515, %dma_wait3A_516] : memref<1664x16xf32, #tpu.memory_space<vmem>> -> memref<128x16xf32, #tpu.memory_space<vmem>>
    %dma_wait3A_518 = arith.constant 3200 : i32
    %dma_wait3A_519 = tpu.memref_slice %arg5[%dma_wait3A_518] : memref<6656xi32, #tpu.memory_space<vmem>> -> memref<128xi32, #tpu.memory_space<vmem>>
    %dma_wait3A_520 = arith.constant 0 : i32
    %dma_wait3A_521 = arith.constant 0 : i32
    %dma_wait3A_522 = tpu.memref_slice %arg2[%dma_wait3A_520, %dma_wait3A_521] : memref<1040000x16xf32, #tpu.memory_space<hbm>> -> memref<1040000x16xf32, #tpu.memory_space<hbm>>
    tpu.wait_indirect_dma semaphore(%arg9 : memref<!tpu.dma_semaphore, #tpu.memory_space<semaphore_mem>>) src(%dma_wait3A_522 : memref<1040000x16xf32, #tpu.memory_space<hbm>>) dst(%dma_wait3A_517 : memref<128x16xf32, #tpu.memory_space<vmem>>)
    %add3A_523 = arith.constant 1664 : i32
    %add3A_524 = arith.addi %mul3A_2, %add3A_523 : i32
    "tpu.region"() ({
      %run_scoped3A = tpu.sem_alloc : memref<!tpu.dma_semaphore, #tpu.memory_space<semaphore_mem>>
      %dma_start3A_841 = arith.constant 0 : i32
      %dma_start3A_842 = tpu.memref_slice %arg4[%add3A_524, %dma_start3A_841] : memref<212992x16xf32, #tpu.memory_space<hbm>> -> memref<1664x16xf32, #tpu.memory_space<hbm>>
      %dma_start3A_843 = arith.constant 0 : i32
      %dma_start3A_844 = tpu.memref_slice %arg4[%add3A_524, %dma_start3A_843] : memref<212992x16xf32, #tpu.memory_space<hbm>> -> memref<1664x16xf32, #tpu.memory_space<hbm>>
      tpu.enqueue_dma source(%arg7 : memref<1664x16xf32, #tpu.memory_space<vmem>>) target(%dma_start3A_844 : memref<1664x16xf32, #tpu.memory_space<hbm>>) target_semaphore(%run_scoped3A : memref<!tpu.dma_semaphore, #tpu.memory_space<semaphore_mem>>)
      %dma_wait3A_845 = arith.constant 0 : i32
      %dma_wait3A_846 = tpu.memref_slice %arg4[%add3A_524, %dma_wait3A_845] : memref<212992x16xf32, #tpu.memory_space<hbm>> -> memref<1664x16xf32, #tpu.memory_space<hbm>>
      %dma_wait3A_847 = arith.constant 0 : i32
      %dma_wait3A_848 = tpu.memref_slice %arg4[%add3A_524, %dma_wait3A_847] : memref<212992x16xf32, #tpu.memory_space<hbm>> -> memref<1664x16xf32, #tpu.memory_space<hbm>>
      tpu.wait_dma2 semaphore(%run_scoped3A : memref<!tpu.dma_semaphore, #tpu.memory_space<semaphore_mem>>) src(%arg7 : memref<1664x16xf32, #tpu.memory_space<vmem>>) dst(%dma_wait3A_848 : memref<1664x16xf32, #tpu.memory_space<hbm>>)
      tpu.yield
    }) : () -> ()
    %dma_start3A_525 = arith.constant 0 : i32
    %dma_start3A_526 = arith.constant 0 : i32
    %dma_start3A_527 = tpu.memref_slice %arg7[%dma_start3A_525, %dma_start3A_526] : memref<1664x16xf32, #tpu.memory_space<vmem>> -> memref<128x16xf32, #tpu.memory_space<vmem>>
    %dma_start3A_528 = arith.constant 4992 : i32
    %dma_start3A_529 = tpu.memref_slice %arg5[%dma_start3A_528] : memref<6656xi32, #tpu.memory_space<vmem>> -> memref<128xi32, #tpu.memory_space<vmem>>
    %dma_start3A_530 = arith.constant 0 : i32
    %dma_start3A_531 = arith.constant 0 : i32
    %dma_start3A_532 = tpu.memref_slice %arg2[%dma_start3A_530, %dma_start3A_531] : memref<1040000x16xf32, #tpu.memory_space<hbm>> -> memref<1040000x16xf32, #tpu.memory_space<hbm>>
    tpu.enqueue_indirect_dma source(%dma_start3A_532 : memref<1040000x16xf32, #tpu.memory_space<hbm>>) target(%dma_start3A_527 : memref<128x16xf32, #tpu.memory_space<vmem>>) offsets(%dma_start3A_529 : memref<128xi32, #tpu.memory_space<vmem>>) semaphore(%arg9 : memref<!tpu.dma_semaphore, #tpu.memory_space<semaphore_mem>>)
    %dma_start3A_533 = arith.constant 128 : i32
    %dma_start3A_534 = arith.constant 0 : i32
    %dma_start3A_535 = tpu.memref_slice %arg7[%dma_start3A_533, %dma_start3A_534] : memref<1664x16xf32, #tpu.memory_space<vmem>> -> memref<128x16xf32, #tpu.memory_space<vmem>>
    %dma_start3A_536 = arith.constant 5120 : i32
    %dma_start3A_537 = tpu.memref_slice %arg5[%dma_start3A_536] : memref<6656xi32, #tpu.memory_space<vmem>> -> memref<128xi32, #tpu.memory_space<vmem>>
    %dma_start3A_538 = arith.constant 0 : i32
    %dma_start3A_539 = arith.constant 0 : i32
    %dma_start3A_540 = tpu.memref_slice %arg2[%dma_start3A_538, %dma_start3A_539] : memref<1040000x16xf32, #tpu.memory_space<hbm>> -> memref<1040000x16xf32, #tpu.memory_space<hbm>>
    tpu.enqueue_indirect_dma source(%dma_start3A_540 : memref<1040000x16xf32, #tpu.memory_space<hbm>>) target(%dma_start3A_535 : memref<128x16xf32, #tpu.memory_space<vmem>>) offsets(%dma_start3A_537 : memref<128xi32, #tpu.memory_space<vmem>>) semaphore(%arg9 : memref<!tpu.dma_semaphore, #tpu.memory_space<semaphore_mem>>)
    %dma_start3A_541 = arith.constant 256 : i32
    %dma_start3A_542 = arith.constant 0 : i32
    %dma_start3A_543 = tpu.memref_slice %arg7[%dma_start3A_541, %dma_start3A_542] : memref<1664x16xf32, #tpu.memory_space<vmem>> -> memref<128x16xf32, #tpu.memory_space<vmem>>
    %dma_start3A_544 = arith.constant 5248 : i32
    %dma_start3A_545 = tpu.memref_slice %arg5[%dma_start3A_544] : memref<6656xi32, #tpu.memory_space<vmem>> -> memref<128xi32, #tpu.memory_space<vmem>>
    %dma_start3A_546 = arith.constant 0 : i32
    %dma_start3A_547 = arith.constant 0 : i32
    %dma_start3A_548 = tpu.memref_slice %arg2[%dma_start3A_546, %dma_start3A_547] : memref<1040000x16xf32, #tpu.memory_space<hbm>> -> memref<1040000x16xf32, #tpu.memory_space<hbm>>
    tpu.enqueue_indirect_dma source(%dma_start3A_548 : memref<1040000x16xf32, #tpu.memory_space<hbm>>) target(%dma_start3A_543 : memref<128x16xf32, #tpu.memory_space<vmem>>) offsets(%dma_start3A_545 : memref<128xi32, #tpu.memory_space<vmem>>) semaphore(%arg9 : memref<!tpu.dma_semaphore, #tpu.memory_space<semaphore_mem>>)
    %dma_start3A_549 = arith.constant 384 : i32
    %dma_start3A_550 = arith.constant 0 : i32
    %dma_start3A_551 = tpu.memref_slice %arg7[%dma_start3A_549, %dma_start3A_550] : memref<1664x16xf32, #tpu.memory_space<vmem>> -> memref<128x16xf32, #tpu.memory_space<vmem>>
    %dma_start3A_552 = arith.constant 5376 : i32
    %dma_start3A_553 = tpu.memref_slice %arg5[%dma_start3A_552] : memref<6656xi32, #tpu.memory_space<vmem>> -> memref<128xi32, #tpu.memory_space<vmem>>
    %dma_start3A_554 = arith.constant 0 : i32
    %dma_start3A_555 = arith.constant 0 : i32
    %dma_start3A_556 = tpu.memref_slice %arg2[%dma_start3A_554, %dma_start3A_555] : memref<1040000x16xf32, #tpu.memory_space<hbm>> -> memref<1040000x16xf32, #tpu.memory_space<hbm>>
    tpu.enqueue_indirect_dma source(%dma_start3A_556 : memref<1040000x16xf32, #tpu.memory_space<hbm>>) target(%dma_start3A_551 : memref<128x16xf32, #tpu.memory_space<vmem>>) offsets(%dma_start3A_553 : memref<128xi32, #tpu.memory_space<vmem>>) semaphore(%arg9 : memref<!tpu.dma_semaphore, #tpu.memory_space<semaphore_mem>>)
    %dma_start3A_557 = arith.constant 512 : i32
    %dma_start3A_558 = arith.constant 0 : i32
    %dma_start3A_559 = tpu.memref_slice %arg7[%dma_start3A_557, %dma_start3A_558] : memref<1664x16xf32, #tpu.memory_space<vmem>> -> memref<128x16xf32, #tpu.memory_space<vmem>>
    %dma_start3A_560 = arith.constant 5504 : i32
    %dma_start3A_561 = tpu.memref_slice %arg5[%dma_start3A_560] : memref<6656xi32, #tpu.memory_space<vmem>> -> memref<128xi32, #tpu.memory_space<vmem>>
    %dma_start3A_562 = arith.constant 0 : i32
    %dma_start3A_563 = arith.constant 0 : i32
    %dma_start3A_564 = tpu.memref_slice %arg2[%dma_start3A_562, %dma_start3A_563] : memref<1040000x16xf32, #tpu.memory_space<hbm>> -> memref<1040000x16xf32, #tpu.memory_space<hbm>>
    tpu.enqueue_indirect_dma source(%dma_start3A_564 : memref<1040000x16xf32, #tpu.memory_space<hbm>>) target(%dma_start3A_559 : memref<128x16xf32, #tpu.memory_space<vmem>>) offsets(%dma_start3A_561 : memref<128xi32, #tpu.memory_space<vmem>>) semaphore(%arg9 : memref<!tpu.dma_semaphore, #tpu.memory_space<semaphore_mem>>)
    %dma_start3A_565 = arith.constant 640 : i32
    %dma_start3A_566 = arith.constant 0 : i32
    %dma_start3A_567 = tpu.memref_slice %arg7[%dma_start3A_565, %dma_start3A_566] : memref<1664x16xf32, #tpu.memory_space<vmem>> -> memref<128x16xf32, #tpu.memory_space<vmem>>
    %dma_start3A_568 = arith.constant 5632 : i32
    %dma_start3A_569 = tpu.memref_slice %arg5[%dma_start3A_568] : memref<6656xi32, #tpu.memory_space<vmem>> -> memref<128xi32, #tpu.memory_space<vmem>>
    %dma_start3A_570 = arith.constant 0 : i32
    %dma_start3A_571 = arith.constant 0 : i32
    %dma_start3A_572 = tpu.memref_slice %arg2[%dma_start3A_570, %dma_start3A_571] : memref<1040000x16xf32, #tpu.memory_space<hbm>> -> memref<1040000x16xf32, #tpu.memory_space<hbm>>
    tpu.enqueue_indirect_dma source(%dma_start3A_572 : memref<1040000x16xf32, #tpu.memory_space<hbm>>) target(%dma_start3A_567 : memref<128x16xf32, #tpu.memory_space<vmem>>) offsets(%dma_start3A_569 : memref<128xi32, #tpu.memory_space<vmem>>) semaphore(%arg9 : memref<!tpu.dma_semaphore, #tpu.memory_space<semaphore_mem>>)
    %dma_start3A_573 = arith.constant 768 : i32
    %dma_start3A_574 = arith.constant 0 : i32
    %dma_start3A_575 = tpu.memref_slice %arg7[%dma_start3A_573, %dma_start3A_574] : memref<1664x16xf32, #tpu.memory_space<vmem>> -> memref<128x16xf32, #tpu.memory_space<vmem>>
    %dma_start3A_576 = arith.constant 5760 : i32
    %dma_start3A_577 = tpu.memref_slice %arg5[%dma_start3A_576] : memref<6656xi32, #tpu.memory_space<vmem>> -> memref<128xi32, #tpu.memory_space<vmem>>
    %dma_start3A_578 = arith.constant 0 : i32
    %dma_start3A_579 = arith.constant 0 : i32
    %dma_start3A_580 = tpu.memref_slice %arg2[%dma_start3A_578, %dma_start3A_579] : memref<1040000x16xf32, #tpu.memory_space<hbm>> -> memref<1040000x16xf32, #tpu.memory_space<hbm>>
    tpu.enqueue_indirect_dma source(%dma_start3A_580 : memref<1040000x16xf32, #tpu.memory_space<hbm>>) target(%dma_start3A_575 : memref<128x16xf32, #tpu.memory_space<vmem>>) offsets(%dma_start3A_577 : memref<128xi32, #tpu.memory_space<vmem>>) semaphore(%arg9 : memref<!tpu.dma_semaphore, #tpu.memory_space<semaphore_mem>>)
    %dma_start3A_581 = arith.constant 896 : i32
    %dma_start3A_582 = arith.constant 0 : i32
    %dma_start3A_583 = tpu.memref_slice %arg7[%dma_start3A_581, %dma_start3A_582] : memref<1664x16xf32, #tpu.memory_space<vmem>> -> memref<128x16xf32, #tpu.memory_space<vmem>>
    %dma_start3A_584 = arith.constant 5888 : i32
    %dma_start3A_585 = tpu.memref_slice %arg5[%dma_start3A_584] : memref<6656xi32, #tpu.memory_space<vmem>> -> memref<128xi32, #tpu.memory_space<vmem>>
    %dma_start3A_586 = arith.constant 0 : i32
    %dma_start3A_587 = arith.constant 0 : i32
    %dma_start3A_588 = tpu.memref_slice %arg2[%dma_start3A_586, %dma_start3A_587] : memref<1040000x16xf32, #tpu.memory_space<hbm>> -> memref<1040000x16xf32, #tpu.memory_space<hbm>>
    tpu.enqueue_indirect_dma source(%dma_start3A_588 : memref<1040000x16xf32, #tpu.memory_space<hbm>>) target(%dma_start3A_583 : memref<128x16xf32, #tpu.memory_space<vmem>>) offsets(%dma_start3A_585 : memref<128xi32, #tpu.memory_space<vmem>>) semaphore(%arg9 : memref<!tpu.dma_semaphore, #tpu.memory_space<semaphore_mem>>)
    %dma_start3A_589 = arith.constant 1024 : i32
    %dma_start3A_590 = arith.constant 0 : i32
    %dma_start3A_591 = tpu.memref_slice %arg7[%dma_start3A_589, %dma_start3A_590] : memref<1664x16xf32, #tpu.memory_space<vmem>> -> memref<128x16xf32, #tpu.memory_space<vmem>>
    %dma_start3A_592 = arith.constant 6016 : i32
    %dma_start3A_593 = tpu.memref_slice %arg5[%dma_start3A_592] : memref<6656xi32, #tpu.memory_space<vmem>> -> memref<128xi32, #tpu.memory_space<vmem>>
    %dma_start3A_594 = arith.constant 0 : i32
    %dma_start3A_595 = arith.constant 0 : i32
    %dma_start3A_596 = tpu.memref_slice %arg2[%dma_start3A_594, %dma_start3A_595] : memref<1040000x16xf32, #tpu.memory_space<hbm>> -> memref<1040000x16xf32, #tpu.memory_space<hbm>>
    tpu.enqueue_indirect_dma source(%dma_start3A_596 : memref<1040000x16xf32, #tpu.memory_space<hbm>>) target(%dma_start3A_591 : memref<128x16xf32, #tpu.memory_space<vmem>>) offsets(%dma_start3A_593 : memref<128xi32, #tpu.memory_space<vmem>>) semaphore(%arg9 : memref<!tpu.dma_semaphore, #tpu.memory_space<semaphore_mem>>)
    %dma_start3A_597 = arith.constant 1152 : i32
    %dma_start3A_598 = arith.constant 0 : i32
    %dma_start3A_599 = tpu.memref_slice %arg7[%dma_start3A_597, %dma_start3A_598] : memref<1664x16xf32, #tpu.memory_space<vmem>> -> memref<128x16xf32, #tpu.memory_space<vmem>>
    %dma_start3A_600 = arith.constant 6144 : i32
    %dma_start3A_601 = tpu.memref_slice %arg5[%dma_start3A_600] : memref<6656xi32, #tpu.memory_space<vmem>> -> memref<128xi32, #tpu.memory_space<vmem>>
    %dma_start3A_602 = arith.constant 0 : i32
    %dma_start3A_603 = arith.constant 0 : i32
    %dma_start3A_604 = tpu.memref_slice %arg2[%dma_start3A_602, %dma_start3A_603] : memref<1040000x16xf32, #tpu.memory_space<hbm>> -> memref<1040000x16xf32, #tpu.memory_space<hbm>>
    tpu.enqueue_indirect_dma source(%dma_start3A_604 : memref<1040000x16xf32, #tpu.memory_space<hbm>>) target(%dma_start3A_599 : memref<128x16xf32, #tpu.memory_space<vmem>>) offsets(%dma_start3A_601 : memref<128xi32, #tpu.memory_space<vmem>>) semaphore(%arg9 : memref<!tpu.dma_semaphore, #tpu.memory_space<semaphore_mem>>)
    %dma_start3A_605 = arith.constant 1280 : i32
    %dma_start3A_606 = arith.constant 0 : i32
    %dma_start3A_607 = tpu.memref_slice %arg7[%dma_start3A_605, %dma_start3A_606] : memref<1664x16xf32, #tpu.memory_space<vmem>> -> memref<128x16xf32, #tpu.memory_space<vmem>>
    %dma_start3A_608 = arith.constant 6272 : i32
    %dma_start3A_609 = tpu.memref_slice %arg5[%dma_start3A_608] : memref<6656xi32, #tpu.memory_space<vmem>> -> memref<128xi32, #tpu.memory_space<vmem>>
    %dma_start3A_610 = arith.constant 0 : i32
    %dma_start3A_611 = arith.constant 0 : i32
    %dma_start3A_612 = tpu.memref_slice %arg2[%dma_start3A_610, %dma_start3A_611] : memref<1040000x16xf32, #tpu.memory_space<hbm>> -> memref<1040000x16xf32, #tpu.memory_space<hbm>>
    tpu.enqueue_indirect_dma source(%dma_start3A_612 : memref<1040000x16xf32, #tpu.memory_space<hbm>>) target(%dma_start3A_607 : memref<128x16xf32, #tpu.memory_space<vmem>>) offsets(%dma_start3A_609 : memref<128xi32, #tpu.memory_space<vmem>>) semaphore(%arg9 : memref<!tpu.dma_semaphore, #tpu.memory_space<semaphore_mem>>)
    %dma_start3A_613 = arith.constant 1408 : i32
    %dma_start3A_614 = arith.constant 0 : i32
    %dma_start3A_615 = tpu.memref_slice %arg7[%dma_start3A_613, %dma_start3A_614] : memref<1664x16xf32, #tpu.memory_space<vmem>> -> memref<128x16xf32, #tpu.memory_space<vmem>>
    %dma_start3A_616 = arith.constant 6400 : i32
    %dma_start3A_617 = tpu.memref_slice %arg5[%dma_start3A_616] : memref<6656xi32, #tpu.memory_space<vmem>> -> memref<128xi32, #tpu.memory_space<vmem>>
    %dma_start3A_618 = arith.constant 0 : i32
    %dma_start3A_619 = arith.constant 0 : i32
    %dma_start3A_620 = tpu.memref_slice %arg2[%dma_start3A_618, %dma_start3A_619] : memref<1040000x16xf32, #tpu.memory_space<hbm>> -> memref<1040000x16xf32, #tpu.memory_space<hbm>>
    tpu.enqueue_indirect_dma source(%dma_start3A_620 : memref<1040000x16xf32, #tpu.memory_space<hbm>>) target(%dma_start3A_615 : memref<128x16xf32, #tpu.memory_space<vmem>>) offsets(%dma_start3A_617 : memref<128xi32, #tpu.memory_space<vmem>>) semaphore(%arg9 : memref<!tpu.dma_semaphore, #tpu.memory_space<semaphore_mem>>)
    %dma_start3A_621 = arith.constant 1536 : i32
    %dma_start3A_622 = arith.constant 0 : i32
    %dma_start3A_623 = tpu.memref_slice %arg7[%dma_start3A_621, %dma_start3A_622] : memref<1664x16xf32, #tpu.memory_space<vmem>> -> memref<128x16xf32, #tpu.memory_space<vmem>>
    %dma_start3A_624 = arith.constant 6528 : i32
    %dma_start3A_625 = tpu.memref_slice %arg5[%dma_start3A_624] : memref<6656xi32, #tpu.memory_space<vmem>> -> memref<128xi32, #tpu.memory_space<vmem>>
    %dma_start3A_626 = arith.constant 0 : i32
    %dma_start3A_627 = arith.constant 0 : i32
    %dma_start3A_628 = tpu.memref_slice %arg2[%dma_start3A_626, %dma_start3A_627] : memref<1040000x16xf32, #tpu.memory_space<hbm>> -> memref<1040000x16xf32, #tpu.memory_space<hbm>>
    tpu.enqueue_indirect_dma source(%dma_start3A_628 : memref<1040000x16xf32, #tpu.memory_space<hbm>>) target(%dma_start3A_623 : memref<128x16xf32, #tpu.memory_space<vmem>>) offsets(%dma_start3A_625 : memref<128xi32, #tpu.memory_space<vmem>>) semaphore(%arg9 : memref<!tpu.dma_semaphore, #tpu.memory_space<semaphore_mem>>)
    %dma_wait3A_629 = arith.constant 0 : i32
    %dma_wait3A_630 = arith.constant 0 : i32
    %dma_wait3A_631 = tpu.memref_slice %arg6[%dma_wait3A_629, %dma_wait3A_630] : memref<1664x16xf32, #tpu.memory_space<vmem>> -> memref<128x16xf32, #tpu.memory_space<vmem>>
    %dma_wait3A_632 = arith.constant 3328 : i32
    %dma_wait3A_633 = tpu.memref_slice %arg5[%dma_wait3A_632] : memref<6656xi32, #tpu.memory_space<vmem>> -> memref<128xi32, #tpu.memory_space<vmem>>
    %dma_wait3A_634 = arith.constant 0 : i32
    %dma_wait3A_635 = arith.constant 0 : i32
    %dma_wait3A_636 = tpu.memref_slice %arg2[%dma_wait3A_634, %dma_wait3A_635] : memref<1040000x16xf32, #tpu.memory_space<hbm>> -> memref<1040000x16xf32, #tpu.memory_space<hbm>>
    tpu.wait_indirect_dma semaphore(%arg8 : memref<!tpu.dma_semaphore, #tpu.memory_space<semaphore_mem>>) src(%dma_wait3A_636 : memref<1040000x16xf32, #tpu.memory_space<hbm>>) dst(%dma_wait3A_631 : memref<128x16xf32, #tpu.memory_space<vmem>>)
    %dma_wait3A_637 = arith.constant 128 : i32
    %dma_wait3A_638 = arith.constant 0 : i32
    %dma_wait3A_639 = tpu.memref_slice %arg6[%dma_wait3A_637, %dma_wait3A_638] : memref<1664x16xf32, #tpu.memory_space<vmem>> -> memref<128x16xf32, #tpu.memory_space<vmem>>
    %dma_wait3A_640 = arith.constant 3456 : i32
    %dma_wait3A_641 = tpu.memref_slice %arg5[%dma_wait3A_640] : memref<6656xi32, #tpu.memory_space<vmem>> -> memref<128xi32, #tpu.memory_space<vmem>>
    %dma_wait3A_642 = arith.constant 0 : i32
    %dma_wait3A_643 = arith.constant 0 : i32
    %dma_wait3A_644 = tpu.memref_slice %arg2[%dma_wait3A_642, %dma_wait3A_643] : memref<1040000x16xf32, #tpu.memory_space<hbm>> -> memref<1040000x16xf32, #tpu.memory_space<hbm>>
    tpu.wait_indirect_dma semaphore(%arg8 : memref<!tpu.dma_semaphore, #tpu.memory_space<semaphore_mem>>) src(%dma_wait3A_644 : memref<1040000x16xf32, #tpu.memory_space<hbm>>) dst(%dma_wait3A_639 : memref<128x16xf32, #tpu.memory_space<vmem>>)
    %dma_wait3A_645 = arith.constant 256 : i32
    %dma_wait3A_646 = arith.constant 0 : i32
    %dma_wait3A_647 = tpu.memref_slice %arg6[%dma_wait3A_645, %dma_wait3A_646] : memref<1664x16xf32, #tpu.memory_space<vmem>> -> memref<128x16xf32, #tpu.memory_space<vmem>>
    %dma_wait3A_648 = arith.constant 3584 : i32
    %dma_wait3A_649 = tpu.memref_slice %arg5[%dma_wait3A_648] : memref<6656xi32, #tpu.memory_space<vmem>> -> memref<128xi32, #tpu.memory_space<vmem>>
    %dma_wait3A_650 = arith.constant 0 : i32
    %dma_wait3A_651 = arith.constant 0 : i32
    %dma_wait3A_652 = tpu.memref_slice %arg2[%dma_wait3A_650, %dma_wait3A_651] : memref<1040000x16xf32, #tpu.memory_space<hbm>> -> memref<1040000x16xf32, #tpu.memory_space<hbm>>
    tpu.wait_indirect_dma semaphore(%arg8 : memref<!tpu.dma_semaphore, #tpu.memory_space<semaphore_mem>>) src(%dma_wait3A_652 : memref<1040000x16xf32, #tpu.memory_space<hbm>>) dst(%dma_wait3A_647 : memref<128x16xf32, #tpu.memory_space<vmem>>)
    %dma_wait3A_653 = arith.constant 384 : i32
    %dma_wait3A_654 = arith.constant 0 : i32
    %dma_wait3A_655 = tpu.memref_slice %arg6[%dma_wait3A_653, %dma_wait3A_654] : memref<1664x16xf32, #tpu.memory_space<vmem>> -> memref<128x16xf32, #tpu.memory_space<vmem>>
    %dma_wait3A_656 = arith.constant 3712 : i32
    %dma_wait3A_657 = tpu.memref_slice %arg5[%dma_wait3A_656] : memref<6656xi32, #tpu.memory_space<vmem>> -> memref<128xi32, #tpu.memory_space<vmem>>
    %dma_wait3A_658 = arith.constant 0 : i32
    %dma_wait3A_659 = arith.constant 0 : i32
    %dma_wait3A_660 = tpu.memref_slice %arg2[%dma_wait3A_658, %dma_wait3A_659] : memref<1040000x16xf32, #tpu.memory_space<hbm>> -> memref<1040000x16xf32, #tpu.memory_space<hbm>>
    tpu.wait_indirect_dma semaphore(%arg8 : memref<!tpu.dma_semaphore, #tpu.memory_space<semaphore_mem>>) src(%dma_wait3A_660 : memref<1040000x16xf32, #tpu.memory_space<hbm>>) dst(%dma_wait3A_655 : memref<128x16xf32, #tpu.memory_space<vmem>>)
    %dma_wait3A_661 = arith.constant 512 : i32
    %dma_wait3A_662 = arith.constant 0 : i32
    %dma_wait3A_663 = tpu.memref_slice %arg6[%dma_wait3A_661, %dma_wait3A_662] : memref<1664x16xf32, #tpu.memory_space<vmem>> -> memref<128x16xf32, #tpu.memory_space<vmem>>
    %dma_wait3A_664 = arith.constant 3840 : i32
    %dma_wait3A_665 = tpu.memref_slice %arg5[%dma_wait3A_664] : memref<6656xi32, #tpu.memory_space<vmem>> -> memref<128xi32, #tpu.memory_space<vmem>>
    %dma_wait3A_666 = arith.constant 0 : i32
    %dma_wait3A_667 = arith.constant 0 : i32
    %dma_wait3A_668 = tpu.memref_slice %arg2[%dma_wait3A_666, %dma_wait3A_667] : memref<1040000x16xf32, #tpu.memory_space<hbm>> -> memref<1040000x16xf32, #tpu.memory_space<hbm>>
    tpu.wait_indirect_dma semaphore(%arg8 : memref<!tpu.dma_semaphore, #tpu.memory_space<semaphore_mem>>) src(%dma_wait3A_668 : memref<1040000x16xf32, #tpu.memory_space<hbm>>) dst(%dma_wait3A_663 : memref<128x16xf32, #tpu.memory_space<vmem>>)
    %dma_wait3A_669 = arith.constant 640 : i32
    %dma_wait3A_670 = arith.constant 0 : i32
    %dma_wait3A_671 = tpu.memref_slice %arg6[%dma_wait3A_669, %dma_wait3A_670] : memref<1664x16xf32, #tpu.memory_space<vmem>> -> memref<128x16xf32, #tpu.memory_space<vmem>>
    %dma_wait3A_672 = arith.constant 3968 : i32
    %dma_wait3A_673 = tpu.memref_slice %arg5[%dma_wait3A_672] : memref<6656xi32, #tpu.memory_space<vmem>> -> memref<128xi32, #tpu.memory_space<vmem>>
    %dma_wait3A_674 = arith.constant 0 : i32
    %dma_wait3A_675 = arith.constant 0 : i32
    %dma_wait3A_676 = tpu.memref_slice %arg2[%dma_wait3A_674, %dma_wait3A_675] : memref<1040000x16xf32, #tpu.memory_space<hbm>> -> memref<1040000x16xf32, #tpu.memory_space<hbm>>
    tpu.wait_indirect_dma semaphore(%arg8 : memref<!tpu.dma_semaphore, #tpu.memory_space<semaphore_mem>>) src(%dma_wait3A_676 : memref<1040000x16xf32, #tpu.memory_space<hbm>>) dst(%dma_wait3A_671 : memref<128x16xf32, #tpu.memory_space<vmem>>)
    %dma_wait3A_677 = arith.constant 768 : i32
    %dma_wait3A_678 = arith.constant 0 : i32
    %dma_wait3A_679 = tpu.memref_slice %arg6[%dma_wait3A_677, %dma_wait3A_678] : memref<1664x16xf32, #tpu.memory_space<vmem>> -> memref<128x16xf32, #tpu.memory_space<vmem>>
    %dma_wait3A_680 = arith.constant 4096 : i32
    %dma_wait3A_681 = tpu.memref_slice %arg5[%dma_wait3A_680] : memref<6656xi32, #tpu.memory_space<vmem>> -> memref<128xi32, #tpu.memory_space<vmem>>
    %dma_wait3A_682 = arith.constant 0 : i32
    %dma_wait3A_683 = arith.constant 0 : i32
    %dma_wait3A_684 = tpu.memref_slice %arg2[%dma_wait3A_682, %dma_wait3A_683] : memref<1040000x16xf32, #tpu.memory_space<hbm>> -> memref<1040000x16xf32, #tpu.memory_space<hbm>>
    tpu.wait_indirect_dma semaphore(%arg8 : memref<!tpu.dma_semaphore, #tpu.memory_space<semaphore_mem>>) src(%dma_wait3A_684 : memref<1040000x16xf32, #tpu.memory_space<hbm>>) dst(%dma_wait3A_679 : memref<128x16xf32, #tpu.memory_space<vmem>>)
    %dma_wait3A_685 = arith.constant 896 : i32
    %dma_wait3A_686 = arith.constant 0 : i32
    %dma_wait3A_687 = tpu.memref_slice %arg6[%dma_wait3A_685, %dma_wait3A_686] : memref<1664x16xf32, #tpu.memory_space<vmem>> -> memref<128x16xf32, #tpu.memory_space<vmem>>
    %dma_wait3A_688 = arith.constant 4224 : i32
    %dma_wait3A_689 = tpu.memref_slice %arg5[%dma_wait3A_688] : memref<6656xi32, #tpu.memory_space<vmem>> -> memref<128xi32, #tpu.memory_space<vmem>>
    %dma_wait3A_690 = arith.constant 0 : i32
    %dma_wait3A_691 = arith.constant 0 : i32
    %dma_wait3A_692 = tpu.memref_slice %arg2[%dma_wait3A_690, %dma_wait3A_691] : memref<1040000x16xf32, #tpu.memory_space<hbm>> -> memref<1040000x16xf32, #tpu.memory_space<hbm>>
    tpu.wait_indirect_dma semaphore(%arg8 : memref<!tpu.dma_semaphore, #tpu.memory_space<semaphore_mem>>) src(%dma_wait3A_692 : memref<1040000x16xf32, #tpu.memory_space<hbm>>) dst(%dma_wait3A_687 : memref<128x16xf32, #tpu.memory_space<vmem>>)
    %dma_wait3A_693 = arith.constant 1024 : i32
    %dma_wait3A_694 = arith.constant 0 : i32
    %dma_wait3A_695 = tpu.memref_slice %arg6[%dma_wait3A_693, %dma_wait3A_694] : memref<1664x16xf32, #tpu.memory_space<vmem>> -> memref<128x16xf32, #tpu.memory_space<vmem>>
    %dma_wait3A_696 = arith.constant 4352 : i32
    %dma_wait3A_697 = tpu.memref_slice %arg5[%dma_wait3A_696] : memref<6656xi32, #tpu.memory_space<vmem>> -> memref<128xi32, #tpu.memory_space<vmem>>
    %dma_wait3A_698 = arith.constant 0 : i32
    %dma_wait3A_699 = arith.constant 0 : i32
    %dma_wait3A_700 = tpu.memref_slice %arg2[%dma_wait3A_698, %dma_wait3A_699] : memref<1040000x16xf32, #tpu.memory_space<hbm>> -> memref<1040000x16xf32, #tpu.memory_space<hbm>>
    tpu.wait_indirect_dma semaphore(%arg8 : memref<!tpu.dma_semaphore, #tpu.memory_space<semaphore_mem>>) src(%dma_wait3A_700 : memref<1040000x16xf32, #tpu.memory_space<hbm>>) dst(%dma_wait3A_695 : memref<128x16xf32, #tpu.memory_space<vmem>>)
    %dma_wait3A_701 = arith.constant 1152 : i32
    %dma_wait3A_702 = arith.constant 0 : i32
    %dma_wait3A_703 = tpu.memref_slice %arg6[%dma_wait3A_701, %dma_wait3A_702] : memref<1664x16xf32, #tpu.memory_space<vmem>> -> memref<128x16xf32, #tpu.memory_space<vmem>>
    %dma_wait3A_704 = arith.constant 4480 : i32
    %dma_wait3A_705 = tpu.memref_slice %arg5[%dma_wait3A_704] : memref<6656xi32, #tpu.memory_space<vmem>> -> memref<128xi32, #tpu.memory_space<vmem>>
    %dma_wait3A_706 = arith.constant 0 : i32
    %dma_wait3A_707 = arith.constant 0 : i32
    %dma_wait3A_708 = tpu.memref_slice %arg2[%dma_wait3A_706, %dma_wait3A_707] : memref<1040000x16xf32, #tpu.memory_space<hbm>> -> memref<1040000x16xf32, #tpu.memory_space<hbm>>
    tpu.wait_indirect_dma semaphore(%arg8 : memref<!tpu.dma_semaphore, #tpu.memory_space<semaphore_mem>>) src(%dma_wait3A_708 : memref<1040000x16xf32, #tpu.memory_space<hbm>>) dst(%dma_wait3A_703 : memref<128x16xf32, #tpu.memory_space<vmem>>)
    %dma_wait3A_709 = arith.constant 1280 : i32
    %dma_wait3A_710 = arith.constant 0 : i32
    %dma_wait3A_711 = tpu.memref_slice %arg6[%dma_wait3A_709, %dma_wait3A_710] : memref<1664x16xf32, #tpu.memory_space<vmem>> -> memref<128x16xf32, #tpu.memory_space<vmem>>
    %dma_wait3A_712 = arith.constant 4608 : i32
    %dma_wait3A_713 = tpu.memref_slice %arg5[%dma_wait3A_712] : memref<6656xi32, #tpu.memory_space<vmem>> -> memref<128xi32, #tpu.memory_space<vmem>>
    %dma_wait3A_714 = arith.constant 0 : i32
    %dma_wait3A_715 = arith.constant 0 : i32
    %dma_wait3A_716 = tpu.memref_slice %arg2[%dma_wait3A_714, %dma_wait3A_715] : memref<1040000x16xf32, #tpu.memory_space<hbm>> -> memref<1040000x16xf32, #tpu.memory_space<hbm>>
    tpu.wait_indirect_dma semaphore(%arg8 : memref<!tpu.dma_semaphore, #tpu.memory_space<semaphore_mem>>) src(%dma_wait3A_716 : memref<1040000x16xf32, #tpu.memory_space<hbm>>) dst(%dma_wait3A_711 : memref<128x16xf32, #tpu.memory_space<vmem>>)
    %dma_wait3A_717 = arith.constant 1408 : i32
    %dma_wait3A_718 = arith.constant 0 : i32
    %dma_wait3A_719 = tpu.memref_slice %arg6[%dma_wait3A_717, %dma_wait3A_718] : memref<1664x16xf32, #tpu.memory_space<vmem>> -> memref<128x16xf32, #tpu.memory_space<vmem>>
    %dma_wait3A_720 = arith.constant 4736 : i32
    %dma_wait3A_721 = tpu.memref_slice %arg5[%dma_wait3A_720] : memref<6656xi32, #tpu.memory_space<vmem>> -> memref<128xi32, #tpu.memory_space<vmem>>
    %dma_wait3A_722 = arith.constant 0 : i32
    %dma_wait3A_723 = arith.constant 0 : i32
    %dma_wait3A_724 = tpu.memref_slice %arg2[%dma_wait3A_722, %dma_wait3A_723] : memref<1040000x16xf32, #tpu.memory_space<hbm>> -> memref<1040000x16xf32, #tpu.memory_space<hbm>>
    tpu.wait_indirect_dma semaphore(%arg8 : memref<!tpu.dma_semaphore, #tpu.memory_space<semaphore_mem>>) src(%dma_wait3A_724 : memref<1040000x16xf32, #tpu.memory_space<hbm>>) dst(%dma_wait3A_719 : memref<128x16xf32, #tpu.memory_space<vmem>>)
    %dma_wait3A_725 = arith.constant 1536 : i32
    %dma_wait3A_726 = arith.constant 0 : i32
    %dma_wait3A_727 = tpu.memref_slice %arg6[%dma_wait3A_725, %dma_wait3A_726] : memref<1664x16xf32, #tpu.memory_space<vmem>> -> memref<128x16xf32, #tpu.memory_space<vmem>>
    %dma_wait3A_728 = arith.constant 4864 : i32
    %dma_wait3A_729 = tpu.memref_slice %arg5[%dma_wait3A_728] : memref<6656xi32, #tpu.memory_space<vmem>> -> memref<128xi32, #tpu.memory_space<vmem>>
    %dma_wait3A_730 = arith.constant 0 : i32
    %dma_wait3A_731 = arith.constant 0 : i32
    %dma_wait3A_732 = tpu.memref_slice %arg2[%dma_wait3A_730, %dma_wait3A_731] : memref<1040000x16xf32, #tpu.memory_space<hbm>> -> memref<1040000x16xf32, #tpu.memory_space<hbm>>
    tpu.wait_indirect_dma semaphore(%arg8 : memref<!tpu.dma_semaphore, #tpu.memory_space<semaphore_mem>>) src(%dma_wait3A_732 : memref<1040000x16xf32, #tpu.memory_space<hbm>>) dst(%dma_wait3A_727 : memref<128x16xf32, #tpu.memory_space<vmem>>)
    %add3A_733 = arith.constant 3328 : i32
    %add3A_734 = arith.addi %mul3A_2, %add3A_733 : i32
    "tpu.region"() ({
      %run_scoped3A = tpu.sem_alloc : memref<!tpu.dma_semaphore, #tpu.memory_space<semaphore_mem>>
      %dma_start3A_841 = arith.constant 0 : i32
      %dma_start3A_842 = tpu.memref_slice %arg4[%add3A_734, %dma_start3A_841] : memref<212992x16xf32, #tpu.memory_space<hbm>> -> memref<1664x16xf32, #tpu.memory_space<hbm>>
      %dma_start3A_843 = arith.constant 0 : i32
      %dma_start3A_844 = tpu.memref_slice %arg4[%add3A_734, %dma_start3A_843] : memref<212992x16xf32, #tpu.memory_space<hbm>> -> memref<1664x16xf32, #tpu.memory_space<hbm>>
      tpu.enqueue_dma source(%arg6 : memref<1664x16xf32, #tpu.memory_space<vmem>>) target(%dma_start3A_844 : memref<1664x16xf32, #tpu.memory_space<hbm>>) target_semaphore(%run_scoped3A : memref<!tpu.dma_semaphore, #tpu.memory_space<semaphore_mem>>)
      %dma_wait3A_845 = arith.constant 0 : i32
      %dma_wait3A_846 = tpu.memref_slice %arg4[%add3A_734, %dma_wait3A_845] : memref<212992x16xf32, #tpu.memory_space<hbm>> -> memref<1664x16xf32, #tpu.memory_space<hbm>>
      %dma_wait3A_847 = arith.constant 0 : i32
      %dma_wait3A_848 = tpu.memref_slice %arg4[%add3A_734, %dma_wait3A_847] : memref<212992x16xf32, #tpu.memory_space<hbm>> -> memref<1664x16xf32, #tpu.memory_space<hbm>>
      tpu.wait_dma2 semaphore(%run_scoped3A : memref<!tpu.dma_semaphore, #tpu.memory_space<semaphore_mem>>) src(%arg6 : memref<1664x16xf32, #tpu.memory_space<vmem>>) dst(%dma_wait3A_848 : memref<1664x16xf32, #tpu.memory_space<hbm>>)
      tpu.yield
    }) : () -> ()
    %dma_wait3A_735 = arith.constant 0 : i32
    %dma_wait3A_736 = arith.constant 0 : i32
    %dma_wait3A_737 = tpu.memref_slice %arg7[%dma_wait3A_735, %dma_wait3A_736] : memref<1664x16xf32, #tpu.memory_space<vmem>> -> memref<128x16xf32, #tpu.memory_space<vmem>>
    %dma_wait3A_738 = arith.constant 4992 : i32
    %dma_wait3A_739 = tpu.memref_slice %arg5[%dma_wait3A_738] : memref<6656xi32, #tpu.memory_space<vmem>> -> memref<128xi32, #tpu.memory_space<vmem>>
    %dma_wait3A_740 = arith.constant 0 : i32
    %dma_wait3A_741 = arith.constant 0 : i32
    %dma_wait3A_742 = tpu.memref_slice %arg2[%dma_wait3A_740, %dma_wait3A_741] : memref<1040000x16xf32, #tpu.memory_space<hbm>> -> memref<1040000x16xf32, #tpu.memory_space<hbm>>
    tpu.wait_indirect_dma semaphore(%arg9 : memref<!tpu.dma_semaphore, #tpu.memory_space<semaphore_mem>>) src(%dma_wait3A_742 : memref<1040000x16xf32, #tpu.memory_space<hbm>>) dst(%dma_wait3A_737 : memref<128x16xf32, #tpu.memory_space<vmem>>)
    %dma_wait3A_743 = arith.constant 128 : i32
    %dma_wait3A_744 = arith.constant 0 : i32
    %dma_wait3A_745 = tpu.memref_slice %arg7[%dma_wait3A_743, %dma_wait3A_744] : memref<1664x16xf32, #tpu.memory_space<vmem>> -> memref<128x16xf32, #tpu.memory_space<vmem>>
    %dma_wait3A_746 = arith.constant 5120 : i32
    %dma_wait3A_747 = tpu.memref_slice %arg5[%dma_wait3A_746] : memref<6656xi32, #tpu.memory_space<vmem>> -> memref<128xi32, #tpu.memory_space<vmem>>
    %dma_wait3A_748 = arith.constant 0 : i32
    %dma_wait3A_749 = arith.constant 0 : i32
    %dma_wait3A_750 = tpu.memref_slice %arg2[%dma_wait3A_748, %dma_wait3A_749] : memref<1040000x16xf32, #tpu.memory_space<hbm>> -> memref<1040000x16xf32, #tpu.memory_space<hbm>>
    tpu.wait_indirect_dma semaphore(%arg9 : memref<!tpu.dma_semaphore, #tpu.memory_space<semaphore_mem>>) src(%dma_wait3A_750 : memref<1040000x16xf32, #tpu.memory_space<hbm>>) dst(%dma_wait3A_745 : memref<128x16xf32, #tpu.memory_space<vmem>>)
    %dma_wait3A_751 = arith.constant 256 : i32
    %dma_wait3A_752 = arith.constant 0 : i32
    %dma_wait3A_753 = tpu.memref_slice %arg7[%dma_wait3A_751, %dma_wait3A_752] : memref<1664x16xf32, #tpu.memory_space<vmem>> -> memref<128x16xf32, #tpu.memory_space<vmem>>
    %dma_wait3A_754 = arith.constant 5248 : i32
    %dma_wait3A_755 = tpu.memref_slice %arg5[%dma_wait3A_754] : memref<6656xi32, #tpu.memory_space<vmem>> -> memref<128xi32, #tpu.memory_space<vmem>>
    %dma_wait3A_756 = arith.constant 0 : i32
    %dma_wait3A_757 = arith.constant 0 : i32
    %dma_wait3A_758 = tpu.memref_slice %arg2[%dma_wait3A_756, %dma_wait3A_757] : memref<1040000x16xf32, #tpu.memory_space<hbm>> -> memref<1040000x16xf32, #tpu.memory_space<hbm>>
    tpu.wait_indirect_dma semaphore(%arg9 : memref<!tpu.dma_semaphore, #tpu.memory_space<semaphore_mem>>) src(%dma_wait3A_758 : memref<1040000x16xf32, #tpu.memory_space<hbm>>) dst(%dma_wait3A_753 : memref<128x16xf32, #tpu.memory_space<vmem>>)
    %dma_wait3A_759 = arith.constant 384 : i32
    %dma_wait3A_760 = arith.constant 0 : i32
    %dma_wait3A_761 = tpu.memref_slice %arg7[%dma_wait3A_759, %dma_wait3A_760] : memref<1664x16xf32, #tpu.memory_space<vmem>> -> memref<128x16xf32, #tpu.memory_space<vmem>>
    %dma_wait3A_762 = arith.constant 5376 : i32
    %dma_wait3A_763 = tpu.memref_slice %arg5[%dma_wait3A_762] : memref<6656xi32, #tpu.memory_space<vmem>> -> memref<128xi32, #tpu.memory_space<vmem>>
    %dma_wait3A_764 = arith.constant 0 : i32
    %dma_wait3A_765 = arith.constant 0 : i32
    %dma_wait3A_766 = tpu.memref_slice %arg2[%dma_wait3A_764, %dma_wait3A_765] : memref<1040000x16xf32, #tpu.memory_space<hbm>> -> memref<1040000x16xf32, #tpu.memory_space<hbm>>
    tpu.wait_indirect_dma semaphore(%arg9 : memref<!tpu.dma_semaphore, #tpu.memory_space<semaphore_mem>>) src(%dma_wait3A_766 : memref<1040000x16xf32, #tpu.memory_space<hbm>>) dst(%dma_wait3A_761 : memref<128x16xf32, #tpu.memory_space<vmem>>)
    %dma_wait3A_767 = arith.constant 512 : i32
    %dma_wait3A_768 = arith.constant 0 : i32
    %dma_wait3A_769 = tpu.memref_slice %arg7[%dma_wait3A_767, %dma_wait3A_768] : memref<1664x16xf32, #tpu.memory_space<vmem>> -> memref<128x16xf32, #tpu.memory_space<vmem>>
    %dma_wait3A_770 = arith.constant 5504 : i32
    %dma_wait3A_771 = tpu.memref_slice %arg5[%dma_wait3A_770] : memref<6656xi32, #tpu.memory_space<vmem>> -> memref<128xi32, #tpu.memory_space<vmem>>
    %dma_wait3A_772 = arith.constant 0 : i32
    %dma_wait3A_773 = arith.constant 0 : i32
    %dma_wait3A_774 = tpu.memref_slice %arg2[%dma_wait3A_772, %dma_wait3A_773] : memref<1040000x16xf32, #tpu.memory_space<hbm>> -> memref<1040000x16xf32, #tpu.memory_space<hbm>>
    tpu.wait_indirect_dma semaphore(%arg9 : memref<!tpu.dma_semaphore, #tpu.memory_space<semaphore_mem>>) src(%dma_wait3A_774 : memref<1040000x16xf32, #tpu.memory_space<hbm>>) dst(%dma_wait3A_769 : memref<128x16xf32, #tpu.memory_space<vmem>>)
    %dma_wait3A_775 = arith.constant 640 : i32
    %dma_wait3A_776 = arith.constant 0 : i32
    %dma_wait3A_777 = tpu.memref_slice %arg7[%dma_wait3A_775, %dma_wait3A_776] : memref<1664x16xf32, #tpu.memory_space<vmem>> -> memref<128x16xf32, #tpu.memory_space<vmem>>
    %dma_wait3A_778 = arith.constant 5632 : i32
    %dma_wait3A_779 = tpu.memref_slice %arg5[%dma_wait3A_778] : memref<6656xi32, #tpu.memory_space<vmem>> -> memref<128xi32, #tpu.memory_space<vmem>>
    %dma_wait3A_780 = arith.constant 0 : i32
    %dma_wait3A_781 = arith.constant 0 : i32
    %dma_wait3A_782 = tpu.memref_slice %arg2[%dma_wait3A_780, %dma_wait3A_781] : memref<1040000x16xf32, #tpu.memory_space<hbm>> -> memref<1040000x16xf32, #tpu.memory_space<hbm>>
    tpu.wait_indirect_dma semaphore(%arg9 : memref<!tpu.dma_semaphore, #tpu.memory_space<semaphore_mem>>) src(%dma_wait3A_782 : memref<1040000x16xf32, #tpu.memory_space<hbm>>) dst(%dma_wait3A_777 : memref<128x16xf32, #tpu.memory_space<vmem>>)
    %dma_wait3A_783 = arith.constant 768 : i32
    %dma_wait3A_784 = arith.constant 0 : i32
    %dma_wait3A_785 = tpu.memref_slice %arg7[%dma_wait3A_783, %dma_wait3A_784] : memref<1664x16xf32, #tpu.memory_space<vmem>> -> memref<128x16xf32, #tpu.memory_space<vmem>>
    %dma_wait3A_786 = arith.constant 5760 : i32
    %dma_wait3A_787 = tpu.memref_slice %arg5[%dma_wait3A_786] : memref<6656xi32, #tpu.memory_space<vmem>> -> memref<128xi32, #tpu.memory_space<vmem>>
    %dma_wait3A_788 = arith.constant 0 : i32
    %dma_wait3A_789 = arith.constant 0 : i32
    %dma_wait3A_790 = tpu.memref_slice %arg2[%dma_wait3A_788, %dma_wait3A_789] : memref<1040000x16xf32, #tpu.memory_space<hbm>> -> memref<1040000x16xf32, #tpu.memory_space<hbm>>
    tpu.wait_indirect_dma semaphore(%arg9 : memref<!tpu.dma_semaphore, #tpu.memory_space<semaphore_mem>>) src(%dma_wait3A_790 : memref<1040000x16xf32, #tpu.memory_space<hbm>>) dst(%dma_wait3A_785 : memref<128x16xf32, #tpu.memory_space<vmem>>)
    %dma_wait3A_791 = arith.constant 896 : i32
    %dma_wait3A_792 = arith.constant 0 : i32
    %dma_wait3A_793 = tpu.memref_slice %arg7[%dma_wait3A_791, %dma_wait3A_792] : memref<1664x16xf32, #tpu.memory_space<vmem>> -> memref<128x16xf32, #tpu.memory_space<vmem>>
    %dma_wait3A_794 = arith.constant 5888 : i32
    %dma_wait3A_795 = tpu.memref_slice %arg5[%dma_wait3A_794] : memref<6656xi32, #tpu.memory_space<vmem>> -> memref<128xi32, #tpu.memory_space<vmem>>
    %dma_wait3A_796 = arith.constant 0 : i32
    %dma_wait3A_797 = arith.constant 0 : i32
    %dma_wait3A_798 = tpu.memref_slice %arg2[%dma_wait3A_796, %dma_wait3A_797] : memref<1040000x16xf32, #tpu.memory_space<hbm>> -> memref<1040000x16xf32, #tpu.memory_space<hbm>>
    tpu.wait_indirect_dma semaphore(%arg9 : memref<!tpu.dma_semaphore, #tpu.memory_space<semaphore_mem>>) src(%dma_wait3A_798 : memref<1040000x16xf32, #tpu.memory_space<hbm>>) dst(%dma_wait3A_793 : memref<128x16xf32, #tpu.memory_space<vmem>>)
    %dma_wait3A_799 = arith.constant 1024 : i32
    %dma_wait3A_800 = arith.constant 0 : i32
    %dma_wait3A_801 = tpu.memref_slice %arg7[%dma_wait3A_799, %dma_wait3A_800] : memref<1664x16xf32, #tpu.memory_space<vmem>> -> memref<128x16xf32, #tpu.memory_space<vmem>>
    %dma_wait3A_802 = arith.constant 6016 : i32
    %dma_wait3A_803 = tpu.memref_slice %arg5[%dma_wait3A_802] : memref<6656xi32, #tpu.memory_space<vmem>> -> memref<128xi32, #tpu.memory_space<vmem>>
    %dma_wait3A_804 = arith.constant 0 : i32
    %dma_wait3A_805 = arith.constant 0 : i32
    %dma_wait3A_806 = tpu.memref_slice %arg2[%dma_wait3A_804, %dma_wait3A_805] : memref<1040000x16xf32, #tpu.memory_space<hbm>> -> memref<1040000x16xf32, #tpu.memory_space<hbm>>
    tpu.wait_indirect_dma semaphore(%arg9 : memref<!tpu.dma_semaphore, #tpu.memory_space<semaphore_mem>>) src(%dma_wait3A_806 : memref<1040000x16xf32, #tpu.memory_space<hbm>>) dst(%dma_wait3A_801 : memref<128x16xf32, #tpu.memory_space<vmem>>)
    %dma_wait3A_807 = arith.constant 1152 : i32
    %dma_wait3A_808 = arith.constant 0 : i32
    %dma_wait3A_809 = tpu.memref_slice %arg7[%dma_wait3A_807, %dma_wait3A_808] : memref<1664x16xf32, #tpu.memory_space<vmem>> -> memref<128x16xf32, #tpu.memory_space<vmem>>
    %dma_wait3A_810 = arith.constant 6144 : i32
    %dma_wait3A_811 = tpu.memref_slice %arg5[%dma_wait3A_810] : memref<6656xi32, #tpu.memory_space<vmem>> -> memref<128xi32, #tpu.memory_space<vmem>>
    %dma_wait3A_812 = arith.constant 0 : i32
    %dma_wait3A_813 = arith.constant 0 : i32
    %dma_wait3A_814 = tpu.memref_slice %arg2[%dma_wait3A_812, %dma_wait3A_813] : memref<1040000x16xf32, #tpu.memory_space<hbm>> -> memref<1040000x16xf32, #tpu.memory_space<hbm>>
    tpu.wait_indirect_dma semaphore(%arg9 : memref<!tpu.dma_semaphore, #tpu.memory_space<semaphore_mem>>) src(%dma_wait3A_814 : memref<1040000x16xf32, #tpu.memory_space<hbm>>) dst(%dma_wait3A_809 : memref<128x16xf32, #tpu.memory_space<vmem>>)
    %dma_wait3A_815 = arith.constant 1280 : i32
    %dma_wait3A_816 = arith.constant 0 : i32
    %dma_wait3A_817 = tpu.memref_slice %arg7[%dma_wait3A_815, %dma_wait3A_816] : memref<1664x16xf32, #tpu.memory_space<vmem>> -> memref<128x16xf32, #tpu.memory_space<vmem>>
    %dma_wait3A_818 = arith.constant 6272 : i32
    %dma_wait3A_819 = tpu.memref_slice %arg5[%dma_wait3A_818] : memref<6656xi32, #tpu.memory_space<vmem>> -> memref<128xi32, #tpu.memory_space<vmem>>
    %dma_wait3A_820 = arith.constant 0 : i32
    %dma_wait3A_821 = arith.constant 0 : i32
    %dma_wait3A_822 = tpu.memref_slice %arg2[%dma_wait3A_820, %dma_wait3A_821] : memref<1040000x16xf32, #tpu.memory_space<hbm>> -> memref<1040000x16xf32, #tpu.memory_space<hbm>>
    tpu.wait_indirect_dma semaphore(%arg9 : memref<!tpu.dma_semaphore, #tpu.memory_space<semaphore_mem>>) src(%dma_wait3A_822 : memref<1040000x16xf32, #tpu.memory_space<hbm>>) dst(%dma_wait3A_817 : memref<128x16xf32, #tpu.memory_space<vmem>>)
    %dma_wait3A_823 = arith.constant 1408 : i32
    %dma_wait3A_824 = arith.constant 0 : i32
    %dma_wait3A_825 = tpu.memref_slice %arg7[%dma_wait3A_823, %dma_wait3A_824] : memref<1664x16xf32, #tpu.memory_space<vmem>> -> memref<128x16xf32, #tpu.memory_space<vmem>>
    %dma_wait3A_826 = arith.constant 6400 : i32
    %dma_wait3A_827 = tpu.memref_slice %arg5[%dma_wait3A_826] : memref<6656xi32, #tpu.memory_space<vmem>> -> memref<128xi32, #tpu.memory_space<vmem>>
    %dma_wait3A_828 = arith.constant 0 : i32
    %dma_wait3A_829 = arith.constant 0 : i32
    %dma_wait3A_830 = tpu.memref_slice %arg2[%dma_wait3A_828, %dma_wait3A_829] : memref<1040000x16xf32, #tpu.memory_space<hbm>> -> memref<1040000x16xf32, #tpu.memory_space<hbm>>
    tpu.wait_indirect_dma semaphore(%arg9 : memref<!tpu.dma_semaphore, #tpu.memory_space<semaphore_mem>>) src(%dma_wait3A_830 : memref<1040000x16xf32, #tpu.memory_space<hbm>>) dst(%dma_wait3A_825 : memref<128x16xf32, #tpu.memory_space<vmem>>)
    %dma_wait3A_831 = arith.constant 1536 : i32
    %dma_wait3A_832 = arith.constant 0 : i32
    %dma_wait3A_833 = tpu.memref_slice %arg7[%dma_wait3A_831, %dma_wait3A_832] : memref<1664x16xf32, #tpu.memory_space<vmem>> -> memref<128x16xf32, #tpu.memory_space<vmem>>
    %dma_wait3A_834 = arith.constant 6528 : i32
    %dma_wait3A_835 = tpu.memref_slice %arg5[%dma_wait3A_834] : memref<6656xi32, #tpu.memory_space<vmem>> -> memref<128xi32, #tpu.memory_space<vmem>>
    %dma_wait3A_836 = arith.constant 0 : i32
    %dma_wait3A_837 = arith.constant 0 : i32
    %dma_wait3A_838 = tpu.memref_slice %arg2[%dma_wait3A_836, %dma_wait3A_837] : memref<1040000x16xf32, #tpu.memory_space<hbm>> -> memref<1040000x16xf32, #tpu.memory_space<hbm>>
    tpu.wait_indirect_dma semaphore(%arg9 : memref<!tpu.dma_semaphore, #tpu.memory_space<semaphore_mem>>) src(%dma_wait3A_838 : memref<1040000x16xf32, #tpu.memory_space<hbm>>) dst(%dma_wait3A_833 : memref<128x16xf32, #tpu.memory_space<vmem>>)
    %add3A_839 = arith.constant 4992 : i32
    %add3A_840 = arith.addi %mul3A_2, %add3A_839 : i32
    "tpu.region"() ({
      %run_scoped3A = tpu.sem_alloc : memref<!tpu.dma_semaphore, #tpu.memory_space<semaphore_mem>>
      %dma_start3A_841 = arith.constant 0 : i32
      %dma_start3A_842 = tpu.memref_slice %arg4[%add3A_840, %dma_start3A_841] : memref<212992x16xf32, #tpu.memory_space<hbm>> -> memref<1664x16xf32, #tpu.memory_space<hbm>>
      %dma_start3A_843 = arith.constant 0 : i32
      %dma_start3A_844 = tpu.memref_slice %arg4[%add3A_840, %dma_start3A_843] : memref<212992x16xf32, #tpu.memory_space<hbm>> -> memref<1664x16xf32, #tpu.memory_space<hbm>>
      tpu.enqueue_dma source(%arg7 : memref<1664x16xf32, #tpu.memory_space<vmem>>) target(%dma_start3A_844 : memref<1664x16xf32, #tpu.memory_space<hbm>>) target_semaphore(%run_scoped3A : memref<!tpu.dma_semaphore, #tpu.memory_space<semaphore_mem>>)
      %dma_wait3A_845 = arith.constant 0 : i32
      %dma_wait3A_846 = tpu.memref_slice %arg4[%add3A_840, %dma_wait3A_845] : memref<212992x16xf32, #tpu.memory_space<hbm>> -> memref<1664x16xf32, #tpu.memory_space<hbm>>
      %dma_wait3A_847 = arith.constant 0 : i32
      %dma_wait3A_848 = tpu.memref_slice %arg4[%add3A_840, %dma_wait3A_847] : memref<212992x16xf32, #tpu.memory_space<hbm>> -> memref<1664x16xf32, #tpu.memory_space<hbm>>
      tpu.wait_dma2 semaphore(%run_scoped3A : memref<!tpu.dma_semaphore, #tpu.memory_space<semaphore_mem>>) src(%arg7 : memref<1664x16xf32, #tpu.memory_space<vmem>>) dst(%dma_wait3A_848 : memref<1664x16xf32, #tpu.memory_space<hbm>>)
      tpu.yield
    }) : () -> ()
    return
  }
}

module attributes {stable_mosaic.version = 14 : i64} {
  func.func @_detile_body(%arg0: i32, %arg1: memref<16x16000xf32, #tpu.memory_space<vmem>>, %arg2: memref<2000x128xf32, #tpu.memory_space<vmem>>) attributes {dimension_semantics = [#tpu.dimension_semantics<arbitrary>], iteration_bounds = array<i64: 65>, scalar_prefetch = 0 : i64, scratch_operands = 0 : i64, tpu.core_type = #tpu.core_type<tc>, window_params = [{transform_indices = @transform_0, window_bounds = array<i64: 16, 16000>}, {transform_indices = @transform_1, window_bounds = array<i64: 2000, 128>}]} {
    %get3A = arith.constant 0 : index
    %get3A_0 = arith.constant 0 : index
    %get3A_1 = vector.load %arg1[%get3A, %get3A_0] : memref<16x16000xf32, #tpu.memory_space<vmem>>, vector<16x16000xf32>
    %slice3A = vector.extract_strided_slice %get3A_1 {offsets = [0, 0], sizes = [16, 2000], strides = [1, 1]} : vector<16x16000xf32> to vector<16x2000xf32>
    %slice3A_2 = vector.extract_strided_slice %get3A_1 {offsets = [0, 2000], sizes = [16, 2000], strides = [1, 1]} : vector<16x16000xf32> to vector<16x2000xf32>
    %slice3A_3 = vector.extract_strided_slice %get3A_1 {offsets = [0, 4000], sizes = [16, 2000], strides = [1, 1]} : vector<16x16000xf32> to vector<16x2000xf32>
    %slice3A_4 = vector.extract_strided_slice %get3A_1 {offsets = [0, 6000], sizes = [16, 2000], strides = [1, 1]} : vector<16x16000xf32> to vector<16x2000xf32>
    %slice3A_5 = vector.extract_strided_slice %get3A_1 {offsets = [0, 8000], sizes = [16, 2000], strides = [1, 1]} : vector<16x16000xf32> to vector<16x2000xf32>
    %slice3A_6 = vector.extract_strided_slice %get3A_1 {offsets = [0, 10000], sizes = [16, 2000], strides = [1, 1]} : vector<16x16000xf32> to vector<16x2000xf32>
    %slice3A_7 = vector.extract_strided_slice %get3A_1 {offsets = [0, 12000], sizes = [16, 2000], strides = [1, 1]} : vector<16x16000xf32> to vector<16x2000xf32>
    %slice3A_8 = vector.extract_strided_slice %get3A_1 {offsets = [0, 14000], sizes = [16, 2000], strides = [1, 1]} : vector<16x16000xf32> to vector<16x2000xf32>
    %concatenate3A = tpu.concatenate %slice3A, %slice3A_2, %slice3A_3, %slice3A_4, %slice3A_5, %slice3A_6, %slice3A_7, %slice3A_8 in 0 : vector<16x2000xf32>, vector<16x2000xf32>, vector<16x2000xf32>, vector<16x2000xf32>, vector<16x2000xf32>, vector<16x2000xf32>, vector<16x2000xf32>, vector<16x2000xf32> -> vector<128x2000xf32>
    %transpose3A = tpu.transpose %concatenate3A, [1, 0] : vector<128x2000xf32> -> vector<2000x128xf32>
    %swap3A = arith.constant 0 : index
    %swap3A_9 = arith.constant 0 : index
    %swap3A_10 = vector.load %arg2[%swap3A, %swap3A_9] : memref<2000x128xf32, #tpu.memory_space<vmem>>, vector<2000x128xf32>
    tpu.vector_store %arg2[%swap3A, %swap3A_9], %transpose3A {strides = array<i32>} : memref<2000x128xf32, #tpu.memory_space<vmem>>, vector<2000x128xf32>,
    return
  }
  func.func @transform_0(%arg0: i32) -> (i32, i32) {
    %c0_i32 = arith.constant 0 : i32
    %c0_i32_0 = arith.constant 0 : i32
    return %c0_i32, %arg0 : i32, i32
  }
  func.func @transform_1(%arg0: i32) -> (i32, i32) {
    %c0_i32 = arith.constant 0 : i32
    %c0_i32_0 = arith.constant 0 : i32
    return %arg0, %c0_i32 : i32, i32
  }
}

module attributes {stable_mosaic.version = 14 : i64} {
  func.func @body(%arg0: i32, %arg1: memref<512x416xf32, #tpu.memory_space<vmem>>, %arg2: memref<256x741xf32, #tpu.memory_space<vmem>>, %arg3: memref<256x1xf32, #tpu.memory_space<vmem>>, %arg4: memref<256x256xf32, #tpu.memory_space<vmem>>, %arg5: memref<256x1xf32, #tpu.memory_space<vmem>>, %arg6: memref<256x1xf32, #tpu.memory_space<vmem>>, %arg7: memref<1x1xf32, #tpu.memory_space<vmem>>, %arg8: memref<1x1x512xf32, #tpu.memory_space<vmem>>) attributes {dimension_semantics = [#tpu.dimension_semantics<arbitrary>], iteration_bounds = array<i64: 16>, scalar_prefetch = 0 : i64, scratch_operands = 0 : i64, tpu.core_type = #tpu.core_type<tc>, window_params = [{transform_indices = @transform_0, window_bounds = array<i64: 512, 416>}, {pipeline_mode = #tpu.pipeline_mode<synchronous>, transform_indices = @transform_1, window_bounds = array<i64: 256, 741>}, {pipeline_mode = #tpu.pipeline_mode<synchronous>, transform_indices = @transform_2, window_bounds = array<i64: 256, 1>}, {pipeline_mode = #tpu.pipeline_mode<synchronous>, transform_indices = @transform_3, window_bounds = array<i64: 256, 256>}, {pipeline_mode = #tpu.pipeline_mode<synchronous>, transform_indices = @transform_4, window_bounds = array<i64: 256, 1>}, {pipeline_mode = #tpu.pipeline_mode<synchronous>, transform_indices = @transform_5, window_bounds = array<i64: 256, 1>}, {pipeline_mode = #tpu.pipeline_mode<synchronous>, transform_indices = @transform_6, window_bounds = array<i64: 1, 1>}, {transform_indices = @transform_7, window_bounds = array<i64: 1, 1, 512>}]} {
    %get3A = arith.constant 0 : index
    %get3A_0 = arith.constant 0 : index
    %get3A_1 = vector.load %arg1[%get3A, %get3A_0] : memref<512x416xf32, #tpu.memory_space<vmem>>, vector<512x416xf32>
    %transpose3A = tpu.transpose %get3A_1, [1, 0] : vector<512x416xf32> -> vector<416x512xf32>
    %slice3A = vector.extract_strided_slice %transpose3A {offsets = [0, 0], sizes = [16, 512], strides = [1, 1]} : vector<416x512xf32> to vector<16x512xf32>
    %slice3A_2 = vector.extract_strided_slice %transpose3A {offsets = [16, 0], sizes = [400, 512], strides = [1, 1]} : vector<416x512xf32> to vector<400x512xf32>
    %reshape3A = vector.shape_cast %slice3A_2 : vector<400x512xf32> to vector<25x16x512xf32>
    %broadcast_in_dim3A = vector.shape_cast %slice3A : vector<16x512xf32> to vector<1x16x512xf32>
    %mul3A = vector.broadcast %broadcast_in_dim3A : vector<1x16x512xf32> to vector<25x16x512xf32>
    %mul3A_3 = arith.mulf %reshape3A, %mul3A : vector<25x16x512xf32>
    %reduce_sum3A = arith.constant dense<0.000000e+00> : vector<25x512xf32>
    %reduce_sum3A_4 = vector.multi_reduction <add>, %mul3A_3, %reduce_sum3A [1] : vector<25x16x512xf32> to vector<25x512xf32>
    %slice3A_5 = vector.extract_strided_slice %transpose3A {offsets = [16, 0], sizes = [16, 512], strides = [1, 1]} : vector<416x512xf32> to vector<16x512xf32>
    %slice3A_6 = vector.extract_strided_slice %transpose3A {offsets = [32, 0], sizes = [384, 512], strides = [1, 1]} : vector<416x512xf32> to vector<384x512xf32>
    %reshape3A_7 = vector.shape_cast %slice3A_6 : vector<384x512xf32> to vector<24x16x512xf32>
    %broadcast_in_dim3A_8 = vector.shape_cast %slice3A_5 : vector<16x512xf32> to vector<1x16x512xf32>
    %mul3A_9 = vector.broadcast %broadcast_in_dim3A_8 : vector<1x16x512xf32> to vector<24x16x512xf32>
    %mul3A_10 = arith.mulf %reshape3A_7, %mul3A_9 : vector<24x16x512xf32>
    %reduce_sum3A_11 = arith.constant dense<0.000000e+00> : vector<24x512xf32>
    %reduce_sum3A_12 = vector.multi_reduction <add>, %mul3A_10, %reduce_sum3A_11 [1] : vector<24x16x512xf32> to vector<24x512xf32>
    %slice3A_13 = vector.extract_strided_slice %transpose3A {offsets = [32, 0], sizes = [16, 512], strides = [1, 1]} : vector<416x512xf32> to vector<16x512xf32>
    %slice3A_14 = vector.extract_strided_slice %transpose3A {offsets = [48, 0], sizes = [368, 512], strides = [1, 1]} : vector<416x512xf32> to vector<368x512xf32>
    %reshape3A_15 = vector.shape_cast %slice3A_14 : vector<368x512xf32> to vector<23x16x512xf32>
    %broadcast_in_dim3A_16 = vector.shape_cast %slice3A_13 : vector<16x512xf32> to vector<1x16x512xf32>
    %mul3A_17 = vector.broadcast %broadcast_in_dim3A_16 : vector<1x16x512xf32> to vector<23x16x512xf32>
    %mul3A_18 = arith.mulf %reshape3A_15, %mul3A_17 : vector<23x16x512xf32>
    %reduce_sum3A_19 = arith.constant dense<0.000000e+00> : vector<23x512xf32>
    %reduce_sum3A_20 = vector.multi_reduction <add>, %mul3A_18, %reduce_sum3A_19 [1] : vector<23x16x512xf32> to vector<23x512xf32>
    %slice3A_21 = vector.extract_strided_slice %transpose3A {offsets = [48, 0], sizes = [16, 512], strides = [1, 1]} : vector<416x512xf32> to vector<16x512xf32>
    %slice3A_22 = vector.extract_strided_slice %transpose3A {offsets = [64, 0], sizes = [352, 512], strides = [1, 1]} : vector<416x512xf32> to vector<352x512xf32>
    %reshape3A_23 = vector.shape_cast %slice3A_22 : vector<352x512xf32> to vector<22x16x512xf32>
    %broadcast_in_dim3A_24 = vector.shape_cast %slice3A_21 : vector<16x512xf32> to vector<1x16x512xf32>
    %mul3A_25 = vector.broadcast %broadcast_in_dim3A_24 : vector<1x16x512xf32> to vector<22x16x512xf32>
    %mul3A_26 = arith.mulf %reshape3A_23, %mul3A_25 : vector<22x16x512xf32>
    %reduce_sum3A_27 = arith.constant dense<0.000000e+00> : vector<22x512xf32>
    %reduce_sum3A_28 = vector.multi_reduction <add>, %mul3A_26, %reduce_sum3A_27 [1] : vector<22x16x512xf32> to vector<22x512xf32>
    %slice3A_29 = vector.extract_strided_slice %transpose3A {offsets = [64, 0], sizes = [16, 512], strides = [1, 1]} : vector<416x512xf32> to vector<16x512xf32>
    %slice3A_30 = vector.extract_strided_slice %transpose3A {offsets = [80, 0], sizes = [336, 512], strides = [1, 1]} : vector<416x512xf32> to vector<336x512xf32>
    %reshape3A_31 = vector.shape_cast %slice3A_30 : vector<336x512xf32> to vector<21x16x512xf32>
    %broadcast_in_dim3A_32 = vector.shape_cast %slice3A_29 : vector<16x512xf32> to vector<1x16x512xf32>
    %mul3A_33 = vector.broadcast %broadcast_in_dim3A_32 : vector<1x16x512xf32> to vector<21x16x512xf32>
    %mul3A_34 = arith.mulf %reshape3A_31, %mul3A_33 : vector<21x16x512xf32>
    %reduce_sum3A_35 = arith.constant dense<0.000000e+00> : vector<21x512xf32>
    %reduce_sum3A_36 = vector.multi_reduction <add>, %mul3A_34, %reduce_sum3A_35 [1] : vector<21x16x512xf32> to vector<21x512xf32>
    %slice3A_37 = vector.extract_strided_slice %transpose3A {offsets = [80, 0], sizes = [16, 512], strides = [1, 1]} : vector<416x512xf32> to vector<16x512xf32>
    %slice3A_38 = vector.extract_strided_slice %transpose3A {offsets = [96, 0], sizes = [320, 512], strides = [1, 1]} : vector<416x512xf32> to vector<320x512xf32>
    %reshape3A_39 = vector.shape_cast %slice3A_38 : vector<320x512xf32> to vector<20x16x512xf32>
    %broadcast_in_dim3A_40 = vector.shape_cast %slice3A_37 : vector<16x512xf32> to vector<1x16x512xf32>
    %mul3A_41 = vector.broadcast %broadcast_in_dim3A_40 : vector<1x16x512xf32> to vector<20x16x512xf32>
    %mul3A_42 = arith.mulf %reshape3A_39, %mul3A_41 : vector<20x16x512xf32>
    %reduce_sum3A_43 = arith.constant dense<0.000000e+00> : vector<20x512xf32>
    %reduce_sum3A_44 = vector.multi_reduction <add>, %mul3A_42, %reduce_sum3A_43 [1] : vector<20x16x512xf32> to vector<20x512xf32>
    %slice3A_45 = vector.extract_strided_slice %transpose3A {offsets = [96, 0], sizes = [16, 512], strides = [1, 1]} : vector<416x512xf32> to vector<16x512xf32>
    %slice3A_46 = vector.extract_strided_slice %transpose3A {offsets = [112, 0], sizes = [304, 512], strides = [1, 1]} : vector<416x512xf32> to vector<304x512xf32>
    %reshape3A_47 = vector.shape_cast %slice3A_46 : vector<304x512xf32> to vector<19x16x512xf32>
    %broadcast_in_dim3A_48 = vector.shape_cast %slice3A_45 : vector<16x512xf32> to vector<1x16x512xf32>
    %mul3A_49 = vector.broadcast %broadcast_in_dim3A_48 : vector<1x16x512xf32> to vector<19x16x512xf32>
    %mul3A_50 = arith.mulf %reshape3A_47, %mul3A_49 : vector<19x16x512xf32>
    %reduce_sum3A_51 = arith.constant dense<0.000000e+00> : vector<19x512xf32>
    %reduce_sum3A_52 = vector.multi_reduction <add>, %mul3A_50, %reduce_sum3A_51 [1] : vector<19x16x512xf32> to vector<19x512xf32>
    %slice3A_53 = vector.extract_strided_slice %transpose3A {offsets = [112, 0], sizes = [16, 512], strides = [1, 1]} : vector<416x512xf32> to vector<16x512xf32>
    %slice3A_54 = vector.extract_strided_slice %transpose3A {offsets = [128, 0], sizes = [288, 512], strides = [1, 1]} : vector<416x512xf32> to vector<288x512xf32>
    %reshape3A_55 = vector.shape_cast %slice3A_54 : vector<288x512xf32> to vector<18x16x512xf32>
    %broadcast_in_dim3A_56 = vector.shape_cast %slice3A_53 : vector<16x512xf32> to vector<1x16x512xf32>
    %mul3A_57 = vector.broadcast %broadcast_in_dim3A_56 : vector<1x16x512xf32> to vector<18x16x512xf32>
    %mul3A_58 = arith.mulf %reshape3A_55, %mul3A_57 : vector<18x16x512xf32>
    %reduce_sum3A_59 = arith.constant dense<0.000000e+00> : vector<18x512xf32>
    %reduce_sum3A_60 = vector.multi_reduction <add>, %mul3A_58, %reduce_sum3A_59 [1] : vector<18x16x512xf32> to vector<18x512xf32>
    %slice3A_61 = vector.extract_strided_slice %transpose3A {offsets = [128, 0], sizes = [16, 512], strides = [1, 1]} : vector<416x512xf32> to vector<16x512xf32>
    %slice3A_62 = vector.extract_strided_slice %transpose3A {offsets = [144, 0], sizes = [272, 512], strides = [1, 1]} : vector<416x512xf32> to vector<272x512xf32>
    %reshape3A_63 = vector.shape_cast %slice3A_62 : vector<272x512xf32> to vector<17x16x512xf32>
    %broadcast_in_dim3A_64 = vector.shape_cast %slice3A_61 : vector<16x512xf32> to vector<1x16x512xf32>
    %mul3A_65 = vector.broadcast %broadcast_in_dim3A_64 : vector<1x16x512xf32> to vector<17x16x512xf32>
    %mul3A_66 = arith.mulf %reshape3A_63, %mul3A_65 : vector<17x16x512xf32>
    %reduce_sum3A_67 = arith.constant dense<0.000000e+00> : vector<17x512xf32>
    %reduce_sum3A_68 = vector.multi_reduction <add>, %mul3A_66, %reduce_sum3A_67 [1] : vector<17x16x512xf32> to vector<17x512xf32>
    %slice3A_69 = vector.extract_strided_slice %transpose3A {offsets = [144, 0], sizes = [16, 512], strides = [1, 1]} : vector<416x512xf32> to vector<16x512xf32>
    %slice3A_70 = vector.extract_strided_slice %transpose3A {offsets = [160, 0], sizes = [256, 512], strides = [1, 1]} : vector<416x512xf32> to vector<256x512xf32>
    %reshape3A_71 = vector.shape_cast %slice3A_70 : vector<256x512xf32> to vector<16x16x512xf32>
    %broadcast_in_dim3A_72 = vector.shape_cast %slice3A_69 : vector<16x512xf32> to vector<1x16x512xf32>
    %mul3A_73 = vector.broadcast %broadcast_in_dim3A_72 : vector<1x16x512xf32> to vector<16x16x512xf32>
    %mul3A_74 = arith.mulf %reshape3A_71, %mul3A_73 : vector<16x16x512xf32>
    %reduce_sum3A_75 = arith.constant dense<0.000000e+00> : vector<16x512xf32>
    %reduce_sum3A_76 = vector.multi_reduction <add>, %mul3A_74, %reduce_sum3A_75 [1] : vector<16x16x512xf32> to vector<16x512xf32>
    %slice3A_77 = vector.extract_strided_slice %transpose3A {offsets = [160, 0], sizes = [16, 512], strides = [1, 1]} : vector<416x512xf32> to vector<16x512xf32>
    %slice3A_78 = vector.extract_strided_slice %transpose3A {offsets = [176, 0], sizes = [240, 512], strides = [1, 1]} : vector<416x512xf32> to vector<240x512xf32>
    %reshape3A_79 = vector.shape_cast %slice3A_78 : vector<240x512xf32> to vector<15x16x512xf32>
    %broadcast_in_dim3A_80 = vector.shape_cast %slice3A_77 : vector<16x512xf32> to vector<1x16x512xf32>
    %mul3A_81 = vector.broadcast %broadcast_in_dim3A_80 : vector<1x16x512xf32> to vector<15x16x512xf32>
    %mul3A_82 = arith.mulf %reshape3A_79, %mul3A_81 : vector<15x16x512xf32>
    %reduce_sum3A_83 = arith.constant dense<0.000000e+00> : vector<15x512xf32>
    %reduce_sum3A_84 = vector.multi_reduction <add>, %mul3A_82, %reduce_sum3A_83 [1] : vector<15x16x512xf32> to vector<15x512xf32>
    %slice3A_85 = vector.extract_strided_slice %transpose3A {offsets = [176, 0], sizes = [16, 512], strides = [1, 1]} : vector<416x512xf32> to vector<16x512xf32>
    %slice3A_86 = vector.extract_strided_slice %transpose3A {offsets = [192, 0], sizes = [224, 512], strides = [1, 1]} : vector<416x512xf32> to vector<224x512xf32>
    %reshape3A_87 = vector.shape_cast %slice3A_86 : vector<224x512xf32> to vector<14x16x512xf32>
    %broadcast_in_dim3A_88 = vector.shape_cast %slice3A_85 : vector<16x512xf32> to vector<1x16x512xf32>
    %mul3A_89 = vector.broadcast %broadcast_in_dim3A_88 : vector<1x16x512xf32> to vector<14x16x512xf32>
    %mul3A_90 = arith.mulf %reshape3A_87, %mul3A_89 : vector<14x16x512xf32>
    %reduce_sum3A_91 = arith.constant dense<0.000000e+00> : vector<14x512xf32>
    %reduce_sum3A_92 = vector.multi_reduction <add>, %mul3A_90, %reduce_sum3A_91 [1] : vector<14x16x512xf32> to vector<14x512xf32>
    %slice3A_93 = vector.extract_strided_slice %transpose3A {offsets = [192, 0], sizes = [16, 512], strides = [1, 1]} : vector<416x512xf32> to vector<16x512xf32>
    %slice3A_94 = vector.extract_strided_slice %transpose3A {offsets = [208, 0], sizes = [208, 512], strides = [1, 1]} : vector<416x512xf32> to vector<208x512xf32>
    %reshape3A_95 = vector.shape_cast %slice3A_94 : vector<208x512xf32> to vector<13x16x512xf32>
    %broadcast_in_dim3A_96 = vector.shape_cast %slice3A_93 : vector<16x512xf32> to vector<1x16x512xf32>
    %mul3A_97 = vector.broadcast %broadcast_in_dim3A_96 : vector<1x16x512xf32> to vector<13x16x512xf32>
    %mul3A_98 = arith.mulf %reshape3A_95, %mul3A_97 : vector<13x16x512xf32>
    %reduce_sum3A_99 = arith.constant dense<0.000000e+00> : vector<13x512xf32>
    %reduce_sum3A_100 = vector.multi_reduction <add>, %mul3A_98, %reduce_sum3A_99 [1] : vector<13x16x512xf32> to vector<13x512xf32>
    %slice3A_101 = vector.extract_strided_slice %transpose3A {offsets = [208, 0], sizes = [16, 512], strides = [1, 1]} : vector<416x512xf32> to vector<16x512xf32>
    %slice3A_102 = vector.extract_strided_slice %transpose3A {offsets = [224, 0], sizes = [192, 512], strides = [1, 1]} : vector<416x512xf32> to vector<192x512xf32>
    %reshape3A_103 = vector.shape_cast %slice3A_102 : vector<192x512xf32> to vector<12x16x512xf32>
    %broadcast_in_dim3A_104 = vector.shape_cast %slice3A_101 : vector<16x512xf32> to vector<1x16x512xf32>
    %mul3A_105 = vector.broadcast %broadcast_in_dim3A_104 : vector<1x16x512xf32> to vector<12x16x512xf32>
    %mul3A_106 = arith.mulf %reshape3A_103, %mul3A_105 : vector<12x16x512xf32>
    %reduce_sum3A_107 = arith.constant dense<0.000000e+00> : vector<12x512xf32>
    %reduce_sum3A_108 = vector.multi_reduction <add>, %mul3A_106, %reduce_sum3A_107 [1] : vector<12x16x512xf32> to vector<12x512xf32>
    %slice3A_109 = vector.extract_strided_slice %transpose3A {offsets = [224, 0], sizes = [16, 512], strides = [1, 1]} : vector<416x512xf32> to vector<16x512xf32>
    %slice3A_110 = vector.extract_strided_slice %transpose3A {offsets = [240, 0], sizes = [176, 512], strides = [1, 1]} : vector<416x512xf32> to vector<176x512xf32>
    %reshape3A_111 = vector.shape_cast %slice3A_110 : vector<176x512xf32> to vector<11x16x512xf32>
    %broadcast_in_dim3A_112 = vector.shape_cast %slice3A_109 : vector<16x512xf32> to vector<1x16x512xf32>
    %mul3A_113 = vector.broadcast %broadcast_in_dim3A_112 : vector<1x16x512xf32> to vector<11x16x512xf32>
    %mul3A_114 = arith.mulf %reshape3A_111, %mul3A_113 : vector<11x16x512xf32>
    %reduce_sum3A_115 = arith.constant dense<0.000000e+00> : vector<11x512xf32>
    %reduce_sum3A_116 = vector.multi_reduction <add>, %mul3A_114, %reduce_sum3A_115 [1] : vector<11x16x512xf32> to vector<11x512xf32>
    %slice3A_117 = vector.extract_strided_slice %transpose3A {offsets = [240, 0], sizes = [16, 512], strides = [1, 1]} : vector<416x512xf32> to vector<16x512xf32>
    %slice3A_118 = vector.extract_strided_slice %transpose3A {offsets = [256, 0], sizes = [160, 512], strides = [1, 1]} : vector<416x512xf32> to vector<160x512xf32>
    %reshape3A_119 = vector.shape_cast %slice3A_118 : vector<160x512xf32> to vector<10x16x512xf32>
    %broadcast_in_dim3A_120 = vector.shape_cast %slice3A_117 : vector<16x512xf32> to vector<1x16x512xf32>
    %mul3A_121 = vector.broadcast %broadcast_in_dim3A_120 : vector<1x16x512xf32> to vector<10x16x512xf32>
    %mul3A_122 = arith.mulf %reshape3A_119, %mul3A_121 : vector<10x16x512xf32>
    %reduce_sum3A_123 = arith.constant dense<0.000000e+00> : vector<10x512xf32>
    %reduce_sum3A_124 = vector.multi_reduction <add>, %mul3A_122, %reduce_sum3A_123 [1] : vector<10x16x512xf32> to vector<10x512xf32>
    %slice3A_125 = vector.extract_strided_slice %transpose3A {offsets = [256, 0], sizes = [16, 512], strides = [1, 1]} : vector<416x512xf32> to vector<16x512xf32>
    %slice3A_126 = vector.extract_strided_slice %transpose3A {offsets = [272, 0], sizes = [144, 512], strides = [1, 1]} : vector<416x512xf32> to vector<144x512xf32>
    %reshape3A_127 = vector.shape_cast %slice3A_126 : vector<144x512xf32> to vector<9x16x512xf32>
    %broadcast_in_dim3A_128 = vector.shape_cast %slice3A_125 : vector<16x512xf32> to vector<1x16x512xf32>
    %mul3A_129 = vector.broadcast %broadcast_in_dim3A_128 : vector<1x16x512xf32> to vector<9x16x512xf32>
    %mul3A_130 = arith.mulf %reshape3A_127, %mul3A_129 : vector<9x16x512xf32>
    %reduce_sum3A_131 = arith.constant dense<0.000000e+00> : vector<9x512xf32>
    %reduce_sum3A_132 = vector.multi_reduction <add>, %mul3A_130, %reduce_sum3A_131 [1] : vector<9x16x512xf32> to vector<9x512xf32>
    %slice3A_133 = vector.extract_strided_slice %transpose3A {offsets = [272, 0], sizes = [16, 512], strides = [1, 1]} : vector<416x512xf32> to vector<16x512xf32>
    %slice3A_134 = vector.extract_strided_slice %transpose3A {offsets = [288, 0], sizes = [128, 512], strides = [1, 1]} : vector<416x512xf32> to vector<128x512xf32>
    %reshape3A_135 = vector.shape_cast %slice3A_134 : vector<128x512xf32> to vector<8x16x512xf32>
    %broadcast_in_dim3A_136 = vector.shape_cast %slice3A_133 : vector<16x512xf32> to vector<1x16x512xf32>
    %mul3A_137 = vector.broadcast %broadcast_in_dim3A_136 : vector<1x16x512xf32> to vector<8x16x512xf32>
    %mul3A_138 = arith.mulf %reshape3A_135, %mul3A_137 : vector<8x16x512xf32>
    %reduce_sum3A_139 = arith.constant dense<0.000000e+00> : vector<8x512xf32>
    %reduce_sum3A_140 = vector.multi_reduction <add>, %mul3A_138, %reduce_sum3A_139 [1] : vector<8x16x512xf32> to vector<8x512xf32>
    %slice3A_141 = vector.extract_strided_slice %transpose3A {offsets = [288, 0], sizes = [16, 512], strides = [1, 1]} : vector<416x512xf32> to vector<16x512xf32>
    %slice3A_142 = vector.extract_strided_slice %transpose3A {offsets = [304, 0], sizes = [112, 512], strides = [1, 1]} : vector<416x512xf32> to vector<112x512xf32>
    %reshape3A_143 = vector.shape_cast %slice3A_142 : vector<112x512xf32> to vector<7x16x512xf32>
    %broadcast_in_dim3A_144 = vector.shape_cast %slice3A_141 : vector<16x512xf32> to vector<1x16x512xf32>
    %mul3A_145 = vector.broadcast %broadcast_in_dim3A_144 : vector<1x16x512xf32> to vector<7x16x512xf32>
    %mul3A_146 = arith.mulf %reshape3A_143, %mul3A_145 : vector<7x16x512xf32>
    %reduce_sum3A_147 = arith.constant dense<0.000000e+00> : vector<7x512xf32>
    %reduce_sum3A_148 = vector.multi_reduction <add>, %mul3A_146, %reduce_sum3A_147 [1] : vector<7x16x512xf32> to vector<7x512xf32>
    %slice3A_149 = vector.extract_strided_slice %transpose3A {offsets = [304, 0], sizes = [16, 512], strides = [1, 1]} : vector<416x512xf32> to vector<16x512xf32>
    %slice3A_150 = vector.extract_strided_slice %transpose3A {offsets = [320, 0], sizes = [96, 512], strides = [1, 1]} : vector<416x512xf32> to vector<96x512xf32>
    %reshape3A_151 = vector.shape_cast %slice3A_150 : vector<96x512xf32> to vector<6x16x512xf32>
    %broadcast_in_dim3A_152 = vector.shape_cast %slice3A_149 : vector<16x512xf32> to vector<1x16x512xf32>
    %mul3A_153 = vector.broadcast %broadcast_in_dim3A_152 : vector<1x16x512xf32> to vector<6x16x512xf32>
    %mul3A_154 = arith.mulf %reshape3A_151, %mul3A_153 : vector<6x16x512xf32>
    %reduce_sum3A_155 = arith.constant dense<0.000000e+00> : vector<6x512xf32>
    %reduce_sum3A_156 = vector.multi_reduction <add>, %mul3A_154, %reduce_sum3A_155 [1] : vector<6x16x512xf32> to vector<6x512xf32>
    %slice3A_157 = vector.extract_strided_slice %transpose3A {offsets = [320, 0], sizes = [16, 512], strides = [1, 1]} : vector<416x512xf32> to vector<16x512xf32>
    %slice3A_158 = vector.extract_strided_slice %transpose3A {offsets = [336, 0], sizes = [80, 512], strides = [1, 1]} : vector<416x512xf32> to vector<80x512xf32>
    %reshape3A_159 = vector.shape_cast %slice3A_158 : vector<80x512xf32> to vector<5x16x512xf32>
    %broadcast_in_dim3A_160 = vector.shape_cast %slice3A_157 : vector<16x512xf32> to vector<1x16x512xf32>
    %mul3A_161 = vector.broadcast %broadcast_in_dim3A_160 : vector<1x16x512xf32> to vector<5x16x512xf32>
    %mul3A_162 = arith.mulf %reshape3A_159, %mul3A_161 : vector<5x16x512xf32>
    %reduce_sum3A_163 = arith.constant dense<0.000000e+00> : vector<5x512xf32>
    %reduce_sum3A_164 = vector.multi_reduction <add>, %mul3A_162, %reduce_sum3A_163 [1] : vector<5x16x512xf32> to vector<5x512xf32>
    %slice3A_165 = vector.extract_strided_slice %transpose3A {offsets = [336, 0], sizes = [16, 512], strides = [1, 1]} : vector<416x512xf32> to vector<16x512xf32>
    %slice3A_166 = vector.extract_strided_slice %transpose3A {offsets = [352, 0], sizes = [64, 512], strides = [1, 1]} : vector<416x512xf32> to vector<64x512xf32>
    %reshape3A_167 = vector.shape_cast %slice3A_166 : vector<64x512xf32> to vector<4x16x512xf32>
    %broadcast_in_dim3A_168 = vector.shape_cast %slice3A_165 : vector<16x512xf32> to vector<1x16x512xf32>
    %mul3A_169 = vector.broadcast %broadcast_in_dim3A_168 : vector<1x16x512xf32> to vector<4x16x512xf32>
    %mul3A_170 = arith.mulf %reshape3A_167, %mul3A_169 : vector<4x16x512xf32>
    %reduce_sum3A_171 = arith.constant dense<0.000000e+00> : vector<4x512xf32>
    %reduce_sum3A_172 = vector.multi_reduction <add>, %mul3A_170, %reduce_sum3A_171 [1] : vector<4x16x512xf32> to vector<4x512xf32>
    %slice3A_173 = vector.extract_strided_slice %transpose3A {offsets = [352, 0], sizes = [16, 512], strides = [1, 1]} : vector<416x512xf32> to vector<16x512xf32>
    %slice3A_174 = vector.extract_strided_slice %transpose3A {offsets = [368, 0], sizes = [48, 512], strides = [1, 1]} : vector<416x512xf32> to vector<48x512xf32>
    %reshape3A_175 = vector.shape_cast %slice3A_174 : vector<48x512xf32> to vector<3x16x512xf32>
    %broadcast_in_dim3A_176 = vector.shape_cast %slice3A_173 : vector<16x512xf32> to vector<1x16x512xf32>
    %mul3A_177 = vector.broadcast %broadcast_in_dim3A_176 : vector<1x16x512xf32> to vector<3x16x512xf32>
    %mul3A_178 = arith.mulf %reshape3A_175, %mul3A_177 : vector<3x16x512xf32>
    %reduce_sum3A_179 = arith.constant dense<0.000000e+00> : vector<3x512xf32>
    %reduce_sum3A_180 = vector.multi_reduction <add>, %mul3A_178, %reduce_sum3A_179 [1] : vector<3x16x512xf32> to vector<3x512xf32>
    %slice3A_181 = vector.extract_strided_slice %transpose3A {offsets = [368, 0], sizes = [16, 512], strides = [1, 1]} : vector<416x512xf32> to vector<16x512xf32>
    %slice3A_182 = vector.extract_strided_slice %transpose3A {offsets = [384, 0], sizes = [32, 512], strides = [1, 1]} : vector<416x512xf32> to vector<32x512xf32>
    %reshape3A_183 = vector.shape_cast %slice3A_182 : vector<32x512xf32> to vector<2x16x512xf32>
    %broadcast_in_dim3A_184 = vector.shape_cast %slice3A_181 : vector<16x512xf32> to vector<1x16x512xf32>
    %mul3A_185 = vector.broadcast %broadcast_in_dim3A_184 : vector<1x16x512xf32> to vector<2x16x512xf32>
    %mul3A_186 = arith.mulf %reshape3A_183, %mul3A_185 : vector<2x16x512xf32>
    %reduce_sum3A_187 = arith.constant dense<0.000000e+00> : vector<2x512xf32>
    %reduce_sum3A_188 = vector.multi_reduction <add>, %mul3A_186, %reduce_sum3A_187 [1] : vector<2x16x512xf32> to vector<2x512xf32>
    %slice3A_189 = vector.extract_strided_slice %transpose3A {offsets = [384, 0], sizes = [16, 512], strides = [1, 1]} : vector<416x512xf32> to vector<16x512xf32>
    %slice3A_190 = vector.extract_strided_slice %transpose3A {offsets = [400, 0], sizes = [16, 512], strides = [1, 1]} : vector<416x512xf32> to vector<16x512xf32>
    %reshape3A_191 = vector.shape_cast %slice3A_190 : vector<16x512xf32> to vector<1x16x512xf32>
    %broadcast_in_dim3A_192 = vector.shape_cast %slice3A_189 : vector<16x512xf32> to vector<1x16x512xf32>
    %mul3A_193 = arith.mulf %reshape3A_191, %broadcast_in_dim3A_192 : vector<1x16x512xf32>
    %reduce_sum3A_194 = arith.constant dense<0.000000e+00> : vector<1x512xf32>
    %reduce_sum3A_195 = vector.multi_reduction <add>, %mul3A_193, %reduce_sum3A_194 [1] : vector<1x16x512xf32> to vector<1x512xf32>
    %concatenate3A = tpu.concatenate %transpose3A, %reduce_sum3A_4, %reduce_sum3A_12, %reduce_sum3A_20, %reduce_sum3A_28, %reduce_sum3A_36, %reduce_sum3A_44, %reduce_sum3A_52, %reduce_sum3A_60, %reduce_sum3A_68, %reduce_sum3A_76, %reduce_sum3A_84, %reduce_sum3A_92, %reduce_sum3A_100, %reduce_sum3A_108, %reduce_sum3A_116, %reduce_sum3A_124, %reduce_sum3A_132, %reduce_sum3A_140, %reduce_sum3A_148, %reduce_sum3A_156, %reduce_sum3A_164, %reduce_sum3A_172, %reduce_sum3A_180, %reduce_sum3A_188, %reduce_sum3A_195 in 0 : vector<416x512xf32>, vector<25x512xf32>, vector<24x512xf32>, vector<23x512xf32>, vector<22x512xf32>, vector<21x512xf32>, vector<20x512xf32>, vector<19x512xf32>, vector<18x512xf32>, vector<17x512xf32>, vector<16x512xf32>, vector<15x512xf32>, vector<14x512xf32>, vector<13x512xf32>, vector<12x512xf32>, vector<11x512xf32>, vector<10x512xf32>, vector<9x512xf32>, vector<8x512xf32>, vector<7x512xf32>, vector<6x512xf32>, vector<5x512xf32>, vector<4x512xf32>, vector<3x512xf32>, vector<2x512xf32>, vector<1x512xf32> -> vector<741x512xf32>
    %get3A_196 = arith.constant 0 : index
    %get3A_197 = arith.constant 0 : index
    %get3A_198 = vector.load %arg2[%get3A_196, %get3A_197] : memref<256x741xf32, #tpu.memory_space<vmem>>, vector<256x741xf32>
    %dot_general3A = arith.constant dense<0.000000e+00> : vector<256x512xf32>
    %dot_general3A_199 = tpu.matmul %get3A_198, %concatenate3A, %dot_general3A {dimension_numbers = #tpu.dot_dimension_numbers<[1], [0], [0], [1], [0, 0, 1, 1], [], []>, transpose_lhs_hint = false} : vector<256x741xf32>, vector<741x512xf32>, vector<256x512xf32> -> vector<256x512xf32>
    %get3A_200 = arith.constant 0 : index
    %get3A_201 = arith.constant 0 : index
    %get3A_202 = vector.load %arg3[%get3A_200, %get3A_201] : memref<256x1xf32, #tpu.memory_space<vmem>>, vector<256x1xf32>
    %add3A = vector.broadcast %get3A_202 : vector<256x1xf32> to vector<256x512xf32>
    %add3A_203 = arith.addf %dot_general3A_199, %add3A : vector<256x512xf32>
    %max3A = arith.constant 0.000000e+00 : f32
    %max3A_204 = vector.broadcast %max3A : f32 to vector<256x512xf32>
    %max3A_205 = arith.maximumf %add3A_203, %max3A_204 : vector<256x512xf32>
    %get3A_206 = arith.constant 0 : index
    %get3A_207 = arith.constant 0 : index
    %get3A_208 = vector.load %arg4[%get3A_206, %get3A_207] : memref<256x256xf32, #tpu.memory_space<vmem>>, vector<256x256xf32>
    %dot_general3A_209 = arith.constant dense<0.000000e+00> : vector<256x512xf32>
    %dot_general3A_210 = tpu.matmul %get3A_208, %max3A_205, %dot_general3A_209 {dimension_numbers = #tpu.dot_dimension_numbers<[1], [0], [0], [1], [0, 0, 1, 1], [], []>, transpose_lhs_hint = false} : vector<256x256xf32>, vector<256x512xf32>, vector<256x512xf32> -> vector<256x512xf32>
    %get3A_211 = arith.constant 0 : index
    %get3A_212 = arith.constant 0 : index
    %get3A_213 = vector.load %arg5[%get3A_211, %get3A_212] : memref<256x1xf32, #tpu.memory_space<vmem>>, vector<256x1xf32>
    %add3A_214 = vector.broadcast %get3A_213 : vector<256x1xf32> to vector<256x512xf32>
    %add3A_215 = arith.addf %dot_general3A_210, %add3A_214 : vector<256x512xf32>
    %max3A_216 = arith.constant 0.000000e+00 : f32
    %max3A_217 = vector.broadcast %max3A_216 : f32 to vector<256x512xf32>
    %max3A_218 = arith.maximumf %add3A_215, %max3A_217 : vector<256x512xf32>
    %get3A_219 = arith.constant 0 : index
    %get3A_220 = arith.constant 0 : index
    %get3A_221 = vector.load %arg6[%get3A_219, %get3A_220] : memref<256x1xf32, #tpu.memory_space<vmem>>, vector<256x1xf32>
    %mul3A_222 = vector.broadcast %get3A_221 : vector<256x1xf32> to vector<256x512xf32>
    %mul3A_223 = arith.mulf %max3A_218, %mul3A_222 : vector<256x512xf32>
    %reduce_sum3A_224 = arith.constant dense<0.000000e+00> : vector<512xf32>
    %reduce_sum3A_225 = vector.multi_reduction <add>, %mul3A_223, %reduce_sum3A_224 [0] : vector<256x512xf32> to vector<512xf32>
    %reshape3A_226 = vector.shape_cast %reduce_sum3A_225 : vector<512xf32> to vector<1x1x512xf32>
    %get3A_227 = arith.constant 0 : index
    %get3A_228 = arith.constant 0 : index
    %get3A_229 = vector.load %arg7[%get3A_227, %get3A_228] : memref<1x1xf32, #tpu.memory_space<vmem>>, vector<1x1xf32>
    %broadcast_in_dim3A_230 = vector.shape_cast %get3A_229 : vector<1x1xf32> to vector<1x1x1xf32>
    %add3A_231 = vector.broadcast %broadcast_in_dim3A_230 : vector<1x1x1xf32> to vector<1x1x512xf32>
    %add3A_232 = arith.addf %reshape3A_226, %add3A_231 : vector<1x1x512xf32>
    %swap3A = arith.constant 0 : index
    %swap3A_233 = arith.constant 0 : index
    %swap3A_234 = arith.constant 0 : index
    %swap3A_235 = vector.load %arg8[%swap3A, %swap3A_233, %swap3A_234] : memref<1x1x512xf32, #tpu.memory_space<vmem>>, vector<1x1x512xf32>
    tpu.vector_store %arg8[%swap3A, %swap3A_233, %swap3A_234], %add3A_232 {strides = array<i32>} : memref<1x1x512xf32, #tpu.memory_space<vmem>>, vector<1x1x512xf32>,
    return
  }
  func.func @transform_0(%arg0: i32) -> (i32, i32) {
    %c0_i32 = arith.constant 0 : i32
    %c0_i32_0 = arith.constant 0 : i32
    return %arg0, %c0_i32 : i32, i32
  }
  func.func @transform_1(%arg0: i32) -> (i32, i32) {
    %c0_i32 = arith.constant 0 : i32
    %c0_i32_0 = arith.constant 0 : i32
    %c0_i32_1 = arith.constant 0 : i32
    return %c0_i32, %c0_i32_0 : i32, i32
  }
  func.func @transform_2(%arg0: i32) -> (i32, i32) {
    %c0_i32 = arith.constant 0 : i32
    %c0_i32_0 = arith.constant 0 : i32
    %c0_i32_1 = arith.constant 0 : i32
    return %c0_i32, %c0_i32_0 : i32, i32
  }
  func.func @transform_3(%arg0: i32) -> (i32, i32) {
    %c0_i32 = arith.constant 0 : i32
    %c0_i32_0 = arith.constant 0 : i32
    %c0_i32_1 = arith.constant 0 : i32
    return %c0_i32, %c0_i32_0 : i32, i32
  }
  func.func @transform_4(%arg0: i32) -> (i32, i32) {
    %c0_i32 = arith.constant 0 : i32
    %c0_i32_0 = arith.constant 0 : i32
    %c0_i32_1 = arith.constant 0 : i32
    return %c0_i32, %c0_i32_0 : i32, i32
  }
  func.func @transform_5(%arg0: i32) -> (i32, i32) {
    %c0_i32 = arith.constant 0 : i32
    %c0_i32_0 = arith.constant 0 : i32
    %c0_i32_1 = arith.constant 0 : i32
    return %c0_i32, %c0_i32_0 : i32, i32
  }
  func.func @transform_6(%arg0: i32) -> (i32, i32) {
    %c0_i32 = arith.constant 0 : i32
    %c0_i32_0 = arith.constant 0 : i32
    %c0_i32_1 = arith.constant 0 : i32
    return %c0_i32, %c0_i32_0 : i32, i32
  }
  func.func @transform_7(%arg0: i32) -> (i32, i32, i32) {
    %c0_i32 = arith.constant 0 : i32
    %c0_i32_0 = arith.constant 0 : i32
    %c0_i32_1 = arith.constant 0 : i32
    return %arg0, %c0_i32, %c0_i32_0 : i32, i32, i32
  }
}

</mosaic_0001>

<sc_bundles>
// kernel: kernel.10.cloned.1.call-start
scs
__scs_entry_jumppad:
0x0: {  	(pc) =	sbr.rel $0x88, $3  }
0x1: {  	(tag) =	ssettag $0x0;
	lr =	simm.s32 $0x1  }
0x2: {  	[smem:$0x3F98] =	sst lr;
	_ =	strace $0xD0000000  }
0x3: {  	_ = 	snop  }
0x4: {  	_ = 	snop  }
0x5: {  	_ = 	snop  }
0x6: {  	_ = 	snop  }
0x7: {  	_ = 	snop  }
__scs_overlays_trampoline_lowered:
0x8: {  	[smem:$0x3FA7] =	sst s0  }
0x9: {  	[smem:$0x3FA8] =	sst s1  }
0xa: {  	[smem:$0x3FA9] =	sst s2  }
0xb: {  	[smem:$0x3FAA] =	sst s3  }
0xc: {  	[smem:$0x3FAB] =	sst s4  }
0xd: {  	[smem:$0x3FAC] =	sst s5  }
0xe: {  	[smem:$0x3FAD] =	sst s6  }
0xf: {  	[smem:$0x3FAE] =	sst s7  }
0x10: {  	[smem:$0x3FAF] =	sst s8  }
0x11: {  	[smem:$0x3FB0] =	sst s9;
	s0 =	simm.s32 @!p0 $0x0  }
0x12: {  	s1 =	sld [smem:$0x3F96];
	s0 =	simm.s32 @p0 $0x1  }
0x13: {  	[smem:$0x3FB1] =	sst s0;
	s0 =	simm.s32 @!p1 $0x0  }
0x14: {  	s2 =	sld [smem:$0x3F95];
	s0 =	simm.s32 @p1 $0x1  }
0x15: {  	[smem:$0x3FB2] =	sst s0;
	s0 =	simm.s32 @!p2 $0x0  }
0x16: {  	s3 =	sld [smem:$0x3FDB];
	s0 =	simm.s32 @p2 $0x1  }
0x17: {  	s4 =	simm.s32 $0x1BF5;
	[smem:$0x3FB4] =	sst s0  }
0x18: {  	s0 =	sld [smem:$0x3F97];
	_ =	swait.ge [sflag:s4], $0x0  }
0x19: {  	s7 =	sld [smem:$0x3F98]  }
0x1a: {  	s8 =	sadd.s32 $0xFFFFE003, lr  }
0x1b: {  	s9 =	sadd.s32 $0xFFFFFEF7, lr;
	s5 =	simm.s32 $0xFFFFFFFF;
	p2 =	slt.u32 s8, $0xFFFFF086  }
0x1c: {  	p1 =	slt.u32 s9, $0xF7A;
	s5 =	simm.s32 @!p2 $0x0  }
0x1d: {  	s5 =	simm.s32 @p1 $0x1;
	p0 =	seq.s32 s7, s2  }
0x1e: {  	s7 =	smul.u32 @!p0 $0xF7A, s2;
	p2 =	seq.s32 @!p0 s5, $0x0  }
0x1f: {  	s9 =	smul.u32 $0xF7A, s1;
	s8 =	simm.s32 @!p0 $0x1BF5;
	p2 =	por !p2, p0  }
0x20: {  	[sflag:s8] =	ssyncset.s32 @!p0 $0xFFFFF086;
	s6 =	sadd.s32 @!p0 s3, s7;
	s7 =	simm.s32 @!p0 $0x108  }
0x21: {  	s3 =	sadd.s32 s3, s9;
	s6 =	sadd.s32 @!p0 $0x88, s6;
	s7 =	simm.s32 @p2 $0x1082  }
0x22: {  	[simem:s7], [sflag:s8] =	dma.local @!p0 [hbm:s6], $0xF7A  }
0x23: {  	s9 =	sor.u32 $0xD0000000, s2;
	s6 =	simm.s32 $0x108;
	_ =	swait.ge @!p0 [sflag:s8], $0x0  }
0x24: {  	s3 =	sadd.s32 $0x88, s3;
	s6 =	simm.s32 @!p1 $0x1082;
	[sflag:s4] =	ssyncset.s32 $0xFFFFF086  }
0x25: {  	[simem:s6], [sflag:s4] =	dma.local [hbm:s3], $0xF7A  }
0x26: {  	[smem:$0x3F98] =	sst s1;
	(tag) =	ssettag s2;
	_ =	strace s9  }
0x27: {  	s1 =	sld [smem:$0x3FA8]  }
0x28: {  	s2 =	sld [smem:$0x3FA9]  }
0x29: {  	s4 =	sld [smem:$0x3FAB]  }
0x2a: {  	p0 =	seq.s32 s5, $0x0;
	s5 =	sld [smem:$0x3FAC]  }
0x2b: {  	s6 =	sld [smem:$0x3FAD]  }
0x2c: {  	s7 =	sld [smem:$0x3FAE]  }
0x2d: {  	s3 =	simm.s32 $0x108;
	s8 =	sld [smem:$0x3FAF]  }
0x2e: {  	s3 =	simm.s32 @!p0 $0x1082;
	s9 =	sld [smem:$0x3FB0]  }
0x2f: {  	lr =	sadd.s32 s0, s3;
	s0 =	sld [smem:$0x3FA7]  }
0x30: {  	s3 =	sld [smem:$0x3FAA]  }
0x31: {  	[smem:$0x3FB3] =	sst s10  }
0x32: {  	s10 =	sld [smem:$0x3FB1];
	_ =	sdelay $0x3  }
0x33: {  	p0 =	seq.s32 s10, $0x1;
	s10 =	sld [smem:$0x3FB3];
	_ =	sdelay $0x3  }
0x34: {  	[smem:$0x3FB3] =	sst s10  }
0x35: {  	s10 =	sld [smem:$0x3FB2];
	_ =	sdelay $0x3  }
0x36: {  	p1 =	seq.s32 s10, $0x1;
	s10 =	sld [smem:$0x3FB3];
	_ =	sdelay $0x3  }
0x37: {  	[smem:$0x3FB3] =	sst s10  }
0x38: {  	s10 =	sld [smem:$0x3FB4]  }
0x39: {  	_ = 	snop;
	(pc) =	sbr.ind lr, $3  }
0x3a: {  	_ = 	snop  }
0x3b: {  	_ = 	snop  }
0x3c: {  	p2 =	seq.s32 s10, $0x1;
	s10 =	sld [smem:$0x3FB3]  }
0x3d: {  	_ =	shalt  }
0x3e: {  	_ =	shalt  }
0x3f: {  	_ =	shalt  }
0x40: {  	_ =	shalt  }
0x41: {  	_ =	shalt  }
0x42: {  	_ =	shalt  }
0x43: {  	_ =	shalt  }
0x44: {  	_ =	shalt  }
0x45: {  	_ =	shalt  }
0x46: {  	_ =	shalt  }
0x47: {  	_ =	shalt  }
0x48: {  	_ =	shalt  }
0x49: {  	_ =	shalt  }
0x4a: {  	_ =	shalt  }
0x4b: {  	_ =	shalt  }
0x4c: {  	_ =	shalt  }
0x4d: {  	_ =	shalt  }
0x4e: {  	_ =	shalt  }
0x4f: {  	_ =	shalt  }
0x50: {  	_ =	shalt  }
0x51: {  	_ =	shalt  }
0x52: {  	_ =	shalt  }
0x53: {  	_ =	shalt  }
0x54: {  	_ =	shalt  }
0x55: {  	_ =	shalt  }
0x56: {  	_ =	shalt  }
0x57: {  	_ =	shalt  }
0x58: {  	_ =	shalt  }
0x59: {  	_ =	shalt  }
0x5a: {  	_ =	shalt  }
0x5b: {  	_ =	shalt  }
0x5c: {  	_ =	shalt  }
0x5d: {  	_ =	shalt  }
0x5e: {  	_ =	shalt  }
0x5f: {  	_ =	shalt  }
0x60: {  	_ =	shalt  }
0x61: {  	_ =	shalt  }
0x62: {  	_ =	shalt  }
0x63: {  	_ =	shalt  }
0x64: {  	_ =	shalt  }
0x65: {  	_ =	shalt  }
0x66: {  	_ =	shalt  }
0x67: {  	_ =	shalt  }
0x68: {  	_ =	shalt  }
0x69: {  	_ =	shalt  }
0x6a: {  	_ =	shalt  }
0x6b: {  	_ =	shalt  }
0x6c: {  	_ =	shalt  }
0x6d: {  	_ =	shalt  }
0x6e: {  	_ =	shalt  }
0x6f: {  	_ =	shalt  }
0x70: {  	_ =	shalt  }
0x71: {  	_ =	shalt  }
0x72: {  	_ =	shalt  }
0x73: {  	_ =	shalt  }
0x74: {  	_ =	shalt  }
0x75: {  	_ =	shalt  }
0x76: {  	_ =	shalt  }
0x77: {  	_ =	shalt  }
0x78: {  	_ =	shalt  }
0x79: {  	_ =	shalt  }
0x7a: {  	_ =	shalt  }
0x7b: {  	_ =	shalt  }
0x7c: {  	_ =	shalt  }
0x7d: {  	_ =	shalt  }
0x7e: {  	_ =	shalt  }
0x7f: {  	_ =	shalt  }
0x80: {  	_ =	shalt  }
0x81: {  	_ =	shalt  }
0x82: {  	_ =	shalt  }
0x83: {  	_ =	shalt  }
0x84: {  	_ =	shalt  }
0x85: {  	_ =	shalt  }
0x86: {  	_ =	shalt  }
0x87: {  	_ =	shalt  }
.Lfunc_end0:
.L_simem_size_0:
called_computation.1_lowered:
.L_overlay_start_0:
0x88: {  	s2 =	sld [smem:$0x3FD9]  }
0x89: {  	s3 =	sld [smem:$0x3FFE];
	_ =	sdelay $0x1  }
0x8a: {  	s1 =	srdreg.scid  }
0x8b: {  	s0 =	sand.u32 $0x1, s1  }
0x8c: {  	s16 =	sshll.u32 s0, $0xA;
	s2 =	sadd.s32 s3, s2  }
0x8d: {  	s2 =	sadd.s32 s2, s16  }
0x8e: {  	[smem:$0x3FBF] =	sst s2  }
0x8f: {  	_ = 	snop  }
0x90: {  	(tm) =	ssettm $0x1  }
0x91: {  	s17 =	sld [smem:$0x3FFB];
	_ =	sdelay $0x3  }
0x92: {  	_ =	strace s17  }
0x93: {  	s2 =	sld [smem:$0x3FFC];
	_ =	sdelay $0x3  }
0x94: {  	_ =	strace s2  }
0x95: {  	s2 =	sld [smem:$0x3FFD];
	_ =	sdelay $0x3  }
0x96: {  	_ =	strace s2  }
0x97: {  	_ =	strace $0x8FFFFFFF  }
0x98: {  	s18 =	sld [smem:$0x3FDB];
	_ =	sdelay $0x1  }
0x99: {  	s19 =	simm.s32 $_scs_section_size  }
0x9a: {  	s4 =	simm.s32 $_size__tile_overlayer_lowered;
	s5 =	simm.s32 $_tile_overlayer_lowered  }
0x9b: {  	s22 =	simm.s32 $0x1BFF;
	s21 =	sshll.u32 s5, $0x1;
	s2 =	sadd.s32 s19, s18  }
0x9c: {  	s6 =	simm.s32 $0x0;
	s20 =	sshll.u32 s4, $0x1;
	s4 =	sadd.s32 s21, s2  }
0x9d: {  	[timem:s6], [sflag:s22] =	dma.local [hbm:s4], s20  }
0x9e: {  	_ =	swait.ge [sflag:s22], s20  }
0x9f: {  	s3 =	ssub.s32 $0x0, s20;
	[sflag:s22] =	ssyncset.done $0x0  }
0xa0: {  	[sflag:s22] =	ssyncadd.s32 s3;
	_ =	sdelay $0x1  }
0xa1: {  	s23 =	simm.s32 $0x1B8B  }
0xa2: {  	_ =	swait.ge [sflag:s23], $0x1  }
0xa3: {  	[sflag:s23] =	ssyncset.done $0x0  }
0xa4: {  	s25 =	simm.s32 $0x1B8E;
	s24 =	sld [smem:$0x3FFE];
	[sflag:s23] =	ssyncadd.s32 $0xFFFFFFFF  }
0xa5: {  	s26 =	simm.s32 $execute0_lowered;
	[smem:$0x3FD2] =	sst s25  }
0xa6: {  	s4 =	sshll.u32 s26, $0x1;
	_ =	strace $0x80000046;
	[dreg:$0x1] =	wrdreg $0xFFFFFFFF  }
0xa7: {  	s28 =	simm.s32 $_size_execute0_lowered;
	s2 =	sadd.s32 s2, s4;
	[dreg:$0x0] =	wrdreg $0x0  }
0xa8: {  	s4 =	sshll.u32 s28, $0x1;
	[dreg:$0x2] =	wrdreg s2  }
0xa9: {  	[dreg:$0x3] =	wrdreg s4  }
0xaa: {  	[dreg:$0x4] =	wrdreg $0xC0  }
0xab: {  	_ =	task [dreg:s6], $0x5FFFF  }
0xac: {  	[dreg:$0x1] =	wrdreg $0xFFFFFFFF  }
0xad: {  	[dreg:$0x0] =	wrdreg $0x60  }
0xae: {  	[dreg:$0x2] =	wrdreg s24  }
0xaf: {  	[dreg:$0x3] =	wrdreg $0xA  }
0xb0: {  	_ =	task.clear_ibuf [dreg:s6], $0x4FFFF;
	_ =	strace $0x90000046  }
0xb1: {  	s29 =	simm.s32 $0xA;
	_ =	strace $0x80000048  }
0xb2: {  	_ =	swait.ge [sflag:s29], $0x1  }
0xb3: {  	[sflag:s29] =	ssyncadd.s32 $0xFFFFFFFF  }
0xb4: {  	_ =	strace $0x90000048  }
0xb5: {  	_ =	sfence  }
0xb6: {  	s30 =	sld [smem:$0x0];
	_ =	sdelay $0x2  }
0xb7: {  	s31 =	sshll.u32 s1, $0xD;
	s1 =	sshrl.u32 s1, $0x2  }
0xb8: {  	s3 =	sand.u32 $0x4000, s31;
	s1 =	sadd.s32 s1, s30  }
0xb9: {  	s0 =	sor.u32 s3, s0;
	s1 =	sshll.u32 s1, $0x11  }
0xba: {  	s0 =	sor.u32 s1, s0  }
0xbb: {  	s0 =	sadd.s32 $0x8F2B, s0  }
0xbc: {  	[sflag:s0] =	ssyncadd.remote.s32 $0x1  }
0xbd: {  	_ =	sfence.sel $0xFFFF  }
0xbe: {  	[dreg:$0x0] =	wrdreg $0xFFFFFFFF;
	(pc) =	sbr.abs _section_cstart, $3  }
0xbf: {  	[dreg:$0x1] =	wrdreg $0xFFFFFFFF  }
0xc0: {  	_ =	task.clear_ibuf [dreg:s6], $0x2FFFF;
	_ =	strace $0x9FFFFFFF  }
0xc1: {  	(tm) =	ssettm $0x7FFFFFFF  }
tec
execute0_lowered:
.L_overlay_start_1:
0x0: {  	(tag) =	ssettag $0x1  }
0x1: {  	s0 =	srdreg.scid;
	s1 =	stileid.u32  }
0x2: {  	s0 =	sand.u32 $0x1, s0;
	s2 =	sshll.u32 s1, $0x1  }
0x3: {  	s1 =	rddreg [dreg:$0x0];
	s3 =	sor.u32 s0, s2;
	s2 =	simm.s32 $0x0  }
0x4: {  	s7 =	simm.s32 $0x180;
	[smem:$0x7FF] =	sst s2  }
0x5: {  	s8 =	simm.s32 $0x200;
	_ =	strace $0x80000047;
	[dreg:$0x8] =	wrdreg s7  }
0x6: {  	s9 =	simm.s32 $0x280;
	[dreg:$0x9] =	wrdreg s8  }
0x7: {  	s10 =	simm.s32 $0x300;
	[dreg:$0xa] =	wrdreg s9  }
0x8: {  	s11 =	simm.s32 $0x380;
	[dreg:$0xb] =	wrdreg s10  }
0x9: {  	s12 =	simm.s32 $0x400;
	[dreg:$0xc] =	wrdreg s11  }
0xa: {  	s13 =	simm.s32 $0x480;
	[dreg:$0xd] =	wrdreg s12  }
0xb: {  	s14 =	simm.s32 $0x500;
	[dreg:$0xe] =	wrdreg s13  }
0xc: {  	s15 =	simm.s32 $0x580;
	[dreg:$0xf] =	wrdreg s14  }
0xd: {  	s16 =	simm.s32 $0x600;
	[dreg:$0x10] =	wrdreg s15  }
0xe: {  	s17 =	simm.s32 $0x680;
	[dreg:$0x11] =	wrdreg s16  }
0xf: {  	s18 =	simm.s32 $0x700;
	[dreg:$0x12] =	wrdreg s17  }
0x10: {  	s19 =	simm.s32 $0x780;
	[dreg:$0x13] =	wrdreg s18  }
0x11: {  	s20 =	simm.s32 $0x800;
	[dreg:$0x14] =	wrdreg s19  }
0x12: {  	s21 =	simm.s32 $0x880;
	[dreg:$0x15] =	wrdreg s20  }
0x13: {  	s22 =	simm.s32 $0x900;
	[dreg:$0x16] =	wrdreg s21  }
0x14: {  	s23 =	simm.s32 $0x980;
	[dreg:$0x17] =	wrdreg s22  }
0x15: {  	s24 =	simm.s32 $0xA00;
	[dreg:$0x18] =	wrdreg s23  }
0x16: {  	s25 =	simm.s32 $0xA80;
	[dreg:$0x19] =	wrdreg s24  }
0x17: {  	s26 =	simm.s32 $0xB00;
	[dreg:$0x1a] =	wrdreg s25  }
0x18: {  	s28 =	simm.s32 $0xB80;
	[dreg:$0x1b] =	wrdreg s26  }
0x19: {  	[dreg:$0x1c] =	wrdreg s28;
	s8 =	simm.s32 $0xE80  }
0x1a: {  	s9 =	simm.s32 $0xF00;
	[smem:$0x7E7] =	sst s8  }
0x1b: {  	s10 =	simm.s32 $0xF80;
	[smem:$0x7E8] =	sst s9  }
0x1c: {  	s11 =	simm.s32 $0x1000;
	[smem:$0x7E9] =	sst s10  }
0x1d: {  	s12 =	simm.s32 $0x1080;
	[smem:$0x7EA] =	sst s11  }
0x1e: {  	s13 =	simm.s32 $0x1100;
	[smem:$0x7EB] =	sst s12  }
0x1f: {  	s14 =	simm.s32 $0x1180;
	[smem:$0x7EC] =	sst s13  }
0x20: {  	s15 =	simm.s32 $0x1200;
	[smem:$0x7ED] =	sst s14  }
0x21: {  	s16 =	simm.s32 $0x1280;
	[smem:$0x7EE] =	sst s15  }
0x22: {  	s17 =	simm.s32 $0x1300;
	[smem:$0x7EF] =	sst s16  }
0x23: {  	s19 =	simm.s32 $0x1380;
	[smem:$0x7F0] =	sst s17  }
0x24: {  	s20 =	simm.s32 $0x1400;
	[smem:$0x7F1] =	sst s19  }
0x25: {  	p0 =	por $0x0, $0x0;
	s21 =	simm.s32 $0x1480;
	[smem:$0x7F2] =	sst s20  }
0x26: {  	s6 =	sadd.s32 $0x208600, s1;
	s22 =	simm.s32 $0x1500;
	[smem:$0x7F3] =	sst s21  }
0x27: {  	s0 =	ssub.s32 $0x2, s0;
	s23 =	simm.s32 $0x1580;
	[smem:$0x7F4] =	sst s22  }
0x28: {  	s4 =	smul.u32 $0x340, s3;
	s24 =	simm.s32 $0x1600;
	[smem:$0x7F5] =	sst s23  }
0x29: {  	s5 =	smul.u32 $0x1A000, s3;
	s25 =	simm.s32 $0x1680;
	[smem:$0x7F6] =	sst s24  }
0x2a: {  	s3 =	smul.u32 $0x3400, s3;
	s26 =	simm.s32 $0x1780;
	[smem:$0x7F7] =	sst s25  }
0x2b: {  	s7 =	sshrl.u32 s0, $0x1;
	s28 =	simm.s32 $0x1800;
	[smem:$0x7F9] =	sst s26  }
0x2c: {  	s18 =	simm.s32 $0x3;
	s3 =	sadd.s32 s6, s3;
	[smem:$0x7FA] =	sst s28  }
0x2d: {  	s4 =	sadd.s32 s4, s1;
	s9 =	simm.s32 $0x1700;
	[dreg:$0x3] =	wrdreg s3  }
0x2e: {  	s5 =	sshrl.u32 s5, $0x3;
	s4 =	sadd.s32 $0x201E00, s4;
	[smem:$0x7F8] =	sst s9  }
0x2f: {  	s29 =	sadd.s32 s6, s5;
	s6 =	simm.s32 $0x100;
	[dreg:$0x2] =	wrdreg s4  }
0x30: {  	s0 =	ssub.s32 s0, s7;
	s30 =	sadd.s32 $0xD00, s29;
	[dreg:$0x7] =	wrdreg s6  }
0x31: {  	s8 =	simm.s32 $0x80;
	s31 =	sadd.s32 $0x1A00, s29;
	[dreg:$0x4] =	wrdreg s30  }
0x32: {  	s11 =	simm.s32 $0x2200;
	s5 =	sadd.s32 $0x2700, s29;
	[dreg:$0x5] =	wrdreg s31  }
0x33: {  	s17 =	simm.s32 $0x6A00;
	s29 =	simm.s32 $0xC00;
	[dreg:$0x6] =	wrdreg s5  }
0x34: {  	s20 =	simm.s32 $0x7200;
	s4 =	simm.s32 $0xD80;
	[dreg:$0x1d] =	wrdreg s29  }
0x35: {  	s21 =	simm.s32 $0x7A00;
	s7 =	smax.u32 s0, $0x1;
	[smem:$0x7E5] =	sst s4  }
0x36: {  	s9 =	simm.s32 $0x1;
	s30 =	simm.s32 $0xC80;
	s12 =	rddreg [dreg:$0x2]  }
0x37: {  	p1 =	sne.s32 s7, $0x1;
	s31 =	simm.s32 $0xD00;
	[dreg:$0x1e] =	wrdreg s30  }
.Ltmp0:
0x38: {  	s5 =	simm.s32 $0xE00;
	[dreg:$0x1f] =	wrdreg s31;
	(pc) =	sbr.rel @!p1 .LBB2_4-.Ltmp0, $4  }
0x39: {  	s6 =	sadd.s32 $0x6000, s1;
	s29 =	simm.s32 $0x1880;
	[smem:$0x7E6] =	sst s5  }
0x3a: {  	s13 =	sadd.s32 $0xFFFFFFFF, s7;
	[smem:$0x7FB] =	sst s29;
	s30 =	simm.s32 $0x1900  }
0x3b: {  	s7 =	simm.s32 $0x2;
	s31 =	simm.s32 $0x1980;
	[smem:$0x7FC] =	sst s30  }
0x3c: {  	s4 =	simm.s32 $0x8200;
	s5 =	simm.s32 $0x1A00;
	[smem:$0x7FD] =	sst s31  }
0x3d: {  	[tilespmem:s2], [sflag:$0x3] =	stream.linear.gather [hbm4b:s12+s2], $0x1A00, $0x38;
	[tilespmem:$0xEA00] =	vst v63  }
0x3e: {  	_ =	swait.ge [sflag:s18], $0x1A00  }
0x3f: {  	[sflag:s18] =	ssyncset.done $0x0  }
0x40: {  	[sflag:s18] =	ssyncadd.s32 $0xFFFFE600  }
0x41: {  	[tilespmem:s5], [sflag:$0x1] =	stream.indirect.gather [hbm4b:s6+s8], $0x10, s2, s8, $0xb8;
	[tilespmem:$0xEA00] =	vst v63  }
0x42: {  	_ = 	snop  }
0x43: {  	[tilespmem:s11], [sflag:$0x1] =	stream.indirect.gather [hbm4b:s6+s8], $0x10, s8, s8, $0xb8;
	[tilespmem:$0xEA00] =	vst v63  }
0x44: {  	s1 =	simm.s32 $0x2A00;
	s15 =	rddreg [dreg:$0x7]  }
0x45: {  	[tilespmem:s1], [sflag:$0x1] =	stream.indirect.gather [hbm4b:s6+s8], $0x10, s15, s8, $0xb8;
	[tilespmem:$0xEA00] =	vst v63  }
0x46: {  	s0 =	simm.s32 $0x3200;
	s16 =	rddreg [dreg:$0x8]  }
0x47: {  	[tilespmem:s0], [sflag:$0x1] =	stream.indirect.gather [hbm4b:s6+s8], $0x10, s16, s8, $0xb8;
	[tilespmem:$0xEA00] =	vst v63  }
0x48: {  	s10 =	simm.s32 $0x3A00;
	s19 =	rddreg [dreg:$0x9]  }
0x49: {  	[tilespmem:s10], [sflag:$0x1] =	stream.indirect.gather [hbm4b:s6+s8], $0x10, s19, s8, $0xb8;
	[tilespmem:$0xEA00] =	vst v63  }
0x4a: {  	s14 =	simm.s32 $0x4200;
	s22 =	rddreg [dreg:$0xa]  }
0x4b: {  	[tilespmem:s14], [sflag:$0x1] =	stream.indirect.gather [hbm4b:s6+s8], $0x10, s22, s8, $0xb8;
	[tilespmem:$0xEA00] =	vst v63  }
0x4c: {  	s23 =	rddreg [dreg:$0xb];
	s15 =	simm.s32 $0x4A00  }
0x4d: {  	[tilespmem:s15], [sflag:$0x1] =	stream.indirect.gather [hbm4b:s6+s8], $0x10, s23, s8, $0xb8;
	[tilespmem:$0xEA00] =	vst v63  }
0x4e: {  	s28 =	simm.s32 $0x5200;
	s24 =	rddreg [dreg:$0xc]  }
0x4f: {  	[tilespmem:s28], [sflag:$0x1] =	stream.indirect.gather [hbm4b:s6+s8], $0x10, s24, s8, $0xb8;
	[tilespmem:$0xEA00] =	vst v63  }
0x50: {  	s25 =	rddreg [dreg:$0xd];
	s16 =	simm.s32 $0x5A00  }
0x51: {  	[tilespmem:s16], [sflag:$0x1] =	stream.indirect.gather [hbm4b:s6+s8], $0x10, s25, s8, $0xb8;
	[tilespmem:$0xEA00] =	vst v63  }
0x52: {  	s26 =	rddreg [dreg:$0xe];
	s19 =	simm.s32 $0x6200  }
0x53: {  	[tilespmem:s19], [sflag:$0x1] =	stream.indirect.gather [hbm4b:s6+s8], $0x10, s26, s8, $0xb8;
	[tilespmem:$0xEA00] =	vst v63  }
0x54: {  	s29 =	rddreg [dreg:$0xf]  }
0x55: {  	[tilespmem:s17], [sflag:$0x1] =	stream.indirect.gather [hbm4b:s6+s8], $0x10, s29, s8, $0xb8;
	[tilespmem:$0xEA00] =	vst v63  }
0x56: {  	s31 =	rddreg [dreg:$0x10]  }
0x57: {  	[tilespmem:s20], [sflag:$0x1] =	stream.indirect.gather [hbm4b:s6+s8], $0x10, s31, s8, $0xb8;
	[tilespmem:$0xEA00] =	vst v63  }
0x58: {  	s3 =	rddreg [dreg:$0x11]  }
0x59: {  	[tilespmem:s21], [sflag:$0x1] =	stream.indirect.gather [hbm4b:s6+s8], $0x10, s3, s8, $0xb8;
	[tilespmem:$0xEA00] =	vst v63  }
0x5a: {  	s5 =	rddreg [dreg:$0x12]  }
0x5b: {  	[tilespmem:s4], [sflag:$0x2] =	stream.indirect.gather [hbm4b:s6+s8], $0x10, s5, s8, $0xb8;
	[tilespmem:$0xEA00] =	vst v63  }
0x5c: {  	s22 =	simm.s32 $0x8A00;
	s17 =	rddreg [dreg:$0x13]  }
0x5d: {  	[tilespmem:s22], [sflag:$0x2] =	stream.indirect.gather [hbm4b:s6+s8], $0x10, s17, s8, $0xb8;
	[tilespmem:$0xEA00] =	vst v63  }
0x5e: {  	s20 =	rddreg [dreg:$0x14];
	s3 =	simm.s32 $0x9200  }
0x5f: {  	[tilespmem:s3], [sflag:$0x2] =	stream.indirect.gather [hbm4b:s6+s8], $0x10, s20, s8, $0xb8;
	[tilespmem:$0xEA00] =	vst v63  }
0x60: {  	s24 =	simm.s32 $0x9A00;
	s21 =	rddreg [dreg:$0x15]  }
0x61: {  	[tilespmem:s24], [sflag:$0x2] =	stream.indirect.gather [hbm4b:s6+s8], $0x10, s21, s8, $0xb8;
	[tilespmem:$0xEA00] =	vst v63  }
0x62: {  	s23 =	rddreg [dreg:$0x16];
	s26 =	simm.s32 $0xA200  }
0x63: {  	[tilespmem:s26], [sflag:$0x2] =	stream.indirect.gather [hbm4b:s6+s8], $0x10, s23, s8, $0xb8;
	[tilespmem:$0xEA00] =	vst v63  }
0x64: {  	s25 =	rddreg [dreg:$0x17];
	s21 =	simm.s32 $0xAA00  }
0x65: {  	[tilespmem:s21], [sflag:$0x2] =	stream.indirect.gather [hbm4b:s6+s8], $0x10, s25, s8, $0xb8;
	[tilespmem:$0xEA00] =	vst v63  }
0x66: {  	s29 =	rddreg [dreg:$0x18];
	s26 =	simm.s32 $0xB200  }
0x67: {  	[tilespmem:s26], [sflag:$0x2] =	stream.indirect.gather [hbm4b:s6+s8], $0x10, s29, s8, $0xb8;
	[tilespmem:$0xEA00] =	vst v63  }
0x68: {  	s31 =	rddreg [dreg:$0x19];
	s25 =	simm.s32 $0xBA00  }
0x69: {  	[tilespmem:s25], [sflag:$0x2] =	stream.indirect.gather [hbm4b:s6+s8], $0x10, s31, s8, $0xb8;
	[tilespmem:$0xEA00] =	vst v63  }
0x6a: {  	s3 =	rddreg [dreg:$0x1a];
	s24 =	simm.s32 $0xC200  }
0x6b: {  	[tilespmem:s24], [sflag:$0x2] =	stream.indirect.gather [hbm4b:s6+s8], $0x10, s3, s8, $0xb8;
	[tilespmem:$0xEA00] =	vst v63  }
0x6c: {  	s5 =	rddreg [dreg:$0x1b];
	s23 =	simm.s32 $0xCA00  }
0x6d: {  	[tilespmem:s23], [sflag:$0x2] =	stream.indirect.gather [hbm4b:s6+s8], $0x10, s5, s8, $0xb8;
	[tilespmem:$0xEA00] =	vst v63  }
0x6e: {  	s20 =	rddreg [dreg:$0x1c];
	s29 =	simm.s32 $0xD200  }
0x6f: {  	[tilespmem:s29], [sflag:$0x2] =	stream.indirect.gather [hbm4b:s6+s8], $0x10, s20, s8, $0xb8;
	[tilespmem:$0xEA00] =	vst v63  }
0x70: {  	s12 =	rddreg [dreg:$0x1d];
	s20 =	simm.s32 $0xDA00  }
0x71: {  	[tilespmem:s20], [sflag:$0x2] =	stream.indirect.gather [hbm4b:s6+s8], $0x10, s12, s8, $0xb8;
	[tilespmem:$0xEA00] =	vst v63  }
0x72: {  	s11 =	rddreg [dreg:$0x1e];
	s29 =	simm.s32 $0xE200  }
0x73: {  	[tilespmem:s29], [sflag:$0x2] =	stream.indirect.gather [hbm4b:s6+s8], $0x10, s11, s8, $0xb8;
	[tilespmem:$0xEA00] =	vst v63  }
0x74: {  	_ =	swait.ge [sflag:s9], $0x800  }
0x75: {  	[sflag:s9] =	ssyncset.done $0x0  }
0x76: {  	[sflag:s9] =	ssyncadd.s32 $0xFFFFF800  }
0x77: {  	_ =	swait.ge [sflag:s9], $0x800  }
0x78: {  	[sflag:s9] =	ssyncset.done $0x0  }
0x79: {  	[sflag:s9] =	ssyncadd.s32 $0xFFFFF800  }
0x7a: {  	_ =	swait.ge [sflag:s9], $0x800  }
0x7b: {  	[sflag:s9] =	ssyncset.done $0x0  }
0x7c: {  	[sflag:s9] =	ssyncadd.s32 $0xFFFFF800  }
0x7d: {  	_ =	swait.ge [sflag:s9], $0x800  }
0x7e: {  	[sflag:s9] =	ssyncset.done $0x0  }
0x7f: {  	[sflag:s9] =	ssyncadd.s32 $0xFFFFF800  }
0x80: {  	_ =	swait.ge [sflag:s9], $0x800  }
0x81: {  	[sflag:s9] =	ssyncset.done $0x0  }
0x82: {  	[sflag:s9] =	ssyncadd.s32 $0xFFFFF800  }
0x83: {  	_ =	swait.ge [sflag:s9], $0x800  }
0x84: {  	[sflag:s9] =	ssyncset.done $0x0  }
0x85: {  	[sflag:s9] =	ssyncadd.s32 $0xFFFFF800  }
0x86: {  	_ =	swait.ge [sflag:s9], $0x800  }
0x87: {  	[sflag:s9] =	ssyncset.done $0x0  }
0x88: {  	[sflag:s9] =	ssyncadd.s32 $0xFFFFF800  }
0x89: {  	_ =	swait.ge [sflag:s9], $0x800  }
0x8a: {  	[sflag:s9] =	ssyncset.done $0x0  }
0x8b: {  	[sflag:s9] =	ssyncadd.s32 $0xFFFFF800  }
0x8c: {  	_ =	swait.ge [sflag:s9], $0x800  }
0x8d: {  	[sflag:s9] =	ssyncset.done $0x0  }
0x8e: {  	[sflag:s9] =	ssyncadd.s32 $0xFFFFF800  }
0x8f: {  	_ =	swait.ge [sflag:s9], $0x800  }
0x90: {  	[sflag:s9] =	ssyncset.done $0x0  }
0x91: {  	[sflag:s9] =	ssyncadd.s32 $0xFFFFF800  }
0x92: {  	_ =	swait.ge [sflag:s9], $0x800  }
0x93: {  	[sflag:s9] =	ssyncset.done $0x0  }
0x94: {  	[sflag:s9] =	ssyncadd.s32 $0xFFFFF800  }
0x95: {  	_ =	swait.ge [sflag:s9], $0x800  }
0x96: {  	[sflag:s9] =	ssyncset.done $0x0  }
0x97: {  	[sflag:s9] =	ssyncadd.s32 $0xFFFFF800  }
0x98: {  	_ =	swait.ge [sflag:s9], $0x800  }
0x99: {  	s30 =	simm.s32 $0x0;
	[sflag:s9] =	ssyncset.done $0x0  }
0x9a: {  	s31 =	simm.s32 $0x1A00;
	s12 =	rddreg [dreg:$0x3];
	[sflag:s9] =	ssyncadd.s32 $0xFFFFF800  }
0x9b: {  	[hbm4b:s12+s30] =	stream.linear.scatter [tilespmem:s31], [sflag:$0x3], $0x6800, $0x38;
	[tilespmem:$0xEA00] =	vst v63  }
0x9c: {  	_ =	swait.ge [sflag:s18], $0x6800  }
0x9d: {  	s12 =	rddreg [dreg:$0x1f];
	[sflag:s18] =	ssyncset.done $0x0  }
0x9e: {  	s30 =	sld [smem:$0x7E5];
	[sflag:s18] =	ssyncadd.s32 $0xFFFF9800  }
0x9f: {  	[tilespmem:s31], [sflag:$0x1] =	stream.indirect.gather [hbm4b:s6+s8], $0x10, s12, s8, $0xb8;
	[tilespmem:$0xEA00] =	vst v63  }
0xa0: {  	s2 =	simm.s32 $0x2200;
	s31 =	sld [smem:$0x7E6]  }
0xa1: {  	[tilespmem:s2], [sflag:$0x1] =	stream.indirect.gather [hbm4b:s6+s8], $0x10, s30, s8, $0xb8;
	[tilespmem:$0xEA00] =	vst v63  }
0xa2: {  	s30 =	sld [smem:$0x7E7]  }
0xa3: {  	[tilespmem:s1], [sflag:$0x1] =	stream.indirect.gather [hbm4b:s6+s8], $0x10, s31, s8, $0xb8;
	[tilespmem:$0xEA00] =	vst v63  }
0xa4: {  	s31 =	sld [smem:$0x7E8]  }
0xa5: {  	[tilespmem:s0], [sflag:$0x1] =	stream.indirect.gather [hbm4b:s6+s8], $0x10, s30, s8, $0xb8;
	[tilespmem:$0xEA00] =	vst v63  }
0xa6: {  	s0 =	sld [smem:$0x7E9]  }
0xa7: {  	[tilespmem:s10], [sflag:$0x1] =	stream.indirect.gather [hbm4b:s6+s8], $0x10, s31, s8, $0xb8;
	[tilespmem:$0xEA00] =	vst v63  }
0xa8: {  	s1 =	sld [smem:$0x7EA]  }
0xa9: {  	[tilespmem:s14], [sflag:$0x1] =	stream.indirect.gather [hbm4b:s6+s8], $0x10, s0, s8, $0xb8;
	[tilespmem:$0xEA00] =	vst v63  }
0xaa: {  	s10 =	sld [smem:$0x7EB]  }
0xab: {  	[tilespmem:s15], [sflag:$0x1] =	stream.indirect.gather [hbm4b:s6+s8], $0x10, s1, s8, $0xb8;
	[tilespmem:$0xEA00] =	vst v63  }
0xac: {  	s14 =	sld [smem:$0x7EC]  }
0xad: {  	[tilespmem:s28], [sflag:$0x1] =	stream.indirect.gather [hbm4b:s6+s8], $0x10, s10, s8, $0xb8;
	[tilespmem:$0xEA00] =	vst v63  }
0xae: {  	s15 =	sld [smem:$0x7ED]  }
0xaf: {  	[tilespmem:s16], [sflag:$0x1] =	stream.indirect.gather [hbm4b:s6+s8], $0x10, s14, s8, $0xb8;
	[tilespmem:$0xEA00] =	vst v63  }
0xb0: {  	s16 =	sld [smem:$0x7EE]  }
0xb1: {  	[tilespmem:s19], [sflag:$0x1] =	stream.indirect.gather [hbm4b:s6+s8], $0x10, s15, s8, $0xb8;
	[tilespmem:$0xEA00] =	vst v63  }
0xb2: {  	s3 =	simm.s32 $0x6A00;
	s19 =	sld [smem:$0x7EF]  }
0xb3: {  	[tilespmem:s3], [sflag:$0x1] =	stream.indirect.gather [hbm4b:s6+s8], $0x10, s16, s8, $0xb8;
	[tilespmem:$0xEA00] =	vst v63  }
0xb4: {  	s17 =	simm.s32 $0x7200;
	s28 =	sld [smem:$0x7F0]  }
0xb5: {  	[tilespmem:s17], [sflag:$0x1] =	stream.indirect.gather [hbm4b:s6+s8], $0x10, s19, s8, $0xb8;
	[tilespmem:$0xEA00] =	vst v63  }
0xb6: {  	s4 =	simm.s32 $0x7A00  }
0xb7: {  	[tilespmem:s4], [sflag:$0x1] =	stream.indirect.gather [hbm4b:s6+s8], $0x10, s28, s8, $0xb8;
	[tilespmem:$0xEA00] =	vst v63  }
0xb8: {  	_ =	swait.ge [sflag:s7], $0x800  }
0xb9: {  	[sflag:s7] =	ssyncset.done $0x0  }
0xba: {  	[sflag:s7] =	ssyncadd.s32 $0xFFFFF800  }
0xbb: {  	_ =	swait.ge [sflag:s7], $0x800  }
0xbc: {  	[sflag:s7] =	ssyncset.done $0x0  }
0xbd: {  	[sflag:s7] =	ssyncadd.s32 $0xFFFFF800  }
0xbe: {  	_ =	swait.ge [sflag:s7], $0x800  }
0xbf: {  	[sflag:s7] =	ssyncset.done $0x0  }
0xc0: {  	[sflag:s7] =	ssyncadd.s32 $0xFFFFF800  }
0xc1: {  	_ =	swait.ge [sflag:s7], $0x800  }
0xc2: {  	[sflag:s7] =	ssyncset.done $0x0  }
0xc3: {  	[sflag:s7] =	ssyncadd.s32 $0xFFFFF800  }
0xc4: {  	_ =	swait.ge [sflag:s7], $0x800  }
0xc5: {  	[sflag:s7] =	ssyncset.done $0x0  }
0xc6: {  	[sflag:s7] =	ssyncadd.s32 $0xFFFFF800  }
0xc7: {  	_ =	swait.ge [sflag:s7], $0x800  }
0xc8: {  	[sflag:s7] =	ssyncset.done $0x0  }
0xc9: {  	[sflag:s7] =	ssyncadd.s32 $0xFFFFF800  }
0xca: {  	_ =	swait.ge [sflag:s7], $0x800  }
0xcb: {  	[sflag:s7] =	ssyncset.done $0x0  }
0xcc: {  	[sflag:s7] =	ssyncadd.s32 $0xFFFFF800  }
0xcd: {  	_ =	swait.ge [sflag:s7], $0x800  }
0xce: {  	[sflag:s7] =	ssyncset.done $0x0  }
0xcf: {  	[sflag:s7] =	ssyncadd.s32 $0xFFFFF800  }
0xd0: {  	_ =	swait.ge [sflag:s7], $0x800  }
0xd1: {  	[sflag:s7] =	ssyncset.done $0x0  }
0xd2: {  	[sflag:s7] =	ssyncadd.s32 $0xFFFFF800  }
0xd3: {  	_ =	swait.ge [sflag:s7], $0x800  }
0xd4: {  	[sflag:s7] =	ssyncset.done $0x0  }
0xd5: {  	[sflag:s7] =	ssyncadd.s32 $0xFFFFF800  }
0xd6: {  	_ =	swait.ge [sflag:s7], $0x800  }
0xd7: {  	[sflag:s7] =	ssyncset.done $0x0  }
0xd8: {  	[sflag:s7] =	ssyncadd.s32 $0xFFFFF800  }
0xd9: {  	_ =	swait.ge [sflag:s7], $0x800  }
0xda: {  	[sflag:s7] =	ssyncset.done $0x0  }
0xdb: {  	[sflag:s7] =	ssyncadd.s32 $0xFFFFF800  }
0xdc: {  	_ =	swait.ge [sflag:s7], $0x800  }
0xdd: {  	s5 =	simm.s32 $0x8200;
	[sflag:s7] =	ssyncset.done $0x0  }
0xde: {  	s2 =	simm.s32 $0x0;
	s30 =	rddreg [dreg:$0x4];
	[sflag:s7] =	ssyncadd.s32 $0xFFFFF800  }
0xdf: {  	[hbm4b:s30+s2] =	stream.linear.scatter [tilespmem:s5], [sflag:$0x3], $0x6800, $0x38;
	[tilespmem:$0xEA00] =	vst v63  }
0xe0: {  	_ =	swait.ge [sflag:s18], $0x6800  }
0xe1: {  	s31 =	sld [smem:$0x7F1]  }
0xe2: {  	[sflag:s18] =	ssyncset.done $0x0  }
0xe3: {  	s0 =	sld [smem:$0x7F2];
	[sflag:s18] =	ssyncadd.s32 $0xFFFF9800  }
0xe4: {  	[tilespmem:s5], [sflag:$0x2] =	stream.indirect.gather [hbm4b:s6+s8], $0x10, s31, s8, $0xb8;
	[tilespmem:$0xEA00] =	vst v63  }
0xe5: {  	s1 =	sld [smem:$0x7F3]  }
0xe6: {  	[tilespmem:s22], [sflag:$0x2] =	stream.indirect.gather [hbm4b:s6+s8], $0x10, s0, s8, $0xb8;
	[tilespmem:$0xEA00] =	vst v63  }
0xe7: {  	s4 =	simm.s32 $0x9200;
	s3 =	sld [smem:$0x7F4]  }
0xe8: {  	[tilespmem:s4], [sflag:$0x2] =	stream.indirect.gather [hbm4b:s6+s8], $0x10, s1, s8, $0xb8;
	[tilespmem:$0xEA00] =	vst v63  }
0xe9: {  	s14 =	simm.s32 $0x9A00;
	s10 =	sld [smem:$0x7F5]  }
0xea: {  	[tilespmem:s14], [sflag:$0x2] =	stream.indirect.gather [hbm4b:s6+s8], $0x10, s3, s8, $0xb8;
	[tilespmem:$0xEA00] =	vst v63  }
0xeb: {  	s16 =	simm.s32 $0xA200;
	s15 =	sld [smem:$0x7F6]  }
0xec: {  	[tilespmem:s16], [sflag:$0x2] =	stream.indirect.gather [hbm4b:s6+s8], $0x10, s10, s8, $0xb8;
	[tilespmem:$0xEA00] =	vst v63  }
0xed: {  	s17 =	sld [smem:$0x7F7]  }
0xee: {  	[tilespmem:s21], [sflag:$0x2] =	stream.indirect.gather [hbm4b:s6+s8], $0x10, s15, s8, $0xb8;
	[tilespmem:$0xEA00] =	vst v63  }
0xef: {  	s19 =	sld [smem:$0x7F8]  }
0xf0: {  	[tilespmem:s26], [sflag:$0x2] =	stream.indirect.gather [hbm4b:s6+s8], $0x10, s17, s8, $0xb8;
	[tilespmem:$0xEA00] =	vst v63  }
0xf1: {  	s21 =	sld [smem:$0x7F9]  }
0xf2: {  	[tilespmem:s25], [sflag:$0x2] =	stream.indirect.gather [hbm4b:s6+s8], $0x10, s19, s8, $0xb8;
	[tilespmem:$0xEA00] =	vst v63  }
0xf3: {  	s22 =	sld [smem:$0x7FA]  }
0xf4: {  	[tilespmem:s24], [sflag:$0x2] =	stream.indirect.gather [hbm4b:s6+s8], $0x10, s21, s8, $0xb8;
	[tilespmem:$0xEA00] =	vst v63  }
0xf5: {  	s24 =	sld [smem:$0x7FB]  }
0xf6: {  	[tilespmem:s23], [sflag:$0x2] =	stream.indirect.gather [hbm4b:s6+s8], $0x10, s22, s8, $0xb8;
	[tilespmem:$0xEA00] =	vst v63  }
0xf7: {  	s26 =	simm.s32 $0xD200;
	s25 =	sld [smem:$0x7FC]  }
0xf8: {  	[tilespmem:s26], [sflag:$0x2] =	stream.indirect.gather [hbm4b:s6+s8], $0x10, s24, s8, $0xb8;
	[tilespmem:$0xEA00] =	vst v63  }
0xf9: {  	s28 =	sld [smem:$0x7FD]  }
0xfa: {  	[tilespmem:s20], [sflag:$0x2] =	stream.indirect.gather [hbm4b:s6+s8], $0x10, s25, s8, $0xb8;
	[tilespmem:$0xEA00] =	vst v63  }
0xfb: {  	_ = 	snop  }
0xfc: {  	[tilespmem:s29], [sflag:$0x2] =	stream.indirect.gather [hbm4b:s6+s8], $0x10, s28, s8, $0xb8;
	[tilespmem:$0xEA00] =	vst v63  }
0xfd: {  	_ =	swait.ge [sflag:s9], $0x800  }
0xfe: {  	[sflag:s9] =	ssyncset.done $0x0  }
0xff: {  	[sflag:s9] =	ssyncadd.s32 $0xFFFFF800  }
0x100: {  	_ =	swait.ge [sflag:s9], $0x800  }
0x101: {  	[sflag:s9] =	ssyncset.done $0x0  }
0x102: {  	[sflag:s9] =	ssyncadd.s32 $0xFFFFF800  }
0x103: {  	_ =	swait.ge [sflag:s9], $0x800  }
0x104: {  	[sflag:s9] =	ssyncset.done $0x0  }
0x105: {  	[sflag:s9] =	ssyncadd.s32 $0xFFFFF800  }
0x106: {  	_ =	swait.ge [sflag:s9], $0x800  }
0x107: {  	[sflag:s9] =	ssyncset.done $0x0  }
0x108: {  	[sflag:s9] =	ssyncadd.s32 $0xFFFFF800  }
0x109: {  	_ =	swait.ge [sflag:s9], $0x800  }
0x10a: {  	[sflag:s9] =	ssyncset.done $0x0  }
0x10b: {  	[sflag:s9] =	ssyncadd.s32 $0xFFFFF800  }
0x10c: {  	_ =	swait.ge [sflag:s9], $0x800  }
0x10d: {  	[sflag:s9] =	ssyncset.done $0x0  }
0x10e: {  	[sflag:s9] =	ssyncadd.s32 $0xFFFFF800  }
0x10f: {  	_ =	swait.ge [sflag:s9], $0x800  }
0x110: {  	[sflag:s9] =	ssyncset.done $0x0  }
0x111: {  	[sflag:s9] =	ssyncadd.s32 $0xFFFFF800  }
0x112: {  	_ =	swait.ge [sflag:s9], $0x800  }
0x113: {  	[sflag:s9] =	ssyncset.done $0x0  }
0x114: {  	[sflag:s9] =	ssyncadd.s32 $0xFFFFF800  }
0x115: {  	_ =	swait.ge [sflag:s9], $0x800  }
0x116: {  	[sflag:s9] =	ssyncset.done $0x0  }
0x117: {  	[sflag:s9] =	ssyncadd.s32 $0xFFFFF800  }
0x118: {  	_ =	swait.ge [sflag:s9], $0x800  }
0x119: {  	[sflag:s9] =	ssyncset.done $0x0  }
0x11a: {  	[sflag:s9] =	ssyncadd.s32 $0xFFFFF800  }
0x11b: {  	_ =	swait.ge [sflag:s9], $0x800  }
0x11c: {  	[sflag:s9] =	ssyncset.done $0x0  }
0x11d: {  	[sflag:s9] =	ssyncadd.s32 $0xFFFFF800  }
0x11e: {  	_ =	swait.ge [sflag:s9], $0x800  }
0x11f: {  	[sflag:s9] =	ssyncset.done $0x0  }
0x120: {  	[sflag:s9] =	ssyncadd.s32 $0xFFFFF800  }
0x121: {  	_ =	swait.ge [sflag:s9], $0x800  }
0x122: {  	[sflag:s9] =	ssyncset.done $0x0  }
0x123: {  	s5 =	simm.s32 $0x1A00;
	s30 =	rddreg [dreg:$0x5];
	[sflag:s9] =	ssyncadd.s32 $0xFFFFF800  }
0x124: {  	[hbm4b:s30+s2] =	stream.linear.scatter [tilespmem:s5], [sflag:$0x3], $0x6800, $0x38;
	[tilespmem:$0xEA00] =	vst v63  }
0x125: {  	_ =	swait.ge [sflag:s18], $0x6800  }
0x126: {  	[sflag:s18] =	ssyncset.done $0x0  }
0x127: {  	[sflag:s18] =	ssyncadd.s32 $0xFFFF9800  }
0x128: {  	_ =	swait.ge [sflag:s7], $0x800  }
0x129: {  	[sflag:s7] =	ssyncset.done $0x0  }
0x12a: {  	[sflag:s7] =	ssyncadd.s32 $0xFFFFF800  }
0x12b: {  	_ =	swait.ge [sflag:s7], $0x800  }
0x12c: {  	[sflag:s7] =	ssyncset.done $0x0  }
0x12d: {  	[sflag:s7] =	ssyncadd.s32 $0xFFFFF800  }
0x12e: {  	_ =	swait.ge [sflag:s7], $0x800  }
0x12f: {  	[sflag:s7] =	ssyncset.done $0x0  }
0x130: {  	[sflag:s7] =	ssyncadd.s32 $0xFFFFF800  }
0x131: {  	_ =	swait.ge [sflag:s7], $0x800  }
0x132: {  	[sflag:s7] =	ssyncset.done $0x0  }
0x133: {  	[sflag:s7] =	ssyncadd.s32 $0xFFFFF800  }
0x134: {  	_ =	swait.ge [sflag:s7], $0x800  }
0x135: {  	[sflag:s7] =	ssyncset.done $0x0  }
0x136: {  	[sflag:s7] =	ssyncadd.s32 $0xFFFFF800  }
0x137: {  	_ =	swait.ge [sflag:s7], $0x800  }
0x138: {  	[sflag:s7] =	ssyncset.done $0x0  }
0x139: {  	[sflag:s7] =	ssyncadd.s32 $0xFFFFF800  }
0x13a: {  	_ =	swait.ge [sflag:s7], $0x800  }
0x13b: {  	[sflag:s7] =	ssyncset.done $0x0  }
0x13c: {  	[sflag:s7] =	ssyncadd.s32 $0xFFFFF800  }
0x13d: {  	_ =	swait.ge [sflag:s7], $0x800  }
0x13e: {  	[sflag:s7] =	ssyncset.done $0x0  }
0x13f: {  	[sflag:s7] =	ssyncadd.s32 $0xFFFFF800  }
0x140: {  	_ =	swait.ge [sflag:s7], $0x800  }
0x141: {  	[sflag:s7] =	ssyncset.done $0x0  }
0x142: {  	[sflag:s7] =	ssyncadd.s32 $0xFFFFF800  }
0x143: {  	_ =	swait.ge [sflag:s7], $0x800  }
0x144: {  	[sflag:s7] =	ssyncset.done $0x0  }
0x145: {  	[sflag:s7] =	ssyncadd.s32 $0xFFFFF800  }
0x146: {  	_ =	swait.ge [sflag:s7], $0x800  }
0x147: {  	[sflag:s7] =	ssyncset.done $0x0  }
0x148: {  	[sflag:s7] =	ssyncadd.s32 $0xFFFFF800  }
0x149: {  	_ =	swait.ge [sflag:s7], $0x800  }
0x14a: {  	[sflag:s7] =	ssyncset.done $0x0  }
0x14b: {  	[sflag:s7] =	ssyncadd.s32 $0xFFFFF800  }
0x14c: {  	p1 =	sne.s32 s13, $0x1;
	_ =	swait.ge [sflag:s7], $0x800  }
.Ltmp1:
0x14d: {  	[sflag:s7] =	ssyncset.done $0x0;
	(pc) =	sbr.rel @!p1 .LBB2_4-.Ltmp1, $4  }
0x14e: {  	s4 =	simm.s32 $0x8200;
	s31 =	rddreg [dreg:$0x6];
	[sflag:s7] =	ssyncadd.s32 $0xFFFFF800  }
0x14f: {  	[hbm4b:s31+s2] =	stream.linear.scatter [tilespmem:s4], [sflag:$0x3], $0x6800, $0x38;
	[tilespmem:$0xEA00] =	vst v63  }
0x150: {  	p0 =	por $0x1, $0x1;
	_ =	swait.ge [sflag:s18], $0x6800  }
0x151: {  	s11 =	sadd.s32 $0xFFFFFFFF, s13;
	s12 =	rddreg [dreg:$0x2];
	[sflag:s18] =	ssyncset.done $0x0  }
0x152: {  	s20 =	simm.s32 $0x0;
	s1 =	simm.s32 $0x2A00;
	s10 =	simm.s32 $0x3A00  }
0x153: {  	s14 =	simm.s32 $0x4200;
	s15 =	simm.s32 $0x4A00;
	s28 =	simm.s32 $0x5200  }
0x154: {  	s16 =	simm.s32 $0x5A00;
	s19 =	simm.s32 $0x6200;
	s17 =	simm.s32 $0x6A00  }
0x155: {  	s3 =	simm.s32 $0x7A00;
	s22 =	simm.s32 $0x8A00;
	s21 =	simm.s32 $0xAA00  }
0x156: {  	s26 =	simm.s32 $0xB200;
	s25 =	simm.s32 $0xBA00;
	s24 =	simm.s32 $0xC200  }
0x157: {  	s23 =	simm.s32 $0xCA00;
	s30 =	simm.s32 $0x1A00;
	s31 =	simm.s32 $0xE200  }
.LBB2_3:
0x158: {  	[sflag:s18] =	ssyncadd.s32 $0xFFFF9800  }
0x159: {  	[tilespmem:s2], [sflag:$0x3] =	stream.linear.gather [hbm4b:s12+s2], $0x1A00, $0x38;
	[tilespmem:$0xEA00] =	vst v63  }
0x15a: {  	_ =	swait.ge [sflag:s18], $0x1A00  }
0x15b: {  	[sflag:s18] =	ssyncset.done $0x0  }
0x15c: {  	[sflag:s18] =	ssyncadd.s32 $0xFFFFE600  }
0x15d: {  	[tilespmem:s5], [sflag:$0x1] =	stream.indirect.gather [hbm4b:s6+s8], $0x10, s2, s8, $0xb8;
	[tilespmem:$0xEA00] =	vst v63  }
0x15e: {  	s2 =	simm.s32 $0x2200  }
0x15f: {  	[tilespmem:s2], [sflag:$0x1] =	stream.indirect.gather [hbm4b:s6+s8], $0x10, s8, s8, $0xb8;
	[tilespmem:$0xEA00] =	vst v63  }
0x160: {  	s0 =	rddreg [dreg:$0x7]  }
0x161: {  	[tilespmem:s1], [sflag:$0x1] =	stream.indirect.gather [hbm4b:s6+s8], $0x10, s0, s8, $0xb8;
	[tilespmem:$0xEA00] =	vst v63  }
0x162: {  	s13 =	rddreg [dreg:$0x8];
	s0 =	simm.s32 $0x3200  }
0x163: {  	[tilespmem:s0], [sflag:$0x1] =	stream.indirect.gather [hbm4b:s6+s8], $0x10, s13, s8, $0xb8;
	[tilespmem:$0xEA00] =	vst v63  }
0x164: {  	s5 =	rddreg [dreg:$0x9]  }
0x165: {  	[tilespmem:s10], [sflag:$0x1] =	stream.indirect.gather [hbm4b:s6+s8], $0x10, s5, s8, $0xb8;
	[tilespmem:$0xEA00] =	vst v63  }
0x166: {  	s29 =	rddreg [dreg:$0xa]  }
0x167: {  	[tilespmem:s14], [sflag:$0x1] =	stream.indirect.gather [hbm4b:s6+s8], $0x10, s29, s8, $0xb8;
	[tilespmem:$0xEA00] =	vst v63  }
0x168: {  	s5 =	rddreg [dreg:$0xb]  }
0x169: {  	[tilespmem:s15], [sflag:$0x1] =	stream.indirect.gather [hbm4b:s6+s8], $0x10, s5, s8, $0xb8;
	[tilespmem:$0xEA00] =	vst v63  }
0x16a: {  	s29 =	rddreg [dreg:$0xc]  }
0x16b: {  	[tilespmem:s28], [sflag:$0x1] =	stream.indirect.gather [hbm4b:s6+s8], $0x10, s29, s8, $0xb8;
	[tilespmem:$0xEA00] =	vst v63  }
0x16c: {  	s5 =	rddreg [dreg:$0xd]  }
0x16d: {  	[tilespmem:s16], [sflag:$0x1] =	stream.indirect.gather [hbm4b:s6+s8], $0x10, s5, s8, $0xb8;
	[tilespmem:$0xEA00] =	vst v63  }
0x16e: {  	s29 =	rddreg [dreg:$0xe]  }
0x16f: {  	[tilespmem:s19], [sflag:$0x1] =	stream.indirect.gather [hbm4b:s6+s8], $0x10, s29, s8, $0xb8;
	[tilespmem:$0xEA00] =	vst v63  }
0x170: {  	s5 =	rddreg [dreg:$0xf]  }
0x171: {  	[tilespmem:s17], [sflag:$0x1] =	stream.indirect.gather [hbm4b:s6+s8], $0x10, s5, s8, $0xb8;
	[tilespmem:$0xEA00] =	vst v63  }
0x172: {  	s13 =	rddreg [dreg:$0x10];
	s5 =	simm.s32 $0x7200  }
0x173: {  	[tilespmem:s5], [sflag:$0x1] =	stream.indirect.gather [hbm4b:s6+s8], $0x10, s13, s8, $0xb8;
	[tilespmem:$0xEA00] =	vst v63  }
0x174: {  	s29 =	rddreg [dreg:$0x11]  }
0x175: {  	[tilespmem:s3], [sflag:$0x1] =	stream.indirect.gather [hbm4b:s6+s8], $0x10, s29, s8, $0xb8;
	[tilespmem:$0xEA00] =	vst v63  }
0x176: {  	s13 =	rddreg [dreg:$0x12]  }
0x177: {  	[tilespmem:s4], [sflag:$0x2] =	stream.indirect.gather [hbm4b:s6+s8], $0x10, s13, s8, $0xb8;
	[tilespmem:$0xEA00] =	vst v63  }
0x178: {  	s29 =	rddreg [dreg:$0x13]  }
0x179: {  	[tilespmem:s22], [sflag:$0x2] =	stream.indirect.gather [hbm4b:s6+s8], $0x10, s29, s8, $0xb8;
	[tilespmem:$0xEA00] =	vst v63  }
0x17a: {  	s4 =	rddreg [dreg:$0x14];
	s29 =	simm.s32 $0x9200  }
0x17b: {  	[tilespmem:s29], [sflag:$0x2] =	stream.indirect.gather [hbm4b:s6+s8], $0x10, s4, s8, $0xb8;
	[tilespmem:$0xEA00] =	vst v63  }
0x17c: {  	s12 =	rddreg [dreg:$0x15];
	s29 =	simm.s32 $0x9A00  }
0x17d: {  	[tilespmem:s29], [sflag:$0x2] =	stream.indirect.gather [hbm4b:s6+s8], $0x10, s12, s8, $0xb8;
	[tilespmem:$0xEA00] =	vst v63  }
0x17e: {  	s13 =	rddreg [dreg:$0x16];
	s29 =	simm.s32 $0xA200  }
0x17f: {  	[tilespmem:s29], [sflag:$0x2] =	stream.indirect.gather [hbm4b:s6+s8], $0x10, s13, s8, $0xb8;
	[tilespmem:$0xEA00] =	vst v63  }
0x180: {  	s12 =	rddreg [dreg:$0x17]  }
0x181: {  	[tilespmem:s21], [sflag:$0x2] =	stream.indirect.gather [hbm4b:s6+s8], $0x10, s12, s8, $0xb8;
	[tilespmem:$0xEA00] =	vst v63  }
0x182: {  	s29 =	rddreg [dreg:$0x18]  }
0x183: {  	[tilespmem:s26], [sflag:$0x2] =	stream.indirect.gather [hbm4b:s6+s8], $0x10, s29, s8, $0xb8;
	[tilespmem:$0xEA00] =	vst v63  }
0x184: {  	s4 =	rddreg [dreg:$0x19]  }
0x185: {  	[tilespmem:s25], [sflag:$0x2] =	stream.indirect.gather [hbm4b:s6+s8], $0x10, s4, s8, $0xb8;
	[tilespmem:$0xEA00] =	vst v63  }
0x186: {  	s29 =	rddreg [dreg:$0x1a]  }
0x187: {  	[tilespmem:s24], [sflag:$0x2] =	stream.indirect.gather [hbm4b:s6+s8], $0x10, s29, s8, $0xb8;
	[tilespmem:$0xEA00] =	vst v63  }
0x188: {  	s4 =	rddreg [dreg:$0x1b]  }
0x189: {  	[tilespmem:s23], [sflag:$0x2] =	stream.indirect.gather [hbm4b:s6+s8], $0x10, s4, s8, $0xb8;
	[tilespmem:$0xEA00] =	vst v63  }
0x18a: {  	s13 =	rddreg [dreg:$0x1c];
	s29 =	simm.s32 $0xD200  }
0x18b: {  	[tilespmem:s29], [sflag:$0x2] =	stream.indirect.gather [hbm4b:s6+s8], $0x10, s13, s8, $0xb8;
	[tilespmem:$0xEA00] =	vst v63  }
0x18c: {  	s12 =	rddreg [dreg:$0x1d];
	s29 =	simm.s32 $0xDA00  }
0x18d: {  	[tilespmem:s29], [sflag:$0x2] =	stream.indirect.gather [hbm4b:s6+s8], $0x10, s12, s8, $0xb8;
	[tilespmem:$0xEA00] =	vst v63  }
0x18e: {  	s13 =	rddreg [dreg:$0x1e]  }
0x18f: {  	[tilespmem:s31], [sflag:$0x2] =	stream.indirect.gather [hbm4b:s6+s8], $0x10, s13, s8, $0xb8;
	[tilespmem:$0xEA00] =	vst v63  }
0x190: {  	_ =	swait.ge [sflag:s9], $0x800  }
0x191: {  	[sflag:s9] =	ssyncset.done $0x0  }
0x192: {  	[sflag:s9] =	ssyncadd.s32 $0xFFFFF800  }
0x193: {  	_ =	swait.ge [sflag:s9], $0x800  }
0x194: {  	[sflag:s9] =	ssyncset.done $0x0  }
0x195: {  	[sflag:s9] =	ssyncadd.s32 $0xFFFFF800  }
0x196: {  	_ =	swait.ge [sflag:s9], $0x800  }
0x197: {  	[sflag:s9] =	ssyncset.done $0x0  }
0x198: {  	[sflag:s9] =	ssyncadd.s32 $0xFFFFF800  }
0x199: {  	_ =	swait.ge [sflag:s9], $0x800  }
0x19a: {  	[sflag:s9] =	ssyncset.done $0x0  }
0x19b: {  	[sflag:s9] =	ssyncadd.s32 $0xFFFFF800  }
0x19c: {  	_ =	swait.ge [sflag:s9], $0x800  }
0x19d: {  	[sflag:s9] =	ssyncset.done $0x0  }
0x19e: {  	[sflag:s9] =	ssyncadd.s32 $0xFFFFF800  }
0x19f: {  	_ =	swait.ge [sflag:s9], $0x800  }
0x1a0: {  	[sflag:s9] =	ssyncset.done $0x0  }
0x1a1: {  	[sflag:s9] =	ssyncadd.s32 $0xFFFFF800  }
0x1a2: {  	_ =	swait.ge [sflag:s9], $0x800  }
0x1a3: {  	[sflag:s9] =	ssyncset.done $0x0  }
0x1a4: {  	[sflag:s9] =	ssyncadd.s32 $0xFFFFF800  }
0x1a5: {  	_ =	swait.ge [sflag:s9], $0x800  }
0x1a6: {  	[sflag:s9] =	ssyncset.done $0x0  }
0x1a7: {  	[sflag:s9] =	ssyncadd.s32 $0xFFFFF800  }
0x1a8: {  	_ =	swait.ge [sflag:s9], $0x800  }
0x1a9: {  	[sflag:s9] =	ssyncset.done $0x0  }
0x1aa: {  	[sflag:s9] =	ssyncadd.s32 $0xFFFFF800  }
0x1ab: {  	_ =	swait.ge [sflag:s9], $0x800  }
0x1ac: {  	[sflag:s9] =	ssyncset.done $0x0  }
0x1ad: {  	[sflag:s9] =	ssyncadd.s32 $0xFFFFF800  }
0x1ae: {  	_ =	swait.ge [sflag:s9], $0x800  }
0x1af: {  	[sflag:s9] =	ssyncset.done $0x0  }
0x1b0: {  	[sflag:s9] =	ssyncadd.s32 $0xFFFFF800  }
0x1b1: {  	_ =	swait.ge [sflag:s9], $0x800  }
0x1b2: {  	[sflag:s9] =	ssyncset.done $0x0  }
0x1b3: {  	[sflag:s9] =	ssyncadd.s32 $0xFFFFF800  }
0x1b4: {  	_ =	swait.ge [sflag:s9], $0x800  }
0x1b5: {  	[sflag:s9] =	ssyncset.done $0x0  }
0x1b6: {  	s13 =	rddreg [dreg:$0x3];
	[sflag:s9] =	ssyncadd.s32 $0xFFFFF800  }
0x1b7: {  	[hbm4b:s13+s20] =	stream.linear.scatter [tilespmem:s30], [sflag:$0x3], $0x6800, $0x38;
	[tilespmem:$0xEA00] =	vst v63  }
0x1b8: {  	_ =	swait.ge [sflag:s18], $0x6800  }
0x1b9: {  	s12 =	rddreg [dreg:$0x1f];
	[sflag:s18] =	ssyncset.done $0x0  }
0x1ba: {  	s13 =	sld [smem:$0x7E5];
	[sflag:s18] =	ssyncadd.s32 $0xFFFF9800  }
0x1bb: {  	[tilespmem:s30], [sflag:$0x1] =	stream.indirect.gather [hbm4b:s6+s8], $0x10, s12, s8, $0xb8;
	[tilespmem:$0xEA00] =	vst v63  }
0x1bc: {  	s12 =	sld [smem:$0x7E6]  }
0x1bd: {  	[tilespmem:s2], [sflag:$0x1] =	stream.indirect.gather [hbm4b:s6+s8], $0x10, s13, s8, $0xb8;
	[tilespmem:$0xEA00] =	vst v63  }
0x1be: {  	s13 =	sld [smem:$0x7E7]  }
0x1bf: {  	[tilespmem:s1], [sflag:$0x1] =	stream.indirect.gather [hbm4b:s6+s8], $0x10, s12, s8, $0xb8;
	[tilespmem:$0xEA00] =	vst v63  }
0x1c0: {  	s12 =	sld [smem:$0x7E8]  }
0x1c1: {  	[tilespmem:s0], [sflag:$0x1] =	stream.indirect.gather [hbm4b:s6+s8], $0x10, s13, s8, $0xb8;
	[tilespmem:$0xEA00] =	vst v63  }
0x1c2: {  	s13 =	sld [smem:$0x7E9]  }
0x1c3: {  	[tilespmem:s10], [sflag:$0x1] =	stream.indirect.gather [hbm4b:s6+s8], $0x10, s12, s8, $0xb8;
	[tilespmem:$0xEA00] =	vst v63  }
0x1c4: {  	s0 =	sld [smem:$0x7EA]  }
0x1c5: {  	[tilespmem:s14], [sflag:$0x1] =	stream.indirect.gather [hbm4b:s6+s8], $0x10, s13, s8, $0xb8;
	[tilespmem:$0xEA00] =	vst v63  }
0x1c6: {  	s13 =	sld [smem:$0x7EB]  }
0x1c7: {  	[tilespmem:s15], [sflag:$0x1] =	stream.indirect.gather [hbm4b:s6+s8], $0x10, s0, s8, $0xb8;
	[tilespmem:$0xEA00] =	vst v63  }
0x1c8: {  	s0 =	sld [smem:$0x7EC]  }
0x1c9: {  	[tilespmem:s28], [sflag:$0x1] =	stream.indirect.gather [hbm4b:s6+s8], $0x10, s13, s8, $0xb8;
	[tilespmem:$0xEA00] =	vst v63  }
0x1ca: {  	s13 =	sld [smem:$0x7ED]  }
0x1cb: {  	[tilespmem:s16], [sflag:$0x1] =	stream.indirect.gather [hbm4b:s6+s8], $0x10, s0, s8, $0xb8;
	[tilespmem:$0xEA00] =	vst v63  }
0x1cc: {  	s0 =	sld [smem:$0x7EE]  }
0x1cd: {  	[tilespmem:s19], [sflag:$0x1] =	stream.indirect.gather [hbm4b:s6+s8], $0x10, s13, s8, $0xb8;
	[tilespmem:$0xEA00] =	vst v63  }
0x1ce: {  	s13 =	sld [smem:$0x7EF]  }
0x1cf: {  	[tilespmem:s17], [sflag:$0x1] =	stream.indirect.gather [hbm4b:s6+s8], $0x10, s0, s8, $0xb8;
	[tilespmem:$0xEA00] =	vst v63  }
0x1d0: {  	s0 =	sld [smem:$0x7F0]  }
0x1d1: {  	[tilespmem:s5], [sflag:$0x1] =	stream.indirect.gather [hbm4b:s6+s8], $0x10, s13, s8, $0xb8;
	[tilespmem:$0xEA00] =	vst v63  }
0x1d2: {  	_ = 	snop  }
0x1d3: {  	[tilespmem:s3], [sflag:$0x1] =	stream.indirect.gather [hbm4b:s6+s8], $0x10, s0, s8, $0xb8;
	[tilespmem:$0xEA00] =	vst v63  }
0x1d4: {  	_ =	swait.ge [sflag:s7], $0x800  }
0x1d5: {  	[sflag:s7] =	ssyncset.done $0x0  }
0x1d6: {  	[sflag:s7] =	ssyncadd.s32 $0xFFFFF800  }
0x1d7: {  	_ =	swait.ge [sflag:s7], $0x800  }
0x1d8: {  	[sflag:s7] =	ssyncset.done $0x0  }
0x1d9: {  	[sflag:s7] =	ssyncadd.s32 $0xFFFFF800  }
0x1da: {  	_ =	swait.ge [sflag:s7], $0x800  }
0x1db: {  	[sflag:s7] =	ssyncset.done $0x0  }
0x1dc: {  	[sflag:s7] =	ssyncadd.s32 $0xFFFFF800  }
0x1dd: {  	_ =	swait.ge [sflag:s7], $0x800  }
0x1de: {  	[sflag:s7] =	ssyncset.done $0x0  }
0x1df: {  	[sflag:s7] =	ssyncadd.s32 $0xFFFFF800  }
0x1e0: {  	_ =	swait.ge [sflag:s7], $0x800  }
0x1e1: {  	[sflag:s7] =	ssyncset.done $0x0  }
0x1e2: {  	[sflag:s7] =	ssyncadd.s32 $0xFFFFF800  }
0x1e3: {  	_ =	swait.ge [sflag:s7], $0x800  }
0x1e4: {  	[sflag:s7] =	ssyncset.done $0x0  }
0x1e5: {  	[sflag:s7] =	ssyncadd.s32 $0xFFFFF800  }
0x1e6: {  	_ =	swait.ge [sflag:s7], $0x800  }
0x1e7: {  	[sflag:s7] =	ssyncset.done $0x0  }
0x1e8: {  	[sflag:s7] =	ssyncadd.s32 $0xFFFFF800  }
0x1e9: {  	_ =	swait.ge [sflag:s7], $0x800  }
0x1ea: {  	[sflag:s7] =	ssyncset.done $0x0  }
0x1eb: {  	[sflag:s7] =	ssyncadd.s32 $0xFFFFF800  }
0x1ec: {  	_ =	swait.ge [sflag:s7], $0x800  }
0x1ed: {  	[sflag:s7] =	ssyncset.done $0x0  }
0x1ee: {  	[sflag:s7] =	ssyncadd.s32 $0xFFFFF800  }
0x1ef: {  	_ =	swait.ge [sflag:s7], $0x800  }
0x1f0: {  	[sflag:s7] =	ssyncset.done $0x0  }
0x1f1: {  	[sflag:s7] =	ssyncadd.s32 $0xFFFFF800  }
0x1f2: {  	_ =	swait.ge [sflag:s7], $0x800  }
0x1f3: {  	[sflag:s7] =	ssyncset.done $0x0  }
0x1f4: {  	[sflag:s7] =	ssyncadd.s32 $0xFFFFF800  }
0x1f5: {  	_ =	swait.ge [sflag:s7], $0x800  }
0x1f6: {  	[sflag:s7] =	ssyncset.done $0x0  }
0x1f7: {  	[sflag:s7] =	ssyncadd.s32 $0xFFFFF800  }
0x1f8: {  	_ =	swait.ge [sflag:s7], $0x800  }
0x1f9: {  	s4 =	simm.s32 $0x8200;
	[sflag:s7] =	ssyncset.done $0x0  }
0x1fa: {  	s2 =	simm.s32 $0x0;
	s0 =	rddreg [dreg:$0x4];
	[sflag:s7] =	ssyncadd.s32 $0xFFFFF800  }
0x1fb: {  	[hbm4b:s0+s2] =	stream.linear.scatter [tilespmem:s4], [sflag:$0x3], $0x6800, $0x38;
	[tilespmem:$0xEA00] =	vst v63  }
0x1fc: {  	_ =	swait.ge [sflag:s18], $0x6800  }
0x1fd: {  	s5 =	sld [smem:$0x7F1]  }
0x1fe: {  	[sflag:s18] =	ssyncset.done $0x0  }
0x1ff: {  	s13 =	sld [smem:$0x7F2];
	[sflag:s18] =	ssyncadd.s32 $0xFFFF9800  }
0x200: {  	[tilespmem:s4], [sflag:$0x2] =	stream.indirect.gather [hbm4b:s6+s8], $0x10, s5, s8, $0xb8;
	[tilespmem:$0xEA00] =	vst v63  }
0x201: {  	s0 =	sld [smem:$0x7F3]  }
0x202: {  	[tilespmem:s22], [sflag:$0x2] =	stream.indirect.gather [hbm4b:s6+s8], $0x10, s13, s8, $0xb8;
	[tilespmem:$0xEA00] =	vst v63  }
0x203: {  	s4 =	simm.s32 $0x9200;
	s13 =	sld [smem:$0x7F4]  }
0x204: {  	[tilespmem:s4], [sflag:$0x2] =	stream.indirect.gather [hbm4b:s6+s8], $0x10, s0, s8, $0xb8;
	[tilespmem:$0xEA00] =	vst v63  }
0x205: {  	s12 =	sld [smem:$0x7F5];
	s4 =	simm.s32 $0x9A00  }
0x206: {  	[tilespmem:s4], [sflag:$0x2] =	stream.indirect.gather [hbm4b:s6+s8], $0x10, s13, s8, $0xb8;
	[tilespmem:$0xEA00] =	vst v63  }
0x207: {  	s13 =	sld [smem:$0x7F6];
	s4 =	simm.s32 $0xA200  }
0x208: {  	[tilespmem:s4], [sflag:$0x2] =	stream.indirect.gather [hbm4b:s6+s8], $0x10, s12, s8, $0xb8;
	[tilespmem:$0xEA00] =	vst v63  }
0x209: {  	s0 =	sld [smem:$0x7F7]  }
0x20a: {  	[tilespmem:s21], [sflag:$0x2] =	stream.indirect.gather [hbm4b:s6+s8], $0x10, s13, s8, $0xb8;
	[tilespmem:$0xEA00] =	vst v63  }
0x20b: {  	s4 =	sld [smem:$0x7F8]  }
0x20c: {  	[tilespmem:s26], [sflag:$0x2] =	stream.indirect.gather [hbm4b:s6+s8], $0x10, s0, s8, $0xb8;
	[tilespmem:$0xEA00] =	vst v63  }
0x20d: {  	s0 =	sld [smem:$0x7F9]  }
0x20e: {  	[tilespmem:s25], [sflag:$0x2] =	stream.indirect.gather [hbm4b:s6+s8], $0x10, s4, s8, $0xb8;
	[tilespmem:$0xEA00] =	vst v63  }
0x20f: {  	s4 =	sld [smem:$0x7FA]  }
0x210: {  	[tilespmem:s24], [sflag:$0x2] =	stream.indirect.gather [hbm4b:s6+s8], $0x10, s0, s8, $0xb8;
	[tilespmem:$0xEA00] =	vst v63  }
0x211: {  	s0 =	sld [smem:$0x7FB]  }
0x212: {  	[tilespmem:s23], [sflag:$0x2] =	stream.indirect.gather [hbm4b:s6+s8], $0x10, s4, s8, $0xb8;
	[tilespmem:$0xEA00] =	vst v63  }
0x213: {  	s13 =	sld [smem:$0x7FC];
	s4 =	simm.s32 $0xD200  }
0x214: {  	[tilespmem:s4], [sflag:$0x2] =	stream.indirect.gather [hbm4b:s6+s8], $0x10, s0, s8, $0xb8;
	[tilespmem:$0xEA00] =	vst v63  }
0x215: {  	s0 =	sld [smem:$0x7FD]  }
0x216: {  	[tilespmem:s29], [sflag:$0x2] =	stream.indirect.gather [hbm4b:s6+s8], $0x10, s13, s8, $0xb8;
	[tilespmem:$0xEA00] =	vst v63  }
0x217: {  	_ = 	snop  }
0x218: {  	[tilespmem:s31], [sflag:$0x2] =	stream.indirect.gather [hbm4b:s6+s8], $0x10, s0, s8, $0xb8;
	[tilespmem:$0xEA00] =	vst v63  }
0x219: {  	_ =	swait.ge [sflag:s9], $0x800  }
0x21a: {  	[sflag:s9] =	ssyncset.done $0x0  }
0x21b: {  	[sflag:s9] =	ssyncadd.s32 $0xFFFFF800  }
0x21c: {  	_ =	swait.ge [sflag:s9], $0x800  }
0x21d: {  	[sflag:s9] =	ssyncset.done $0x0  }
0x21e: {  	[sflag:s9] =	ssyncadd.s32 $0xFFFFF800  }
0x21f: {  	_ =	swait.ge [sflag:s9], $0x800  }
0x220: {  	[sflag:s9] =	ssyncset.done $0x0  }
0x221: {  	[sflag:s9] =	ssyncadd.s32 $0xFFFFF800  }
0x222: {  	_ =	swait.ge [sflag:s9], $0x800  }
0x223: {  	[sflag:s9] =	ssyncset.done $0x0  }
0x224: {  	[sflag:s9] =	ssyncadd.s32 $0xFFFFF800  }
0x225: {  	_ =	swait.ge [sflag:s9], $0x800  }
0x226: {  	[sflag:s9] =	ssyncset.done $0x0  }
0x227: {  	[sflag:s9] =	ssyncadd.s32 $0xFFFFF800  }
0x228: {  	_ =	swait.ge [sflag:s9], $0x800  }
0x229: {  	[sflag:s9] =	ssyncset.done $0x0  }
0x22a: {  	[sflag:s9] =	ssyncadd.s32 $0xFFFFF800  }
0x22b: {  	_ =	swait.ge [sflag:s9], $0x800  }
0x22c: {  	[sflag:s9] =	ssyncset.done $0x0  }
0x22d: {  	[sflag:s9] =	ssyncadd.s32 $0xFFFFF800  }
0x22e: {  	_ =	swait.ge [sflag:s9], $0x800  }
0x22f: {  	[sflag:s9] =	ssyncset.done $0x0  }
0x230: {  	[sflag:s9] =	ssyncadd.s32 $0xFFFFF800  }
0x231: {  	_ =	swait.ge [sflag:s9], $0x800  }
0x232: {  	[sflag:s9] =	ssyncset.done $0x0  }
0x233: {  	[sflag:s9] =	ssyncadd.s32 $0xFFFFF800  }
0x234: {  	_ =	swait.ge [sflag:s9], $0x800  }
0x235: {  	[sflag:s9] =	ssyncset.done $0x0  }
0x236: {  	[sflag:s9] =	ssyncadd.s32 $0xFFFFF800  }
0x237: {  	_ =	swait.ge [sflag:s9], $0x800  }
0x238: {  	[sflag:s9] =	ssyncset.done $0x0  }
0x239: {  	[sflag:s9] =	ssyncadd.s32 $0xFFFFF800  }
0x23a: {  	_ =	swait.ge [sflag:s9], $0x800  }
0x23b: {  	[sflag:s9] =	ssyncset.done $0x0  }
0x23c: {  	[sflag:s9] =	ssyncadd.s32 $0xFFFFF800  }
0x23d: {  	_ =	swait.ge [sflag:s9], $0x800  }
0x23e: {  	[sflag:s9] =	ssyncset.done $0x0  }
0x23f: {  	s5 =	simm.s32 $0x1A00;
	s13 =	rddreg [dreg:$0x5];
	[sflag:s9] =	ssyncadd.s32 $0xFFFFF800  }
0x240: {  	[hbm4b:s13+s2] =	stream.linear.scatter [tilespmem:s5], [sflag:$0x3], $0x6800, $0x38;
	[tilespmem:$0xEA00] =	vst v63  }
0x241: {  	_ =	swait.ge [sflag:s18], $0x6800  }
0x242: {  	[sflag:s18] =	ssyncset.done $0x0  }
0x243: {  	[sflag:s18] =	ssyncadd.s32 $0xFFFF9800  }
0x244: {  	_ =	swait.ge [sflag:s7], $0x800  }
0x245: {  	[sflag:s7] =	ssyncset.done $0x0  }
0x246: {  	[sflag:s7] =	ssyncadd.s32 $0xFFFFF800  }
0x247: {  	_ =	swait.ge [sflag:s7], $0x800  }
0x248: {  	[sflag:s7] =	ssyncset.done $0x0  }
0x249: {  	[sflag:s7] =	ssyncadd.s32 $0xFFFFF800  }
0x24a: {  	_ =	swait.ge [sflag:s7], $0x800  }
0x24b: {  	[sflag:s7] =	ssyncset.done $0x0  }
0x24c: {  	[sflag:s7] =	ssyncadd.s32 $0xFFFFF800  }
0x24d: {  	_ =	swait.ge [sflag:s7], $0x800  }
0x24e: {  	[sflag:s7] =	ssyncset.done $0x0  }
0x24f: {  	[sflag:s7] =	ssyncadd.s32 $0xFFFFF800  }
0x250: {  	_ =	swait.ge [sflag:s7], $0x800  }
0x251: {  	[sflag:s7] =	ssyncset.done $0x0  }
0x252: {  	[sflag:s7] =	ssyncadd.s32 $0xFFFFF800  }
0x253: {  	_ =	swait.ge [sflag:s7], $0x800  }
0x254: {  	[sflag:s7] =	ssyncset.done $0x0  }
0x255: {  	[sflag:s7] =	ssyncadd.s32 $0xFFFFF800  }
0x256: {  	_ =	swait.ge [sflag:s7], $0x800  }
0x257: {  	[sflag:s7] =	ssyncset.done $0x0  }
0x258: {  	[sflag:s7] =	ssyncadd.s32 $0xFFFFF800  }
0x259: {  	_ =	swait.ge [sflag:s7], $0x800  }
0x25a: {  	[sflag:s7] =	ssyncset.done $0x0  }
0x25b: {  	[sflag:s7] =	ssyncadd.s32 $0xFFFFF800  }
0x25c: {  	_ =	swait.ge [sflag:s7], $0x800  }
0x25d: {  	[sflag:s7] =	ssyncset.done $0x0  }
0x25e: {  	[sflag:s7] =	ssyncadd.s32 $0xFFFFF800  }
0x25f: {  	_ =	swait.ge [sflag:s7], $0x800  }
0x260: {  	[sflag:s7] =	ssyncset.done $0x0  }
0x261: {  	[sflag:s7] =	ssyncadd.s32 $0xFFFFF800  }
0x262: {  	_ =	swait.ge [sflag:s7], $0x800  }
0x263: {  	[sflag:s7] =	ssyncset.done $0x0  }
0x264: {  	[sflag:s7] =	ssyncadd.s32 $0xFFFFF800  }
0x265: {  	_ =	swait.ge [sflag:s7], $0x800  }
0x266: {  	[sflag:s7] =	ssyncset.done $0x0  }
0x267: {  	[sflag:s7] =	ssyncadd.s32 $0xFFFFF800  }
0x268: {  	p1 =	sne.s32 s11, $0x1;
	_ =	swait.ge [sflag:s7], $0x800  }
.Ltmp2:
0x269: {  	[sflag:s7] =	ssyncset.done $0x0;
	(pc) =	sbr.rel @p1 .LBB2_3-.Ltmp2, $4  }
0x26a: {  	s4 =	simm.s32 $0x8200;
	s29 =	rddreg [dreg:$0x6];
	[sflag:s7] =	ssyncadd.s32 $0xFFFFF800  }
0x26b: {  	[hbm4b:s29+s2] =	stream.linear.scatter [tilespmem:s4], [sflag:$0x3], $0x6800, $0x38;
	[tilespmem:$0xEA00] =	vst v63  }
0x26c: {  	_ =	swait.ge [sflag:s18], $0x6800  }
0x26d: {  	s11 =	sadd.s32 $0xFFFFFFFF, s11;
	s12 =	rddreg [dreg:$0x2];
	[sflag:s18] =	ssyncset.done $0x0  }
.LBB2_4:
0x26e: {  	[sflag:s18] =	ssyncadd.s32 @p0 $0xFFFF9800  }
0x26f: {  	[tilespmem:s2], [sflag:$0x3] =	stream.linear.gather [hbm4b:s12+s2], $0x1A00, $0x38;
	[tilespmem:$0xEA00] =	vst v63  }
0x270: {  	_ =	swait.ge [sflag:s18], $0x1A00  }
0x271: {  	[sflag:s18] =	ssyncset.done $0x0  }
0x272: {  	[sflag:s18] =	ssyncadd.s32 $0xFFFFE600  }
0x273: {  	[tilespmem:s5], [sflag:$0x1] =	stream.indirect.gather [hbm4b:s6+s8], $0x10, s2, s8, $0xb8;
	[tilespmem:$0xEA00] =	vst v63  }
0x274: {  	s26 =	simm.s32 $0x2200  }
0x275: {  	[tilespmem:s26], [sflag:$0x1] =	stream.indirect.gather [hbm4b:s6+s8], $0x10, s8, s8, $0xb8;
	[tilespmem:$0xEA00] =	vst v63  }
0x276: {  	s28 =	simm.s32 $0x2A00;
	s11 =	rddreg [dreg:$0x7]  }
0x277: {  	[tilespmem:s28], [sflag:$0x1] =	stream.indirect.gather [hbm4b:s6+s8], $0x10, s11, s8, $0xb8;
	[tilespmem:$0xEA00] =	vst v63  }
0x278: {  	s29 =	simm.s32 $0x3200;
	s19 =	rddreg [dreg:$0x8]  }
0x279: {  	[tilespmem:s29], [sflag:$0x1] =	stream.indirect.gather [hbm4b:s6+s8], $0x10, s19, s8, $0xb8;
	[tilespmem:$0xEA00] =	vst v63  }
0x27a: {  	s30 =	simm.s32 $0x3A00;
	s20 =	rddreg [dreg:$0x9]  }
0x27b: {  	[tilespmem:s30], [sflag:$0x1] =	stream.indirect.gather [hbm4b:s6+s8], $0x10, s20, s8, $0xb8;
	[tilespmem:$0xEA00] =	vst v63  }
0x27c: {  	s31 =	simm.s32 $0x4200;
	s21 =	rddreg [dreg:$0xa]  }
0x27d: {  	[tilespmem:s31], [sflag:$0x1] =	stream.indirect.gather [hbm4b:s6+s8], $0x10, s21, s8, $0xb8;
	[tilespmem:$0xEA00] =	vst v63  }
0x27e: {  	s1 =	simm.s32 $0x4A00;
	s22 =	rddreg [dreg:$0xb]  }
0x27f: {  	[tilespmem:s1], [sflag:$0x1] =	stream.indirect.gather [hbm4b:s6+s8], $0x10, s22, s8, $0xb8;
	[tilespmem:$0xEA00] =	vst v63  }
0x280: {  	s14 =	simm.s32 $0x5200;
	s23 =	rddreg [dreg:$0xc]  }
0x281: {  	[tilespmem:s14], [sflag:$0x1] =	stream.indirect.gather [hbm4b:s6+s8], $0x10, s23, s8, $0xb8;
	[tilespmem:$0xEA00] =	vst v63  }
0x282: {  	s10 =	simm.s32 $0x5A00;
	s24 =	rddreg [dreg:$0xd]  }
0x283: {  	[tilespmem:s10], [sflag:$0x1] =	stream.indirect.gather [hbm4b:s6+s8], $0x10, s24, s8, $0xb8;
	[tilespmem:$0xEA00] =	vst v63  }
0x284: {  	s16 =	simm.s32 $0x6200;
	s25 =	rddreg [dreg:$0xe]  }
0x285: {  	[tilespmem:s16], [sflag:$0x1] =	stream.indirect.gather [hbm4b:s6+s8], $0x10, s25, s8, $0xb8;
	[tilespmem:$0xEA00] =	vst v63  }
0x286: {  	s13 =	simm.s32 $0x6A00;
	s0 =	rddreg [dreg:$0xf]  }
0x287: {  	[tilespmem:s13], [sflag:$0x1] =	stream.indirect.gather [hbm4b:s6+s8], $0x10, s0, s8, $0xb8;
	[tilespmem:$0xEA00] =	vst v63  }
0x288: {  	s15 =	simm.s32 $0x7200;
	s3 =	rddreg [dreg:$0x10]  }
0x289: {  	[tilespmem:s15], [sflag:$0x1] =	stream.indirect.gather [hbm4b:s6+s8], $0x10, s3, s8, $0xb8;
	[tilespmem:$0xEA00] =	vst v63  }
0x28a: {  	s17 =	rddreg [dreg:$0x11];
	s0 =	simm.s32 $0x7A00  }
0x28b: {  	[tilespmem:s0], [sflag:$0x1] =	stream.indirect.gather [hbm4b:s6+s8], $0x10, s17, s8, $0xb8;
	[tilespmem:$0xEA00] =	vst v63  }
0x28c: {  	s19 =	rddreg [dreg:$0x12]  }
0x28d: {  	[tilespmem:s4], [sflag:$0x2] =	stream.indirect.gather [hbm4b:s6+s8], $0x10, s19, s8, $0xb8;
	[tilespmem:$0xEA00] =	vst v63  }
0x28e: {  	s20 =	rddreg [dreg:$0x13];
	s3 =	simm.s32 $0x8A00  }
0x28f: {  	[tilespmem:s3], [sflag:$0x2] =	stream.indirect.gather [hbm4b:s6+s8], $0x10, s20, s8, $0xb8;
	[tilespmem:$0xEA00] =	vst v63  }
0x290: {  	s21 =	rddreg [dreg:$0x14];
	s23 =	simm.s32 $0x9200  }
0x291: {  	[tilespmem:s23], [sflag:$0x2] =	stream.indirect.gather [hbm4b:s6+s8], $0x10, s21, s8, $0xb8;
	[tilespmem:$0xEA00] =	vst v63  }
0x292: {  	s22 =	rddreg [dreg:$0x15];
	s25 =	simm.s32 $0x9A00  }
0x293: {  	[tilespmem:s25], [sflag:$0x2] =	stream.indirect.gather [hbm4b:s6+s8], $0x10, s22, s8, $0xb8;
	[tilespmem:$0xEA00] =	vst v63  }
0x294: {  	s24 =	rddreg [dreg:$0x16];
	s19 =	simm.s32 $0xA200  }
0x295: {  	[tilespmem:s19], [sflag:$0x2] =	stream.indirect.gather [hbm4b:s6+s8], $0x10, s24, s8, $0xb8;
	[tilespmem:$0xEA00] =	vst v63  }
0x296: {  	s3 =	rddreg [dreg:$0x17];
	s22 =	simm.s32 $0xAA00  }
0x297: {  	[tilespmem:s22], [sflag:$0x2] =	stream.indirect.gather [hbm4b:s6+s8], $0x10, s3, s8, $0xb8;
	[tilespmem:$0xEA00] =	vst v63  }
0x298: {  	s17 =	rddreg [dreg:$0x18];
	s25 =	simm.s32 $0xB200  }
0x299: {  	[tilespmem:s25], [sflag:$0x2] =	stream.indirect.gather [hbm4b:s6+s8], $0x10, s17, s8, $0xb8;
	[tilespmem:$0xEA00] =	vst v63  }
0x29a: {  	s20 =	rddreg [dreg:$0x19];
	s24 =	simm.s32 $0xBA00  }
0x29b: {  	[tilespmem:s24], [sflag:$0x2] =	stream.indirect.gather [hbm4b:s6+s8], $0x10, s20, s8, $0xb8;
	[tilespmem:$0xEA00] =	vst v63  }
0x29c: {  	s21 =	rddreg [dreg:$0x1a];
	s23 =	simm.s32 $0xC200  }
0x29d: {  	[tilespmem:s23], [sflag:$0x2] =	stream.indirect.gather [hbm4b:s6+s8], $0x10, s21, s8, $0xb8;
	[tilespmem:$0xEA00] =	vst v63  }
0x29e: {  	s3 =	rddreg [dreg:$0x1b];
	s21 =	simm.s32 $0xCA00  }
0x29f: {  	[tilespmem:s21], [sflag:$0x2] =	stream.indirect.gather [hbm4b:s6+s8], $0x10, s3, s8, $0xb8;
	[tilespmem:$0xEA00] =	vst v63  }
0x2a0: {  	s17 =	rddreg [dreg:$0x1c];
	s20 =	simm.s32 $0xD200  }
0x2a1: {  	[tilespmem:s20], [sflag:$0x2] =	stream.indirect.gather [hbm4b:s6+s8], $0x10, s17, s8, $0xb8;
	[tilespmem:$0xEA00] =	vst v63  }
0x2a2: {  	s3 =	rddreg [dreg:$0x1d];
	s17 =	simm.s32 $0xDA00  }
0x2a3: {  	[tilespmem:s17], [sflag:$0x2] =	stream.indirect.gather [hbm4b:s6+s8], $0x10, s3, s8, $0xb8;
	[tilespmem:$0xEA00] =	vst v63  }
0x2a4: {  	s12 =	rddreg [dreg:$0x1e];
	s3 =	simm.s32 $0xE200  }
0x2a5: {  	[tilespmem:s3], [sflag:$0x2] =	stream.indirect.gather [hbm4b:s6+s8], $0x10, s12, s8, $0xb8;
	[tilespmem:$0xEA00] =	vst v63  }
0x2a6: {  	_ =	swait.ge [sflag:s9], $0x800  }
0x2a7: {  	[sflag:s9] =	ssyncset.done $0x0  }
0x2a8: {  	[sflag:s9] =	ssyncadd.s32 $0xFFFFF800  }
0x2a9: {  	_ =	swait.ge [sflag:s9], $0x800  }
0x2aa: {  	[sflag:s9] =	ssyncset.done $0x0  }
0x2ab: {  	[sflag:s9] =	ssyncadd.s32 $0xFFFFF800  }
0x2ac: {  	_ =	swait.ge [sflag:s9], $0x800  }
0x2ad: {  	[sflag:s9] =	ssyncset.done $0x0  }
0x2ae: {  	[sflag:s9] =	ssyncadd.s32 $0xFFFFF800  }
0x2af: {  	_ =	swait.ge [sflag:s9], $0x800  }
0x2b0: {  	[sflag:s9] =	ssyncset.done $0x0  }
0x2b1: {  	[sflag:s9] =	ssyncadd.s32 $0xFFFFF800  }
0x2b2: {  	_ =	swait.ge [sflag:s9], $0x800  }
0x2b3: {  	[sflag:s9] =	ssyncset.done $0x0  }
0x2b4: {  	[sflag:s9] =	ssyncadd.s32 $0xFFFFF800  }
0x2b5: {  	_ =	swait.ge [sflag:s9], $0x800  }
0x2b6: {  	[sflag:s9] =	ssyncset.done $0x0  }
0x2b7: {  	[sflag:s9] =	ssyncadd.s32 $0xFFFFF800  }
0x2b8: {  	_ =	swait.ge [sflag:s9], $0x800  }
0x2b9: {  	[sflag:s9] =	ssyncset.done $0x0  }
0x2ba: {  	[sflag:s9] =	ssyncadd.s32 $0xFFFFF800  }
0x2bb: {  	_ =	swait.ge [sflag:s9], $0x800  }
0x2bc: {  	[sflag:s9] =	ssyncset.done $0x0  }
0x2bd: {  	[sflag:s9] =	ssyncadd.s32 $0xFFFFF800  }
0x2be: {  	_ =	swait.ge [sflag:s9], $0x800  }
0x2bf: {  	[sflag:s9] =	ssyncset.done $0x0  }
0x2c0: {  	[sflag:s9] =	ssyncadd.s32 $0xFFFFF800  }
0x2c1: {  	_ =	swait.ge [sflag:s9], $0x800  }
0x2c2: {  	[sflag:s9] =	ssyncset.done $0x0  }
0x2c3: {  	[sflag:s9] =	ssyncadd.s32 $0xFFFFF800  }
0x2c4: {  	_ =	swait.ge [sflag:s9], $0x800  }
0x2c5: {  	[sflag:s9] =	ssyncset.done $0x0  }
0x2c6: {  	[sflag:s9] =	ssyncadd.s32 $0xFFFFF800  }
0x2c7: {  	_ =	swait.ge [sflag:s9], $0x800  }
0x2c8: {  	[sflag:s9] =	ssyncset.done $0x0  }
0x2c9: {  	[sflag:s9] =	ssyncadd.s32 $0xFFFFF800  }
0x2ca: {  	_ =	swait.ge [sflag:s9], $0x800  }
0x2cb: {  	[sflag:s9] =	ssyncset.done $0x0  }
0x2cc: {  	s12 =	rddreg [dreg:$0x3];
	[sflag:s9] =	ssyncadd.s32 $0xFFFFF800  }
0x2cd: {  	[hbm4b:s12+s2] =	stream.linear.scatter [tilespmem:s5], [sflag:$0x3], $0x6800, $0x38;
	[tilespmem:$0xEA00] =	vst v63  }
0x2ce: {  	_ =	swait.ge [sflag:s18], $0x6800  }
0x2cf: {  	s11 =	rddreg [dreg:$0x1f];
	[sflag:s18] =	ssyncset.done $0x0  }
0x2d0: {  	s12 =	sld [smem:$0x7E5];
	[sflag:s18] =	ssyncadd.s32 $0xFFFF9800  }
0x2d1: {  	[tilespmem:s5], [sflag:$0x1] =	stream.indirect.gather [hbm4b:s6+s8], $0x10, s11, s8, $0xb8;
	[tilespmem:$0xEA00] =	vst v63  }
0x2d2: {  	s11 =	sld [smem:$0x7E6]  }
0x2d3: {  	[tilespmem:s26], [sflag:$0x1] =	stream.indirect.gather [hbm4b:s6+s8], $0x10, s12, s8, $0xb8;
	[tilespmem:$0xEA00] =	vst v63  }
0x2d4: {  	s12 =	sld [smem:$0x7E7]  }
0x2d5: {  	[tilespmem:s28], [sflag:$0x1] =	stream.indirect.gather [hbm4b:s6+s8], $0x10, s11, s8, $0xb8;
	[tilespmem:$0xEA00] =	vst v63  }
0x2d6: {  	s26 =	sld [smem:$0x7E8]  }
0x2d7: {  	[tilespmem:s29], [sflag:$0x1] =	stream.indirect.gather [hbm4b:s6+s8], $0x10, s12, s8, $0xb8;
	[tilespmem:$0xEA00] =	vst v63  }
0x2d8: {  	s28 =	sld [smem:$0x7E9]  }
0x2d9: {  	[tilespmem:s30], [sflag:$0x1] =	stream.indirect.gather [hbm4b:s6+s8], $0x10, s26, s8, $0xb8;
	[tilespmem:$0xEA00] =	vst v63  }
0x2da: {  	s29 =	sld [smem:$0x7EA]  }
0x2db: {  	[tilespmem:s31], [sflag:$0x1] =	stream.indirect.gather [hbm4b:s6+s8], $0x10, s28, s8, $0xb8;
	[tilespmem:$0xEA00] =	vst v63  }
0x2dc: {  	s30 =	sld [smem:$0x7EB]  }
0x2dd: {  	[tilespmem:s1], [sflag:$0x1] =	stream.indirect.gather [hbm4b:s6+s8], $0x10, s29, s8, $0xb8;
	[tilespmem:$0xEA00] =	vst v63  }
0x2de: {  	s31 =	sld [smem:$0x7EC]  }
0x2df: {  	[tilespmem:s14], [sflag:$0x1] =	stream.indirect.gather [hbm4b:s6+s8], $0x10, s30, s8, $0xb8;
	[tilespmem:$0xEA00] =	vst v63  }
0x2e0: {  	s1 =	sld [smem:$0x7ED]  }
0x2e1: {  	[tilespmem:s10], [sflag:$0x1] =	stream.indirect.gather [hbm4b:s6+s8], $0x10, s31, s8, $0xb8;
	[tilespmem:$0xEA00] =	vst v63  }
0x2e2: {  	s10 =	sld [smem:$0x7EE]  }
0x2e3: {  	[tilespmem:s16], [sflag:$0x1] =	stream.indirect.gather [hbm4b:s6+s8], $0x10, s1, s8, $0xb8;
	[tilespmem:$0xEA00] =	vst v63  }
0x2e4: {  	s14 =	sld [smem:$0x7EF]  }
0x2e5: {  	[tilespmem:s13], [sflag:$0x1] =	stream.indirect.gather [hbm4b:s6+s8], $0x10, s10, s8, $0xb8;
	[tilespmem:$0xEA00] =	vst v63  }
0x2e6: {  	s16 =	sld [smem:$0x7F0]  }
0x2e7: {  	[tilespmem:s15], [sflag:$0x1] =	stream.indirect.gather [hbm4b:s6+s8], $0x10, s14, s8, $0xb8;
	[tilespmem:$0xEA00] =	vst v63  }
0x2e8: {  	_ = 	snop  }
0x2e9: {  	[tilespmem:s0], [sflag:$0x1] =	stream.indirect.gather [hbm4b:s6+s8], $0x10, s16, s8, $0xb8;
	[tilespmem:$0xEA00] =	vst v63  }
0x2ea: {  	_ =	swait.ge [sflag:s7], $0x800  }
0x2eb: {  	[sflag:s7] =	ssyncset.done $0x0  }
0x2ec: {  	[sflag:s7] =	ssyncadd.s32 $0xFFFFF800  }
0x2ed: {  	_ =	swait.ge [sflag:s7], $0x800  }
0x2ee: {  	[sflag:s7] =	ssyncset.done $0x0  }
0x2ef: {  	[sflag:s7] =	ssyncadd.s32 $0xFFFFF800  }
0x2f0: {  	_ =	swait.ge [sflag:s7], $0x800  }
0x2f1: {  	[sflag:s7] =	ssyncset.done $0x0  }
0x2f2: {  	[sflag:s7] =	ssyncadd.s32 $0xFFFFF800  }
0x2f3: {  	_ =	swait.ge [sflag:s7], $0x800  }
0x2f4: {  	[sflag:s7] =	ssyncset.done $0x0  }
0x2f5: {  	[sflag:s7] =	ssyncadd.s32 $0xFFFFF800  }
0x2f6: {  	_ =	swait.ge [sflag:s7], $0x800  }
0x2f7: {  	[sflag:s7] =	ssyncset.done $0x0  }
0x2f8: {  	[sflag:s7] =	ssyncadd.s32 $0xFFFFF800  }
0x2f9: {  	_ =	swait.ge [sflag:s7], $0x800  }
0x2fa: {  	[sflag:s7] =	ssyncset.done $0x0  }
0x2fb: {  	[sflag:s7] =	ssyncadd.s32 $0xFFFFF800  }
0x2fc: {  	_ =	swait.ge [sflag:s7], $0x800  }
0x2fd: {  	[sflag:s7] =	ssyncset.done $0x0  }
0x2fe: {  	[sflag:s7] =	ssyncadd.s32 $0xFFFFF800  }
0x2ff: {  	_ =	swait.ge [sflag:s7], $0x800  }
0x300: {  	[sflag:s7] =	ssyncset.done $0x0  }
0x301: {  	[sflag:s7] =	ssyncadd.s32 $0xFFFFF800  }
0x302: {  	_ =	swait.ge [sflag:s7], $0x800  }
0x303: {  	[sflag:s7] =	ssyncset.done $0x0  }
0x304: {  	[sflag:s7] =	ssyncadd.s32 $0xFFFFF800  }
0x305: {  	_ =	swait.ge [sflag:s7], $0x800  }
0x306: {  	[sflag:s7] =	ssyncset.done $0x0  }
0x307: {  	[sflag:s7] =	ssyncadd.s32 $0xFFFFF800  }
0x308: {  	_ =	swait.ge [sflag:s7], $0x800  }
0x309: {  	[sflag:s7] =	ssyncset.done $0x0  }
0x30a: {  	[sflag:s7] =	ssyncadd.s32 $0xFFFFF800  }
0x30b: {  	_ =	swait.ge [sflag:s7], $0x800  }
0x30c: {  	[sflag:s7] =	ssyncset.done $0x0  }
0x30d: {  	[sflag:s7] =	ssyncadd.s32 $0xFFFFF800  }
0x30e: {  	_ =	swait.ge [sflag:s7], $0x800  }
0x30f: {  	[sflag:s7] =	ssyncset.done $0x0  }
0x310: {  	s26 =	rddreg [dreg:$0x4];
	[sflag:s7] =	ssyncadd.s32 $0xFFFFF800  }
0x311: {  	[hbm4b:s26+s2] =	stream.linear.scatter [tilespmem:s4], [sflag:$0x3], $0x6800, $0x38;
	[tilespmem:$0xEA00] =	vst v63  }
0x312: {  	_ =	swait.ge [sflag:s18], $0x6800  }
0x313: {  	s28 =	sld [smem:$0x7F1]  }
0x314: {  	[sflag:s18] =	ssyncset.done $0x0  }
0x315: {  	s29 =	sld [smem:$0x7F2];
	[sflag:s18] =	ssyncadd.s32 $0xFFFF9800  }
0x316: {  	[tilespmem:s4], [sflag:$0x2] =	stream.indirect.gather [hbm4b:s6+s8], $0x10, s28, s8, $0xb8;
	[tilespmem:$0xEA00] =	vst v63  }
0x317: {  	s31 =	simm.s32 $0x8A00;
	s30 =	sld [smem:$0x7F3]  }
0x318: {  	[tilespmem:s31], [sflag:$0x2] =	stream.indirect.gather [hbm4b:s6+s8], $0x10, s29, s8, $0xb8;
	[tilespmem:$0xEA00] =	vst v63  }
0x319: {  	s12 =	simm.s32 $0x9200;
	s11 =	sld [smem:$0x7F4]  }
0x31a: {  	[tilespmem:s12], [sflag:$0x2] =	stream.indirect.gather [hbm4b:s6+s8], $0x10, s30, s8, $0xb8;
	[tilespmem:$0xEA00] =	vst v63  }
0x31b: {  	s14 =	simm.s32 $0x9A00;
	s13 =	sld [smem:$0x7F5]  }
0x31c: {  	[tilespmem:s14], [sflag:$0x2] =	stream.indirect.gather [hbm4b:s6+s8], $0x10, s11, s8, $0xb8;
	[tilespmem:$0xEA00] =	vst v63  }
0x31d: {  	s15 =	sld [smem:$0x7F6]  }
0x31e: {  	[tilespmem:s19], [sflag:$0x2] =	stream.indirect.gather [hbm4b:s6+s8], $0x10, s13, s8, $0xb8;
	[tilespmem:$0xEA00] =	vst v63  }
0x31f: {  	s16 =	sld [smem:$0x7F7]  }
0x320: {  	[tilespmem:s22], [sflag:$0x2] =	stream.indirect.gather [hbm4b:s6+s8], $0x10, s15, s8, $0xb8;
	[tilespmem:$0xEA00] =	vst v63  }
0x321: {  	s19 =	sld [smem:$0x7F8]  }
0x322: {  	[tilespmem:s25], [sflag:$0x2] =	stream.indirect.gather [hbm4b:s6+s8], $0x10, s16, s8, $0xb8;
	[tilespmem:$0xEA00] =	vst v63  }
0x323: {  	s22 =	sld [smem:$0x7F9]  }
0x324: {  	[tilespmem:s24], [sflag:$0x2] =	stream.indirect.gather [hbm4b:s6+s8], $0x10, s19, s8, $0xb8;
	[tilespmem:$0xEA00] =	vst v63  }
0x325: {  	s24 =	sld [smem:$0x7FA]  }
0x326: {  	[tilespmem:s23], [sflag:$0x2] =	stream.indirect.gather [hbm4b:s6+s8], $0x10, s22, s8, $0xb8;
	[tilespmem:$0xEA00] =	vst v63  }
0x327: {  	s25 =	sld [smem:$0x7FB]  }
0x328: {  	[tilespmem:s21], [sflag:$0x2] =	stream.indirect.gather [hbm4b:s6+s8], $0x10, s24, s8, $0xb8;
	[tilespmem:$0xEA00] =	vst v63  }
0x329: {  	s26 =	sld [smem:$0x7FC]  }
0x32a: {  	[tilespmem:s20], [sflag:$0x2] =	stream.indirect.gather [hbm4b:s6+s8], $0x10, s25, s8, $0xb8;
	[tilespmem:$0xEA00] =	vst v63  }
0x32b: {  	s28 =	sld [smem:$0x7FD]  }
0x32c: {  	[tilespmem:s17], [sflag:$0x2] =	stream.indirect.gather [hbm4b:s6+s8], $0x10, s26, s8, $0xb8;
	[tilespmem:$0xEA00] =	vst v63  }
0x32d: {  	_ = 	snop  }
0x32e: {  	[tilespmem:s3], [sflag:$0x2] =	stream.indirect.gather [hbm4b:s6+s8], $0x10, s28, s8, $0xb8;
	[tilespmem:$0xEA00] =	vst v63  }
0x32f: {  	_ =	swait.ge [sflag:s9], $0x800  }
0x330: {  	[sflag:s9] =	ssyncset.done $0x0  }
0x331: {  	[sflag:s9] =	ssyncadd.s32 $0xFFFFF800  }
0x332: {  	_ =	swait.ge [sflag:s9], $0x800  }
0x333: {  	[sflag:s9] =	ssyncset.done $0x0  }
0x334: {  	[sflag:s9] =	ssyncadd.s32 $0xFFFFF800  }
0x335: {  	_ =	swait.ge [sflag:s9], $0x800  }
0x336: {  	[sflag:s9] =	ssyncset.done $0x0  }
0x337: {  	[sflag:s9] =	ssyncadd.s32 $0xFFFFF800  }
0x338: {  	_ =	swait.ge [sflag:s9], $0x800  }
0x339: {  	[sflag:s9] =	ssyncset.done $0x0  }
0x33a: {  	[sflag:s9] =	ssyncadd.s32 $0xFFFFF800  }
0x33b: {  	_ =	swait.ge [sflag:s9], $0x800  }
0x33c: {  	[sflag:s9] =	ssyncset.done $0x0  }
0x33d: {  	[sflag:s9] =	ssyncadd.s32 $0xFFFFF800  }
0x33e: {  	_ =	swait.ge [sflag:s9], $0x800  }
0x33f: {  	[sflag:s9] =	ssyncset.done $0x0  }
0x340: {  	[sflag:s9] =	ssyncadd.s32 $0xFFFFF800  }
0x341: {  	_ =	swait.ge [sflag:s9], $0x800  }
0x342: {  	[sflag:s9] =	ssyncset.done $0x0  }
0x343: {  	[sflag:s9] =	ssyncadd.s32 $0xFFFFF800  }
0x344: {  	_ =	swait.ge [sflag:s9], $0x800  }
0x345: {  	[sflag:s9] =	ssyncset.done $0x0  }
0x346: {  	[sflag:s9] =	ssyncadd.s32 $0xFFFFF800  }
0x347: {  	_ =	swait.ge [sflag:s9], $0x800  }
0x348: {  	[sflag:s9] =	ssyncset.done $0x0  }
0x349: {  	[sflag:s9] =	ssyncadd.s32 $0xFFFFF800  }
0x34a: {  	_ =	swait.ge [sflag:s9], $0x800  }
0x34b: {  	[sflag:s9] =	ssyncset.done $0x0  }
0x34c: {  	[sflag:s9] =	ssyncadd.s32 $0xFFFFF800  }
0x34d: {  	_ =	swait.ge [sflag:s9], $0x800  }
0x34e: {  	[sflag:s9] =	ssyncset.done $0x0  }
0x34f: {  	[sflag:s9] =	ssyncadd.s32 $0xFFFFF800  }
0x350: {  	_ =	swait.ge [sflag:s9], $0x800  }
0x351: {  	[sflag:s9] =	ssyncset.done $0x0  }
0x352: {  	[sflag:s9] =	ssyncadd.s32 $0xFFFFF800  }
0x353: {  	_ =	swait.ge [sflag:s9], $0x800  }
0x354: {  	[sflag:s9] =	ssyncset.done $0x0  }
0x355: {  	s29 =	rddreg [dreg:$0x5];
	[sflag:s9] =	ssyncadd.s32 $0xFFFFF800  }
0x356: {  	[hbm4b:s29+s2] =	stream.linear.scatter [tilespmem:s5], [sflag:$0x3], $0x6800, $0x38;
	[tilespmem:$0xEA00] =	vst v63  }
0x357: {  	_ =	swait.ge [sflag:s18], $0x6800  }
0x358: {  	[sflag:s18] =	ssyncset.done $0x0  }
0x359: {  	[sflag:s18] =	ssyncadd.s32 $0xFFFF9800  }
0x35a: {  	_ =	swait.ge [sflag:s7], $0x800  }
0x35b: {  	[sflag:s7] =	ssyncset.done $0x0  }
0x35c: {  	[sflag:s7] =	ssyncadd.s32 $0xFFFFF800  }
0x35d: {  	_ =	swait.ge [sflag:s7], $0x800  }
0x35e: {  	[sflag:s7] =	ssyncset.done $0x0  }
0x35f: {  	[sflag:s7] =	ssyncadd.s32 $0xFFFFF800  }
0x360: {  	_ =	swait.ge [sflag:s7], $0x800  }
0x361: {  	[sflag:s7] =	ssyncset.done $0x0  }
0x362: {  	[sflag:s7] =	ssyncadd.s32 $0xFFFFF800  }
0x363: {  	_ =	swait.ge [sflag:s7], $0x800  }
0x364: {  	[sflag:s7] =	ssyncset.done $0x0  }
0x365: {  	[sflag:s7] =	ssyncadd.s32 $0xFFFFF800  }
0x366: {  	_ =	swait.ge [sflag:s7], $0x800  }
0x367: {  	[sflag:s7] =	ssyncset.done $0x0  }
0x368: {  	[sflag:s7] =	ssyncadd.s32 $0xFFFFF800  }
0x369: {  	_ =	swait.ge [sflag:s7], $0x800  }
0x36a: {  	[sflag:s7] =	ssyncset.done $0x0  }
0x36b: {  	[sflag:s7] =	ssyncadd.s32 $0xFFFFF800  }
0x36c: {  	_ =	swait.ge [sflag:s7], $0x800  }
0x36d: {  	[sflag:s7] =	ssyncset.done $0x0  }
0x36e: {  	[sflag:s7] =	ssyncadd.s32 $0xFFFFF800  }
0x36f: {  	_ =	swait.ge [sflag:s7], $0x800  }
0x370: {  	[sflag:s7] =	ssyncset.done $0x0  }
0x371: {  	[sflag:s7] =	ssyncadd.s32 $0xFFFFF800  }
0x372: {  	_ =	swait.ge [sflag:s7], $0x800  }
0x373: {  	[sflag:s7] =	ssyncset.done $0x0  }
0x374: {  	[sflag:s7] =	ssyncadd.s32 $0xFFFFF800  }
0x375: {  	_ =	swait.ge [sflag:s7], $0x800  }
0x376: {  	[sflag:s7] =	ssyncset.done $0x0  }
0x377: {  	[sflag:s7] =	ssyncadd.s32 $0xFFFFF800  }
0x378: {  	_ =	swait.ge [sflag:s7], $0x800  }
0x379: {  	[sflag:s7] =	ssyncset.done $0x0  }
0x37a: {  	[sflag:s7] =	ssyncadd.s32 $0xFFFFF800  }
0x37b: {  	_ =	swait.ge [sflag:s7], $0x800  }
0x37c: {  	[sflag:s7] =	ssyncset.done $0x0  }
0x37d: {  	[sflag:s7] =	ssyncadd.s32 $0xFFFFF800  }
0x37e: {  	_ =	swait.ge [sflag:s7], $0x800  }
0x37f: {  	[sflag:s7] =	ssyncset.done $0x0  }
0x380: {  	s30 =	rddreg [dreg:$0x6];
	[sflag:s7] =	ssyncadd.s32 $0xFFFFF800  }
0x381: {  	[hbm4b:s30+s2] =	stream.linear.scatter [tilespmem:s4], [sflag:$0x3], $0x6800, $0x38;
	[tilespmem:$0xEA00] =	vst v63  }
0x382: {  	_ =	swait.ge [sflag:s18], $0x6800  }
0x383: {  	[sflag:s18] =	ssyncset.done $0x0  }
0x384: {  	[sflag:s18] =	ssyncadd.s32 $0xFFFF9800  }
0x385: {  	_ =	sfence.sel $0x180000  }
0x386: {  	[bflag:$0x0] =	sbarrier.arrive $0xFFFF  }
0x387: {  	_ =	strace $0x90000047  }
0x388: {  	s31 =	stileid.u32;
	[bflag:$0x2] =	sbarrier.arrive $0xFFFF  }
0x389: {  	p0 =	sne.s32 s31, $0x0;
	s0 =	rddreg [dreg:$0x1]  }
0x38a: {  	s0 =	sadd.s32 @!p0 $0x100000, s0  }
0x38b: {  	[sflag:s0] =	ssyncadd.tile.s32 @!p0 $0x1;
	_ =	shalt  }
.Lfunc_end2:
_tile_overlayer_lowered:
.L_overlay_start_2:
0x38c: {  	(tag) =	ssettag $0x2  }
0x38d: {  	s0 =	rddreg [dreg:$0x0];
	s2 =	stileid.u32  }
0x38e: {  	s1 =	rddreg [dreg:$0x1];
	p0 =	sne.s32 s2, $0x0  }
0x38f: {  	s3 =	rddreg [dreg:$0x2];
	[bflag:$0x3] =	sbarrier.arrive $0xFFFF;
	s2 =	simm.s32 @!p0 $0x1C03  }
0x390: {  	[timem:s3], [sflag:s2] =	dma.local @!p0 [hbm:s0], s1  }
0x391: {  	s0 =	simm.s32 @!p0 $0x3  }
0x392: {  	_ =	swait.ge @!p0 [sflag:s0], s1  }
0x393: {  	s1 =	ssub.s32 @!p0 $0x0, s1;
	[sflag:s0] =	ssyncset.done @!p0 $0x0  }
0x394: {  	[sflag:s0] =	ssyncadd.s32 @!p0 s1  }
0x395: {  	[bflag:$0x3] =	sbarrier.arrive $0xFFFF  }
0x396: {  	_ =	shalt  }

// kernel: kernel.7.cloned.1.call-start
scs
__scs_entry_jumppad:
0x0: {  	(pc) =	sbr.rel $0x88, $3  }
0x1: {  	(tag) =	ssettag $0x0;
	lr =	simm.s32 $0x1  }
0x2: {  	[smem:$0x3F98] =	sst lr;
	_ =	strace $0xD0000000  }
0x3: {  	_ = 	snop  }
0x4: {  	_ = 	snop  }
0x5: {  	_ = 	snop  }
0x6: {  	_ = 	snop  }
0x7: {  	_ = 	snop  }
__scs_overlays_trampoline_lowered:
0x8: {  	[smem:$0x3FA7] =	sst s0  }
0x9: {  	[smem:$0x3FA8] =	sst s1  }
0xa: {  	[smem:$0x3FA9] =	sst s2  }
0xb: {  	[smem:$0x3FAA] =	sst s3  }
0xc: {  	[smem:$0x3FAB] =	sst s4  }
0xd: {  	[smem:$0x3FAC] =	sst s5  }
0xe: {  	[smem:$0x3FAD] =	sst s6  }
0xf: {  	[smem:$0x3FAE] =	sst s7  }
0x10: {  	[smem:$0x3FAF] =	sst s8  }
0x11: {  	[smem:$0x3FB0] =	sst s9;
	s0 =	simm.s32 @!p0 $0x0  }
0x12: {  	s1 =	sld [smem:$0x3F96];
	s0 =	simm.s32 @p0 $0x1  }
0x13: {  	[smem:$0x3FB1] =	sst s0;
	s0 =	simm.s32 @!p1 $0x0  }
0x14: {  	s2 =	sld [smem:$0x3F95];
	s0 =	simm.s32 @p1 $0x1  }
0x15: {  	[smem:$0x3FB2] =	sst s0;
	s0 =	simm.s32 @!p2 $0x0  }
0x16: {  	s3 =	sld [smem:$0x3FDB];
	s0 =	simm.s32 @p2 $0x1  }
0x17: {  	s4 =	simm.s32 $0x1BF5;
	[smem:$0x3FB4] =	sst s0  }
0x18: {  	s0 =	sld [smem:$0x3F97];
	_ =	swait.ge [sflag:s4], $0x0  }
0x19: {  	s7 =	sld [smem:$0x3F98]  }
0x1a: {  	s8 =	sadd.s32 $0xFFFFE003, lr  }
0x1b: {  	s9 =	sadd.s32 $0xFFFFFEF7, lr;
	s5 =	simm.s32 $0xFFFFFFFF;
	p2 =	slt.u32 s8, $0xFFFFF086  }
0x1c: {  	p1 =	slt.u32 s9, $0xF7A;
	s5 =	simm.s32 @!p2 $0x0  }
0x1d: {  	s5 =	simm.s32 @p1 $0x1;
	p0 =	seq.s32 s7, s2  }
0x1e: {  	s7 =	smul.u32 @!p0 $0xF7A, s2;
	p2 =	seq.s32 @!p0 s5, $0x0  }
0x1f: {  	s9 =	smul.u32 $0xF7A, s1;
	s8 =	simm.s32 @!p0 $0x1BF5;
	p2 =	por !p2, p0  }
0x20: {  	[sflag:s8] =	ssyncset.s32 @!p0 $0xFFFFF086;
	s6 =	sadd.s32 @!p0 s3, s7;
	s7 =	simm.s32 @!p0 $0x108  }
0x21: {  	s3 =	sadd.s32 s3, s9;
	s6 =	sadd.s32 @!p0 $0x88, s6;
	s7 =	simm.s32 @p2 $0x1082  }
0x22: {  	[simem:s7], [sflag:s8] =	dma.local @!p0 [hbm:s6], $0xF7A  }
0x23: {  	s9 =	sor.u32 $0xD0000000, s2;
	s6 =	simm.s32 $0x108;
	_ =	swait.ge @!p0 [sflag:s8], $0x0  }
0x24: {  	s3 =	sadd.s32 $0x88, s3;
	s6 =	simm.s32 @!p1 $0x1082;
	[sflag:s4] =	ssyncset.s32 $0xFFFFF086  }
0x25: {  	[simem:s6], [sflag:s4] =	dma.local [hbm:s3], $0xF7A  }
0x26: {  	[smem:$0x3F98] =	sst s1;
	(tag) =	ssettag s2;
	_ =	strace s9  }
0x27: {  	s1 =	sld [smem:$0x3FA8]  }
0x28: {  	s2 =	sld [smem:$0x3FA9]  }
0x29: {  	s4 =	sld [smem:$0x3FAB]  }
0x2a: {  	p0 =	seq.s32 s5, $0x0;
	s5 =	sld [smem:$0x3FAC]  }
0x2b: {  	s6 =	sld [smem:$0x3FAD]  }
0x2c: {  	s7 =	sld [smem:$0x3FAE]  }
0x2d: {  	s3 =	simm.s32 $0x108;
	s8 =	sld [smem:$0x3FAF]  }
0x2e: {  	s3 =	simm.s32 @!p0 $0x1082;
	s9 =	sld [smem:$0x3FB0]  }
0x2f: {  	lr =	sadd.s32 s0, s3;
	s0 =	sld [smem:$0x3FA7]  }
0x30: {  	s3 =	sld [smem:$0x3FAA]  }
0x31: {  	[smem:$0x3FB3] =	sst s10  }
0x32: {  	s10 =	sld [smem:$0x3FB1];
	_ =	sdelay $0x3  }
0x33: {  	p0 =	seq.s32 s10, $0x1;
	s10 =	sld [smem:$0x3FB3];
	_ =	sdelay $0x3  }
0x34: {  	[smem:$0x3FB3] =	sst s10  }
0x35: {  	s10 =	sld [smem:$0x3FB2];
	_ =	sdelay $0x3  }
0x36: {  	p1 =	seq.s32 s10, $0x1;
	s10 =	sld [smem:$0x3FB3];
	_ =	sdelay $0x3  }
0x37: {  	[smem:$0x3FB3] =	sst s10  }
0x38: {  	s10 =	sld [smem:$0x3FB4]  }
0x39: {  	_ = 	snop;
	(pc) =	sbr.ind lr, $3  }
0x3a: {  	_ = 	snop  }
0x3b: {  	_ = 	snop  }
0x3c: {  	p2 =	seq.s32 s10, $0x1;
	s10 =	sld [smem:$0x3FB3]  }
0x3d: {  	_ =	shalt  }
0x3e: {  	_ =	shalt  }
0x3f: {  	_ =	shalt  }
0x40: {  	_ =	shalt  }
0x41: {  	_ =	shalt  }
0x42: {  	_ =	shalt  }
0x43: {  	_ =	shalt  }
0x44: {  	_ =	shalt  }
0x45: {  	_ =	shalt  }
0x46: {  	_ =	shalt  }
0x47: {  	_ =	shalt  }
0x48: {  	_ =	shalt  }
0x49: {  	_ =	shalt  }
0x4a: {  	_ =	shalt  }
0x4b: {  	_ =	shalt  }
0x4c: {  	_ =	shalt  }
0x4d: {  	_ =	shalt  }
0x4e: {  	_ =	shalt  }
0x4f: {  	_ =	shalt  }
0x50: {  	_ =	shalt  }
0x51: {  	_ =	shalt  }
0x52: {  	_ =	shalt  }
0x53: {  	_ =	shalt  }
0x54: {  	_ =	shalt  }
0x55: {  	_ =	shalt  }
0x56: {  	_ =	shalt  }
0x57: {  	_ =	shalt  }
0x58: {  	_ =	shalt  }
0x59: {  	_ =	shalt  }
0x5a: {  	_ =	shalt  }
0x5b: {  	_ =	shalt  }
0x5c: {  	_ =	shalt  }
0x5d: {  	_ =	shalt  }
0x5e: {  	_ =	shalt  }
0x5f: {  	_ =	shalt  }
0x60: {  	_ =	shalt  }
0x61: {  	_ =	shalt  }
0x62: {  	_ =	shalt  }
0x63: {  	_ =	shalt  }
0x64: {  	_ =	shalt  }
0x65: {  	_ =	shalt  }
0x66: {  	_ =	shalt  }
0x67: {  	_ =	shalt  }
0x68: {  	_ =	shalt  }
0x69: {  	_ =	shalt  }
0x6a: {  	_ =	shalt  }
0x6b: {  	_ =	shalt  }
0x6c: {  	_ =	shalt  }
0x6d: {  	_ =	shalt  }
0x6e: {  	_ =	shalt  }
0x6f: {  	_ =	shalt  }
0x70: {  	_ =	shalt  }
0x71: {  	_ =	shalt  }
0x72: {  	_ =	shalt  }
0x73: {  	_ =	shalt  }
0x74: {  	_ =	shalt  }
0x75: {  	_ =	shalt  }
0x76: {  	_ =	shalt  }
0x77: {  	_ =	shalt  }
0x78: {  	_ =	shalt  }
0x79: {  	_ =	shalt  }
0x7a: {  	_ =	shalt  }
0x7b: {  	_ =	shalt  }
0x7c: {  	_ =	shalt  }
0x7d: {  	_ =	shalt  }
0x7e: {  	_ =	shalt  }
0x7f: {  	_ =	shalt  }
0x80: {  	_ =	shalt  }
0x81: {  	_ =	shalt  }
0x82: {  	_ =	shalt  }
0x83: {  	_ =	shalt  }
0x84: {  	_ =	shalt  }
0x85: {  	_ =	shalt  }
0x86: {  	_ =	shalt  }
0x87: {  	_ =	shalt  }
.Lfunc_end0:
.L_simem_size_0:
called_computation_lowered:
.L_overlay_start_0:
0x88: {  	s2 =	sld [smem:$0x3FD9]  }
0x89: {  	s3 =	sld [smem:$0x3FFE];
	_ =	sdelay $0x1  }
0x8a: {  	s1 =	srdreg.scid  }
0x8b: {  	s0 =	sand.u32 $0x1, s1  }
0x8c: {  	s17 =	sshll.u32 s0, $0xA;
	s2 =	sadd.s32 s3, s2  }
0x8d: {  	s2 =	sadd.s32 s2, s17  }
0x8e: {  	[smem:$0x3FBF] =	sst s2  }
0x8f: {  	_ = 	snop  }
0x90: {  	(tm) =	ssettm $0x1  }
0x91: {  	s18 =	sld [smem:$0x3FFB];
	_ =	sdelay $0x3  }
0x92: {  	_ =	strace s18  }
0x93: {  	s2 =	sld [smem:$0x3FFC];
	_ =	sdelay $0x3  }
0x94: {  	_ =	strace s2  }
0x95: {  	s2 =	sld [smem:$0x3FFD];
	_ =	sdelay $0x3  }
0x96: {  	_ =	strace s2  }
0x97: {  	_ =	strace $0x8FFFFFFF  }
0x98: {  	s19 =	sld [smem:$0x3FDB];
	_ =	sdelay $0x1  }
0x99: {  	s20 =	simm.s32 $_scs_section_size  }
0x9a: {  	s4 =	simm.s32 $_size__tile_overlayer_lowered;
	s5 =	simm.s32 $_tile_overlayer_lowered  }
0x9b: {  	s6 =	simm.s32 $0x1BFF;
	s21 =	sshll.u32 s5, $0x1;
	s3 =	sadd.s32 s20, s19  }
0x9c: {  	s22 =	simm.s32 $0x0;
	s4 =	sshll.u32 s4, $0x1;
	s5 =	sadd.s32 s21, s3  }
0x9d: {  	[timem:s22], [sflag:s6] =	dma.local [hbm:s5], s4  }
0x9e: {  	_ =	swait.ge [sflag:s6], s4  }
0x9f: {  	s4 =	ssub.s32 $0x0, s4;
	[sflag:s6] =	ssyncset.done $0x0  }
0xa0: {  	[sflag:s6] =	ssyncadd.s32 s4;
	_ =	sdelay $0x1  }
0xa1: {  	s23 =	simm.s32 $0x1B8B  }
0xa2: {  	_ =	swait.ge [sflag:s23], $0x1  }
0xa3: {  	[sflag:s23] =	ssyncset.done $0x0  }
0xa4: {  	[sflag:s23] =	ssyncadd.s32 $0xFFFFFFFF  }
0xa5: {  	s4 =	sld [smem:$0x0]  }
0xa6: {  	s5 =	sand.u32 $0xFFFFFFFE, s1  }
0xa7: {  	p0 =	sne.s32 s1, s5  }
0xa8: {  	s5 =	sshll.u32 @p0 s5, $0xE  }
0xa9: {  	s5 =	sadd.s32 @p0 $0x11B8D, s5;
	s6 =	sshll.u32 @p0 s4, $0x11  }
0xaa: {  	s5 =	sor.u32 @p0 s6, s5  }
0xab: {  	[sflag:s5] =	ssyncadd.remote.s32 @p0 $0x1;
	_ =	sdelay $0x1  }
0xac: {  	s5 =	simm.s32 @p0 $0x1B8D  }
0xad: {  	_ =	swait.eq @p0 [sflag:s5], $0x1  }
0xae: {  	[sflag:s5] =	ssyncadd.s32 @p0 $0xFFFFFFFF  }
0xaf: {  	s6 =	sshll.u32 @!p0 s1, $0xE  }
0xb0: {  	s6 =	sor.u32 @!p0 $0x4000, s6;
	s5 =	simm.s32 @!p0 $0x1B8D  }
0xb1: {  	s4 =	sshll.u32 @!p0 s4, $0x11;
	s6 =	sadd.s32 @!p0 $0x11B8D, s6;
	_ =	swait.eq @!p0 [sflag:s5], $0x1  }
0xb2: {  	s4 =	sor.u32 @!p0 s4, s6;
	[sflag:s5] =	ssyncadd.s32 @!p0 $0xFFFFFFFF  }
0xb3: {  	s25 =	simm.s32 $0x1B8E;
	s24 =	sld [smem:$0x3FFE];
	[sflag:s4] =	ssyncadd.remote.s32 @!p0 $0x1  }
0xb4: {  	s26 =	simm.s32 $execute0_lowered;
	[smem:$0x3FD2] =	sst s25  }
0xb5: {  	s5 =	sshll.u32 s26, $0x1;
	_ =	strace $0x80000049;
	[dreg:$0x1] =	wrdreg $0xFFFFFFFF  }
0xb6: {  	s28 =	simm.s32 $_size_execute0_lowered;
	s3 =	sadd.s32 s3, s5;
	[dreg:$0x0] =	wrdreg $0x0  }
0xb7: {  	s5 =	sshll.u32 s28, $0x1;
	[dreg:$0x2] =	wrdreg s3  }
0xb8: {  	[dreg:$0x3] =	wrdreg s5  }
0xb9: {  	[dreg:$0x4] =	wrdreg $0xC0  }
0xba: {  	_ =	task [dreg:s22], $0x5FFFF  }
0xbb: {  	[dreg:$0x1] =	wrdreg $0xFFFFFFFF  }
0xbc: {  	[dreg:$0x0] =	wrdreg $0x60  }
0xbd: {  	[dreg:$0x2] =	wrdreg s24  }
0xbe: {  	[dreg:$0x3] =	wrdreg $0x9  }
0xbf: {  	_ =	task.clear_ibuf [dreg:s22], $0x4FFFF;
	_ =	strace $0x90000049  }
0xc0: {  	s29 =	simm.s32 $0x9;
	_ =	strace $0x8000004B  }
0xc1: {  	_ =	swait.ge [sflag:s29], $0x1  }
0xc2: {  	[sflag:s29] =	ssyncadd.s32 $0xFFFFFFFF  }
0xc3: {  	_ =	strace $0x9000004B  }
0xc4: {  	_ =	sfence  }
0xc5: {  	s30 =	sld [smem:$0x0];
	_ =	sdelay $0x2  }
0xc6: {  	s31 =	sshll.u32 s1, $0xD;
	s1 =	sshrl.u32 s1, $0x2  }
0xc7: {  	s4 =	sand.u32 $0x4000, s31;
	s1 =	sadd.s32 s1, s30  }
0xc8: {  	s0 =	sor.u32 s4, s0;
	s1 =	sshll.u32 s1, $0x11  }
0xc9: {  	s0 =	sor.u32 s1, s0  }
0xca: {  	s0 =	sadd.s32 $0x8F2B, s0  }
0xcb: {  	[sflag:s0] =	ssyncadd.remote.s32 $0x1  }
0xcc: {  	_ =	sfence.sel $0xFFFF  }
0xcd: {  	[dreg:$0x0] =	wrdreg $0xFFFFFFFF;
	(pc) =	sbr.abs _section_cstart, $3  }
0xce: {  	[dreg:$0x1] =	wrdreg $0xFFFFFFFF  }
0xcf: {  	_ =	task.clear_ibuf [dreg:s22], $0x2FFFF;
	_ =	strace $0x9FFFFFFF  }
0xd0: {  	(tm) =	ssettm $0x7FFFFFFF  }
0xd1: {  	_ =	shalt  }
tec
execute0_lowered:
.L_overlay_start_1:
0x0: {  	(tag) =	ssettag $0x1  }
0x1: {  	s0 =	srdreg.scid;
	s1 =	stileid.u32  }
0x2: {  	s0 =	sand.u32 $0x1, s0;
	s2 =	sshll.u32 s1, $0x1  }
0x3: {  	s1 =	rddreg [dreg:$0x0];
	s3 =	sor.u32 s0, s2;
	s2 =	simm.s32 $0x0  }
0x4: {  	s7 =	simm.s32 $0x180;
	[smem:$0x7FF] =	sst s2  }
0x5: {  	s8 =	simm.s32 $0x200;
	_ =	strace $0x8000004A;
	[dreg:$0x8] =	wrdreg s7  }
0x6: {  	s9 =	simm.s32 $0x280;
	[dreg:$0x9] =	wrdreg s8  }
0x7: {  	s10 =	simm.s32 $0x300;
	[dreg:$0xa] =	wrdreg s9  }
0x8: {  	s11 =	simm.s32 $0x380;
	[dreg:$0xb] =	wrdreg s10  }
0x9: {  	s12 =	simm.s32 $0x400;
	[dreg:$0xc] =	wrdreg s11  }
0xa: {  	s13 =	simm.s32 $0x480;
	[dreg:$0xd] =	wrdreg s12  }
0xb: {  	s14 =	simm.s32 $0x500;
	[dreg:$0xe] =	wrdreg s13  }
0xc: {  	s15 =	simm.s32 $0x580;
	[dreg:$0xf] =	wrdreg s14  }
0xd: {  	s16 =	simm.s32 $0x600;
	[dreg:$0x10] =	wrdreg s15  }
0xe: {  	s17 =	simm.s32 $0x680;
	[dreg:$0x11] =	wrdreg s16  }
0xf: {  	s18 =	simm.s32 $0x700;
	[dreg:$0x12] =	wrdreg s17  }
0x10: {  	s19 =	simm.s32 $0x780;
	[dreg:$0x13] =	wrdreg s18  }
0x11: {  	s20 =	simm.s32 $0x800;
	[dreg:$0x14] =	wrdreg s19  }
0x12: {  	s21 =	simm.s32 $0x880;
	[dreg:$0x15] =	wrdreg s20  }
0x13: {  	s22 =	simm.s32 $0x900;
	[dreg:$0x16] =	wrdreg s21  }
0x14: {  	s23 =	simm.s32 $0x980;
	[dreg:$0x17] =	wrdreg s22  }
0x15: {  	s24 =	simm.s32 $0xA00;
	[dreg:$0x18] =	wrdreg s23  }
0x16: {  	s25 =	simm.s32 $0xA80;
	[dreg:$0x19] =	wrdreg s24  }
0x17: {  	s26 =	simm.s32 $0xB00;
	[dreg:$0x1a] =	wrdreg s25  }
0x18: {  	s28 =	simm.s32 $0xB80;
	[dreg:$0x1b] =	wrdreg s26  }
0x19: {  	[dreg:$0x1c] =	wrdreg s28;
	s8 =	simm.s32 $0xE80  }
0x1a: {  	s9 =	simm.s32 $0xF00;
	[smem:$0x7E7] =	sst s8  }
0x1b: {  	s10 =	simm.s32 $0xF80;
	[smem:$0x7E8] =	sst s9  }
0x1c: {  	s11 =	simm.s32 $0x1000;
	[smem:$0x7E9] =	sst s10  }
0x1d: {  	s12 =	simm.s32 $0x1080;
	[smem:$0x7EA] =	sst s11  }
0x1e: {  	s13 =	simm.s32 $0x1100;
	[smem:$0x7EB] =	sst s12  }
0x1f: {  	s14 =	simm.s32 $0x1180;
	[smem:$0x7EC] =	sst s13  }
0x20: {  	s15 =	simm.s32 $0x1200;
	[smem:$0x7ED] =	sst s14  }
0x21: {  	s16 =	simm.s32 $0x1280;
	[smem:$0x7EE] =	sst s15  }
0x22: {  	s17 =	simm.s32 $0x1300;
	[smem:$0x7EF] =	sst s16  }
0x23: {  	s19 =	simm.s32 $0x1380;
	[smem:$0x7F0] =	sst s17  }
0x24: {  	s20 =	simm.s32 $0x1400;
	[smem:$0x7F1] =	sst s19  }
0x25: {  	p0 =	por $0x0, $0x0;
	s21 =	simm.s32 $0x1480;
	[smem:$0x7F2] =	sst s20  }
0x26: {  	s6 =	sadd.s32 $0x276E00, s1;
	s22 =	simm.s32 $0x1500;
	[smem:$0x7F3] =	sst s21  }
0x27: {  	s0 =	ssub.s32 $0x2, s0;
	s23 =	simm.s32 $0x1580;
	[smem:$0x7F4] =	sst s22  }
0x28: {  	s4 =	smul.u32 $0x340, s3;
	s24 =	simm.s32 $0x1600;
	[smem:$0x7F5] =	sst s23  }
0x29: {  	s5 =	smul.u32 $0x1A000, s3;
	s25 =	simm.s32 $0x1680;
	[smem:$0x7F6] =	sst s24  }
0x2a: {  	s3 =	smul.u32 $0x3400, s3;
	s26 =	simm.s32 $0x1780;
	[smem:$0x7F7] =	sst s25  }
0x2b: {  	s7 =	sshrl.u32 s0, $0x1;
	s28 =	simm.s32 $0x1800;
	[smem:$0x7F9] =	sst s26  }
0x2c: {  	s18 =	simm.s32 $0x3;
	s3 =	sadd.s32 s6, s3;
	[smem:$0x7FA] =	sst s28  }
0x2d: {  	s4 =	sadd.s32 s4, s1;
	s9 =	simm.s32 $0x1700;
	[dreg:$0x3] =	wrdreg s3  }
0x2e: {  	s5 =	sshrl.u32 s5, $0x3;
	s4 =	sadd.s32 $0x270600, s4;
	[smem:$0x7F8] =	sst s9  }
0x2f: {  	s29 =	sadd.s32 s6, s5;
	s6 =	simm.s32 $0x100;
	[dreg:$0x2] =	wrdreg s4  }
0x30: {  	s0 =	ssub.s32 s0, s7;
	s30 =	sadd.s32 $0xD00, s29;
	[dreg:$0x7] =	wrdreg s6  }
0x31: {  	s8 =	simm.s32 $0x80;
	s31 =	sadd.s32 $0x1A00, s29;
	[dreg:$0x4] =	wrdreg s30  }
0x32: {  	s11 =	simm.s32 $0x2200;
	s5 =	sadd.s32 $0x2700, s29;
	[dreg:$0x5] =	wrdreg s31  }
0x33: {  	s17 =	simm.s32 $0x6A00;
	s29 =	simm.s32 $0xC00;
	[dreg:$0x6] =	wrdreg s5  }
0x34: {  	s20 =	simm.s32 $0x7200;
	s4 =	simm.s32 $0xD80;
	[dreg:$0x1d] =	wrdreg s29  }
0x35: {  	s21 =	simm.s32 $0x7A00;
	s7 =	smax.u32 s0, $0x1;
	[smem:$0x7E5] =	sst s4  }
0x36: {  	s9 =	simm.s32 $0x1;
	s30 =	simm.s32 $0xC80;
	s12 =	rddreg [dreg:$0x2]  }
0x37: {  	p1 =	sne.s32 s7, $0x1;
	s31 =	simm.s32 $0xD00;
	[dreg:$0x1e] =	wrdreg s30  }
.Ltmp0:
0x38: {  	s5 =	simm.s32 $0xE00;
	[dreg:$0x1f] =	wrdreg s31;
	(pc) =	sbr.rel @!p1 .LBB2_4-.Ltmp0, $4  }
0x39: {  	s6 =	sadd.s32 $0x6000, s1;
	s29 =	simm.s32 $0x1880;
	[smem:$0x7E6] =	sst s5  }
0x3a: {  	s13 =	sadd.s32 $0xFFFFFFFF, s7;
	[smem:$0x7FB] =	sst s29;
	s30 =	simm.s32 $0x1900  }
0x3b: {  	s7 =	simm.s32 $0x2;
	s31 =	simm.s32 $0x1980;
	[smem:$0x7FC] =	sst s30  }
0x3c: {  	s4 =	simm.s32 $0x8200;
	s5 =	simm.s32 $0x1A00;
	[smem:$0x7FD] =	sst s31  }
0x3d: {  	[tilespmem:s2], [sflag:$0x3] =	stream.linear.gather [hbm4b:s12+s2], $0x1A00, $0x38;
	[tilespmem:$0xEA00] =	vst v63  }
0x3e: {  	_ =	swait.ge [sflag:s18], $0x1A00  }
0x3f: {  	[sflag:s18] =	ssyncset.done $0x0  }
0x40: {  	[sflag:s18] =	ssyncadd.s32 $0xFFFFE600  }
0x41: {  	[tilespmem:s5], [sflag:$0x1] =	stream.indirect.gather [hbm4b:s6+s8], $0x10, s2, s8, $0xb8;
	[tilespmem:$0xEA00] =	vst v63  }
0x42: {  	_ = 	snop  }
0x43: {  	[tilespmem:s11], [sflag:$0x1] =	stream.indirect.gather [hbm4b:s6+s8], $0x10, s8, s8, $0xb8;
	[tilespmem:$0xEA00] =	vst v63  }
0x44: {  	s1 =	simm.s32 $0x2A00;
	s15 =	rddreg [dreg:$0x7]  }
0x45: {  	[tilespmem:s1], [sflag:$0x1] =	stream.indirect.gather [hbm4b:s6+s8], $0x10, s15, s8, $0xb8;
	[tilespmem:$0xEA00] =	vst v63  }
0x46: {  	s0 =	simm.s32 $0x3200;
	s16 =	rddreg [dreg:$0x8]  }
0x47: {  	[tilespmem:s0], [sflag:$0x1] =	stream.indirect.gather [hbm4b:s6+s8], $0x10, s16, s8, $0xb8;
	[tilespmem:$0xEA00] =	vst v63  }
0x48: {  	s10 =	simm.s32 $0x3A00;
	s19 =	rddreg [dreg:$0x9]  }
0x49: {  	[tilespmem:s10], [sflag:$0x1] =	stream.indirect.gather [hbm4b:s6+s8], $0x10, s19, s8, $0xb8;
	[tilespmem:$0xEA00] =	vst v63  }
0x4a: {  	s14 =	simm.s32 $0x4200;
	s22 =	rddreg [dreg:$0xa]  }
0x4b: {  	[tilespmem:s14], [sflag:$0x1] =	stream.indirect.gather [hbm4b:s6+s8], $0x10, s22, s8, $0xb8;
	[tilespmem:$0xEA00] =	vst v63  }
0x4c: {  	s23 =	rddreg [dreg:$0xb];
	s15 =	simm.s32 $0x4A00  }
0x4d: {  	[tilespmem:s15], [sflag:$0x1] =	stream.indirect.gather [hbm4b:s6+s8], $0x10, s23, s8, $0xb8;
	[tilespmem:$0xEA00] =	vst v63  }
0x4e: {  	s28 =	simm.s32 $0x5200;
	s24 =	rddreg [dreg:$0xc]  }
0x4f: {  	[tilespmem:s28], [sflag:$0x1] =	stream.indirect.gather [hbm4b:s6+s8], $0x10, s24, s8, $0xb8;
	[tilespmem:$0xEA00] =	vst v63  }
0x50: {  	s25 =	rddreg [dreg:$0xd];
	s16 =	simm.s32 $0x5A00  }
0x51: {  	[tilespmem:s16], [sflag:$0x1] =	stream.indirect.gather [hbm4b:s6+s8], $0x10, s25, s8, $0xb8;
	[tilespmem:$0xEA00] =	vst v63  }
0x52: {  	s26 =	rddreg [dreg:$0xe];
	s19 =	simm.s32 $0x6200  }
0x53: {  	[tilespmem:s19], [sflag:$0x1] =	stream.indirect.gather [hbm4b:s6+s8], $0x10, s26, s8, $0xb8;
	[tilespmem:$0xEA00] =	vst v63  }
0x54: {  	s29 =	rddreg [dreg:$0xf]  }
0x55: {  	[tilespmem:s17], [sflag:$0x1] =	stream.indirect.gather [hbm4b:s6+s8], $0x10, s29, s8, $0xb8;
	[tilespmem:$0xEA00] =	vst v63  }
0x56: {  	s31 =	rddreg [dreg:$0x10]  }
0x57: {  	[tilespmem:s20], [sflag:$0x1] =	stream.indirect.gather [hbm4b:s6+s8], $0x10, s31, s8, $0xb8;
	[tilespmem:$0xEA00] =	vst v63  }
0x58: {  	s3 =	rddreg [dreg:$0x11]  }
0x59: {  	[tilespmem:s21], [sflag:$0x1] =	stream.indirect.gather [hbm4b:s6+s8], $0x10, s3, s8, $0xb8;
	[tilespmem:$0xEA00] =	vst v63  }
0x5a: {  	s5 =	rddreg [dreg:$0x12]  }
0x5b: {  	[tilespmem:s4], [sflag:$0x2] =	stream.indirect.gather [hbm4b:s6+s8], $0x10, s5, s8, $0xb8;
	[tilespmem:$0xEA00] =	vst v63  }
0x5c: {  	s22 =	simm.s32 $0x8A00;
	s17 =	rddreg [dreg:$0x13]  }
0x5d: {  	[tilespmem:s22], [sflag:$0x2] =	stream.indirect.gather [hbm4b:s6+s8], $0x10, s17, s8, $0xb8;
	[tilespmem:$0xEA00] =	vst v63  }
0x5e: {  	s20 =	rddreg [dreg:$0x14];
	s3 =	simm.s32 $0x9200  }
0x5f: {  	[tilespmem:s3], [sflag:$0x2] =	stream.indirect.gather [hbm4b:s6+s8], $0x10, s20, s8, $0xb8;
	[tilespmem:$0xEA00] =	vst v63  }
0x60: {  	s24 =	simm.s32 $0x9A00;
	s21 =	rddreg [dreg:$0x15]  }
0x61: {  	[tilespmem:s24], [sflag:$0x2] =	stream.indirect.gather [hbm4b:s6+s8], $0x10, s21, s8, $0xb8;
	[tilespmem:$0xEA00] =	vst v63  }
0x62: {  	s23 =	rddreg [dreg:$0x16];
	s26 =	simm.s32 $0xA200  }
0x63: {  	[tilespmem:s26], [sflag:$0x2] =	stream.indirect.gather [hbm4b:s6+s8], $0x10, s23, s8, $0xb8;
	[tilespmem:$0xEA00] =	vst v63  }
0x64: {  	s25 =	rddreg [dreg:$0x17];
	s21 =	simm.s32 $0xAA00  }
0x65: {  	[tilespmem:s21], [sflag:$0x2] =	stream.indirect.gather [hbm4b:s6+s8], $0x10, s25, s8, $0xb8;
	[tilespmem:$0xEA00] =	vst v63  }
0x66: {  	s29 =	rddreg [dreg:$0x18];
	s26 =	simm.s32 $0xB200  }
0x67: {  	[tilespmem:s26], [sflag:$0x2] =	stream.indirect.gather [hbm4b:s6+s8], $0x10, s29, s8, $0xb8;
	[tilespmem:$0xEA00] =	vst v63  }
0x68: {  	s31 =	rddreg [dreg:$0x19];
	s25 =	simm.s32 $0xBA00  }
0x69: {  	[tilespmem:s25], [sflag:$0x2] =	stream.indirect.gather [hbm4b:s6+s8], $0x10, s31, s8, $0xb8;
	[tilespmem:$0xEA00] =	vst v63  }
0x6a: {  	s3 =	rddreg [dreg:$0x1a];
	s24 =	simm.s32 $0xC200  }
0x6b: {  	[tilespmem:s24], [sflag:$0x2] =	stream.indirect.gather [hbm4b:s6+s8], $0x10, s3, s8, $0xb8;
	[tilespmem:$0xEA00] =	vst v63  }
0x6c: {  	s5 =	rddreg [dreg:$0x1b];
	s23 =	simm.s32 $0xCA00  }
0x6d: {  	[tilespmem:s23], [sflag:$0x2] =	stream.indirect.gather [hbm4b:s6+s8], $0x10, s5, s8, $0xb8;
	[tilespmem:$0xEA00] =	vst v63  }
0x6e: {  	s20 =	rddreg [dreg:$0x1c];
	s29 =	simm.s32 $0xD200  }
0x6f: {  	[tilespmem:s29], [sflag:$0x2] =	stream.indirect.gather [hbm4b:s6+s8], $0x10, s20, s8, $0xb8;
	[tilespmem:$0xEA00] =	vst v63  }
0x70: {  	s12 =	rddreg [dreg:$0x1d];
	s20 =	simm.s32 $0xDA00  }
0x71: {  	[tilespmem:s20], [sflag:$0x2] =	stream.indirect.gather [hbm4b:s6+s8], $0x10, s12, s8, $0xb8;
	[tilespmem:$0xEA00] =	vst v63  }
0x72: {  	s11 =	rddreg [dreg:$0x1e];
	s29 =	simm.s32 $0xE200  }
0x73: {  	[tilespmem:s29], [sflag:$0x2] =	stream.indirect.gather [hbm4b:s6+s8], $0x10, s11, s8, $0xb8;
	[tilespmem:$0xEA00] =	vst v63  }
0x74: {  	_ =	swait.ge [sflag:s9], $0x800  }
0x75: {  	[sflag:s9] =	ssyncset.done $0x0  }
0x76: {  	[sflag:s9] =	ssyncadd.s32 $0xFFFFF800  }
0x77: {  	_ =	swait.ge [sflag:s9], $0x800  }
0x78: {  	[sflag:s9] =	ssyncset.done $0x0  }
0x79: {  	[sflag:s9] =	ssyncadd.s32 $0xFFFFF800  }
0x7a: {  	_ =	swait.ge [sflag:s9], $0x800  }
0x7b: {  	[sflag:s9] =	ssyncset.done $0x0  }
0x7c: {  	[sflag:s9] =	ssyncadd.s32 $0xFFFFF800  }
0x7d: {  	_ =	swait.ge [sflag:s9], $0x800  }
0x7e: {  	[sflag:s9] =	ssyncset.done $0x0  }
0x7f: {  	[sflag:s9] =	ssyncadd.s32 $0xFFFFF800  }
0x80: {  	_ =	swait.ge [sflag:s9], $0x800  }
0x81: {  	[sflag:s9] =	ssyncset.done $0x0  }
0x82: {  	[sflag:s9] =	ssyncadd.s32 $0xFFFFF800  }
0x83: {  	_ =	swait.ge [sflag:s9], $0x800  }
0x84: {  	[sflag:s9] =	ssyncset.done $0x0  }
0x85: {  	[sflag:s9] =	ssyncadd.s32 $0xFFFFF800  }
0x86: {  	_ =	swait.ge [sflag:s9], $0x800  }
0x87: {  	[sflag:s9] =	ssyncset.done $0x0  }
0x88: {  	[sflag:s9] =	ssyncadd.s32 $0xFFFFF800  }
0x89: {  	_ =	swait.ge [sflag:s9], $0x800  }
0x8a: {  	[sflag:s9] =	ssyncset.done $0x0  }
0x8b: {  	[sflag:s9] =	ssyncadd.s32 $0xFFFFF800  }
0x8c: {  	_ =	swait.ge [sflag:s9], $0x800  }
0x8d: {  	[sflag:s9] =	ssyncset.done $0x0  }
0x8e: {  	[sflag:s9] =	ssyncadd.s32 $0xFFFFF800  }
0x8f: {  	_ =	swait.ge [sflag:s9], $0x800  }
0x90: {  	[sflag:s9] =	ssyncset.done $0x0  }
0x91: {  	[sflag:s9] =	ssyncadd.s32 $0xFFFFF800  }
0x92: {  	_ =	swait.ge [sflag:s9], $0x800  }
0x93: {  	[sflag:s9] =	ssyncset.done $0x0  }
0x94: {  	[sflag:s9] =	ssyncadd.s32 $0xFFFFF800  }
0x95: {  	_ =	swait.ge [sflag:s9], $0x800  }
0x96: {  	[sflag:s9] =	ssyncset.done $0x0  }
0x97: {  	[sflag:s9] =	ssyncadd.s32 $0xFFFFF800  }
0x98: {  	_ =	swait.ge [sflag:s9], $0x800  }
0x99: {  	s30 =	simm.s32 $0x0;
	[sflag:s9] =	ssyncset.done $0x0  }
0x9a: {  	s31 =	simm.s32 $0x1A00;
	s12 =	rddreg [dreg:$0x3];
	[sflag:s9] =	ssyncadd.s32 $0xFFFFF800  }
0x9b: {  	[hbm4b:s12+s30] =	stream.linear.scatter [tilespmem:s31], [sflag:$0x3], $0x6800, $0x38;
	[tilespmem:$0xEA00] =	vst v63  }
0x9c: {  	_ =	swait.ge [sflag:s18], $0x6800  }
0x9d: {  	s12 =	rddreg [dreg:$0x1f];
	[sflag:s18] =	ssyncset.done $0x0  }
0x9e: {  	s30 =	sld [smem:$0x7E5];
	[sflag:s18] =	ssyncadd.s32 $0xFFFF9800  }
0x9f: {  	[tilespmem:s31], [sflag:$0x1] =	stream.indirect.gather [hbm4b:s6+s8], $0x10, s12, s8, $0xb8;
	[tilespmem:$0xEA00] =	vst v63  }
0xa0: {  	s2 =	simm.s32 $0x2200;
	s31 =	sld [smem:$0x7E6]  }
0xa1: {  	[tilespmem:s2], [sflag:$0x1] =	stream.indirect.gather [hbm4b:s6+s8], $0x10, s30, s8, $0xb8;
	[tilespmem:$0xEA00] =	vst v63  }
0xa2: {  	s30 =	sld [smem:$0x7E7]  }
0xa3: {  	[tilespmem:s1], [sflag:$0x1] =	stream.indirect.gather [hbm4b:s6+s8], $0x10, s31, s8, $0xb8;
	[tilespmem:$0xEA00] =	vst v63  }
0xa4: {  	s31 =	sld [smem:$0x7E8]  }
0xa5: {  	[tilespmem:s0], [sflag:$0x1] =	stream.indirect.gather [hbm4b:s6+s8], $0x10, s30, s8, $0xb8;
	[tilespmem:$0xEA00] =	vst v63  }
0xa6: {  	s0 =	sld [smem:$0x7E9]  }
0xa7: {  	[tilespmem:s10], [sflag:$0x1] =	stream.indirect.gather [hbm4b:s6+s8], $0x10, s31, s8, $0xb8;
	[tilespmem:$0xEA00] =	vst v63  }
0xa8: {  	s1 =	sld [smem:$0x7EA]  }
0xa9: {  	[tilespmem:s14], [sflag:$0x1] =	stream.indirect.gather [hbm4b:s6+s8], $0x10, s0, s8, $0xb8;
	[tilespmem:$0xEA00] =	vst v63  }
0xaa: {  	s10 =	sld [smem:$0x7EB]  }
0xab: {  	[tilespmem:s15], [sflag:$0x1] =	stream.indirect.gather [hbm4b:s6+s8], $0x10, s1, s8, $0xb8;
	[tilespmem:$0xEA00] =	vst v63  }
0xac: {  	s14 =	sld [smem:$0x7EC]  }
0xad: {  	[tilespmem:s28], [sflag:$0x1] =	stream.indirect.gather [hbm4b:s6+s8], $0x10, s10, s8, $0xb8;
	[tilespmem:$0xEA00] =	vst v63  }
0xae: {  	s15 =	sld [smem:$0x7ED]  }
0xaf: {  	[tilespmem:s16], [sflag:$0x1] =	stream.indirect.gather [hbm4b:s6+s8], $0x10, s14, s8, $0xb8;
	[tilespmem:$0xEA00] =	vst v63  }
0xb0: {  	s16 =	sld [smem:$0x7EE]  }
0xb1: {  	[tilespmem:s19], [sflag:$0x1] =	stream.indirect.gather [hbm4b:s6+s8], $0x10, s15, s8, $0xb8;
	[tilespmem:$0xEA00] =	vst v63  }
0xb2: {  	s3 =	simm.s32 $0x6A00;
	s19 =	sld [smem:$0x7EF]  }
0xb3: {  	[tilespmem:s3], [sflag:$0x1] =	stream.indirect.gather [hbm4b:s6+s8], $0x10, s16, s8, $0xb8;
	[tilespmem:$0xEA00] =	vst v63  }
0xb4: {  	s17 =	simm.s32 $0x7200;
	s28 =	sld [smem:$0x7F0]  }
0xb5: {  	[tilespmem:s17], [sflag:$0x1] =	stream.indirect.gather [hbm4b:s6+s8], $0x10, s19, s8, $0xb8;
	[tilespmem:$0xEA00] =	vst v63  }
0xb6: {  	s4 =	simm.s32 $0x7A00  }
0xb7: {  	[tilespmem:s4], [sflag:$0x1] =	stream.indirect.gather [hbm4b:s6+s8], $0x10, s28, s8, $0xb8;
	[tilespmem:$0xEA00] =	vst v63  }
0xb8: {  	_ =	swait.ge [sflag:s7], $0x800  }
0xb9: {  	[sflag:s7] =	ssyncset.done $0x0  }
0xba: {  	[sflag:s7] =	ssyncadd.s32 $0xFFFFF800  }
0xbb: {  	_ =	swait.ge [sflag:s7], $0x800  }
0xbc: {  	[sflag:s7] =	ssyncset.done $0x0  }
0xbd: {  	[sflag:s7] =	ssyncadd.s32 $0xFFFFF800  }
0xbe: {  	_ =	swait.ge [sflag:s7], $0x800  }
0xbf: {  	[sflag:s7] =	ssyncset.done $0x0  }
0xc0: {  	[sflag:s7] =	ssyncadd.s32 $0xFFFFF800  }
0xc1: {  	_ =	swait.ge [sflag:s7], $0x800  }
0xc2: {  	[sflag:s7] =	ssyncset.done $0x0  }
0xc3: {  	[sflag:s7] =	ssyncadd.s32 $0xFFFFF800  }
0xc4: {  	_ =	swait.ge [sflag:s7], $0x800  }
0xc5: {  	[sflag:s7] =	ssyncset.done $0x0  }
0xc6: {  	[sflag:s7] =	ssyncadd.s32 $0xFFFFF800  }
0xc7: {  	_ =	swait.ge [sflag:s7], $0x800  }
0xc8: {  	[sflag:s7] =	ssyncset.done $0x0  }
0xc9: {  	[sflag:s7] =	ssyncadd.s32 $0xFFFFF800  }
0xca: {  	_ =	swait.ge [sflag:s7], $0x800  }
0xcb: {  	[sflag:s7] =	ssyncset.done $0x0  }
0xcc: {  	[sflag:s7] =	ssyncadd.s32 $0xFFFFF800  }
0xcd: {  	_ =	swait.ge [sflag:s7], $0x800  }
0xce: {  	[sflag:s7] =	ssyncset.done $0x0  }
0xcf: {  	[sflag:s7] =	ssyncadd.s32 $0xFFFFF800  }
0xd0: {  	_ =	swait.ge [sflag:s7], $0x800  }
0xd1: {  	[sflag:s7] =	ssyncset.done $0x0  }
0xd2: {  	[sflag:s7] =	ssyncadd.s32 $0xFFFFF800  }
0xd3: {  	_ =	swait.ge [sflag:s7], $0x800  }
0xd4: {  	[sflag:s7] =	ssyncset.done $0x0  }
0xd5: {  	[sflag:s7] =	ssyncadd.s32 $0xFFFFF800  }
0xd6: {  	_ =	swait.ge [sflag:s7], $0x800  }
0xd7: {  	[sflag:s7] =	ssyncset.done $0x0  }
0xd8: {  	[sflag:s7] =	ssyncadd.s32 $0xFFFFF800  }
0xd9: {  	_ =	swait.ge [sflag:s7], $0x800  }
0xda: {  	[sflag:s7] =	ssyncset.done $0x0  }
0xdb: {  	[sflag:s7] =	ssyncadd.s32 $0xFFFFF800  }
0xdc: {  	_ =	swait.ge [sflag:s7], $0x800  }
0xdd: {  	s5 =	simm.s32 $0x8200;
	[sflag:s7] =	ssyncset.done $0x0  }
0xde: {  	s2 =	simm.s32 $0x0;
	s30 =	rddreg [dreg:$0x4];
	[sflag:s7] =	ssyncadd.s32 $0xFFFFF800  }
0xdf: {  	[hbm4b:s30+s2] =	stream.linear.scatter [tilespmem:s5], [sflag:$0x3], $0x6800, $0x38;
	[tilespmem:$0xEA00] =	vst v63  }
0xe0: {  	_ =	swait.ge [sflag:s18], $0x6800  }
0xe1: {  	s31 =	sld [smem:$0x7F1]  }
0xe2: {  	[sflag:s18] =	ssyncset.done $0x0  }
0xe3: {  	s0 =	sld [smem:$0x7F2];
	[sflag:s18] =	ssyncadd.s32 $0xFFFF9800  }
0xe4: {  	[tilespmem:s5], [sflag:$0x2] =	stream.indirect.gather [hbm4b:s6+s8], $0x10, s31, s8, $0xb8;
	[tilespmem:$0xEA00] =	vst v63  }
0xe5: {  	s1 =	sld [smem:$0x7F3]  }
0xe6: {  	[tilespmem:s22], [sflag:$0x2] =	stream.indirect.gather [hbm4b:s6+s8], $0x10, s0, s8, $0xb8;
	[tilespmem:$0xEA00] =	vst v63  }
0xe7: {  	s4 =	simm.s32 $0x9200;
	s3 =	sld [smem:$0x7F4]  }
0xe8: {  	[tilespmem:s4], [sflag:$0x2] =	stream.indirect.gather [hbm4b:s6+s8], $0x10, s1, s8, $0xb8;
	[tilespmem:$0xEA00] =	vst v63  }
0xe9: {  	s14 =	simm.s32 $0x9A00;
	s10 =	sld [smem:$0x7F5]  }
0xea: {  	[tilespmem:s14], [sflag:$0x2] =	stream.indirect.gather [hbm4b:s6+s8], $0x10, s3, s8, $0xb8;
	[tilespmem:$0xEA00] =	vst v63  }
0xeb: {  	s16 =	simm.s32 $0xA200;
	s15 =	sld [smem:$0x7F6]  }
0xec: {  	[tilespmem:s16], [sflag:$0x2] =	stream.indirect.gather [hbm4b:s6+s8], $0x10, s10, s8, $0xb8;
	[tilespmem:$0xEA00] =	vst v63  }
0xed: {  	s17 =	sld [smem:$0x7F7]  }
0xee: {  	[tilespmem:s21], [sflag:$0x2] =	stream.indirect.gather [hbm4b:s6+s8], $0x10, s15, s8, $0xb8;
	[tilespmem:$0xEA00] =	vst v63  }
0xef: {  	s19 =	sld [smem:$0x7F8]  }
0xf0: {  	[tilespmem:s26], [sflag:$0x2] =	stream.indirect.gather [hbm4b:s6+s8], $0x10, s17, s8, $0xb8;
	[tilespmem:$0xEA00] =	vst v63  }
0xf1: {  	s21 =	sld [smem:$0x7F9]  }
0xf2: {  	[tilespmem:s25], [sflag:$0x2] =	stream.indirect.gather [hbm4b:s6+s8], $0x10, s19, s8, $0xb8;
	[tilespmem:$0xEA00] =	vst v63  }
0xf3: {  	s22 =	sld [smem:$0x7FA]  }
0xf4: {  	[tilespmem:s24], [sflag:$0x2] =	stream.indirect.gather [hbm4b:s6+s8], $0x10, s21, s8, $0xb8;
	[tilespmem:$0xEA00] =	vst v63  }
0xf5: {  	s24 =	sld [smem:$0x7FB]  }
0xf6: {  	[tilespmem:s23], [sflag:$0x2] =	stream.indirect.gather [hbm4b:s6+s8], $0x10, s22, s8, $0xb8;
	[tilespmem:$0xEA00] =	vst v63  }
0xf7: {  	s26 =	simm.s32 $0xD200;
	s25 =	sld [smem:$0x7FC]  }
0xf8: {  	[tilespmem:s26], [sflag:$0x2] =	stream.indirect.gather [hbm4b:s6+s8], $0x10, s24, s8, $0xb8;
	[tilespmem:$0xEA00] =	vst v63  }
0xf9: {  	s28 =	sld [smem:$0x7FD]  }
0xfa: {  	[tilespmem:s20], [sflag:$0x2] =	stream.indirect.gather [hbm4b:s6+s8], $0x10, s25, s8, $0xb8;
	[tilespmem:$0xEA00] =	vst v63  }
0xfb: {  	_ = 	snop  }
0xfc: {  	[tilespmem:s29], [sflag:$0x2] =	stream.indirect.gather [hbm4b:s6+s8], $0x10, s28, s8, $0xb8;
	[tilespmem:$0xEA00] =	vst v63  }
0xfd: {  	_ =	swait.ge [sflag:s9], $0x800  }
0xfe: {  	[sflag:s9] =	ssyncset.done $0x0  }
0xff: {  	[sflag:s9] =	ssyncadd.s32 $0xFFFFF800  }
0x100: {  	_ =	swait.ge [sflag:s9], $0x800  }
0x101: {  	[sflag:s9] =	ssyncset.done $0x0  }
0x102: {  	[sflag:s9] =	ssyncadd.s32 $0xFFFFF800  }
0x103: {  	_ =	swait.ge [sflag:s9], $0x800  }
0x104: {  	[sflag:s9] =	ssyncset.done $0x0  }
0x105: {  	[sflag:s9] =	ssyncadd.s32 $0xFFFFF800  }
0x106: {  	_ =	swait.ge [sflag:s9], $0x800  }
0x107: {  	[sflag:s9] =	ssyncset.done $0x0  }
0x108: {  	[sflag:s9] =	ssyncadd.s32 $0xFFFFF800  }
0x109: {  	_ =	swait.ge [sflag:s9], $0x800  }
0x10a: {  	[sflag:s9] =	ssyncset.done $0x0  }
0x10b: {  	[sflag:s9] =	ssyncadd.s32 $0xFFFFF800  }
0x10c: {  	_ =	swait.ge [sflag:s9], $0x800  }
0x10d: {  	[sflag:s9] =	ssyncset.done $0x0  }
0x10e: {  	[sflag:s9] =	ssyncadd.s32 $0xFFFFF800  }
0x10f: {  	_ =	swait.ge [sflag:s9], $0x800  }
0x110: {  	[sflag:s9] =	ssyncset.done $0x0  }
0x111: {  	[sflag:s9] =	ssyncadd.s32 $0xFFFFF800  }
0x112: {  	_ =	swait.ge [sflag:s9], $0x800  }
0x113: {  	[sflag:s9] =	ssyncset.done $0x0  }
0x114: {  	[sflag:s9] =	ssyncadd.s32 $0xFFFFF800  }
0x115: {  	_ =	swait.ge [sflag:s9], $0x800  }
0x116: {  	[sflag:s9] =	ssyncset.done $0x0  }
0x117: {  	[sflag:s9] =	ssyncadd.s32 $0xFFFFF800  }
0x118: {  	_ =	swait.ge [sflag:s9], $0x800  }
0x119: {  	[sflag:s9] =	ssyncset.done $0x0  }
0x11a: {  	[sflag:s9] =	ssyncadd.s32 $0xFFFFF800  }
0x11b: {  	_ =	swait.ge [sflag:s9], $0x800  }
0x11c: {  	[sflag:s9] =	ssyncset.done $0x0  }
0x11d: {  	[sflag:s9] =	ssyncadd.s32 $0xFFFFF800  }
0x11e: {  	_ =	swait.ge [sflag:s9], $0x800  }
0x11f: {  	[sflag:s9] =	ssyncset.done $0x0  }
0x120: {  	[sflag:s9] =	ssyncadd.s32 $0xFFFFF800  }
0x121: {  	_ =	swait.ge [sflag:s9], $0x800  }
0x122: {  	[sflag:s9] =	ssyncset.done $0x0  }
0x123: {  	s5 =	simm.s32 $0x1A00;
	s30 =	rddreg [dreg:$0x5];
	[sflag:s9] =	ssyncadd.s32 $0xFFFFF800  }
0x124: {  	[hbm4b:s30+s2] =	stream.linear.scatter [tilespmem:s5], [sflag:$0x3], $0x6800, $0x38;
	[tilespmem:$0xEA00] =	vst v63  }
0x125: {  	_ =	swait.ge [sflag:s18], $0x6800  }
0x126: {  	[sflag:s18] =	ssyncset.done $0x0  }
0x127: {  	[sflag:s18] =	ssyncadd.s32 $0xFFFF9800  }
0x128: {  	_ =	swait.ge [sflag:s7], $0x800  }
0x129: {  	[sflag:s7] =	ssyncset.done $0x0  }
0x12a: {  	[sflag:s7] =	ssyncadd.s32 $0xFFFFF800  }
0x12b: {  	_ =	swait.ge [sflag:s7], $0x800  }
0x12c: {  	[sflag:s7] =	ssyncset.done $0x0  }
0x12d: {  	[sflag:s7] =	ssyncadd.s32 $0xFFFFF800  }
0x12e: {  	_ =	swait.ge [sflag:s7], $0x800  }
0x12f: {  	[sflag:s7] =	ssyncset.done $0x0  }
0x130: {  	[sflag:s7] =	ssyncadd.s32 $0xFFFFF800  }
0x131: {  	_ =	swait.ge [sflag:s7], $0x800  }
0x132: {  	[sflag:s7] =	ssyncset.done $0x0  }
0x133: {  	[sflag:s7] =	ssyncadd.s32 $0xFFFFF800  }
0x134: {  	_ =	swait.ge [sflag:s7], $0x800  }
0x135: {  	[sflag:s7] =	ssyncset.done $0x0  }
0x136: {  	[sflag:s7] =	ssyncadd.s32 $0xFFFFF800  }
0x137: {  	_ =	swait.ge [sflag:s7], $0x800  }
0x138: {  	[sflag:s7] =	ssyncset.done $0x0  }
0x139: {  	[sflag:s7] =	ssyncadd.s32 $0xFFFFF800  }
0x13a: {  	_ =	swait.ge [sflag:s7], $0x800  }
0x13b: {  	[sflag:s7] =	ssyncset.done $0x0  }
0x13c: {  	[sflag:s7] =	ssyncadd.s32 $0xFFFFF800  }
0x13d: {  	_ =	swait.ge [sflag:s7], $0x800  }
0x13e: {  	[sflag:s7] =	ssyncset.done $0x0  }
0x13f: {  	[sflag:s7] =	ssyncadd.s32 $0xFFFFF800  }
0x140: {  	_ =	swait.ge [sflag:s7], $0x800  }
0x141: {  	[sflag:s7] =	ssyncset.done $0x0  }
0x142: {  	[sflag:s7] =	ssyncadd.s32 $0xFFFFF800  }
0x143: {  	_ =	swait.ge [sflag:s7], $0x800  }
0x144: {  	[sflag:s7] =	ssyncset.done $0x0  }
0x145: {  	[sflag:s7] =	ssyncadd.s32 $0xFFFFF800  }
0x146: {  	_ =	swait.ge [sflag:s7], $0x800  }
0x147: {  	[sflag:s7] =	ssyncset.done $0x0  }
0x148: {  	[sflag:s7] =	ssyncadd.s32 $0xFFFFF800  }
0x149: {  	_ =	swait.ge [sflag:s7], $0x800  }
0x14a: {  	[sflag:s7] =	ssyncset.done $0x0  }
0x14b: {  	[sflag:s7] =	ssyncadd.s32 $0xFFFFF800  }
0x14c: {  	p1 =	sne.s32 s13, $0x1;
	_ =	swait.ge [sflag:s7], $0x800  }
.Ltmp1:
0x14d: {  	[sflag:s7] =	ssyncset.done $0x0;
	(pc) =	sbr.rel @!p1 .LBB2_4-.Ltmp1, $4  }
0x14e: {  	s4 =	simm.s32 $0x8200;
	s31 =	rddreg [dreg:$0x6];
	[sflag:s7] =	ssyncadd.s32 $0xFFFFF800  }
0x14f: {  	[hbm4b:s31+s2] =	stream.linear.scatter [tilespmem:s4], [sflag:$0x3], $0x6800, $0x38;
	[tilespmem:$0xEA00] =	vst v63  }
0x150: {  	p0 =	por $0x1, $0x1;
	_ =	swait.ge [sflag:s18], $0x6800  }
0x151: {  	s11 =	sadd.s32 $0xFFFFFFFF, s13;
	s12 =	rddreg [dreg:$0x2];
	[sflag:s18] =	ssyncset.done $0x0  }
0x152: {  	s20 =	simm.s32 $0x0;
	s1 =	simm.s32 $0x2A00;
	s10 =	simm.s32 $0x3A00  }
0x153: {  	s14 =	simm.s32 $0x4200;
	s15 =	simm.s32 $0x4A00;
	s28 =	simm.s32 $0x5200  }
0x154: {  	s16 =	simm.s32 $0x5A00;
	s19 =	simm.s32 $0x6200;
	s17 =	simm.s32 $0x6A00  }
0x155: {  	s3 =	simm.s32 $0x7A00;
	s22 =	simm.s32 $0x8A00;
	s21 =	simm.s32 $0xAA00  }
0x156: {  	s26 =	simm.s32 $0xB200;
	s25 =	simm.s32 $0xBA00;
	s24 =	simm.s32 $0xC200  }
0x157: {  	s23 =	simm.s32 $0xCA00;
	s30 =	simm.s32 $0x1A00;
	s31 =	simm.s32 $0xE200  }
.LBB2_3:
0x158: {  	[sflag:s18] =	ssyncadd.s32 $0xFFFF9800  }
0x159: {  	[tilespmem:s2], [sflag:$0x3] =	stream.linear.gather [hbm4b:s12+s2], $0x1A00, $0x38;
	[tilespmem:$0xEA00] =	vst v63  }
0x15a: {  	_ =	swait.ge [sflag:s18], $0x1A00  }
0x15b: {  	[sflag:s18] =	ssyncset.done $0x0  }
0x15c: {  	[sflag:s18] =	ssyncadd.s32 $0xFFFFE600  }
0x15d: {  	[tilespmem:s5], [sflag:$0x1] =	stream.indirect.gather [hbm4b:s6+s8], $0x10, s2, s8, $0xb8;
	[tilespmem:$0xEA00] =	vst v63  }
0x15e: {  	s2 =	simm.s32 $0x2200  }
0x15f: {  	[tilespmem:s2], [sflag:$0x1] =	stream.indirect.gather [hbm4b:s6+s8], $0x10, s8, s8, $0xb8;
	[tilespmem:$0xEA00] =	vst v63  }
0x160: {  	s0 =	rddreg [dreg:$0x7]  }
0x161: {  	[tilespmem:s1], [sflag:$0x1] =	stream.indirect.gather [hbm4b:s6+s8], $0x10, s0, s8, $0xb8;
	[tilespmem:$0xEA00] =	vst v63  }
0x162: {  	s13 =	rddreg [dreg:$0x8];
	s0 =	simm.s32 $0x3200  }
0x163: {  	[tilespmem:s0], [sflag:$0x1] =	stream.indirect.gather [hbm4b:s6+s8], $0x10, s13, s8, $0xb8;
	[tilespmem:$0xEA00] =	vst v63  }
0x164: {  	s5 =	rddreg [dreg:$0x9]  }
0x165: {  	[tilespmem:s10], [sflag:$0x1] =	stream.indirect.gather [hbm4b:s6+s8], $0x10, s5, s8, $0xb8;
	[tilespmem:$0xEA00] =	vst v63  }
0x166: {  	s29 =	rddreg [dreg:$0xa]  }
0x167: {  	[tilespmem:s14], [sflag:$0x1] =	stream.indirect.gather [hbm4b:s6+s8], $0x10, s29, s8, $0xb8;
	[tilespmem:$0xEA00] =	vst v63  }
0x168: {  	s5 =	rddreg [dreg:$0xb]  }
0x169: {  	[tilespmem:s15], [sflag:$0x1] =	stream.indirect.gather [hbm4b:s6+s8], $0x10, s5, s8, $0xb8;
	[tilespmem:$0xEA00] =	vst v63  }
0x16a: {  	s29 =	rddreg [dreg:$0xc]  }
0x16b: {  	[tilespmem:s28], [sflag:$0x1] =	stream.indirect.gather [hbm4b:s6+s8], $0x10, s29, s8, $0xb8;
	[tilespmem:$0xEA00] =	vst v63  }
0x16c: {  	s5 =	rddreg [dreg:$0xd]  }
0x16d: {  	[tilespmem:s16], [sflag:$0x1] =	stream.indirect.gather [hbm4b:s6+s8], $0x10, s5, s8, $0xb8;
	[tilespmem:$0xEA00] =	vst v63  }
0x16e: {  	s29 =	rddreg [dreg:$0xe]  }
0x16f: {  	[tilespmem:s19], [sflag:$0x1] =	stream.indirect.gather [hbm4b:s6+s8], $0x10, s29, s8, $0xb8;
	[tilespmem:$0xEA00] =	vst v63  }
0x170: {  	s5 =	rddreg [dreg:$0xf]  }
0x171: {  	[tilespmem:s17], [sflag:$0x1] =	stream.indirect.gather [hbm4b:s6+s8], $0x10, s5, s8, $0xb8;
	[tilespmem:$0xEA00] =	vst v63  }
0x172: {  	s13 =	rddreg [dreg:$0x10];
	s5 =	simm.s32 $0x7200  }
0x173: {  	[tilespmem:s5], [sflag:$0x1] =	stream.indirect.gather [hbm4b:s6+s8], $0x10, s13, s8, $0xb8;
	[tilespmem:$0xEA00] =	vst v63  }
0x174: {  	s29 =	rddreg [dreg:$0x11]  }
0x175: {  	[tilespmem:s3], [sflag:$0x1] =	stream.indirect.gather [hbm4b:s6+s8], $0x10, s29, s8, $0xb8;
	[tilespmem:$0xEA00] =	vst v63  }
0x176: {  	s13 =	rddreg [dreg:$0x12]  }
0x177: {  	[tilespmem:s4], [sflag:$0x2] =	stream.indirect.gather [hbm4b:s6+s8], $0x10, s13, s8, $0xb8;
	[tilespmem:$0xEA00] =	vst v63  }
0x178: {  	s29 =	rddreg [dreg:$0x13]  }
0x179: {  	[tilespmem:s22], [sflag:$0x2] =	stream.indirect.gather [hbm4b:s6+s8], $0x10, s29, s8, $0xb8;
	[tilespmem:$0xEA00] =	vst v63  }
0x17a: {  	s4 =	rddreg [dreg:$0x14];
	s29 =	simm.s32 $0x9200  }
0x17b: {  	[tilespmem:s29], [sflag:$0x2] =	stream.indirect.gather [hbm4b:s6+s8], $0x10, s4, s8, $0xb8;
	[tilespmem:$0xEA00] =	vst v63  }
0x17c: {  	s12 =	rddreg [dreg:$0x15];
	s29 =	simm.s32 $0x9A00  }
0x17d: {  	[tilespmem:s29], [sflag:$0x2] =	stream.indirect.gather [hbm4b:s6+s8], $0x10, s12, s8, $0xb8;
	[tilespmem:$0xEA00] =	vst v63  }
0x17e: {  	s13 =	rddreg [dreg:$0x16];
	s29 =	simm.s32 $0xA200  }
0x17f: {  	[tilespmem:s29], [sflag:$0x2] =	stream.indirect.gather [hbm4b:s6+s8], $0x10, s13, s8, $0xb8;
	[tilespmem:$0xEA00] =	vst v63  }
0x180: {  	s12 =	rddreg [dreg:$0x17]  }
0x181: {  	[tilespmem:s21], [sflag:$0x2] =	stream.indirect.gather [hbm4b:s6+s8], $0x10, s12, s8, $0xb8;
	[tilespmem:$0xEA00] =	vst v63  }
0x182: {  	s29 =	rddreg [dreg:$0x18]  }
0x183: {  	[tilespmem:s26], [sflag:$0x2] =	stream.indirect.gather [hbm4b:s6+s8], $0x10, s29, s8, $0xb8;
	[tilespmem:$0xEA00] =	vst v63  }
0x184: {  	s4 =	rddreg [dreg:$0x19]  }
0x185: {  	[tilespmem:s25], [sflag:$0x2] =	stream.indirect.gather [hbm4b:s6+s8], $0x10, s4, s8, $0xb8;
	[tilespmem:$0xEA00] =	vst v63  }
0x186: {  	s29 =	rddreg [dreg:$0x1a]  }
0x187: {  	[tilespmem:s24], [sflag:$0x2] =	stream.indirect.gather [hbm4b:s6+s8], $0x10, s29, s8, $0xb8;
	[tilespmem:$0xEA00] =	vst v63  }
0x188: {  	s4 =	rddreg [dreg:$0x1b]  }
0x189: {  	[tilespmem:s23], [sflag:$0x2] =	stream.indirect.gather [hbm4b:s6+s8], $0x10, s4, s8, $0xb8;
	[tilespmem:$0xEA00] =	vst v63  }
0x18a: {  	s13 =	rddreg [dreg:$0x1c];
	s29 =	simm.s32 $0xD200  }
0x18b: {  	[tilespmem:s29], [sflag:$0x2] =	stream.indirect.gather [hbm4b:s6+s8], $0x10, s13, s8, $0xb8;
	[tilespmem:$0xEA00] =	vst v63  }
0x18c: {  	s12 =	rddreg [dreg:$0x1d];
	s29 =	simm.s32 $0xDA00  }
0x18d: {  	[tilespmem:s29], [sflag:$0x2] =	stream.indirect.gather [hbm4b:s6+s8], $0x10, s12, s8, $0xb8;
	[tilespmem:$0xEA00] =	vst v63  }
0x18e: {  	s13 =	rddreg [dreg:$0x1e]  }
0x18f: {  	[tilespmem:s31], [sflag:$0x2] =	stream.indirect.gather [hbm4b:s6+s8], $0x10, s13, s8, $0xb8;
	[tilespmem:$0xEA00] =	vst v63  }
0x190: {  	_ =	swait.ge [sflag:s9], $0x800  }
0x191: {  	[sflag:s9] =	ssyncset.done $0x0  }
0x192: {  	[sflag:s9] =	ssyncadd.s32 $0xFFFFF800  }
0x193: {  	_ =	swait.ge [sflag:s9], $0x800  }
0x194: {  	[sflag:s9] =	ssyncset.done $0x0  }
0x195: {  	[sflag:s9] =	ssyncadd.s32 $0xFFFFF800  }
0x196: {  	_ =	swait.ge [sflag:s9], $0x800  }
0x197: {  	[sflag:s9] =	ssyncset.done $0x0  }
0x198: {  	[sflag:s9] =	ssyncadd.s32 $0xFFFFF800  }
0x199: {  	_ =	swait.ge [sflag:s9], $0x800  }
0x19a: {  	[sflag:s9] =	ssyncset.done $0x0  }
0x19b: {  	[sflag:s9] =	ssyncadd.s32 $0xFFFFF800  }
0x19c: {  	_ =	swait.ge [sflag:s9], $0x800  }
0x19d: {  	[sflag:s9] =	ssyncset.done $0x0  }
0x19e: {  	[sflag:s9] =	ssyncadd.s32 $0xFFFFF800  }
0x19f: {  	_ =	swait.ge [sflag:s9], $0x800  }
0x1a0: {  	[sflag:s9] =	ssyncset.done $0x0  }
0x1a1: {  	[sflag:s9] =	ssyncadd.s32 $0xFFFFF800  }
0x1a2: {  	_ =	swait.ge [sflag:s9], $0x800  }
0x1a3: {  	[sflag:s9] =	ssyncset.done $0x0  }
0x1a4: {  	[sflag:s9] =	ssyncadd.s32 $0xFFFFF800  }
0x1a5: {  	_ =	swait.ge [sflag:s9], $0x800  }
0x1a6: {  	[sflag:s9] =	ssyncset.done $0x0  }
0x1a7: {  	[sflag:s9] =	ssyncadd.s32 $0xFFFFF800  }
0x1a8: {  	_ =	swait.ge [sflag:s9], $0x800  }
0x1a9: {  	[sflag:s9] =	ssyncset.done $0x0  }
0x1aa: {  	[sflag:s9] =	ssyncadd.s32 $0xFFFFF800  }
0x1ab: {  	_ =	swait.ge [sflag:s9], $0x800  }
0x1ac: {  	[sflag:s9] =	ssyncset.done $0x0  }
0x1ad: {  	[sflag:s9] =	ssyncadd.s32 $0xFFFFF800  }
0x1ae: {  	_ =	swait.ge [sflag:s9], $0x800  }
0x1af: {  	[sflag:s9] =	ssyncset.done $0x0  }
0x1b0: {  	[sflag:s9] =	ssyncadd.s32 $0xFFFFF800  }
0x1b1: {  	_ =	swait.ge [sflag:s9], $0x800  }
0x1b2: {  	[sflag:s9] =	ssyncset.done $0x0  }
0x1b3: {  	[sflag:s9] =	ssyncadd.s32 $0xFFFFF800  }
0x1b4: {  	_ =	swait.ge [sflag:s9], $0x800  }
0x1b5: {  	[sflag:s9] =	ssyncset.done $0x0  }
0x1b6: {  	s13 =	rddreg [dreg:$0x3];
	[sflag:s9] =	ssyncadd.s32 $0xFFFFF800  }
0x1b7: {  	[hbm4b:s13+s20] =	stream.linear.scatter [tilespmem:s30], [sflag:$0x3], $0x6800, $0x38;
	[tilespmem:$0xEA00] =	vst v63  }
0x1b8: {  	_ =	swait.ge [sflag:s18], $0x6800  }
0x1b9: {  	s12 =	rddreg [dreg:$0x1f];
	[sflag:s18] =	ssyncset.done $0x0  }
0x1ba: {  	s13 =	sld [smem:$0x7E5];
	[sflag:s18] =	ssyncadd.s32 $0xFFFF9800  }
0x1bb: {  	[tilespmem:s30], [sflag:$0x1] =	stream.indirect.gather [hbm4b:s6+s8], $0x10, s12, s8, $0xb8;
	[tilespmem:$0xEA00] =	vst v63  }
0x1bc: {  	s12 =	sld [smem:$0x7E6]  }
0x1bd: {  	[tilespmem:s2], [sflag:$0x1] =	stream.indirect.gather [hbm4b:s6+s8], $0x10, s13, s8, $0xb8;
	[tilespmem:$0xEA00] =	vst v63  }
0x1be: {  	s13 =	sld [smem:$0x7E7]  }
0x1bf: {  	[tilespmem:s1], [sflag:$0x1] =	stream.indirect.gather [hbm4b:s6+s8], $0x10, s12, s8, $0xb8;
	[tilespmem:$0xEA00] =	vst v63  }
0x1c0: {  	s12 =	sld [smem:$0x7E8]  }
0x1c1: {  	[tilespmem:s0], [sflag:$0x1] =	stream.indirect.gather [hbm4b:s6+s8], $0x10, s13, s8, $0xb8;
	[tilespmem:$0xEA00] =	vst v63  }
0x1c2: {  	s13 =	sld [smem:$0x7E9]  }
0x1c3: {  	[tilespmem:s10], [sflag:$0x1] =	stream.indirect.gather [hbm4b:s6+s8], $0x10, s12, s8, $0xb8;
	[tilespmem:$0xEA00] =	vst v63  }
0x1c4: {  	s0 =	sld [smem:$0x7EA]  }
0x1c5: {  	[tilespmem:s14], [sflag:$0x1] =	stream.indirect.gather [hbm4b:s6+s8], $0x10, s13, s8, $0xb8;
	[tilespmem:$0xEA00] =	vst v63  }
0x1c6: {  	s13 =	sld [smem:$0x7EB]  }
0x1c7: {  	[tilespmem:s15], [sflag:$0x1] =	stream.indirect.gather [hbm4b:s6+s8], $0x10, s0, s8, $0xb8;
	[tilespmem:$0xEA00] =	vst v63  }
0x1c8: {  	s0 =	sld [smem:$0x7EC]  }
0x1c9: {  	[tilespmem:s28], [sflag:$0x1] =	stream.indirect.gather [hbm4b:s6+s8], $0x10, s13, s8, $0xb8;
	[tilespmem:$0xEA00] =	vst v63  }
0x1ca: {  	s13 =	sld [smem:$0x7ED]  }
0x1cb: {  	[tilespmem:s16], [sflag:$0x1] =	stream.indirect.gather [hbm4b:s6+s8], $0x10, s0, s8, $0xb8;
	[tilespmem:$0xEA00] =	vst v63  }
0x1cc: {  	s0 =	sld [smem:$0x7EE]  }
0x1cd: {  	[tilespmem:s19], [sflag:$0x1] =	stream.indirect.gather [hbm4b:s6+s8], $0x10, s13, s8, $0xb8;
	[tilespmem:$0xEA00] =	vst v63  }
0x1ce: {  	s13 =	sld [smem:$0x7EF]  }
0x1cf: {  	[tilespmem:s17], [sflag:$0x1] =	stream.indirect.gather [hbm4b:s6+s8], $0x10, s0, s8, $0xb8;
	[tilespmem:$0xEA00] =	vst v63  }
0x1d0: {  	s0 =	sld [smem:$0x7F0]  }
0x1d1: {  	[tilespmem:s5], [sflag:$0x1] =	stream.indirect.gather [hbm4b:s6+s8], $0x10, s13, s8, $0xb8;
	[tilespmem:$0xEA00] =	vst v63  }
0x1d2: {  	_ = 	snop  }
0x1d3: {  	[tilespmem:s3], [sflag:$0x1] =	stream.indirect.gather [hbm4b:s6+s8], $0x10, s0, s8, $0xb8;
	[tilespmem:$0xEA00] =	vst v63  }
0x1d4: {  	_ =	swait.ge [sflag:s7], $0x800  }
0x1d5: {  	[sflag:s7] =	ssyncset.done $0x0  }
0x1d6: {  	[sflag:s7] =	ssyncadd.s32 $0xFFFFF800  }
0x1d7: {  	_ =	swait.ge [sflag:s7], $0x800  }
0x1d8: {  	[sflag:s7] =	ssyncset.done $0x0  }
0x1d9: {  	[sflag:s7] =	ssyncadd.s32 $0xFFFFF800  }
0x1da: {  	_ =	swait.ge [sflag:s7], $0x800  }
0x1db: {  	[sflag:s7] =	ssyncset.done $0x0  }
0x1dc: {  	[sflag:s7] =	ssyncadd.s32 $0xFFFFF800  }
0x1dd: {  	_ =	swait.ge [sflag:s7], $0x800  }
0x1de: {  	[sflag:s7] =	ssyncset.done $0x0  }
0x1df: {  	[sflag:s7] =	ssyncadd.s32 $0xFFFFF800  }
0x1e0: {  	_ =	swait.ge [sflag:s7], $0x800  }
0x1e1: {  	[sflag:s7] =	ssyncset.done $0x0  }
0x1e2: {  	[sflag:s7] =	ssyncadd.s32 $0xFFFFF800  }
0x1e3: {  	_ =	swait.ge [sflag:s7], $0x800  }
0x1e4: {  	[sflag:s7] =	ssyncset.done $0x0  }
0x1e5: {  	[sflag:s7] =	ssyncadd.s32 $0xFFFFF800  }
0x1e6: {  	_ =	swait.ge [sflag:s7], $0x800  }
0x1e7: {  	[sflag:s7] =	ssyncset.done $0x0  }
0x1e8: {  	[sflag:s7] =	ssyncadd.s32 $0xFFFFF800  }
0x1e9: {  	_ =	swait.ge [sflag:s7], $0x800  }
0x1ea: {  	[sflag:s7] =	ssyncset.done $0x0  }
0x1eb: {  	[sflag:s7] =	ssyncadd.s32 $0xFFFFF800  }
0x1ec: {  	_ =	swait.ge [sflag:s7], $0x800  }
0x1ed: {  	[sflag:s7] =	ssyncset.done $0x0  }
0x1ee: {  	[sflag:s7] =	ssyncadd.s32 $0xFFFFF800  }
0x1ef: {  	_ =	swait.ge [sflag:s7], $0x800  }
0x1f0: {  	[sflag:s7] =	ssyncset.done $0x0  }
0x1f1: {  	[sflag:s7] =	ssyncadd.s32 $0xFFFFF800  }
0x1f2: {  	_ =	swait.ge [sflag:s7], $0x800  }
0x1f3: {  	[sflag:s7] =	ssyncset.done $0x0  }
0x1f4: {  	[sflag:s7] =	ssyncadd.s32 $0xFFFFF800  }
0x1f5: {  	_ =	swait.ge [sflag:s7], $0x800  }
0x1f6: {  	[sflag:s7] =	ssyncset.done $0x0  }
0x1f7: {  	[sflag:s7] =	ssyncadd.s32 $0xFFFFF800  }
0x1f8: {  	_ =	swait.ge [sflag:s7], $0x800  }
0x1f9: {  	s4 =	simm.s32 $0x8200;
	[sflag:s7] =	ssyncset.done $0x0  }
0x1fa: {  	s2 =	simm.s32 $0x0;
	s0 =	rddreg [dreg:$0x4];
	[sflag:s7] =	ssyncadd.s32 $0xFFFFF800  }
0x1fb: {  	[hbm4b:s0+s2] =	stream.linear.scatter [tilespmem:s4], [sflag:$0x3], $0x6800, $0x38;
	[tilespmem:$0xEA00] =	vst v63  }
0x1fc: {  	_ =	swait.ge [sflag:s18], $0x6800  }
0x1fd: {  	s5 =	sld [smem:$0x7F1]  }
0x1fe: {  	[sflag:s18] =	ssyncset.done $0x0  }
0x1ff: {  	s13 =	sld [smem:$0x7F2];
	[sflag:s18] =	ssyncadd.s32 $0xFFFF9800  }
0x200: {  	[tilespmem:s4], [sflag:$0x2] =	stream.indirect.gather [hbm4b:s6+s8], $0x10, s5, s8, $0xb8;
	[tilespmem:$0xEA00] =	vst v63  }
0x201: {  	s0 =	sld [smem:$0x7F3]  }
0x202: {  	[tilespmem:s22], [sflag:$0x2] =	stream.indirect.gather [hbm4b:s6+s8], $0x10, s13, s8, $0xb8;
	[tilespmem:$0xEA00] =	vst v63  }
0x203: {  	s4 =	simm.s32 $0x9200;
	s13 =	sld [smem:$0x7F4]  }
0x204: {  	[tilespmem:s4], [sflag:$0x2] =	stream.indirect.gather [hbm4b:s6+s8], $0x10, s0, s8, $0xb8;
	[tilespmem:$0xEA00] =	vst v63  }
0x205: {  	s12 =	sld [smem:$0x7F5];
	s4 =	simm.s32 $0x9A00  }
0x206: {  	[tilespmem:s4], [sflag:$0x2] =	stream.indirect.gather [hbm4b:s6+s8], $0x10, s13, s8, $0xb8;
	[tilespmem:$0xEA00] =	vst v63  }
0x207: {  	s13 =	sld [smem:$0x7F6];
	s4 =	simm.s32 $0xA200  }
0x208: {  	[tilespmem:s4], [sflag:$0x2] =	stream.indirect.gather [hbm4b:s6+s8], $0x10, s12, s8, $0xb8;
	[tilespmem:$0xEA00] =	vst v63  }
0x209: {  	s0 =	sld [smem:$0x7F7]  }
0x20a: {  	[tilespmem:s21], [sflag:$0x2] =	stream.indirect.gather [hbm4b:s6+s8], $0x10, s13, s8, $0xb8;
	[tilespmem:$0xEA00] =	vst v63  }
0x20b: {  	s4 =	sld [smem:$0x7F8]  }
0x20c: {  	[tilespmem:s26], [sflag:$0x2] =	stream.indirect.gather [hbm4b:s6+s8], $0x10, s0, s8, $0xb8;
	[tilespmem:$0xEA00] =	vst v63  }
0x20d: {  	s0 =	sld [smem:$0x7F9]  }
0x20e: {  	[tilespmem:s25], [sflag:$0x2] =	stream.indirect.gather [hbm4b:s6+s8], $0x10, s4, s8, $0xb8;
	[tilespmem:$0xEA00] =	vst v63  }
0x20f: {  	s4 =	sld [smem:$0x7FA]  }
0x210: {  	[tilespmem:s24], [sflag:$0x2] =	stream.indirect.gather [hbm4b:s6+s8], $0x10, s0, s8, $0xb8;
	[tilespmem:$0xEA00] =	vst v63  }
0x211: {  	s0 =	sld [smem:$0x7FB]  }
0x212: {  	[tilespmem:s23], [sflag:$0x2] =	stream.indirect.gather [hbm4b:s6+s8], $0x10, s4, s8, $0xb8;
	[tilespmem:$0xEA00] =	vst v63  }
0x213: {  	s13 =	sld [smem:$0x7FC];
	s4 =	simm.s32 $0xD200  }
0x214: {  	[tilespmem:s4], [sflag:$0x2] =	stream.indirect.gather [hbm4b:s6+s8], $0x10, s0, s8, $0xb8;
	[tilespmem:$0xEA00] =	vst v63  }
0x215: {  	s0 =	sld [smem:$0x7FD]  }
0x216: {  	[tilespmem:s29], [sflag:$0x2] =	stream.indirect.gather [hbm4b:s6+s8], $0x10, s13, s8, $0xb8;
	[tilespmem:$0xEA00] =	vst v63  }
0x217: {  	_ = 	snop  }
0x218: {  	[tilespmem:s31], [sflag:$0x2] =	stream.indirect.gather [hbm4b:s6+s8], $0x10, s0, s8, $0xb8;
	[tilespmem:$0xEA00] =	vst v63  }
0x219: {  	_ =	swait.ge [sflag:s9], $0x800  }
0x21a: {  	[sflag:s9] =	ssyncset.done $0x0  }
0x21b: {  	[sflag:s9] =	ssyncadd.s32 $0xFFFFF800  }
0x21c: {  	_ =	swait.ge [sflag:s9], $0x800  }
0x21d: {  	[sflag:s9] =	ssyncset.done $0x0  }
0x21e: {  	[sflag:s9] =	ssyncadd.s32 $0xFFFFF800  }
0x21f: {  	_ =	swait.ge [sflag:s9], $0x800  }
0x220: {  	[sflag:s9] =	ssyncset.done $0x0  }
0x221: {  	[sflag:s9] =	ssyncadd.s32 $0xFFFFF800  }
0x222: {  	_ =	swait.ge [sflag:s9], $0x800  }
0x223: {  	[sflag:s9] =	ssyncset.done $0x0  }
0x224: {  	[sflag:s9] =	ssyncadd.s32 $0xFFFFF800  }
0x225: {  	_ =	swait.ge [sflag:s9], $0x800  }
0x226: {  	[sflag:s9] =	ssyncset.done $0x0  }
0x227: {  	[sflag:s9] =	ssyncadd.s32 $0xFFFFF800  }
0x228: {  	_ =	swait.ge [sflag:s9], $0x800  }
0x229: {  	[sflag:s9] =	ssyncset.done $0x0  }
0x22a: {  	[sflag:s9] =	ssyncadd.s32 $0xFFFFF800  }
0x22b: {  	_ =	swait.ge [sflag:s9], $0x800  }
0x22c: {  	[sflag:s9] =	ssyncset.done $0x0  }
0x22d: {  	[sflag:s9] =	ssyncadd.s32 $0xFFFFF800  }
0x22e: {  	_ =	swait.ge [sflag:s9], $0x800  }
0x22f: {  	[sflag:s9] =	ssyncset.done $0x0  }
0x230: {  	[sflag:s9] =	ssyncadd.s32 $0xFFFFF800  }
0x231: {  	_ =	swait.ge [sflag:s9], $0x800  }
0x232: {  	[sflag:s9] =	ssyncset.done $0x0  }
0x233: {  	[sflag:s9] =	ssyncadd.s32 $0xFFFFF800  }
0x234: {  	_ =	swait.ge [sflag:s9], $0x800  }
0x235: {  	[sflag:s9] =	ssyncset.done $0x0  }
0x236: {  	[sflag:s9] =	ssyncadd.s32 $0xFFFFF800  }
0x237: {  	_ =	swait.ge [sflag:s9], $0x800  }
0x238: {  	[sflag:s9] =	ssyncset.done $0x0  }
0x239: {  	[sflag:s9] =	ssyncadd.s32 $0xFFFFF800  }
0x23a: {  	_ =	swait.ge [sflag:s9], $0x800  }
0x23b: {  	[sflag:s9] =	ssyncset.done $0x0  }
0x23c: {  	[sflag:s9] =	ssyncadd.s32 $0xFFFFF800  }
0x23d: {  	_ =	swait.ge [sflag:s9], $0x800  }
0x23e: {  	[sflag:s9] =	ssyncset.done $0x0  }
0x23f: {  	s5 =	simm.s32 $0x1A00;
	s13 =	rddreg [dreg:$0x5];
	[sflag:s9] =	ssyncadd.s32 $0xFFFFF800  }
0x240: {  	[hbm4b:s13+s2] =	stream.linear.scatter [tilespmem:s5], [sflag:$0x3], $0x6800, $0x38;
	[tilespmem:$0xEA00] =	vst v63  }
0x241: {  	_ =	swait.ge [sflag:s18], $0x6800  }
0x242: {  	[sflag:s18] =	ssyncset.done $0x0  }
0x243: {  	[sflag:s18] =	ssyncadd.s32 $0xFFFF9800  }
0x244: {  	_ =	swait.ge [sflag:s7], $0x800  }
0x245: {  	[sflag:s7] =	ssyncset.done $0x0  }
0x246: {  	[sflag:s7] =	ssyncadd.s32 $0xFFFFF800  }
0x247: {  	_ =	swait.ge [sflag:s7], $0x800  }
0x248: {  	[sflag:s7] =	ssyncset.done $0x0  }
0x249: {  	[sflag:s7] =	ssyncadd.s32 $0xFFFFF800  }
0x24a: {  	_ =	swait.ge [sflag:s7], $0x800  }
0x24b: {  	[sflag:s7] =	ssyncset.done $0x0  }
0x24c: {  	[sflag:s7] =	ssyncadd.s32 $0xFFFFF800  }
0x24d: {  	_ =	swait.ge [sflag:s7], $0x800  }
0x24e: {  	[sflag:s7] =	ssyncset.done $0x0  }
0x24f: {  	[sflag:s7] =	ssyncadd.s32 $0xFFFFF800  }
0x250: {  	_ =	swait.ge [sflag:s7], $0x800  }
0x251: {  	[sflag:s7] =	ssyncset.done $0x0  }
0x252: {  	[sflag:s7] =	ssyncadd.s32 $0xFFFFF800  }
0x253: {  	_ =	swait.ge [sflag:s7], $0x800  }
0x254: {  	[sflag:s7] =	ssyncset.done $0x0  }
0x255: {  	[sflag:s7] =	ssyncadd.s32 $0xFFFFF800  }
0x256: {  	_ =	swait.ge [sflag:s7], $0x800  }
0x257: {  	[sflag:s7] =	ssyncset.done $0x0  }
0x258: {  	[sflag:s7] =	ssyncadd.s32 $0xFFFFF800  }
0x259: {  	_ =	swait.ge [sflag:s7], $0x800  }
0x25a: {  	[sflag:s7] =	ssyncset.done $0x0  }
0x25b: {  	[sflag:s7] =	ssyncadd.s32 $0xFFFFF800  }
0x25c: {  	_ =	swait.ge [sflag:s7], $0x800  }
0x25d: {  	[sflag:s7] =	ssyncset.done $0x0  }
0x25e: {  	[sflag:s7] =	ssyncadd.s32 $0xFFFFF800  }
0x25f: {  	_ =	swait.ge [sflag:s7], $0x800  }
0x260: {  	[sflag:s7] =	ssyncset.done $0x0  }
0x261: {  	[sflag:s7] =	ssyncadd.s32 $0xFFFFF800  }
0x262: {  	_ =	swait.ge [sflag:s7], $0x800  }
0x263: {  	[sflag:s7] =	ssyncset.done $0x0  }
0x264: {  	[sflag:s7] =	ssyncadd.s32 $0xFFFFF800  }
0x265: {  	_ =	swait.ge [sflag:s7], $0x800  }
0x266: {  	[sflag:s7] =	ssyncset.done $0x0  }
0x267: {  	[sflag:s7] =	ssyncadd.s32 $0xFFFFF800  }
0x268: {  	p1 =	sne.s32 s11, $0x1;
	_ =	swait.ge [sflag:s7], $0x800  }
.Ltmp2:
0x269: {  	[sflag:s7] =	ssyncset.done $0x0;
	(pc) =	sbr.rel @p1 .LBB2_3-.Ltmp2, $4  }
0x26a: {  	s4 =	simm.s32 $0x8200;
	s29 =	rddreg [dreg:$0x6];
	[sflag:s7] =	ssyncadd.s32 $0xFFFFF800  }
0x26b: {  	[hbm4b:s29+s2] =	stream.linear.scatter [tilespmem:s4], [sflag:$0x3], $0x6800, $0x38;
	[tilespmem:$0xEA00] =	vst v63  }
0x26c: {  	_ =	swait.ge [sflag:s18], $0x6800  }
0x26d: {  	s11 =	sadd.s32 $0xFFFFFFFF, s11;
	s12 =	rddreg [dreg:$0x2];
	[sflag:s18] =	ssyncset.done $0x0  }
.LBB2_4:
0x26e: {  	[sflag:s18] =	ssyncadd.s32 @p0 $0xFFFF9800  }
0x26f: {  	[tilespmem:s2], [sflag:$0x3] =	stream.linear.gather [hbm4b:s12+s2], $0x1A00, $0x38;
	[tilespmem:$0xEA00] =	vst v63  }
0x270: {  	_ =	swait.ge [sflag:s18], $0x1A00  }
0x271: {  	[sflag:s18] =	ssyncset.done $0x0  }
0x272: {  	[sflag:s18] =	ssyncadd.s32 $0xFFFFE600  }
0x273: {  	[tilespmem:s5], [sflag:$0x1] =	stream.indirect.gather [hbm4b:s6+s8], $0x10, s2, s8, $0xb8;
	[tilespmem:$0xEA00] =	vst v63  }
0x274: {  	s26 =	simm.s32 $0x2200  }
0x275: {  	[tilespmem:s26], [sflag:$0x1] =	stream.indirect.gather [hbm4b:s6+s8], $0x10, s8, s8, $0xb8;
	[tilespmem:$0xEA00] =	vst v63  }
0x276: {  	s28 =	simm.s32 $0x2A00;
	s11 =	rddreg [dreg:$0x7]  }
0x277: {  	[tilespmem:s28], [sflag:$0x1] =	stream.indirect.gather [hbm4b:s6+s8], $0x10, s11, s8, $0xb8;
	[tilespmem:$0xEA00] =	vst v63  }
0x278: {  	s29 =	simm.s32 $0x3200;
	s19 =	rddreg [dreg:$0x8]  }
0x279: {  	[tilespmem:s29], [sflag:$0x1] =	stream.indirect.gather [hbm4b:s6+s8], $0x10, s19, s8, $0xb8;
	[tilespmem:$0xEA00] =	vst v63  }
0x27a: {  	s30 =	simm.s32 $0x3A00;
	s20 =	rddreg [dreg:$0x9]  }
0x27b: {  	[tilespmem:s30], [sflag:$0x1] =	stream.indirect.gather [hbm4b:s6+s8], $0x10, s20, s8, $0xb8;
	[tilespmem:$0xEA00] =	vst v63  }
0x27c: {  	s31 =	simm.s32 $0x4200;
	s21 =	rddreg [dreg:$0xa]  }
0x27d: {  	[tilespmem:s31], [sflag:$0x1] =	stream.indirect.gather [hbm4b:s6+s8], $0x10, s21, s8, $0xb8;
	[tilespmem:$0xEA00] =	vst v63  }
0x27e: {  	s1 =	simm.s32 $0x4A00;
	s22 =	rddreg [dreg:$0xb]  }
0x27f: {  	[tilespmem:s1], [sflag:$0x1] =	stream.indirect.gather [hbm4b:s6+s8], $0x10, s22, s8, $0xb8;
	[tilespmem:$0xEA00] =	vst v63  }
0x280: {  	s14 =	simm.s32 $0x5200;
	s23 =	rddreg [dreg:$0xc]  }
0x281: {  	[tilespmem:s14], [sflag:$0x1] =	stream.indirect.gather [hbm4b:s6+s8], $0x10, s23, s8, $0xb8;
	[tilespmem:$0xEA00] =	vst v63  }
0x282: {  	s10 =	simm.s32 $0x5A00;
	s24 =	rddreg [dreg:$0xd]  }
0x283: {  	[tilespmem:s10], [sflag:$0x1] =	stream.indirect.gather [hbm4b:s6+s8], $0x10, s24, s8, $0xb8;
	[tilespmem:$0xEA00] =	vst v63  }
0x284: {  	s16 =	simm.s32 $0x6200;
	s25 =	rddreg [dreg:$0xe]  }
0x285: {  	[tilespmem:s16], [sflag:$0x1] =	stream.indirect.gather [hbm4b:s6+s8], $0x10, s25, s8, $0xb8;
	[tilespmem:$0xEA00] =	vst v63  }
0x286: {  	s13 =	simm.s32 $0x6A00;
	s0 =	rddreg [dreg:$0xf]  }
0x287: {  	[tilespmem:s13], [sflag:$0x1] =	stream.indirect.gather [hbm4b:s6+s8], $0x10, s0, s8, $0xb8;
	[tilespmem:$0xEA00] =	vst v63  }
0x288: {  	s15 =	simm.s32 $0x7200;
	s3 =	rddreg [dreg:$0x10]  }
0x289: {  	[tilespmem:s15], [sflag:$0x1] =	stream.indirect.gather [hbm4b:s6+s8], $0x10, s3, s8, $0xb8;
	[tilespmem:$0xEA00] =	vst v63  }
0x28a: {  	s17 =	rddreg [dreg:$0x11];
	s0 =	simm.s32 $0x7A00  }
0x28b: {  	[tilespmem:s0], [sflag:$0x1] =	stream.indirect.gather [hbm4b:s6+s8], $0x10, s17, s8, $0xb8;
	[tilespmem:$0xEA00] =	vst v63  }
0x28c: {  	s19 =	rddreg [dreg:$0x12]  }
0x28d: {  	[tilespmem:s4], [sflag:$0x2] =	stream.indirect.gather [hbm4b:s6+s8], $0x10, s19, s8, $0xb8;
	[tilespmem:$0xEA00] =	vst v63  }
0x28e: {  	s20 =	rddreg [dreg:$0x13];
	s3 =	simm.s32 $0x8A00  }
0x28f: {  	[tilespmem:s3], [sflag:$0x2] =	stream.indirect.gather [hbm4b:s6+s8], $0x10, s20, s8, $0xb8;
	[tilespmem:$0xEA00] =	vst v63  }
0x290: {  	s21 =	rddreg [dreg:$0x14];
	s23 =	simm.s32 $0x9200  }
0x291: {  	[tilespmem:s23], [sflag:$0x2] =	stream.indirect.gather [hbm4b:s6+s8], $0x10, s21, s8, $0xb8;
	[tilespmem:$0xEA00] =	vst v63  }
0x292: {  	s22 =	rddreg [dreg:$0x15];
	s25 =	simm.s32 $0x9A00  }
0x293: {  	[tilespmem:s25], [sflag:$0x2] =	stream.indirect.gather [hbm4b:s6+s8], $0x10, s22, s8, $0xb8;
	[tilespmem:$0xEA00] =	vst v63  }
0x294: {  	s24 =	rddreg [dreg:$0x16];
	s19 =	simm.s32 $0xA200  }
0x295: {  	[tilespmem:s19], [sflag:$0x2] =	stream.indirect.gather [hbm4b:s6+s8], $0x10, s24, s8, $0xb8;
	[tilespmem:$0xEA00] =	vst v63  }
0x296: {  	s3 =	rddreg [dreg:$0x17];
	s22 =	simm.s32 $0xAA00  }
0x297: {  	[tilespmem:s22], [sflag:$0x2] =	stream.indirect.gather [hbm4b:s6+s8], $0x10, s3, s8, $0xb8;
	[tilespmem:$0xEA00] =	vst v63  }
0x298: {  	s17 =	rddreg [dreg:$0x18];
	s25 =	simm.s32 $0xB200  }
0x299: {  	[tilespmem:s25], [sflag:$0x2] =	stream.indirect.gather [hbm4b:s6+s8], $0x10, s17, s8, $0xb8;
	[tilespmem:$0xEA00] =	vst v63  }
0x29a: {  	s20 =	rddreg [dreg:$0x19];
	s24 =	simm.s32 $0xBA00  }
0x29b: {  	[tilespmem:s24], [sflag:$0x2] =	stream.indirect.gather [hbm4b:s6+s8], $0x10, s20, s8, $0xb8;
	[tilespmem:$0xEA00] =	vst v63  }
0x29c: {  	s21 =	rddreg [dreg:$0x1a];
	s23 =	simm.s32 $0xC200  }
0x29d: {  	[tilespmem:s23], [sflag:$0x2] =	stream.indirect.gather [hbm4b:s6+s8], $0x10, s21, s8, $0xb8;
	[tilespmem:$0xEA00] =	vst v63  }
0x29e: {  	s3 =	rddreg [dreg:$0x1b];
	s21 =	simm.s32 $0xCA00  }
0x29f: {  	[tilespmem:s21], [sflag:$0x2] =	stream.indirect.gather [hbm4b:s6+s8], $0x10, s3, s8, $0xb8;
	[tilespmem:$0xEA00] =	vst v63  }
0x2a0: {  	s17 =	rddreg [dreg:$0x1c];
	s20 =	simm.s32 $0xD200  }
0x2a1: {  	[tilespmem:s20], [sflag:$0x2] =	stream.indirect.gather [hbm4b:s6+s8], $0x10, s17, s8, $0xb8;
	[tilespmem:$0xEA00] =	vst v63  }
0x2a2: {  	s3 =	rddreg [dreg:$0x1d];
	s17 =	simm.s32 $0xDA00  }
0x2a3: {  	[tilespmem:s17], [sflag:$0x2] =	stream.indirect.gather [hbm4b:s6+s8], $0x10, s3, s8, $0xb8;
	[tilespmem:$0xEA00] =	vst v63  }
0x2a4: {  	s12 =	rddreg [dreg:$0x1e];
	s3 =	simm.s32 $0xE200  }
0x2a5: {  	[tilespmem:s3], [sflag:$0x2] =	stream.indirect.gather [hbm4b:s6+s8], $0x10, s12, s8, $0xb8;
	[tilespmem:$0xEA00] =	vst v63  }
0x2a6: {  	_ =	swait.ge [sflag:s9], $0x800  }
0x2a7: {  	[sflag:s9] =	ssyncset.done $0x0  }
0x2a8: {  	[sflag:s9] =	ssyncadd.s32 $0xFFFFF800  }
0x2a9: {  	_ =	swait.ge [sflag:s9], $0x800  }
0x2aa: {  	[sflag:s9] =	ssyncset.done $0x0  }
0x2ab: {  	[sflag:s9] =	ssyncadd.s32 $0xFFFFF800  }
0x2ac: {  	_ =	swait.ge [sflag:s9], $0x800  }
0x2ad: {  	[sflag:s9] =	ssyncset.done $0x0  }
0x2ae: {  	[sflag:s9] =	ssyncadd.s32 $0xFFFFF800  }
0x2af: {  	_ =	swait.ge [sflag:s9], $0x800  }
0x2b0: {  	[sflag:s9] =	ssyncset.done $0x0  }
0x2b1: {  	[sflag:s9] =	ssyncadd.s32 $0xFFFFF800  }
0x2b2: {  	_ =	swait.ge [sflag:s9], $0x800  }
0x2b3: {  	[sflag:s9] =	ssyncset.done $0x0  }
0x2b4: {  	[sflag:s9] =	ssyncadd.s32 $0xFFFFF800  }
0x2b5: {  	_ =	swait.ge [sflag:s9], $0x800  }
0x2b6: {  	[sflag:s9] =	ssyncset.done $0x0  }
0x2b7: {  	[sflag:s9] =	ssyncadd.s32 $0xFFFFF800  }
0x2b8: {  	_ =	swait.ge [sflag:s9], $0x800  }
0x2b9: {  	[sflag:s9] =	ssyncset.done $0x0  }
0x2ba: {  	[sflag:s9] =	ssyncadd.s32 $0xFFFFF800  }
0x2bb: {  	_ =	swait.ge [sflag:s9], $0x800  }
0x2bc: {  	[sflag:s9] =	ssyncset.done $0x0  }
0x2bd: {  	[sflag:s9] =	ssyncadd.s32 $0xFFFFF800  }
0x2be: {  	_ =	swait.ge [sflag:s9], $0x800  }
0x2bf: {  	[sflag:s9] =	ssyncset.done $0x0  }
0x2c0: {  	[sflag:s9] =	ssyncadd.s32 $0xFFFFF800  }
0x2c1: {  	_ =	swait.ge [sflag:s9], $0x800  }
0x2c2: {  	[sflag:s9] =	ssyncset.done $0x0  }
0x2c3: {  	[sflag:s9] =	ssyncadd.s32 $0xFFFFF800  }
0x2c4: {  	_ =	swait.ge [sflag:s9], $0x800  }
0x2c5: {  	[sflag:s9] =	ssyncset.done $0x0  }
0x2c6: {  	[sflag:s9] =	ssyncadd.s32 $0xFFFFF800  }
0x2c7: {  	_ =	swait.ge [sflag:s9], $0x800  }
0x2c8: {  	[sflag:s9] =	ssyncset.done $0x0  }
0x2c9: {  	[sflag:s9] =	ssyncadd.s32 $0xFFFFF800  }
0x2ca: {  	_ =	swait.ge [sflag:s9], $0x800  }
0x2cb: {  	[sflag:s9] =	ssyncset.done $0x0  }
0x2cc: {  	s12 =	rddreg [dreg:$0x3];
	[sflag:s9] =	ssyncadd.s32 $0xFFFFF800  }
0x2cd: {  	[hbm4b:s12+s2] =	stream.linear.scatter [tilespmem:s5], [sflag:$0x3], $0x6800, $0x38;
	[tilespmem:$0xEA00] =	vst v63  }
0x2ce: {  	_ =	swait.ge [sflag:s18], $0x6800  }
0x2cf: {  	s11 =	rddreg [dreg:$0x1f];
	[sflag:s18] =	ssyncset.done $0x0  }
0x2d0: {  	s12 =	sld [smem:$0x7E5];
	[sflag:s18] =	ssyncadd.s32 $0xFFFF9800  }
0x2d1: {  	[tilespmem:s5], [sflag:$0x1] =	stream.indirect.gather [hbm4b:s6+s8], $0x10, s11, s8, $0xb8;
	[tilespmem:$0xEA00] =	vst v63  }
0x2d2: {  	s11 =	sld [smem:$0x7E6]  }
0x2d3: {  	[tilespmem:s26], [sflag:$0x1] =	stream.indirect.gather [hbm4b:s6+s8], $0x10, s12, s8, $0xb8;
	[tilespmem:$0xEA00] =	vst v63  }
0x2d4: {  	s12 =	sld [smem:$0x7E7]  }
0x2d5: {  	[tilespmem:s28], [sflag:$0x1] =	stream.indirect.gather [hbm4b:s6+s8], $0x10, s11, s8, $0xb8;
	[tilespmem:$0xEA00] =	vst v63  }
0x2d6: {  	s26 =	sld [smem:$0x7E8]  }
0x2d7: {  	[tilespmem:s29], [sflag:$0x1] =	stream.indirect.gather [hbm4b:s6+s8], $0x10, s12, s8, $0xb8;
	[tilespmem:$0xEA00] =	vst v63  }
0x2d8: {  	s28 =	sld [smem:$0x7E9]  }
0x2d9: {  	[tilespmem:s30], [sflag:$0x1] =	stream.indirect.gather [hbm4b:s6+s8], $0x10, s26, s8, $0xb8;
	[tilespmem:$0xEA00] =	vst v63  }
0x2da: {  	s29 =	sld [smem:$0x7EA]  }
0x2db: {  	[tilespmem:s31], [sflag:$0x1] =	stream.indirect.gather [hbm4b:s6+s8], $0x10, s28, s8, $0xb8;
	[tilespmem:$0xEA00] =	vst v63  }
0x2dc: {  	s30 =	sld [smem:$0x7EB]  }
0x2dd: {  	[tilespmem:s1], [sflag:$0x1] =	stream.indirect.gather [hbm4b:s6+s8], $0x10, s29, s8, $0xb8;
	[tilespmem:$0xEA00] =	vst v63  }
0x2de: {  	s31 =	sld [smem:$0x7EC]  }
0x2df: {  	[tilespmem:s14], [sflag:$0x1] =	stream.indirect.gather [hbm4b:s6+s8], $0x10, s30, s8, $0xb8;
	[tilespmem:$0xEA00] =	vst v63  }
0x2e0: {  	s1 =	sld [smem:$0x7ED]  }
0x2e1: {  	[tilespmem:s10], [sflag:$0x1] =	stream.indirect.gather [hbm4b:s6+s8], $0x10, s31, s8, $0xb8;
	[tilespmem:$0xEA00] =	vst v63  }
0x2e2: {  	s10 =	sld [smem:$0x7EE]  }
0x2e3: {  	[tilespmem:s16], [sflag:$0x1] =	stream.indirect.gather [hbm4b:s6+s8], $0x10, s1, s8, $0xb8;
	[tilespmem:$0xEA00] =	vst v63  }
0x2e4: {  	s14 =	sld [smem:$0x7EF]  }
0x2e5: {  	[tilespmem:s13], [sflag:$0x1] =	stream.indirect.gather [hbm4b:s6+s8], $0x10, s10, s8, $0xb8;
	[tilespmem:$0xEA00] =	vst v63  }
0x2e6: {  	s16 =	sld [smem:$0x7F0]  }
0x2e7: {  	[tilespmem:s15], [sflag:$0x1] =	stream.indirect.gather [hbm4b:s6+s8], $0x10, s14, s8, $0xb8;
	[tilespmem:$0xEA00] =	vst v63  }
0x2e8: {  	_ = 	snop  }
0x2e9: {  	[tilespmem:s0], [sflag:$0x1] =	stream.indirect.gather [hbm4b:s6+s8], $0x10, s16, s8, $0xb8;
	[tilespmem:$0xEA00] =	vst v63  }
0x2ea: {  	_ =	swait.ge [sflag:s7], $0x800  }
0x2eb: {  	[sflag:s7] =	ssyncset.done $0x0  }
0x2ec: {  	[sflag:s7] =	ssyncadd.s32 $0xFFFFF800  }
0x2ed: {  	_ =	swait.ge [sflag:s7], $0x800  }
0x2ee: {  	[sflag:s7] =	ssyncset.done $0x0  }
0x2ef: {  	[sflag:s7] =	ssyncadd.s32 $0xFFFFF800  }
0x2f0: {  	_ =	swait.ge [sflag:s7], $0x800  }
0x2f1: {  	[sflag:s7] =	ssyncset.done $0x0  }
0x2f2: {  	[sflag:s7] =	ssyncadd.s32 $0xFFFFF800  }
0x2f3: {  	_ =	swait.ge [sflag:s7], $0x800  }
0x2f4: {  	[sflag:s7] =	ssyncset.done $0x0  }
0x2f5: {  	[sflag:s7] =	ssyncadd.s32 $0xFFFFF800  }
0x2f6: {  	_ =	swait.ge [sflag:s7], $0x800  }
0x2f7: {  	[sflag:s7] =	ssyncset.done $0x0  }
0x2f8: {  	[sflag:s7] =	ssyncadd.s32 $0xFFFFF800  }
0x2f9: {  	_ =	swait.ge [sflag:s7], $0x800  }
0x2fa: {  	[sflag:s7] =	ssyncset.done $0x0  }
0x2fb: {  	[sflag:s7] =	ssyncadd.s32 $0xFFFFF800  }
0x2fc: {  	_ =	swait.ge [sflag:s7], $0x800  }
0x2fd: {  	[sflag:s7] =	ssyncset.done $0x0  }
0x2fe: {  	[sflag:s7] =	ssyncadd.s32 $0xFFFFF800  }
0x2ff: {  	_ =	swait.ge [sflag:s7], $0x800  }
0x300: {  	[sflag:s7] =	ssyncset.done $0x0  }
0x301: {  	[sflag:s7] =	ssyncadd.s32 $0xFFFFF800  }
0x302: {  	_ =	swait.ge [sflag:s7], $0x800  }
0x303: {  	[sflag:s7] =	ssyncset.done $0x0  }
0x304: {  	[sflag:s7] =	ssyncadd.s32 $0xFFFFF800  }
0x305: {  	_ =	swait.ge [sflag:s7], $0x800  }
0x306: {  	[sflag:s7] =	ssyncset.done $0x0  }
0x307: {  	[sflag:s7] =	ssyncadd.s32 $0xFFFFF800  }
0x308: {  	_ =	swait.ge [sflag:s7], $0x800  }
0x309: {  	[sflag:s7] =	ssyncset.done $0x0  }
0x30a: {  	[sflag:s7] =	ssyncadd.s32 $0xFFFFF800  }
0x30b: {  	_ =	swait.ge [sflag:s7], $0x800  }
0x30c: {  	[sflag:s7] =	ssyncset.done $0x0  }
0x30d: {  	[sflag:s7] =	ssyncadd.s32 $0xFFFFF800  }
0x30e: {  	_ =	swait.ge [sflag:s7], $0x800  }
0x30f: {  	[sflag:s7] =	ssyncset.done $0x0  }
0x310: {  	s26 =	rddreg [dreg:$0x4];
	[sflag:s7] =	ssyncadd.s32 $0xFFFFF800  }
0x311: {  	[hbm4b:s26+s2] =	stream.linear.scatter [tilespmem:s4], [sflag:$0x3], $0x6800, $0x38;
	[tilespmem:$0xEA00] =	vst v63  }
0x312: {  	_ =	swait.ge [sflag:s18], $0x6800  }
0x313: {  	s28 =	sld [smem:$0x7F1]  }
0x314: {  	[sflag:s18] =	ssyncset.done $0x0  }
0x315: {  	s29 =	sld [smem:$0x7F2];
	[sflag:s18] =	ssyncadd.s32 $0xFFFF9800  }
0x316: {  	[tilespmem:s4], [sflag:$0x2] =	stream.indirect.gather [hbm4b:s6+s8], $0x10, s28, s8, $0xb8;
	[tilespmem:$0xEA00] =	vst v63  }
0x317: {  	s31 =	simm.s32 $0x8A00;
	s30 =	sld [smem:$0x7F3]  }
0x318: {  	[tilespmem:s31], [sflag:$0x2] =	stream.indirect.gather [hbm4b:s6+s8], $0x10, s29, s8, $0xb8;
	[tilespmem:$0xEA00] =	vst v63  }
0x319: {  	s12 =	simm.s32 $0x9200;
	s11 =	sld [smem:$0x7F4]  }
0x31a: {  	[tilespmem:s12], [sflag:$0x2] =	stream.indirect.gather [hbm4b:s6+s8], $0x10, s30, s8, $0xb8;
	[tilespmem:$0xEA00] =	vst v63  }
0x31b: {  	s14 =	simm.s32 $0x9A00;
	s13 =	sld [smem:$0x7F5]  }
0x31c: {  	[tilespmem:s14], [sflag:$0x2] =	stream.indirect.gather [hbm4b:s6+s8], $0x10, s11, s8, $0xb8;
	[tilespmem:$0xEA00] =	vst v63  }
0x31d: {  	s15 =	sld [smem:$0x7F6]  }
0x31e: {  	[tilespmem:s19], [sflag:$0x2] =	stream.indirect.gather [hbm4b:s6+s8], $0x10, s13, s8, $0xb8;
	[tilespmem:$0xEA00] =	vst v63  }
0x31f: {  	s16 =	sld [smem:$0x7F7]  }
0x320: {  	[tilespmem:s22], [sflag:$0x2] =	stream.indirect.gather [hbm4b:s6+s8], $0x10, s15, s8, $0xb8;
	[tilespmem:$0xEA00] =	vst v63  }
0x321: {  	s19 =	sld [smem:$0x7F8]  }
0x322: {  	[tilespmem:s25], [sflag:$0x2] =	stream.indirect.gather [hbm4b:s6+s8], $0x10, s16, s8, $0xb8;
	[tilespmem:$0xEA00] =	vst v63  }
0x323: {  	s22 =	sld [smem:$0x7F9]  }
0x324: {  	[tilespmem:s24], [sflag:$0x2] =	stream.indirect.gather [hbm4b:s6+s8], $0x10, s19, s8, $0xb8;
	[tilespmem:$0xEA00] =	vst v63  }
0x325: {  	s24 =	sld [smem:$0x7FA]  }
0x326: {  	[tilespmem:s23], [sflag:$0x2] =	stream.indirect.gather [hbm4b:s6+s8], $0x10, s22, s8, $0xb8;
	[tilespmem:$0xEA00] =	vst v63  }
0x327: {  	s25 =	sld [smem:$0x7FB]  }
0x328: {  	[tilespmem:s21], [sflag:$0x2] =	stream.indirect.gather [hbm4b:s6+s8], $0x10, s24, s8, $0xb8;
	[tilespmem:$0xEA00] =	vst v63  }
0x329: {  	s26 =	sld [smem:$0x7FC]  }
0x32a: {  	[tilespmem:s20], [sflag:$0x2] =	stream.indirect.gather [hbm4b:s6+s8], $0x10, s25, s8, $0xb8;
	[tilespmem:$0xEA00] =	vst v63  }
0x32b: {  	s28 =	sld [smem:$0x7FD]  }
0x32c: {  	[tilespmem:s17], [sflag:$0x2] =	stream.indirect.gather [hbm4b:s6+s8], $0x10, s26, s8, $0xb8;
	[tilespmem:$0xEA00] =	vst v63  }
0x32d: {  	_ = 	snop  }
0x32e: {  	[tilespmem:s3], [sflag:$0x2] =	stream.indirect.gather [hbm4b:s6+s8], $0x10, s28, s8, $0xb8;
	[tilespmem:$0xEA00] =	vst v63  }
0x32f: {  	_ =	swait.ge [sflag:s9], $0x800  }
0x330: {  	[sflag:s9] =	ssyncset.done $0x0  }
0x331: {  	[sflag:s9] =	ssyncadd.s32 $0xFFFFF800  }
0x332: {  	_ =	swait.ge [sflag:s9], $0x800  }
0x333: {  	[sflag:s9] =	ssyncset.done $0x0  }
0x334: {  	[sflag:s9] =	ssyncadd.s32 $0xFFFFF800  }
0x335: {  	_ =	swait.ge [sflag:s9], $0x800  }
0x336: {  	[sflag:s9] =	ssyncset.done $0x0  }
0x337: {  	[sflag:s9] =	ssyncadd.s32 $0xFFFFF800  }
0x338: {  	_ =	swait.ge [sflag:s9], $0x800  }
0x339: {  	[sflag:s9] =	ssyncset.done $0x0  }
0x33a: {  	[sflag:s9] =	ssyncadd.s32 $0xFFFFF800  }
0x33b: {  	_ =	swait.ge [sflag:s9], $0x800  }
0x33c: {  	[sflag:s9] =	ssyncset.done $0x0  }
0x33d: {  	[sflag:s9] =	ssyncadd.s32 $0xFFFFF800  }
0x33e: {  	_ =	swait.ge [sflag:s9], $0x800  }
0x33f: {  	[sflag:s9] =	ssyncset.done $0x0  }
0x340: {  	[sflag:s9] =	ssyncadd.s32 $0xFFFFF800  }
0x341: {  	_ =	swait.ge [sflag:s9], $0x800  }
0x342: {  	[sflag:s9] =	ssyncset.done $0x0  }
0x343: {  	[sflag:s9] =	ssyncadd.s32 $0xFFFFF800  }
0x344: {  	_ =	swait.ge [sflag:s9], $0x800  }
0x345: {  	[sflag:s9] =	ssyncset.done $0x0  }
0x346: {  	[sflag:s9] =	ssyncadd.s32 $0xFFFFF800  }
0x347: {  	_ =	swait.ge [sflag:s9], $0x800  }
0x348: {  	[sflag:s9] =	ssyncset.done $0x0  }
0x349: {  	[sflag:s9] =	ssyncadd.s32 $0xFFFFF800  }
0x34a: {  	_ =	swait.ge [sflag:s9], $0x800  }
0x34b: {  	[sflag:s9] =	ssyncset.done $0x0  }
0x34c: {  	[sflag:s9] =	ssyncadd.s32 $0xFFFFF800  }
0x34d: {  	_ =	swait.ge [sflag:s9], $0x800  }
0x34e: {  	[sflag:s9] =	ssyncset.done $0x0  }
0x34f: {  	[sflag:s9] =	ssyncadd.s32 $0xFFFFF800  }
0x350: {  	_ =	swait.ge [sflag:s9], $0x800  }
0x351: {  	[sflag:s9] =	ssyncset.done $0x0  }
0x352: {  	[sflag:s9] =	ssyncadd.s32 $0xFFFFF800  }
0x353: {  	_ =	swait.ge [sflag:s9], $0x800  }
0x354: {  	[sflag:s9] =	ssyncset.done $0x0  }
0x355: {  	s29 =	rddreg [dreg:$0x5];
	[sflag:s9] =	ssyncadd.s32 $0xFFFFF800  }
0x356: {  	[hbm4b:s29+s2] =	stream.linear.scatter [tilespmem:s5], [sflag:$0x3], $0x6800, $0x38;
	[tilespmem:$0xEA00] =	vst v63  }
0x357: {  	_ =	swait.ge [sflag:s18], $0x6800  }
0x358: {  	[sflag:s18] =	ssyncset.done $0x0  }
0x359: {  	[sflag:s18] =	ssyncadd.s32 $0xFFFF9800  }
0x35a: {  	_ =	swait.ge [sflag:s7], $0x800  }
0x35b: {  	[sflag:s7] =	ssyncset.done $0x0  }
0x35c: {  	[sflag:s7] =	ssyncadd.s32 $0xFFFFF800  }
0x35d: {  	_ =	swait.ge [sflag:s7], $0x800  }
0x35e: {  	[sflag:s7] =	ssyncset.done $0x0  }
0x35f: {  	[sflag:s7] =	ssyncadd.s32 $0xFFFFF800  }
0x360: {  	_ =	swait.ge [sflag:s7], $0x800  }
0x361: {  	[sflag:s7] =	ssyncset.done $0x0  }
0x362: {  	[sflag:s7] =	ssyncadd.s32 $0xFFFFF800  }
0x363: {  	_ =	swait.ge [sflag:s7], $0x800  }
0x364: {  	[sflag:s7] =	ssyncset.done $0x0  }
0x365: {  	[sflag:s7] =	ssyncadd.s32 $0xFFFFF800  }
0x366: {  	_ =	swait.ge [sflag:s7], $0x800  }
0x367: {  	[sflag:s7] =	ssyncset.done $0x0  }
0x368: {  	[sflag:s7] =	ssyncadd.s32 $0xFFFFF800  }
0x369: {  	_ =	swait.ge [sflag:s7], $0x800  }
0x36a: {  	[sflag:s7] =	ssyncset.done $0x0  }
0x36b: {  	[sflag:s7] =	ssyncadd.s32 $0xFFFFF800  }
0x36c: {  	_ =	swait.ge [sflag:s7], $0x800  }
0x36d: {  	[sflag:s7] =	ssyncset.done $0x0  }
0x36e: {  	[sflag:s7] =	ssyncadd.s32 $0xFFFFF800  }
0x36f: {  	_ =	swait.ge [sflag:s7], $0x800  }
0x370: {  	[sflag:s7] =	ssyncset.done $0x0  }
0x371: {  	[sflag:s7] =	ssyncadd.s32 $0xFFFFF800  }
0x372: {  	_ =	swait.ge [sflag:s7], $0x800  }
0x373: {  	[sflag:s7] =	ssyncset.done $0x0  }
0x374: {  	[sflag:s7] =	ssyncadd.s32 $0xFFFFF800  }
0x375: {  	_ =	swait.ge [sflag:s7], $0x800  }
0x376: {  	[sflag:s7] =	ssyncset.done $0x0  }
0x377: {  	[sflag:s7] =	ssyncadd.s32 $0xFFFFF800  }
0x378: {  	_ =	swait.ge [sflag:s7], $0x800  }
0x379: {  	[sflag:s7] =	ssyncset.done $0x0  }
0x37a: {  	[sflag:s7] =	ssyncadd.s32 $0xFFFFF800  }
0x37b: {  	_ =	swait.ge [sflag:s7], $0x800  }
0x37c: {  	[sflag:s7] =	ssyncset.done $0x0  }
0x37d: {  	[sflag:s7] =	ssyncadd.s32 $0xFFFFF800  }
0x37e: {  	_ =	swait.ge [sflag:s7], $0x800  }
0x37f: {  	[sflag:s7] =	ssyncset.done $0x0  }
0x380: {  	s30 =	rddreg [dreg:$0x6];
	[sflag:s7] =	ssyncadd.s32 $0xFFFFF800  }
0x381: {  	[hbm4b:s30+s2] =	stream.linear.scatter [tilespmem:s4], [sflag:$0x3], $0x6800, $0x38;
	[tilespmem:$0xEA00] =	vst v63  }
0x382: {  	_ =	swait.ge [sflag:s18], $0x6800  }
0x383: {  	[sflag:s18] =	ssyncset.done $0x0  }
0x384: {  	[sflag:s18] =	ssyncadd.s32 $0xFFFF9800  }
0x385: {  	_ =	sfence.sel $0x180000  }
0x386: {  	[bflag:$0x0] =	sbarrier.arrive $0xFFFF  }
0x387: {  	_ =	strace $0x9000004A  }
0x388: {  	s31 =	stileid.u32;
	[bflag:$0x2] =	sbarrier.arrive $0xFFFF  }
0x389: {  	p0 =	sne.s32 s31, $0x0;
	s0 =	rddreg [dreg:$0x1]  }
0x38a: {  	s0 =	sadd.s32 @!p0 $0x100000, s0  }
0x38b: {  	[sflag:s0] =	ssyncadd.tile.s32 @!p0 $0x1;
	_ =	shalt  }
.Lfunc_end2:
_tile_overlayer_lowered:
.L_overlay_start_2:
0x38c: {  	(tag) =	ssettag $0x2  }
0x38d: {  	s0 =	rddreg [dreg:$0x0];
	s2 =	stileid.u32  }
0x38e: {  	s1 =	rddreg [dreg:$0x1];
	p0 =	sne.s32 s2, $0x0  }
0x38f: {  	s3 =	rddreg [dreg:$0x2];
	[bflag:$0x3] =	sbarrier.arrive $0xFFFF;
	s2 =	simm.s32 @!p0 $0x1C03  }
0x390: {  	[timem:s3], [sflag:s2] =	dma.local @!p0 [hbm:s0], s1  }
0x391: {  	s0 =	simm.s32 @!p0 $0x3  }
0x392: {  	_ =	swait.ge @!p0 [sflag:s0], s1  }
0x393: {  	s1 =	ssub.s32 @!p0 $0x0, s1;
	[sflag:s0] =	ssyncset.done @!p0 $0x0  }
0x394: {  	[sflag:s0] =	ssyncadd.s32 @!p0 s1  }
0x395: {  	[bflag:$0x3] =	sbarrier.arrive $0xFFFF  }
0x396: {  	_ =	shalt  }

</sc_bundles>
